<compile_context>
chip_gen: v7x
topology: tpu7x:2x2x1
jax: 0.10.2.dev20260603
libtpu: 0.0.44.dev20260713+nightly
codegen_flags: <defaults>
</compile_context>

<pallas_src>
import functools

import jax
import jax.numpy as jnp
from jax import lax
from jax.experimental import pallas as pl
from jax.experimental.pallas import tpu as pltpu
from jax.experimental.pallas import tpu_sc as plsc

_NW = 32



def _rb(v):
    return v.astype(jnp.bfloat16).astype(jnp.float32)


def _mm_body(x_ref, w_ref, b_ref, o_ref):
    o_ref[...] = jnp.dot(_rb(x_ref[...]), w_ref[...],
                         preferred_element_type=jnp.float32) + b_ref[...]


@functools.lru_cache(maxsize=None)
def _mm_call(R, Cp, Dp, BR):
    return pl.pallas_call(
        _mm_body,
        grid=(R // BR,),
        in_specs=[
            pl.BlockSpec((BR, Cp), lambda i: (i, 0)),
            pl.BlockSpec((Cp, Dp), lambda i: (0, 0)),
            pl.BlockSpec((1, Dp), lambda i: (0, 0)),
        ],
        out_specs=pl.BlockSpec((BR, Dp), lambda i: (i, 0)),
        out_shape=jax.ShapeDtypeStruct((R, Dp), jnp.float32),
    )


def _matmul(X, W, bias=None):
    R, C = X.shape
    D = W.shape[1]
    Cp = -(-C // 128) * 128
    Dp = -(-D // 128) * 128
    if Cp != C:
        X = jnp.pad(X, ((0, 0), (0, Cp - C)))
        W = jnp.pad(W, ((0, Cp - C), (0, 0)))
    if Dp != D:
        W = jnp.pad(W, ((0, 0), (0, Dp - D)))
    b = jnp.zeros((1, Dp), jnp.float32) if bias is None else jnp.pad(
        bias.reshape(1, D), ((0, 0), (0, Dp - D)))
    BR = 512 if R % 512 == 0 else (256 if R % 256 == 0 else R)
    out = _mm_call(R, Cp, Dp, BR)(X, W, b)
    return out[:, :D] if Dp != D else out



@functools.lru_cache(maxsize=None)
def _sc_gather_reduce_call(Rsrc, D, Q, k):
    assert Q % _NW == 0
    qpw = Q // _NW
    G = max(1, min(qpw, 128 // k))
    assert qpw % G == 0
    ngroups = qpw // G
    Gk = G * k
    nch = D // 16
    cpg = min(8, nch)
    ncg = nch // cpg
    mesh = plsc.VectorSubcoreMesh(core_axis_name="c", subcore_axis_name="s")

    @functools.partial(
        pl.kernel,
        mesh=mesh,
        out_type=[jax.ShapeDtypeStruct((Q, D), jnp.float32)] * 3,
        scratch_types=[
            pltpu.VMEM((Gk,), jnp.int32),
            pltpu.VMEM((Gk, D), jnp.float32),
            pltpu.VMEM((G, D), jnp.float32),
            pltpu.VMEM((G, D), jnp.float32),
            pltpu.VMEM((G, D), jnp.float32),
            pltpu.SemaphoreType.DMA,
        ],
    )
    def kern(a_hbm, idx_hbm, omax, osum, osq, idx_g, rows, mb, sb, qb2, sem):
        wid = lax.axis_index("s") * 2 + lax.axis_index("c")
        q0 = wid * qpw

        def gbody(gi, _):
            qb = q0 + gi * G
            pltpu.sync_copy(idx_hbm.at[pl.ds(qb * k, Gk)], idx_g)
            pltpu.async_copy(a_hbm.at[idx_g], rows, sem).wait()

            def qbody(q, _):
                for cg in range(ncg):
                    def rbody(r, acc):
                        row = q * k + r
                        out = []
                        for c in range(cpg):
                            v = rows[row, pl.ds((cg * cpg + c) * 16, 16)]
                            m, s, t = acc[3 * c], acc[3 * c + 1], acc[3 * c + 2]
                            out += [jnp.maximum(m, v), s + v, t + v * v]
                        return tuple(out)

                    init = []
                    for _c in range(cpg):
                        init += [jnp.full((16,), -1e30, jnp.float32),
                                 jnp.zeros((16,), jnp.float32),
                                 jnp.zeros((16,), jnp.float32)]
                    acc = lax.fori_loop(0, k, rbody, tuple(init))
                    for c in range(cpg):
                        sl = pl.ds((cg * cpg + c) * 16, 16)
                        mb[q, sl] = acc[3 * c]
                        sb[q, sl] = acc[3 * c + 1]
                        qb2[q, sl] = acc[3 * c + 2]
                return 0

            lax.fori_loop(0, G, qbody, 0)
            pltpu.sync_copy(mb, omax.at[pl.ds(qb, G)])
            pltpu.sync_copy(sb, osum.at[pl.ds(qb, G)])
            pltpu.sync_copy(qb2, osq.at[pl.ds(qb, G)])
            return 0

        lax.fori_loop(0, ngroups, gbody, 0)

    return kern


def _sc_gather_reduce(A, idx_flat, k):
    Rsrc, D = A.shape
    Q = idx_flat.shape[0] // k
    return _sc_gather_reduce_call(Rsrc, D, Q, k)(A, idx_flat)




@functools.lru_cache(maxsize=None)
def _sc_gather_xyz_call(B, N, k):
    E = B * N * k
    epw = E // _NW
    GRP = 128
    NB = 4
    CH = GRP * NB
    nch = epw // CH
    mesh = plsc.VectorSubcoreMesh(core_axis_name="c", subcore_axis_name="s")

    @functools.partial(
        pl.kernel,
        mesh=mesh,
        out_type=[jax.ShapeDtypeStruct((E,), jnp.float32)] * 3,
        scratch_types=[
            pltpu.VMEM((CH,), jnp.int32),
            pltpu.VMEM((NB, GRP), jnp.float32),
            pltpu.VMEM((NB, GRP), jnp.float32),
            pltpu.VMEM((NB, GRP), jnp.float32),
            pltpu.SemaphoreType.DMA,
        ],
    )
    def kern(xh, yh, zh, idxh, ox_h, oy_h, oz_h, iv, xr, yr, zr, sem):
        wid = lax.axis_index("s") * 2 + lax.axis_index("c")
        w0 = wid * epw

        def chunk(ci, _):
            base = w0 + ci * CH
            pltpu.sync_copy(idxh.at[pl.ds(base, CH)], iv)
            cps = []
            for j in range(NB):
                ij = iv.at[pl.ds(j * GRP, GRP)]
                cps.append(pltpu.async_copy(xh.at[ij], xr.at[j], sem))
                cps.append(pltpu.async_copy(yh.at[ij], yr.at[j], sem))
                cps.append(pltpu.async_copy(zh.at[ij], zr.at[j], sem))
            for c in cps:
                c.wait()
            for j in range(NB):
                sl = pl.ds(base + j * GRP, GRP)
                pltpu.sync_copy(xr.at[j], ox_h.at[sl])
                pltpu.sync_copy(yr.at[j], oy_h.at[sl])
                pltpu.sync_copy(zr.at[j], oz_h.at[sl])
            return 0

        lax.fori_loop(0, nch, chunk, 0)

    return kern


def _l1_body(nbx, nby, nbz, cref, w_ref, omx, os1, os2):
    cx = cref[:, 0][:, None]
    cy = cref[:, 1][:, None]
    cz = cref[:, 2][:, None]
    dx = nbx[...] - cx
    dy = nby[...] - cy
    dz = nbz[...] - cz
    dist = jnp.sqrt(dx * dx + dy * dy + dz * dz + 1e-12)
    inv = 1.0 / (dist + 1e-8)
    ux, uy, uz = dx * inv, dy * inv, dz * inv
    cn = jnp.sqrt(cx * cx + cy * cy + cz * cz + 1e-12) + 1e-8
    cnx, cny, cnz = cx / cn, cy / cn, cz / cn
    dot = cnx * ux + cny * uy + cnz * uz
    rcx, rcy, rcz = _rb(cx), _rb(cy), _rb(cz)
    base = (rcx * _rb(w_ref[0])[None, :] + rcy * _rb(w_ref[1])[None, :]
            + rcz * _rb(w_ref[2])[None, :])
    h = jnp.broadcast_to(base[:, None, :],
                         (base.shape[0], nbx.shape[1], base.shape[1]))
    for arr, c in ((nbx[...], 3), (nby[...], 4), (nbz[...], 5),
                   (dx, 6), (dy, 7), (dz, 8), (dist, 9),
                   (ux, 10), (uy, 11), (uz, 12), (dot, 13)):
        h = h + _rb(arr)[:, :, None] * _rb(w_ref[c])[None, None, :]
    omx[...] = jnp.max(h, axis=1)
    os1[...] = jnp.sum(h, axis=1)
    os2[...] = jnp.sum(h * h, axis=1)


@functools.lru_cache(maxsize=None)
def _l1_conv_call(R, K, D, BQ):
    grid = (R // BQ,)
    return pl.pallas_call(
        _l1_body,
        grid=grid,
        in_specs=[
            pl.BlockSpec((BQ, K), lambda i: (i, 0)),
            pl.BlockSpec((BQ, K), lambda i: (i, 0)),
            pl.BlockSpec((BQ, K), lambda i: (i, 0)),
            pl.BlockSpec((BQ, 3), lambda i: (i, 0)),
            pl.BlockSpec((14, D), lambda i: (0, 0)),
        ],
        out_specs=[pl.BlockSpec((BQ, D), lambda i: (i, 0))] * 3,
        out_shape=[jax.ShapeDtypeStruct((R, D), jnp.float32)] * 3,
    )


def _geconv1_fast(xyz, p, k):
    B, N, _ = xyz.shape
    idx = _knn(xyz, xyz, k)
    xyzf = xyz.reshape(B * N, 3)
    xf = xyzf[:, 0] + 0.0
    yf = xyzf[:, 1] + 0.0
    zf = xyzf[:, 2] + 0.0
    offs = (jnp.arange(B, dtype=jnp.int32) * N)[:, None, None]
    nbx, nby, nbz = _sc_gather_xyz_call(B, N, k)(
        xf, yf, zf, (idx + offs).reshape(-1))
    D = p['W'].shape[1]
    mx, s1, s2 = _l1_conv_call(B * N, k, D, 64)(
        nbx.reshape(B * N, k), nby.reshape(B * N, k), nbz.reshape(B * N, k),
        xyzf, p['W'])
    E = B * N * k
    mu = jnp.sum(s1, 0) / E
    var = jnp.sum(s2, 0) / E - mu * mu
    h = p['g'] * (mx - mu) * jax.lax.rsqrt(var + 1e-5) + p['b']
    return jax.nn.leaky_relu(h, 0.2).reshape(B, N, D)


def _knn(ref, query, k):
    d2 = (jnp.sum(query ** 2, -1)[:, :, None]
          - 2.0 * jnp.einsum('bmc,bnc->bmn', query, ref)
          + jnp.sum(ref ** 2, -1)[:, None, :])
    _, idx = jax.lax.top_k(-d2, k)
    return idx


def _gather(points, idx):
    return jax.vmap(lambda p, i: p[i])(points, idx)


def _fps(xyz, npoint):
    B, N, _ = xyz.shape

    def body(i, carry):
        cent, dist, far = carry
        cent = cent.at[:, i].set(far)
        c = jnp.take_along_axis(xyz, far[:, None, None], axis=1)
        d = jnp.sum((xyz - c) ** 2, axis=-1)
        dist = jnp.minimum(dist, d)
        far = jnp.argmax(dist, axis=-1).astype(jnp.int32)
        return cent, dist, far

    cent0 = jnp.zeros((B, npoint), dtype=jnp.int32)
    dist0 = jnp.full((B, N), 1e10, dtype=xyz.dtype)
    far0 = jnp.zeros((B,), dtype=jnp.int32)
    cent, _, _ = jax.lax.fori_loop(0, npoint, body, (cent0, dist0, far0))
    return cent


def _bn(h, g, b, axes):
    m = jnp.mean(h, axis=axes, keepdims=True)
    v = jnp.var(h, axis=axes, keepdims=True)
    return g * (h - m) * jax.lax.rsqrt(v + 1e-5) + b


def _geconv_fast(feat, xyz, p, k, npoint):
    B, N, C = feat.shape
    if npoint is not None:
        fidx = _fps(xyz, npoint)
        q_xyz = _gather(xyz, fidx)
        q_feat = _gather(feat, fidx)
    else:
        q_xyz, q_feat = xyz, feat
    M = q_xyz.shape[1]
    idx = _knn(xyz, q_xyz, k)

    W = p['W']
    D = W.shape[1]
    W1r, W2r = _rb(W[:C]), _rb(W[C:])
    A = _matmul(feat.reshape(B * N, C), W1r)
    Bq = _matmul(q_feat.reshape(B * M, C), W2r - W1r)
    A = A - jnp.mean(A, 0)
    Bq = Bq - jnp.mean(Bq, 0)

    offs = (jnp.arange(B, dtype=jnp.int32) * N)[:, None, None]
    idx_flat = (idx + offs).reshape(-1)
    mx, s1, s2 = _sc_gather_reduce(A, idx_flat, k)

    E = B * M * k
    sum_h = jnp.sum(s1, 0) + k * jnp.sum(Bq, 0)
    sum_h2 = jnp.sum(s2, 0) + 2.0 * jnp.sum(Bq * s1, 0) + k * jnp.sum(Bq * Bq, 0)
    mu = sum_h / E
    var = sum_h2 / E - mu * mu
    h = p['g'] * (mx + Bq - mu) * jax.lax.rsqrt(var + 1e-5) + p['b']
    x = jax.nn.leaky_relu(h, 0.2).reshape(B, M, D)
    return x, q_xyz


def _geconv_ref(feat, xyz, p, k, npoint):
    if npoint is not None:
        fidx = _fps(xyz, npoint)
        q_xyz = _gather(xyz, fidx)
        q_feat = _gather(feat, fidx)
    else:
        q_xyz, q_feat = xyz, feat
    idx = _knn(xyz, q_xyz, k)
    nf = _gather(feat, idx)
    cf = q_feat[:, :, None, :]
    e = jnp.concatenate([nf - cf, jnp.broadcast_to(cf, nf.shape)], -1)
    h = jnp.einsum('bmkc,cd->bmkd', e, p['W'])
    h = jax.nn.leaky_relu(_bn(h, p['g'], p['b'], (0, 1, 2)), 0.2)
    return jnp.max(h, axis=2), q_xyz


def _fp(xyz1, xyz2, pts1, pts2, p):
    d2 = (jnp.sum(xyz1 ** 2, -1)[:, :, None]
          - 2.0 * jnp.einsum('bnc,bsc->bns', xyz1, xyz2)
          + jnp.sum(xyz2 ** 2, -1)[:, None, :])
    negd, idx = jax.lax.top_k(-d2, 3)
    d = jnp.maximum(-negd, 0.0)
    recip = 1.0 / (d + 1e-8)
    w = recip / jnp.sum(recip, -1, keepdims=True)
    nbr = _gather(pts2, idx)
    interp = jnp.sum(nbr * w[..., None], axis=2)
    h = jnp.concatenate([pts1, interp], -1)
    h = jax.nn.relu(_bn(jnp.einsum('bnc,cd->bnd', h, p['W1']),
                        p['g1'], p['b1'], (0, 1)))
    h = jax.nn.relu(_bn(jnp.einsum('bnc,cd->bnd', h, p['W2']),
                        p['g2'], p['b2'], (0, 1)))
    return h


def kernel(x, cls_label, params):
    xyz0 = jnp.transpose(x, (0, 2, 1))
    x1 = _geconv1_fast(xyz0, params['gec1'], 64)
    xyz1 = xyz0
    x2, xyz2 = _geconv_fast(x1, xyz1, params['gec2'], 64, 512)
    x3, xyz3 = _geconv_fast(x2, xyz2, params['gec3'], 128, None)
    x4, xyz4 = _geconv_ref(x3, xyz3, params['gec4'], 64, 64)
    x5, xyz5 = _geconv_ref(x4, xyz4, params['gec5'], 8, None)

    B, n5, _ = x5.shape
    g5 = jax.nn.leaky_relu(
        _bn(jnp.einsum('bnc,cd->bnd', x5, params['gconv']['W']),
            params['gconv']['g'], params['gconv']['b'], (0, 1)), 0.2)
    gl = jnp.concatenate([jnp.max(g5, axis=1), jnp.mean(g5, axis=1)], -1)
    x5c = jnp.concatenate(
        [g5, jnp.broadcast_to(gl[:, None, :], (B, n5, gl.shape[-1]))], -1)

    f3 = _fp(xyz3, xyz5, x3, x5c, params['fp5'])
    f1 = _fp(xyz1, xyz3, x1, f3, params['fp1'])

    N = f1.shape[1]
    cls = jnp.broadcast_to(cls_label[:, None, :],
                           (cls_label.shape[0], N, cls_label.shape[-1]))
    h = jnp.concatenate([f1, cls], -1)
    h = jax.nn.relu(_bn(jnp.einsum('bnc,cd->bnd', h, params['c1']['W'])
                        + params['c1']['bias'],
                        params['c1']['g'], params['c1']['b'], (0, 1)))
    h = jnp.einsum('bnc,cd->bnd', h, params['c2']['W']) + params['c2']['bias']
    return jax.nn.log_softmax(h, axis=-1)

# --- scband reference (transcript-rebuilt; emitter-appended) ---
"""Pipeline reference for scband-geconv-net-partseg-32701880992131 (READ-ONLY COPY).

The authoritative reference and input builder live on the scoring server;
editing this copy changes nothing except your own understanding.
"""

import jax, jax.numpy as jnp
import numpy as np


def _knn(ref, query, k):
    d2 = jnp.sum(query ** 2, -1)[:, :, None] - 2.0 * jnp.einsum('bmc,bnc->bmn', query, ref) + jnp.sum(ref ** 2, -1)[:, None, :]
    _, idx = jax.lax.top_k(-d2, k)
    return idx


def _gather(points, idx):
    return jax.vmap(lambda p, i: p[i])(points, idx)


def _fps(xyz, npoint):
    B, N, _ = xyz.shape
    def body(i, carry):
        cent, dist, far = carry
        cent = cent.at[:, i].set(far)
        c = jnp.take_along_axis(xyz, far[:, None, None], axis=1)
        d = jnp.sum((xyz - c) ** 2, axis=-1)
        dist = jnp.minimum(dist, d)
        far = jnp.argmax(dist, axis=-1).astype(jnp.int32)
        return cent, dist, far
    cent0 = jnp.zeros((B, npoint), dtype=jnp.int32)
    dist0 = jnp.full((B, N), 1e10, dtype=xyz.dtype)
    far0 = jnp.zeros((B,), dtype=jnp.int32)
    cent, _, _ = jax.lax.fori_loop(0, npoint, body, (cent0, dist0, far0))
    return cent


def _bn(h, g, b, axes):
    m = jnp.mean(h, axis=axes, keepdims=True)
    v = jnp.var(h, axis=axes, keepdims=True)
    return g * (h - m) * jax.lax.rsqrt(v + 1e-5) + b


def _geconv(feat, xyz, p, k, npoint, layer1):
    if npoint is not None:
        fidx = _fps(xyz, npoint)
        q_xyz = _gather(xyz, fidx)
        q_feat = _gather(feat, fidx)
    else:
        q_xyz, q_feat = xyz, feat
    idx = _knn(xyz, q_xyz, k)
    if layer1:
        nbr = _gather(xyz, idx)
        c = q_xyz[:, :, None, :]
        diff = nbr - c
        dist = jnp.sqrt(jnp.sum(diff * diff, -1, keepdims=True) + 1e-12)
        unit = diff / (dist + 1e-8)
        cn = c / (jnp.sqrt(jnp.sum(c * c, -1, keepdims=True) + 1e-12) + 1e-8)
        dot = jnp.sum(jnp.broadcast_to(cn, unit.shape) * unit, -1, keepdims=True)
        e = jnp.concatenate([jnp.broadcast_to(c, nbr.shape), nbr, diff, dist, unit, dot], -1)
    else:
        nf = _gather(feat, idx)
        cf = q_feat[:, :, None, :]
        e = jnp.concatenate([nf - cf, jnp.broadcast_to(cf, nf.shape)], -1)
    h = jnp.einsum('bmkc,cd->bmkd', e, p['W'])
    h = jax.nn.leaky_relu(_bn(h, p['g'], p['b'], (0, 1, 2)), 0.2)
    return h, q_xyz


def _fp(xyz1, xyz2, pts1, pts2, p):
    d2 = jnp.sum(xyz1 ** 2, -1)[:, :, None] - 2.0 * jnp.einsum('bnc,bsc->bns', xyz1, xyz2) + jnp.sum(xyz2 ** 2, -1)[:, None, :]
    negd, idx = jax.lax.top_k(-d2, 3)
    d = jnp.maximum(-negd, 0.0)
    recip = 1.0 / (d + 1e-8)
    w = recip / jnp.sum(recip, -1, keepdims=True)
    nbr = _gather(pts2, idx)
    interp = jnp.sum(nbr * w[..., None], axis=2)
    h = jnp.concatenate([pts1, interp], -1)
    h = jax.nn.relu(_bn(jnp.einsum('bnc,cd->bnd', h, p['W1']), p['g1'], p['b1'], (0, 1)))
    h = jax.nn.relu(_bn(jnp.einsum('bnc,cd->bnd', h, p['W2']), p['g2'], p['b2'], (0, 1)))
    return h


def _forward(x, cls_label, params):
    xyz0 = jnp.transpose(x, (0, 2, 1))
    h1, xyz1 = _geconv(xyz0, xyz0, params['gec1'], 64, None, True)
    x1 = jnp.max(h1, axis=2)
    h2, xyz2 = _geconv(x1, xyz1, params['gec2'], 64, 512, False)
    x2 = jnp.max(h2, axis=2)
    h3, xyz3 = _geconv(x2, xyz2, params['gec3'], 128, None, False)
    x3 = jnp.max(h3, axis=2)
    h4, xyz4 = _geconv(x3, xyz3, params['gec4'], 64, 64, False)
    x4 = jnp.max(h4, axis=2)
    h5, xyz5 = _geconv(x4, xyz4, params['gec5'], 8, None, False)
    x5 = jnp.max(h5, axis=2)
    g = jax.nn.leaky_relu(_bn(jnp.einsum('bnc,cd->bnd', x5, params['gconv']['W']), params['gconv']['g'], params['gconv']['b'], (0, 1)), 0.2)
    gl = jnp.concatenate([jnp.max(g, axis=1), jnp.mean(g, axis=1)], -1)
    x5c = jnp.concatenate([g, jnp.broadcast_to(gl[:, None, :], (g.shape[0], g.shape[1], gl.shape[-1]))], -1)
    f3 = _fp(xyz3, xyz5, x3, x5c, params['fp5'])
    f1 = _fp(xyz1, xyz3, x1, f3, params['fp1'])
    N = f1.shape[1]
    cls = jnp.broadcast_to(cls_label[:, None, :], (cls_label.shape[0], N, cls_label.shape[-1]))
    h = jnp.concatenate([f1, cls], -1)
    h = jax.nn.relu(_bn(jnp.einsum('bnc,cd->bnd', h, params['c1']['W']) + params['c1']['bias'], params['c1']['g'], params['c1']['b'], (0, 1)))
    h = jnp.einsum('bnc,cd->bnd', h, params['c2']['W']) + params['c2']['bias']
    return jax.nn.log_softmax(h, axis=-1)


def setup_inputs(seed: int = 0):
    key = jax.random.key(seed)
    ks = jax.random.split(key, 16)
    B, N = 8, 2048
    def w(k_, shape):
        return jax.random.normal(k_, shape, dtype=jnp.float32) * 0.05
    def bnp(c):
        return {'g': jnp.ones((c,), jnp.float32), 'b': jnp.zeros((c,), jnp.float32)}
    params = {
        'gec1': dict(W=w(ks[0], (14, 64)), **bnp(64)),
        'gec2': dict(W=w(ks[1], (128, 128)), **bnp(128)),
        'gec3': dict(W=w(ks[2], (256, 128)), **bnp(128)),
        'gec4': dict(W=w(ks[3], (256, 512)), **bnp(512)),
        'gec5': dict(W=w(ks[4], (1024, 512)), **bnp(512)),
        'gconv': dict(W=w(ks[5], (512, 512)), **bnp(512)),
        'fp5': {'W1': w(ks[6], (1664, 256)), 'g1': jnp.ones((256,), jnp.float32), 'b1': jnp.zeros((256,), jnp.float32), 'W2': w(ks[7], (256, 256)), 'g2': jnp.ones((256,), jnp.float32), 'b2': jnp.zeros((256,), jnp.float32)},
        'fp1': {'W1': w(ks[8], (320, 128)), 'g1': jnp.ones((128,), jnp.float32), 'b1': jnp.zeros((128,), jnp.float32), 'W2': w(ks[9], (128, 128)), 'g2': jnp.ones((128,), jnp.float32), 'b2': jnp.zeros((128,), jnp.float32)},
        'c1': dict(W=w(ks[10], (144, 256)), bias=jnp.zeros((256,), jnp.float32), **bnp(256)),
        'c2': dict(W=w(ks[11], (256, 50)), bias=jnp.zeros((50,), jnp.float32)),
    }
    x = jax.random.normal(ks[12], (B, 3, N), dtype=jnp.float32)
    cls_label = jax.nn.one_hot(jax.random.randint(ks[13], (B,), 0, 16), 16, dtype=jnp.float32)
    return {'x': x, 'cls_label': cls_label, 'params': params}


def reference(x, cls_label, params):
    return _forward(x, cls_label, params)

if __name__ == "__main__":
    import jax
    _d = setup_inputs()
    print(jax.jit(kernel)(*tuple(_d.values())))

</pallas_src>

<mosaic_0001>
#map = affine_map<(d0, d1) -> (0)>
module attributes {stable_mosaic.version = 14 : i64} {
  func.func @kern(%arg0: i32, %arg1: i32, %arg2: memref<16384xf32, #tpu.memory_space<hbm>>, %arg3: memref<16384xf32, #tpu.memory_space<hbm>>, %arg4: memref<16384xf32, #tpu.memory_space<hbm>>, %arg5: memref<1048576xi32, #tpu.memory_space<hbm>>, %arg6: memref<1048576xf32, #tpu.memory_space<hbm>>, %arg7: memref<1048576xf32, #tpu.memory_space<hbm>>, %arg8: memref<1048576xf32, #tpu.memory_space<hbm>>, %arg9: memref<512xi32, #tpu.memory_space<vmem>>, %arg10: memref<4x128xf32, #tpu.memory_space<vmem>>, %arg11: memref<4x128xf32, #tpu.memory_space<vmem>>, %arg12: memref<4x128xf32, #tpu.memory_space<vmem>>, %arg13: memref<!tpu.dma_semaphore, #tpu.memory_space<semaphore_mem>>) attributes {dimension_semantics = [#tpu.dimension_semantics<core_parallel>, #tpu.dimension_semantics<subcore_parallel>], iteration_bounds = array<i64: 2, 16>, scalar_prefetch = 0 : i64, scratch_operands = 5 : i64, tpu.core_type = #tpu.core_type<sc_vector_subcore>, window_params = [{transform_indices = #map}, {transform_indices = #map}, {transform_indices = #map}, {transform_indices = #map}, {transform_indices = #map}, {transform_indices = #map}, {transform_indices = #map}]} {
    %mul3A = arith.constant 2 : i32
    %mul3A_0 = arith.muli %arg1, %mul3A : i32
    %add3A = arith.addi %mul3A_0, %arg0 : i32
    %mul3A_1 = arith.constant 32768 : i32
    %mul3A_2 = arith.muli %add3A, %mul3A_1 : i32
    %scan3A = arith.constant 0 : i32
    %scan3A_3 = arith.constant 0 : i32
    %scan3A_4 = arith.constant 64 : i32
    %scan3A_5 = arith.addi %scan3A_3, %scan3A_4 : i32
    %scan3A_6 = arith.constant 1 : i32
    %scan3A_7 = scf.for %scan3A_9 = %scan3A_3 to %scan3A_5 step %scan3A_6 iter_args(%scan3A_10 = %scan3A) -> (i32)  : i32 {
      %mul3A_11 = arith.constant 512 : i32
      %mul3A_12 = arith.muli %scan3A_9, %mul3A_11 : i32
      %add3A_13 = arith.addi %mul3A_2, %mul3A_12 : i32
      "tpu.region"() ({
        %run_scoped3A_224 = tpu.sem_alloc : memref<!tpu.dma_semaphore, #tpu.memory_space<semaphore_mem>>
        %dma_start3A_225 = tpu.memref_slice %arg5[%add3A_13] : memref<1048576xi32, #tpu.memory_space<hbm>> -> memref<512xi32, #tpu.memory_space<hbm>>
        %dma_start3A_226 = tpu.memref_slice %arg5[%add3A_13] : memref<1048576xi32, #tpu.memory_space<hbm>> -> memref<512xi32, #tpu.memory_space<hbm>>
        tpu.enqueue_dma source(%dma_start3A_226 : memref<512xi32, #tpu.memory_space<hbm>>) target(%arg9 : memref<512xi32, #tpu.memory_space<vmem>>) target_semaphore(%run_scoped3A_224 : memref<!tpu.dma_semaphore, #tpu.memory_space<semaphore_mem>>)
        %dma_wait3A_227 = tpu.memref_slice %arg5[%add3A_13] : memref<1048576xi32, #tpu.memory_space<hbm>> -> memref<512xi32, #tpu.memory_space<hbm>>
        %dma_wait3A_228 = tpu.memref_slice %arg5[%add3A_13] : memref<1048576xi32, #tpu.memory_space<hbm>> -> memref<512xi32, #tpu.memory_space<hbm>>
        tpu.wait_dma2 semaphore(%run_scoped3A_224 : memref<!tpu.dma_semaphore, #tpu.memory_space<semaphore_mem>>) src(%dma_wait3A_228 : memref<512xi32, #tpu.memory_space<hbm>>) dst(%arg9 : memref<512xi32, #tpu.memory_space<vmem>>)
        tpu.yield
      }) : () -> ()
      %dma_start3A = arith.constant 0 : i32
      %dma_start3A_14 = arith.constant 0 : i32
      %dma_start3A_15 = tpu.memref_slice %arg10[%dma_start3A, %dma_start3A_14] : memref<4x128xf32, #tpu.memory_space<vmem>> -> memref<1x128xf32, #tpu.memory_space<vmem>>
      %dma_start3A_16 = tpu.memref_squeeze %dma_start3A_15 : memref<1x128xf32, #tpu.memory_space<vmem>> -> memref<128xf32, #tpu.memory_space<vmem>>
      %dma_start3A_17 = arith.constant 0 : i32
      %dma_start3A_18 = tpu.memref_slice %arg9[%dma_start3A_17] : memref<512xi32, #tpu.memory_space<vmem>> -> memref<128xi32, #tpu.memory_space<vmem>>
      %dma_start3A_19 = arith.constant 0 : i32
      %dma_start3A_20 = tpu.memref_slice %arg2[%dma_start3A_19] : memref<16384xf32, #tpu.memory_space<hbm>> -> memref<16384xf32, #tpu.memory_space<hbm>>
      tpu.enqueue_indirect_dma source(%dma_start3A_20 : memref<16384xf32, #tpu.memory_space<hbm>>) target(%dma_start3A_16 : memref<128xf32, #tpu.memory_space<vmem>>) offsets(%dma_start3A_18 : memref<128xi32, #tpu.memory_space<vmem>>) semaphore(%arg13 : memref<!tpu.dma_semaphore, #tpu.memory_space<semaphore_mem>>)
      %dma_start3A_21 = arith.constant 0 : i32
      %dma_start3A_22 = arith.constant 0 : i32
      %dma_start3A_23 = tpu.memref_slice %arg11[%dma_start3A_21, %dma_start3A_22] : memref<4x128xf32, #tpu.memory_space<vmem>> -> memref<1x128xf32, #tpu.memory_space<vmem>>
      %dma_start3A_24 = tpu.memref_squeeze %dma_start3A_23 : memref<1x128xf32, #tpu.memory_space<vmem>> -> memref<128xf32, #tpu.memory_space<vmem>>
      %dma_start3A_25 = arith.constant 0 : i32
      %dma_start3A_26 = tpu.memref_slice %arg9[%dma_start3A_25] : memref<512xi32, #tpu.memory_space<vmem>> -> memref<128xi32, #tpu.memory_space<vmem>>
      %dma_start3A_27 = arith.constant 0 : i32
      %dma_start3A_28 = tpu.memref_slice %arg3[%dma_start3A_27] : memref<16384xf32, #tpu.memory_space<hbm>> -> memref<16384xf32, #tpu.memory_space<hbm>>
      tpu.enqueue_indirect_dma source(%dma_start3A_28 : memref<16384xf32, #tpu.memory_space<hbm>>) target(%dma_start3A_24 : memref<128xf32, #tpu.memory_space<vmem>>) offsets(%dma_start3A_26 : memref<128xi32, #tpu.memory_space<vmem>>) semaphore(%arg13 : memref<!tpu.dma_semaphore, #tpu.memory_space<semaphore_mem>>)
      %dma_start3A_29 = arith.constant 0 : i32
      %dma_start3A_30 = arith.constant 0 : i32
      %dma_start3A_31 = tpu.memref_slice %arg12[%dma_start3A_29, %dma_start3A_30] : memref<4x128xf32, #tpu.memory_space<vmem>> -> memref<1x128xf32, #tpu.memory_space<vmem>>
      %dma_start3A_32 = tpu.memref_squeeze %dma_start3A_31 : memref<1x128xf32, #tpu.memory_space<vmem>> -> memref<128xf32, #tpu.memory_space<vmem>>
      %dma_start3A_33 = arith.constant 0 : i32
      %dma_start3A_34 = tpu.memref_slice %arg9[%dma_start3A_33] : memref<512xi32, #tpu.memory_space<vmem>> -> memref<128xi32, #tpu.memory_space<vmem>>
      %dma_start3A_35 = arith.constant 0 : i32
      %dma_start3A_36 = tpu.memref_slice %arg4[%dma_start3A_35] : memref<16384xf32, #tpu.memory_space<hbm>> -> memref<16384xf32, #tpu.memory_space<hbm>>
      tpu.enqueue_indirect_dma source(%dma_start3A_36 : memref<16384xf32, #tpu.memory_space<hbm>>) target(%dma_start3A_32 : memref<128xf32, #tpu.memory_space<vmem>>) offsets(%dma_start3A_34 : memref<128xi32, #tpu.memory_space<vmem>>) semaphore(%arg13 : memref<!tpu.dma_semaphore, #tpu.memory_space<semaphore_mem>>)
      %dma_start3A_37 = arith.constant 1 : i32
      %dma_start3A_38 = arith.constant 0 : i32
      %dma_start3A_39 = tpu.memref_slice %arg10[%dma_start3A_37, %dma_start3A_38] : memref<4x128xf32, #tpu.memory_space<vmem>> -> memref<1x128xf32, #tpu.memory_space<vmem>>
      %dma_start3A_40 = tpu.memref_squeeze %dma_start3A_39 : memref<1x128xf32, #tpu.memory_space<vmem>> -> memref<128xf32, #tpu.memory_space<vmem>>
      %dma_start3A_41 = arith.constant 128 : i32
      %dma_start3A_42 = tpu.memref_slice %arg9[%dma_start3A_41] : memref<512xi32, #tpu.memory_space<vmem>> -> memref<128xi32, #tpu.memory_space<vmem>>
      %dma_start3A_43 = arith.constant 0 : i32
      %dma_start3A_44 = tpu.memref_slice %arg2[%dma_start3A_43] : memref<16384xf32, #tpu.memory_space<hbm>> -> memref<16384xf32, #tpu.memory_space<hbm>>
      tpu.enqueue_indirect_dma source(%dma_start3A_44 : memref<16384xf32, #tpu.memory_space<hbm>>) target(%dma_start3A_40 : memref<128xf32, #tpu.memory_space<vmem>>) offsets(%dma_start3A_42 : memref<128xi32, #tpu.memory_space<vmem>>) semaphore(%arg13 : memref<!tpu.dma_semaphore, #tpu.memory_space<semaphore_mem>>)
      %dma_start3A_45 = arith.constant 1 : i32
      %dma_start3A_46 = arith.constant 0 : i32
      %dma_start3A_47 = tpu.memref_slice %arg11[%dma_start3A_45, %dma_start3A_46] : memref<4x128xf32, #tpu.memory_space<vmem>> -> memref<1x128xf32, #tpu.memory_space<vmem>>
      %dma_start3A_48 = tpu.memref_squeeze %dma_start3A_47 : memref<1x128xf32, #tpu.memory_space<vmem>> -> memref<128xf32, #tpu.memory_space<vmem>>
      %dma_start3A_49 = arith.constant 128 : i32
      %dma_start3A_50 = tpu.memref_slice %arg9[%dma_start3A_49] : memref<512xi32, #tpu.memory_space<vmem>> -> memref<128xi32, #tpu.memory_space<vmem>>
      %dma_start3A_51 = arith.constant 0 : i32
      %dma_start3A_52 = tpu.memref_slice %arg3[%dma_start3A_51] : memref<16384xf32, #tpu.memory_space<hbm>> -> memref<16384xf32, #tpu.memory_space<hbm>>
      tpu.enqueue_indirect_dma source(%dma_start3A_52 : memref<16384xf32, #tpu.memory_space<hbm>>) target(%dma_start3A_48 : memref<128xf32, #tpu.memory_space<vmem>>) offsets(%dma_start3A_50 : memref<128xi32, #tpu.memory_space<vmem>>) semaphore(%arg13 : memref<!tpu.dma_semaphore, #tpu.memory_space<semaphore_mem>>)
      %dma_start3A_53 = arith.constant 1 : i32
      %dma_start3A_54 = arith.constant 0 : i32
      %dma_start3A_55 = tpu.memref_slice %arg12[%dma_start3A_53, %dma_start3A_54] : memref<4x128xf32, #tpu.memory_space<vmem>> -> memref<1x128xf32, #tpu.memory_space<vmem>>
      %dma_start3A_56 = tpu.memref_squeeze %dma_start3A_55 : memref<1x128xf32, #tpu.memory_space<vmem>> -> memref<128xf32, #tpu.memory_space<vmem>>
      %dma_start3A_57 = arith.constant 128 : i32
      %dma_start3A_58 = tpu.memref_slice %arg9[%dma_start3A_57] : memref<512xi32, #tpu.memory_space<vmem>> -> memref<128xi32, #tpu.memory_space<vmem>>
      %dma_start3A_59 = arith.constant 0 : i32
      %dma_start3A_60 = tpu.memref_slice %arg4[%dma_start3A_59] : memref<16384xf32, #tpu.memory_space<hbm>> -> memref<16384xf32, #tpu.memory_space<hbm>>
      tpu.enqueue_indirect_dma source(%dma_start3A_60 : memref<16384xf32, #tpu.memory_space<hbm>>) target(%dma_start3A_56 : memref<128xf32, #tpu.memory_space<vmem>>) offsets(%dma_start3A_58 : memref<128xi32, #tpu.memory_space<vmem>>) semaphore(%arg13 : memref<!tpu.dma_semaphore, #tpu.memory_space<semaphore_mem>>)
      %dma_start3A_61 = arith.constant 2 : i32
      %dma_start3A_62 = arith.constant 0 : i32
      %dma_start3A_63 = tpu.memref_slice %arg10[%dma_start3A_61, %dma_start3A_62] : memref<4x128xf32, #tpu.memory_space<vmem>> -> memref<1x128xf32, #tpu.memory_space<vmem>>
      %dma_start3A_64 = tpu.memref_squeeze %dma_start3A_63 : memref<1x128xf32, #tpu.memory_space<vmem>> -> memref<128xf32, #tpu.memory_space<vmem>>
      %dma_start3A_65 = arith.constant 256 : i32
      %dma_start3A_66 = tpu.memref_slice %arg9[%dma_start3A_65] : memref<512xi32, #tpu.memory_space<vmem>> -> memref<128xi32, #tpu.memory_space<vmem>>
      %dma_start3A_67 = arith.constant 0 : i32
      %dma_start3A_68 = tpu.memref_slice %arg2[%dma_start3A_67] : memref<16384xf32, #tpu.memory_space<hbm>> -> memref<16384xf32, #tpu.memory_space<hbm>>
      tpu.enqueue_indirect_dma source(%dma_start3A_68 : memref<16384xf32, #tpu.memory_space<hbm>>) target(%dma_start3A_64 : memref<128xf32, #tpu.memory_space<vmem>>) offsets(%dma_start3A_66 : memref<128xi32, #tpu.memory_space<vmem>>) semaphore(%arg13 : memref<!tpu.dma_semaphore, #tpu.memory_space<semaphore_mem>>)
      %dma_start3A_69 = arith.constant 2 : i32
      %dma_start3A_70 = arith.constant 0 : i32
      %dma_start3A_71 = tpu.memref_slice %arg11[%dma_start3A_69, %dma_start3A_70] : memref<4x128xf32, #tpu.memory_space<vmem>> -> memref<1x128xf32, #tpu.memory_space<vmem>>
      %dma_start3A_72 = tpu.memref_squeeze %dma_start3A_71 : memref<1x128xf32, #tpu.memory_space<vmem>> -> memref<128xf32, #tpu.memory_space<vmem>>
      %dma_start3A_73 = arith.constant 256 : i32
      %dma_start3A_74 = tpu.memref_slice %arg9[%dma_start3A_73] : memref<512xi32, #tpu.memory_space<vmem>> -> memref<128xi32, #tpu.memory_space<vmem>>
      %dma_start3A_75 = arith.constant 0 : i32
      %dma_start3A_76 = tpu.memref_slice %arg3[%dma_start3A_75] : memref<16384xf32, #tpu.memory_space<hbm>> -> memref<16384xf32, #tpu.memory_space<hbm>>
      tpu.enqueue_indirect_dma source(%dma_start3A_76 : memref<16384xf32, #tpu.memory_space<hbm>>) target(%dma_start3A_72 : memref<128xf32, #tpu.memory_space<vmem>>) offsets(%dma_start3A_74 : memref<128xi32, #tpu.memory_space<vmem>>) semaphore(%arg13 : memref<!tpu.dma_semaphore, #tpu.memory_space<semaphore_mem>>)
      %dma_start3A_77 = arith.constant 2 : i32
      %dma_start3A_78 = arith.constant 0 : i32
      %dma_start3A_79 = tpu.memref_slice %arg12[%dma_start3A_77, %dma_start3A_78] : memref<4x128xf32, #tpu.memory_space<vmem>> -> memref<1x128xf32, #tpu.memory_space<vmem>>
      %dma_start3A_80 = tpu.memref_squeeze %dma_start3A_79 : memref<1x128xf32, #tpu.memory_space<vmem>> -> memref<128xf32, #tpu.memory_space<vmem>>
      %dma_start3A_81 = arith.constant 256 : i32
      %dma_start3A_82 = tpu.memref_slice %arg9[%dma_start3A_81] : memref<512xi32, #tpu.memory_space<vmem>> -> memref<128xi32, #tpu.memory_space<vmem>>
      %dma_start3A_83 = arith.constant 0 : i32
      %dma_start3A_84 = tpu.memref_slice %arg4[%dma_start3A_83] : memref<16384xf32, #tpu.memory_space<hbm>> -> memref<16384xf32, #tpu.memory_space<hbm>>
      tpu.enqueue_indirect_dma source(%dma_start3A_84 : memref<16384xf32, #tpu.memory_space<hbm>>) target(%dma_start3A_80 : memref<128xf32, #tpu.memory_space<vmem>>) offsets(%dma_start3A_82 : memref<128xi32, #tpu.memory_space<vmem>>) semaphore(%arg13 : memref<!tpu.dma_semaphore, #tpu.memory_space<semaphore_mem>>)
      %dma_start3A_85 = arith.constant 3 : i32
      %dma_start3A_86 = arith.constant 0 : i32
      %dma_start3A_87 = tpu.memref_slice %arg10[%dma_start3A_85, %dma_start3A_86] : memref<4x128xf32, #tpu.memory_space<vmem>> -> memref<1x128xf32, #tpu.memory_space<vmem>>
      %dma_start3A_88 = tpu.memref_squeeze %dma_start3A_87 : memref<1x128xf32, #tpu.memory_space<vmem>> -> memref<128xf32, #tpu.memory_space<vmem>>
      %dma_start3A_89 = arith.constant 384 : i32
      %dma_start3A_90 = tpu.memref_slice %arg9[%dma_start3A_89] : memref<512xi32, #tpu.memory_space<vmem>> -> memref<128xi32, #tpu.memory_space<vmem>>
      %dma_start3A_91 = arith.constant 0 : i32
      %dma_start3A_92 = tpu.memref_slice %arg2[%dma_start3A_91] : memref<16384xf32, #tpu.memory_space<hbm>> -> memref<16384xf32, #tpu.memory_space<hbm>>
      tpu.enqueue_indirect_dma source(%dma_start3A_92 : memref<16384xf32, #tpu.memory_space<hbm>>) target(%dma_start3A_88 : memref<128xf32, #tpu.memory_space<vmem>>) offsets(%dma_start3A_90 : memref<128xi32, #tpu.memory_space<vmem>>) semaphore(%arg13 : memref<!tpu.dma_semaphore, #tpu.memory_space<semaphore_mem>>)
      %dma_start3A_93 = arith.constant 3 : i32
      %dma_start3A_94 = arith.constant 0 : i32
      %dma_start3A_95 = tpu.memref_slice %arg11[%dma_start3A_93, %dma_start3A_94] : memref<4x128xf32, #tpu.memory_space<vmem>> -> memref<1x128xf32, #tpu.memory_space<vmem>>
      %dma_start3A_96 = tpu.memref_squeeze %dma_start3A_95 : memref<1x128xf32, #tpu.memory_space<vmem>> -> memref<128xf32, #tpu.memory_space<vmem>>
      %dma_start3A_97 = arith.constant 384 : i32
      %dma_start3A_98 = tpu.memref_slice %arg9[%dma_start3A_97] : memref<512xi32, #tpu.memory_space<vmem>> -> memref<128xi32, #tpu.memory_space<vmem>>
      %dma_start3A_99 = arith.constant 0 : i32
      %dma_start3A_100 = tpu.memref_slice %arg3[%dma_start3A_99] : memref<16384xf32, #tpu.memory_space<hbm>> -> memref<16384xf32, #tpu.memory_space<hbm>>
      tpu.enqueue_indirect_dma source(%dma_start3A_100 : memref<16384xf32, #tpu.memory_space<hbm>>) target(%dma_start3A_96 : memref<128xf32, #tpu.memory_space<vmem>>) offsets(%dma_start3A_98 : memref<128xi32, #tpu.memory_space<vmem>>) semaphore(%arg13 : memref<!tpu.dma_semaphore, #tpu.memory_space<semaphore_mem>>)
      %dma_start3A_101 = arith.constant 3 : i32
      %dma_start3A_102 = arith.constant 0 : i32
      %dma_start3A_103 = tpu.memref_slice %arg12[%dma_start3A_101, %dma_start3A_102] : memref<4x128xf32, #tpu.memory_space<vmem>> -> memref<1x128xf32, #tpu.memory_space<vmem>>
      %dma_start3A_104 = tpu.memref_squeeze %dma_start3A_103 : memref<1x128xf32, #tpu.memory_space<vmem>> -> memref<128xf32, #tpu.memory_space<vmem>>
      %dma_start3A_105 = arith.constant 384 : i32
      %dma_start3A_106 = tpu.memref_slice %arg9[%dma_start3A_105] : memref<512xi32, #tpu.memory_space<vmem>> -> memref<128xi32, #tpu.memory_space<vmem>>
      %dma_start3A_107 = arith.constant 0 : i32
      %dma_start3A_108 = tpu.memref_slice %arg4[%dma_start3A_107] : memref<16384xf32, #tpu.memory_space<hbm>> -> memref<16384xf32, #tpu.memory_space<hbm>>
      tpu.enqueue_indirect_dma source(%dma_start3A_108 : memref<16384xf32, #tpu.memory_space<hbm>>) target(%dma_start3A_104 : memref<128xf32, #tpu.memory_space<vmem>>) offsets(%dma_start3A_106 : memref<128xi32, #tpu.memory_space<vmem>>) semaphore(%arg13 : memref<!tpu.dma_semaphore, #tpu.memory_space<semaphore_mem>>)
      %dma_wait3A = arith.constant 0 : i32
      %dma_wait3A_109 = arith.constant 0 : i32
      %dma_wait3A_110 = tpu.memref_slice %arg10[%dma_wait3A, %dma_wait3A_109] : memref<4x128xf32, #tpu.memory_space<vmem>> -> memref<1x128xf32, #tpu.memory_space<vmem>>
      %dma_wait3A_111 = tpu.memref_squeeze %dma_wait3A_110 : memref<1x128xf32, #tpu.memory_space<vmem>> -> memref<128xf32, #tpu.memory_space<vmem>>
      %dma_wait3A_112 = arith.constant 0 : i32
      %dma_wait3A_113 = tpu.memref_slice %arg9[%dma_wait3A_112] : memref<512xi32, #tpu.memory_space<vmem>> -> memref<128xi32, #tpu.memory_space<vmem>>
      %dma_wait3A_114 = arith.constant 0 : i32
      %dma_wait3A_115 = tpu.memref_slice %arg2[%dma_wait3A_114] : memref<16384xf32, #tpu.memory_space<hbm>> -> memref<16384xf32, #tpu.memory_space<hbm>>
      tpu.wait_indirect_dma semaphore(%arg13 : memref<!tpu.dma_semaphore, #tpu.memory_space<semaphore_mem>>) src(%dma_wait3A_115 : memref<16384xf32, #tpu.memory_space<hbm>>) dst(%dma_wait3A_111 : memref<128xf32, #tpu.memory_space<vmem>>)
      %dma_wait3A_116 = arith.constant 0 : i32
      %dma_wait3A_117 = arith.constant 0 : i32
      %dma_wait3A_118 = tpu.memref_slice %arg11[%dma_wait3A_116, %dma_wait3A_117] : memref<4x128xf32, #tpu.memory_space<vmem>> -> memref<1x128xf32, #tpu.memory_space<vmem>>
      %dma_wait3A_119 = tpu.memref_squeeze %dma_wait3A_118 : memref<1x128xf32, #tpu.memory_space<vmem>> -> memref<128xf32, #tpu.memory_space<vmem>>
      %dma_wait3A_120 = arith.constant 0 : i32
      %dma_wait3A_121 = tpu.memref_slice %arg9[%dma_wait3A_120] : memref<512xi32, #tpu.memory_space<vmem>> -> memref<128xi32, #tpu.memory_space<vmem>>
      %dma_wait3A_122 = arith.constant 0 : i32
      %dma_wait3A_123 = tpu.memref_slice %arg3[%dma_wait3A_122] : memref<16384xf32, #tpu.memory_space<hbm>> -> memref<16384xf32, #tpu.memory_space<hbm>>
      tpu.wait_indirect_dma semaphore(%arg13 : memref<!tpu.dma_semaphore, #tpu.memory_space<semaphore_mem>>) src(%dma_wait3A_123 : memref<16384xf32, #tpu.memory_space<hbm>>) dst(%dma_wait3A_119 : memref<128xf32, #tpu.memory_space<vmem>>)
      %dma_wait3A_124 = arith.constant 0 : i32
      %dma_wait3A_125 = arith.constant 0 : i32
      %dma_wait3A_126 = tpu.memref_slice %arg12[%dma_wait3A_124, %dma_wait3A_125] : memref<4x128xf32, #tpu.memory_space<vmem>> -> memref<1x128xf32, #tpu.memory_space<vmem>>
      %dma_wait3A_127 = tpu.memref_squeeze %dma_wait3A_126 : memref<1x128xf32, #tpu.memory_space<vmem>> -> memref<128xf32, #tpu.memory_space<vmem>>
      %dma_wait3A_128 = arith.constant 0 : i32
      %dma_wait3A_129 = tpu.memref_slice %arg9[%dma_wait3A_128] : memref<512xi32, #tpu.memory_space<vmem>> -> memref<128xi32, #tpu.memory_space<vmem>>
      %dma_wait3A_130 = arith.constant 0 : i32
      %dma_wait3A_131 = tpu.memref_slice %arg4[%dma_wait3A_130] : memref<16384xf32, #tpu.memory_space<hbm>> -> memref<16384xf32, #tpu.memory_space<hbm>>
      tpu.wait_indirect_dma semaphore(%arg13 : memref<!tpu.dma_semaphore, #tpu.memory_space<semaphore_mem>>) src(%dma_wait3A_131 : memref<16384xf32, #tpu.memory_space<hbm>>) dst(%dma_wait3A_127 : memref<128xf32, #tpu.memory_space<vmem>>)
      %dma_wait3A_132 = arith.constant 1 : i32
      %dma_wait3A_133 = arith.constant 0 : i32
      %dma_wait3A_134 = tpu.memref_slice %arg10[%dma_wait3A_132, %dma_wait3A_133] : memref<4x128xf32, #tpu.memory_space<vmem>> -> memref<1x128xf32, #tpu.memory_space<vmem>>
      %dma_wait3A_135 = tpu.memref_squeeze %dma_wait3A_134 : memref<1x128xf32, #tpu.memory_space<vmem>> -> memref<128xf32, #tpu.memory_space<vmem>>
      %dma_wait3A_136 = arith.constant 128 : i32
      %dma_wait3A_137 = tpu.memref_slice %arg9[%dma_wait3A_136] : memref<512xi32, #tpu.memory_space<vmem>> -> memref<128xi32, #tpu.memory_space<vmem>>
      %dma_wait3A_138 = arith.constant 0 : i32
      %dma_wait3A_139 = tpu.memref_slice %arg2[%dma_wait3A_138] : memref<16384xf32, #tpu.memory_space<hbm>> -> memref<16384xf32, #tpu.memory_space<hbm>>
      tpu.wait_indirect_dma semaphore(%arg13 : memref<!tpu.dma_semaphore, #tpu.memory_space<semaphore_mem>>) src(%dma_wait3A_139 : memref<16384xf32, #tpu.memory_space<hbm>>) dst(%dma_wait3A_135 : memref<128xf32, #tpu.memory_space<vmem>>)
      %dma_wait3A_140 = arith.constant 1 : i32
      %dma_wait3A_141 = arith.constant 0 : i32
      %dma_wait3A_142 = tpu.memref_slice %arg11[%dma_wait3A_140, %dma_wait3A_141] : memref<4x128xf32, #tpu.memory_space<vmem>> -> memref<1x128xf32, #tpu.memory_space<vmem>>
      %dma_wait3A_143 = tpu.memref_squeeze %dma_wait3A_142 : memref<1x128xf32, #tpu.memory_space<vmem>> -> memref<128xf32, #tpu.memory_space<vmem>>
      %dma_wait3A_144 = arith.constant 128 : i32
      %dma_wait3A_145 = tpu.memref_slice %arg9[%dma_wait3A_144] : memref<512xi32, #tpu.memory_space<vmem>> -> memref<128xi32, #tpu.memory_space<vmem>>
      %dma_wait3A_146 = arith.constant 0 : i32
      %dma_wait3A_147 = tpu.memref_slice %arg3[%dma_wait3A_146] : memref<16384xf32, #tpu.memory_space<hbm>> -> memref<16384xf32, #tpu.memory_space<hbm>>
      tpu.wait_indirect_dma semaphore(%arg13 : memref<!tpu.dma_semaphore, #tpu.memory_space<semaphore_mem>>) src(%dma_wait3A_147 : memref<16384xf32, #tpu.memory_space<hbm>>) dst(%dma_wait3A_143 : memref<128xf32, #tpu.memory_space<vmem>>)
      %dma_wait3A_148 = arith.constant 1 : i32
      %dma_wait3A_149 = arith.constant 0 : i32
      %dma_wait3A_150 = tpu.memref_slice %arg12[%dma_wait3A_148, %dma_wait3A_149] : memref<4x128xf32, #tpu.memory_space<vmem>> -> memref<1x128xf32, #tpu.memory_space<vmem>>
      %dma_wait3A_151 = tpu.memref_squeeze %dma_wait3A_150 : memref<1x128xf32, #tpu.memory_space<vmem>> -> memref<128xf32, #tpu.memory_space<vmem>>
      %dma_wait3A_152 = arith.constant 128 : i32
      %dma_wait3A_153 = tpu.memref_slice %arg9[%dma_wait3A_152] : memref<512xi32, #tpu.memory_space<vmem>> -> memref<128xi32, #tpu.memory_space<vmem>>
      %dma_wait3A_154 = arith.constant 0 : i32
      %dma_wait3A_155 = tpu.memref_slice %arg4[%dma_wait3A_154] : memref<16384xf32, #tpu.memory_space<hbm>> -> memref<16384xf32, #tpu.memory_space<hbm>>
      tpu.wait_indirect_dma semaphore(%arg13 : memref<!tpu.dma_semaphore, #tpu.memory_space<semaphore_mem>>) src(%dma_wait3A_155 : memref<16384xf32, #tpu.memory_space<hbm>>) dst(%dma_wait3A_151 : memref<128xf32, #tpu.memory_space<vmem>>)
      %dma_wait3A_156 = arith.constant 2 : i32
      %dma_wait3A_157 = arith.constant 0 : i32
      %dma_wait3A_158 = tpu.memref_slice %arg10[%dma_wait3A_156, %dma_wait3A_157] : memref<4x128xf32, #tpu.memory_space<vmem>> -> memref<1x128xf32, #tpu.memory_space<vmem>>
      %dma_wait3A_159 = tpu.memref_squeeze %dma_wait3A_158 : memref<1x128xf32, #tpu.memory_space<vmem>> -> memref<128xf32, #tpu.memory_space<vmem>>
      %dma_wait3A_160 = arith.constant 256 : i32
      %dma_wait3A_161 = tpu.memref_slice %arg9[%dma_wait3A_160] : memref<512xi32, #tpu.memory_space<vmem>> -> memref<128xi32, #tpu.memory_space<vmem>>
      %dma_wait3A_162 = arith.constant 0 : i32
      %dma_wait3A_163 = tpu.memref_slice %arg2[%dma_wait3A_162] : memref<16384xf32, #tpu.memory_space<hbm>> -> memref<16384xf32, #tpu.memory_space<hbm>>
      tpu.wait_indirect_dma semaphore(%arg13 : memref<!tpu.dma_semaphore, #tpu.memory_space<semaphore_mem>>) src(%dma_wait3A_163 : memref<16384xf32, #tpu.memory_space<hbm>>) dst(%dma_wait3A_159 : memref<128xf32, #tpu.memory_space<vmem>>)
      %dma_wait3A_164 = arith.constant 2 : i32
      %dma_wait3A_165 = arith.constant 0 : i32
      %dma_wait3A_166 = tpu.memref_slice %arg11[%dma_wait3A_164, %dma_wait3A_165] : memref<4x128xf32, #tpu.memory_space<vmem>> -> memref<1x128xf32, #tpu.memory_space<vmem>>
      %dma_wait3A_167 = tpu.memref_squeeze %dma_wait3A_166 : memref<1x128xf32, #tpu.memory_space<vmem>> -> memref<128xf32, #tpu.memory_space<vmem>>
      %dma_wait3A_168 = arith.constant 256 : i32
      %dma_wait3A_169 = tpu.memref_slice %arg9[%dma_wait3A_168] : memref<512xi32, #tpu.memory_space<vmem>> -> memref<128xi32, #tpu.memory_space<vmem>>
      %dma_wait3A_170 = arith.constant 0 : i32
      %dma_wait3A_171 = tpu.memref_slice %arg3[%dma_wait3A_170] : memref<16384xf32, #tpu.memory_space<hbm>> -> memref<16384xf32, #tpu.memory_space<hbm>>
      tpu.wait_indirect_dma semaphore(%arg13 : memref<!tpu.dma_semaphore, #tpu.memory_space<semaphore_mem>>) src(%dma_wait3A_171 : memref<16384xf32, #tpu.memory_space<hbm>>) dst(%dma_wait3A_167 : memref<128xf32, #tpu.memory_space<vmem>>)
      %dma_wait3A_172 = arith.constant 2 : i32
      %dma_wait3A_173 = arith.constant 0 : i32
      %dma_wait3A_174 = tpu.memref_slice %arg12[%dma_wait3A_172, %dma_wait3A_173] : memref<4x128xf32, #tpu.memory_space<vmem>> -> memref<1x128xf32, #tpu.memory_space<vmem>>
      %dma_wait3A_175 = tpu.memref_squeeze %dma_wait3A_174 : memref<1x128xf32, #tpu.memory_space<vmem>> -> memref<128xf32, #tpu.memory_space<vmem>>
      %dma_wait3A_176 = arith.constant 256 : i32
      %dma_wait3A_177 = tpu.memref_slice %arg9[%dma_wait3A_176] : memref<512xi32, #tpu.memory_space<vmem>> -> memref<128xi32, #tpu.memory_space<vmem>>
      %dma_wait3A_178 = arith.constant 0 : i32
      %dma_wait3A_179 = tpu.memref_slice %arg4[%dma_wait3A_178] : memref<16384xf32, #tpu.memory_space<hbm>> -> memref<16384xf32, #tpu.memory_space<hbm>>
      tpu.wait_indirect_dma semaphore(%arg13 : memref<!tpu.dma_semaphore, #tpu.memory_space<semaphore_mem>>) src(%dma_wait3A_179 : memref<16384xf32, #tpu.memory_space<hbm>>) dst(%dma_wait3A_175 : memref<128xf32, #tpu.memory_space<vmem>>)
      %dma_wait3A_180 = arith.constant 3 : i32
      %dma_wait3A_181 = arith.constant 0 : i32
      %dma_wait3A_182 = tpu.memref_slice %arg10[%dma_wait3A_180, %dma_wait3A_181] : memref<4x128xf32, #tpu.memory_space<vmem>> -> memref<1x128xf32, #tpu.memory_space<vmem>>
      %dma_wait3A_183 = tpu.memref_squeeze %dma_wait3A_182 : memref<1x128xf32, #tpu.memory_space<vmem>> -> memref<128xf32, #tpu.memory_space<vmem>>
      %dma_wait3A_184 = arith.constant 384 : i32
      %dma_wait3A_185 = tpu.memref_slice %arg9[%dma_wait3A_184] : memref<512xi32, #tpu.memory_space<vmem>> -> memref<128xi32, #tpu.memory_space<vmem>>
      %dma_wait3A_186 = arith.constant 0 : i32
      %dma_wait3A_187 = tpu.memref_slice %arg2[%dma_wait3A_186] : memref<16384xf32, #tpu.memory_space<hbm>> -> memref<16384xf32, #tpu.memory_space<hbm>>
      tpu.wait_indirect_dma semaphore(%arg13 : memref<!tpu.dma_semaphore, #tpu.memory_space<semaphore_mem>>) src(%dma_wait3A_187 : memref<16384xf32, #tpu.memory_space<hbm>>) dst(%dma_wait3A_183 : memref<128xf32, #tpu.memory_space<vmem>>)
      %dma_wait3A_188 = arith.constant 3 : i32
      %dma_wait3A_189 = arith.constant 0 : i32
      %dma_wait3A_190 = tpu.memref_slice %arg11[%dma_wait3A_188, %dma_wait3A_189] : memref<4x128xf32, #tpu.memory_space<vmem>> -> memref<1x128xf32, #tpu.memory_space<vmem>>
      %dma_wait3A_191 = tpu.memref_squeeze %dma_wait3A_190 : memref<1x128xf32, #tpu.memory_space<vmem>> -> memref<128xf32, #tpu.memory_space<vmem>>
      %dma_wait3A_192 = arith.constant 384 : i32
      %dma_wait3A_193 = tpu.memref_slice %arg9[%dma_wait3A_192] : memref<512xi32, #tpu.memory_space<vmem>> -> memref<128xi32, #tpu.memory_space<vmem>>
      %dma_wait3A_194 = arith.constant 0 : i32
      %dma_wait3A_195 = tpu.memref_slice %arg3[%dma_wait3A_194] : memref<16384xf32, #tpu.memory_space<hbm>> -> memref<16384xf32, #tpu.memory_space<hbm>>
      tpu.wait_indirect_dma semaphore(%arg13 : memref<!tpu.dma_semaphore, #tpu.memory_space<semaphore_mem>>) src(%dma_wait3A_195 : memref<16384xf32, #tpu.memory_space<hbm>>) dst(%dma_wait3A_191 : memref<128xf32, #tpu.memory_space<vmem>>)
      %dma_wait3A_196 = arith.constant 3 : i32
      %dma_wait3A_197 = arith.constant 0 : i32
      %dma_wait3A_198 = tpu.memref_slice %arg12[%dma_wait3A_196, %dma_wait3A_197] : memref<4x128xf32, #tpu.memory_space<vmem>> -> memref<1x128xf32, #tpu.memory_space<vmem>>
      %dma_wait3A_199 = tpu.memref_squeeze %dma_wait3A_198 : memref<1x128xf32, #tpu.memory_space<vmem>> -> memref<128xf32, #tpu.memory_space<vmem>>
      %dma_wait3A_200 = arith.constant 384 : i32
      %dma_wait3A_201 = tpu.memref_slice %arg9[%dma_wait3A_200] : memref<512xi32, #tpu.memory_space<vmem>> -> memref<128xi32, #tpu.memory_space<vmem>>
      %dma_wait3A_202 = arith.constant 0 : i32
      %dma_wait3A_203 = tpu.memref_slice %arg4[%dma_wait3A_202] : memref<16384xf32, #tpu.memory_space<hbm>> -> memref<16384xf32, #tpu.memory_space<hbm>>
      tpu.wait_indirect_dma semaphore(%arg13 : memref<!tpu.dma_semaphore, #tpu.memory_space<semaphore_mem>>) src(%dma_wait3A_203 : memref<16384xf32, #tpu.memory_space<hbm>>) dst(%dma_wait3A_199 : memref<128xf32, #tpu.memory_space<vmem>>)
      %add3A_204 = arith.constant 0 : i32
      %add3A_205 = arith.addi %add3A_13, %add3A_204 : i32
      %run_scoped3A = arith.constant 0 : i32
      "tpu.region"() ({
        %run_scoped3A_224 = tpu.sem_alloc : memref<!tpu.dma_semaphore, #tpu.memory_space<semaphore_mem>>
        %dma_start3A_225 = arith.constant 0 : i32
        %dma_start3A_226 = tpu.memref_slice %arg10[%run_scoped3A, %dma_start3A_225] : memref<4x128xf32, #tpu.memory_space<vmem>> -> memref<1x128xf32, #tpu.memory_space<vmem>>
        %dma_start3A_227 = tpu.memref_squeeze %dma_start3A_226 : memref<1x128xf32, #tpu.memory_space<vmem>> -> memref<128xf32, #tpu.memory_space<vmem>>
        %dma_start3A_228 = tpu.memref_slice %arg6[%add3A_205] : memref<1048576xf32, #tpu.memory_space<hbm>> -> memref<128xf32, #tpu.memory_space<hbm>>
        %dma_start3A_229 = tpu.memref_slice %arg6[%add3A_205] : memref<1048576xf32, #tpu.memory_space<hbm>> -> memref<128xf32, #tpu.memory_space<hbm>>
        %dma_start3A_230 = arith.constant 0 : i32
        %dma_start3A_231 = tpu.memref_slice %arg10[%run_scoped3A, %dma_start3A_230] : memref<4x128xf32, #tpu.memory_space<vmem>> -> memref<1x128xf32, #tpu.memory_space<vmem>>
        %dma_start3A_232 = tpu.memref_squeeze %dma_start3A_231 : memref<1x128xf32, #tpu.memory_space<vmem>> -> memref<128xf32, #tpu.memory_space<vmem>>
        tpu.enqueue_dma source(%dma_start3A_232 : memref<128xf32, #tpu.memory_space<vmem>>) target(%dma_start3A_229 : memref<128xf32, #tpu.memory_space<hbm>>) target_semaphore(%run_scoped3A_224 : memref<!tpu.dma_semaphore, #tpu.memory_space<semaphore_mem>>)
        %dma_wait3A_233 = arith.constant 0 : i32
        %dma_wait3A_234 = tpu.memref_slice %arg10[%run_scoped3A, %dma_wait3A_233] : memref<4x128xf32, #tpu.memory_space<vmem>> -> memref<1x128xf32, #tpu.memory_space<vmem>>
        %dma_wait3A_235 = tpu.memref_squeeze %dma_wait3A_234 : memref<1x128xf32, #tpu.memory_space<vmem>> -> memref<128xf32, #tpu.memory_space<vmem>>
        %dma_wait3A_236 = tpu.memref_slice %arg6[%add3A_205] : memref<1048576xf32, #tpu.memory_space<hbm>> -> memref<128xf32, #tpu.memory_space<hbm>>
        %dma_wait3A_237 = tpu.memref_slice %arg6[%add3A_205] : memref<1048576xf32, #tpu.memory_space<hbm>> -> memref<128xf32, #tpu.memory_space<hbm>>
        %dma_wait3A_238 = arith.constant 0 : i32
        %dma_wait3A_239 = tpu.memref_slice %arg10[%run_scoped3A, %dma_wait3A_238] : memref<4x128xf32, #tpu.memory_space<vmem>> -> memref<1x128xf32, #tpu.memory_space<vmem>>
        %dma_wait3A_240 = tpu.memref_squeeze %dma_wait3A_239 : memref<1x128xf32, #tpu.memory_space<vmem>> -> memref<128xf32, #tpu.memory_space<vmem>>
        tpu.wait_dma2 semaphore(%run_scoped3A_224 : memref<!tpu.dma_semaphore, #tpu.memory_space<semaphore_mem>>) src(%dma_wait3A_240 : memref<128xf32, #tpu.memory_space<vmem>>) dst(%dma_wait3A_237 : memref<128xf32, #tpu.memory_space<hbm>>)
        tpu.yield
      }) : () -> ()
      %run_scoped3A_206 = arith.constant 0 : i32
      "tpu.region"() ({
        %run_scoped3A_224 = tpu.sem_alloc : memref<!tpu.dma_semaphore, #tpu.memory_space<semaphore_mem>>
        %dma_start3A_225 = arith.constant 0 : i32
        %dma_start3A_226 = tpu.memref_slice %arg11[%run_scoped3A_206, %dma_start3A_225] : memref<4x128xf32, #tpu.memory_space<vmem>> -> memref<1x128xf32, #tpu.memory_space<vmem>>
        %dma_start3A_227 = tpu.memref_squeeze %dma_start3A_226 : memref<1x128xf32, #tpu.memory_space<vmem>> -> memref<128xf32, #tpu.memory_space<vmem>>
        %dma_start3A_228 = tpu.memref_slice %arg7[%add3A_205] : memref<1048576xf32, #tpu.memory_space<hbm>> -> memref<128xf32, #tpu.memory_space<hbm>>
        %dma_start3A_229 = tpu.memref_slice %arg7[%add3A_205] : memref<1048576xf32, #tpu.memory_space<hbm>> -> memref<128xf32, #tpu.memory_space<hbm>>
        %dma_start3A_230 = arith.constant 0 : i32
        %dma_start3A_231 = tpu.memref_slice %arg11[%run_scoped3A_206, %dma_start3A_230] : memref<4x128xf32, #tpu.memory_space<vmem>> -> memref<1x128xf32, #tpu.memory_space<vmem>>
        %dma_start3A_232 = tpu.memref_squeeze %dma_start3A_231 : memref<1x128xf32, #tpu.memory_space<vmem>> -> memref<128xf32, #tpu.memory_space<vmem>>
        tpu.enqueue_dma source(%dma_start3A_232 : memref<128xf32, #tpu.memory_space<vmem>>) target(%dma_start3A_229 : memref<128xf32, #tpu.memory_space<hbm>>) target_semaphore(%run_scoped3A_224 : memref<!tpu.dma_semaphore, #tpu.memory_space<semaphore_mem>>)
        %dma_wait3A_233 = arith.constant 0 : i32
        %dma_wait3A_234 = tpu.memref_slice %arg11[%run_scoped3A_206, %dma_wait3A_233] : memref<4x128xf32, #tpu.memory_space<vmem>> -> memref<1x128xf32, #tpu.memory_space<vmem>>
        %dma_wait3A_235 = tpu.memref_squeeze %dma_wait3A_234 : memref<1x128xf32, #tpu.memory_space<vmem>> -> memref<128xf32, #tpu.memory_space<vmem>>
        %dma_wait3A_236 = tpu.memref_slice %arg7[%add3A_205] : memref<1048576xf32, #tpu.memory_space<hbm>> -> memref<128xf32, #tpu.memory_space<hbm>>
        %dma_wait3A_237 = tpu.memref_slice %arg7[%add3A_205] : memref<1048576xf32, #tpu.memory_space<hbm>> -> memref<128xf32, #tpu.memory_space<hbm>>
        %dma_wait3A_238 = arith.constant 0 : i32
        %dma_wait3A_239 = tpu.memref_slice %arg11[%run_scoped3A_206, %dma_wait3A_238] : memref<4x128xf32, #tpu.memory_space<vmem>> -> memref<1x128xf32, #tpu.memory_space<vmem>>
        %dma_wait3A_240 = tpu.memref_squeeze %dma_wait3A_239 : memref<1x128xf32, #tpu.memory_space<vmem>> -> memref<128xf32, #tpu.memory_space<vmem>>
        tpu.wait_dma2 semaphore(%run_scoped3A_224 : memref<!tpu.dma_semaphore, #tpu.memory_space<semaphore_mem>>) src(%dma_wait3A_240 : memref<128xf32, #tpu.memory_space<vmem>>) dst(%dma_wait3A_237 : memref<128xf32, #tpu.memory_space<hbm>>)
        tpu.yield
      }) : () -> ()
      %run_scoped3A_207 = arith.constant 0 : i32
      "tpu.region"() ({
        %run_scoped3A_224 = tpu.sem_alloc : memref<!tpu.dma_semaphore, #tpu.memory_space<semaphore_mem>>
        %dma_start3A_225 = arith.constant 0 : i32
        %dma_start3A_226 = tpu.memref_slice %arg12[%run_scoped3A_207, %dma_start3A_225] : memref<4x128xf32, #tpu.memory_space<vmem>> -> memref<1x128xf32, #tpu.memory_space<vmem>>
        %dma_start3A_227 = tpu.memref_squeeze %dma_start3A_226 : memref<1x128xf32, #tpu.memory_space<vmem>> -> memref<128xf32, #tpu.memory_space<vmem>>
        %dma_start3A_228 = tpu.memref_slice %arg8[%add3A_205] : memref<1048576xf32, #tpu.memory_space<hbm>> -> memref<128xf32, #tpu.memory_space<hbm>>
        %dma_start3A_229 = tpu.memref_slice %arg8[%add3A_205] : memref<1048576xf32, #tpu.memory_space<hbm>> -> memref<128xf32, #tpu.memory_space<hbm>>
        %dma_start3A_230 = arith.constant 0 : i32
        %dma_start3A_231 = tpu.memref_slice %arg12[%run_scoped3A_207, %dma_start3A_230] : memref<4x128xf32, #tpu.memory_space<vmem>> -> memref<1x128xf32, #tpu.memory_space<vmem>>
        %dma_start3A_232 = tpu.memref_squeeze %dma_start3A_231 : memref<1x128xf32, #tpu.memory_space<vmem>> -> memref<128xf32, #tpu.memory_space<vmem>>
        tpu.enqueue_dma source(%dma_start3A_232 : memref<128xf32, #tpu.memory_space<vmem>>) target(%dma_start3A_229 : memref<128xf32, #tpu.memory_space<hbm>>) target_semaphore(%run_scoped3A_224 : memref<!tpu.dma_semaphore, #tpu.memory_space<semaphore_mem>>)
        %dma_wait3A_233 = arith.constant 0 : i32
        %dma_wait3A_234 = tpu.memref_slice %arg12[%run_scoped3A_207, %dma_wait3A_233] : memref<4x128xf32, #tpu.memory_space<vmem>> -> memref<1x128xf32, #tpu.memory_space<vmem>>
        %dma_wait3A_235 = tpu.memref_squeeze %dma_wait3A_234 : memref<1x128xf32, #tpu.memory_space<vmem>> -> memref<128xf32, #tpu.memory_space<vmem>>
        %dma_wait3A_236 = tpu.memref_slice %arg8[%add3A_205] : memref<1048576xf32, #tpu.memory_space<hbm>> -> memref<128xf32, #tpu.memory_space<hbm>>
        %dma_wait3A_237 = tpu.memref_slice %arg8[%add3A_205] : memref<1048576xf32, #tpu.memory_space<hbm>> -> memref<128xf32, #tpu.memory_space<hbm>>
        %dma_wait3A_238 = arith.constant 0 : i32
        %dma_wait3A_239 = tpu.memref_slice %arg12[%run_scoped3A_207, %dma_wait3A_238] : memref<4x128xf32, #tpu.memory_space<vmem>> -> memref<1x128xf32, #tpu.memory_space<vmem>>
        %dma_wait3A_240 = tpu.memref_squeeze %dma_wait3A_239 : memref<1x128xf32, #tpu.memory_space<vmem>> -> memref<128xf32, #tpu.memory_space<vmem>>
        tpu.wait_dma2 semaphore(%run_scoped3A_224 : memref<!tpu.dma_semaphore, #tpu.memory_space<semaphore_mem>>) src(%dma_wait3A_240 : memref<128xf32, #tpu.memory_space<vmem>>) dst(%dma_wait3A_237 : memref<128xf32, #tpu.memory_space<hbm>>)
        tpu.yield
      }) : () -> ()
      %add3A_208 = arith.constant 128 : i32
      %add3A_209 = arith.addi %add3A_13, %add3A_208 : i32
      %run_scoped3A_210 = arith.constant 1 : i32
      "tpu.region"() ({
        %run_scoped3A_224 = tpu.sem_alloc : memref<!tpu.dma_semaphore, #tpu.memory_space<semaphore_mem>>
        %dma_start3A_225 = arith.constant 0 : i32
        %dma_start3A_226 = tpu.memref_slice %arg10[%run_scoped3A_210, %dma_start3A_225] : memref<4x128xf32, #tpu.memory_space<vmem>> -> memref<1x128xf32, #tpu.memory_space<vmem>>
        %dma_start3A_227 = tpu.memref_squeeze %dma_start3A_226 : memref<1x128xf32, #tpu.memory_space<vmem>> -> memref<128xf32, #tpu.memory_space<vmem>>
        %dma_start3A_228 = tpu.memref_slice %arg6[%add3A_209] : memref<1048576xf32, #tpu.memory_space<hbm>> -> memref<128xf32, #tpu.memory_space<hbm>>
        %dma_start3A_229 = tpu.memref_slice %arg6[%add3A_209] : memref<1048576xf32, #tpu.memory_space<hbm>> -> memref<128xf32, #tpu.memory_space<hbm>>
        %dma_start3A_230 = arith.constant 0 : i32
        %dma_start3A_231 = tpu.memref_slice %arg10[%run_scoped3A_210, %dma_start3A_230] : memref<4x128xf32, #tpu.memory_space<vmem>> -> memref<1x128xf32, #tpu.memory_space<vmem>>
        %dma_start3A_232 = tpu.memref_squeeze %dma_start3A_231 : memref<1x128xf32, #tpu.memory_space<vmem>> -> memref<128xf32, #tpu.memory_space<vmem>>
        tpu.enqueue_dma source(%dma_start3A_232 : memref<128xf32, #tpu.memory_space<vmem>>) target(%dma_start3A_229 : memref<128xf32, #tpu.memory_space<hbm>>) target_semaphore(%run_scoped3A_224 : memref<!tpu.dma_semaphore, #tpu.memory_space<semaphore_mem>>)
        %dma_wait3A_233 = arith.constant 0 : i32
        %dma_wait3A_234 = tpu.memref_slice %arg10[%run_scoped3A_210, %dma_wait3A_233] : memref<4x128xf32, #tpu.memory_space<vmem>> -> memref<1x128xf32, #tpu.memory_space<vmem>>
        %dma_wait3A_235 = tpu.memref_squeeze %dma_wait3A_234 : memref<1x128xf32, #tpu.memory_space<vmem>> -> memref<128xf32, #tpu.memory_space<vmem>>
        %dma_wait3A_236 = tpu.memref_slice %arg6[%add3A_209] : memref<1048576xf32, #tpu.memory_space<hbm>> -> memref<128xf32, #tpu.memory_space<hbm>>
        %dma_wait3A_237 = tpu.memref_slice %arg6[%add3A_209] : memref<1048576xf32, #tpu.memory_space<hbm>> -> memref<128xf32, #tpu.memory_space<hbm>>
        %dma_wait3A_238 = arith.constant 0 : i32
        %dma_wait3A_239 = tpu.memref_slice %arg10[%run_scoped3A_210, %dma_wait3A_238] : memref<4x128xf32, #tpu.memory_space<vmem>> -> memref<1x128xf32, #tpu.memory_space<vmem>>
        %dma_wait3A_240 = tpu.memref_squeeze %dma_wait3A_239 : memref<1x128xf32, #tpu.memory_space<vmem>> -> memref<128xf32, #tpu.memory_space<vmem>>
        tpu.wait_dma2 semaphore(%run_scoped3A_224 : memref<!tpu.dma_semaphore, #tpu.memory_space<semaphore_mem>>) src(%dma_wait3A_240 : memref<128xf32, #tpu.memory_space<vmem>>) dst(%dma_wait3A_237 : memref<128xf32, #tpu.memory_space<hbm>>)
        tpu.yield
      }) : () -> ()
      %run_scoped3A_211 = arith.constant 1 : i32
      "tpu.region"() ({
        %run_scoped3A_224 = tpu.sem_alloc : memref<!tpu.dma_semaphore, #tpu.memory_space<semaphore_mem>>
        %dma_start3A_225 = arith.constant 0 : i32
        %dma_start3A_226 = tpu.memref_slice %arg11[%run_scoped3A_211, %dma_start3A_225] : memref<4x128xf32, #tpu.memory_space<vmem>> -> memref<1x128xf32, #tpu.memory_space<vmem>>
        %dma_start3A_227 = tpu.memref_squeeze %dma_start3A_226 : memref<1x128xf32, #tpu.memory_space<vmem>> -> memref<128xf32, #tpu.memory_space<vmem>>
        %dma_start3A_228 = tpu.memref_slice %arg7[%add3A_209] : memref<1048576xf32, #tpu.memory_space<hbm>> -> memref<128xf32, #tpu.memory_space<hbm>>
        %dma_start3A_229 = tpu.memref_slice %arg7[%add3A_209] : memref<1048576xf32, #tpu.memory_space<hbm>> -> memref<128xf32, #tpu.memory_space<hbm>>
        %dma_start3A_230 = arith.constant 0 : i32
        %dma_start3A_231 = tpu.memref_slice %arg11[%run_scoped3A_211, %dma_start3A_230] : memref<4x128xf32, #tpu.memory_space<vmem>> -> memref<1x128xf32, #tpu.memory_space<vmem>>
        %dma_start3A_232 = tpu.memref_squeeze %dma_start3A_231 : memref<1x128xf32, #tpu.memory_space<vmem>> -> memref<128xf32, #tpu.memory_space<vmem>>
        tpu.enqueue_dma source(%dma_start3A_232 : memref<128xf32, #tpu.memory_space<vmem>>) target(%dma_start3A_229 : memref<128xf32, #tpu.memory_space<hbm>>) target_semaphore(%run_scoped3A_224 : memref<!tpu.dma_semaphore, #tpu.memory_space<semaphore_mem>>)
        %dma_wait3A_233 = arith.constant 0 : i32
        %dma_wait3A_234 = tpu.memref_slice %arg11[%run_scoped3A_211, %dma_wait3A_233] : memref<4x128xf32, #tpu.memory_space<vmem>> -> memref<1x128xf32, #tpu.memory_space<vmem>>
        %dma_wait3A_235 = tpu.memref_squeeze %dma_wait3A_234 : memref<1x128xf32, #tpu.memory_space<vmem>> -> memref<128xf32, #tpu.memory_space<vmem>>
        %dma_wait3A_236 = tpu.memref_slice %arg7[%add3A_209] : memref<1048576xf32, #tpu.memory_space<hbm>> -> memref<128xf32, #tpu.memory_space<hbm>>
        %dma_wait3A_237 = tpu.memref_slice %arg7[%add3A_209] : memref<1048576xf32, #tpu.memory_space<hbm>> -> memref<128xf32, #tpu.memory_space<hbm>>
        %dma_wait3A_238 = arith.constant 0 : i32
        %dma_wait3A_239 = tpu.memref_slice %arg11[%run_scoped3A_211, %dma_wait3A_238] : memref<4x128xf32, #tpu.memory_space<vmem>> -> memref<1x128xf32, #tpu.memory_space<vmem>>
        %dma_wait3A_240 = tpu.memref_squeeze %dma_wait3A_239 : memref<1x128xf32, #tpu.memory_space<vmem>> -> memref<128xf32, #tpu.memory_space<vmem>>
        tpu.wait_dma2 semaphore(%run_scoped3A_224 : memref<!tpu.dma_semaphore, #tpu.memory_space<semaphore_mem>>) src(%dma_wait3A_240 : memref<128xf32, #tpu.memory_space<vmem>>) dst(%dma_wait3A_237 : memref<128xf32, #tpu.memory_space<hbm>>)
        tpu.yield
      }) : () -> ()
      %run_scoped3A_212 = arith.constant 1 : i32
      "tpu.region"() ({
        %run_scoped3A_224 = tpu.sem_alloc : memref<!tpu.dma_semaphore, #tpu.memory_space<semaphore_mem>>
        %dma_start3A_225 = arith.constant 0 : i32
        %dma_start3A_226 = tpu.memref_slice %arg12[%run_scoped3A_212, %dma_start3A_225] : memref<4x128xf32, #tpu.memory_space<vmem>> -> memref<1x128xf32, #tpu.memory_space<vmem>>
        %dma_start3A_227 = tpu.memref_squeeze %dma_start3A_226 : memref<1x128xf32, #tpu.memory_space<vmem>> -> memref<128xf32, #tpu.memory_space<vmem>>
        %dma_start3A_228 = tpu.memref_slice %arg8[%add3A_209] : memref<1048576xf32, #tpu.memory_space<hbm>> -> memref<128xf32, #tpu.memory_space<hbm>>
        %dma_start3A_229 = tpu.memref_slice %arg8[%add3A_209] : memref<1048576xf32, #tpu.memory_space<hbm>> -> memref<128xf32, #tpu.memory_space<hbm>>
        %dma_start3A_230 = arith.constant 0 : i32
        %dma_start3A_231 = tpu.memref_slice %arg12[%run_scoped3A_212, %dma_start3A_230] : memref<4x128xf32, #tpu.memory_space<vmem>> -> memref<1x128xf32, #tpu.memory_space<vmem>>
        %dma_start3A_232 = tpu.memref_squeeze %dma_start3A_231 : memref<1x128xf32, #tpu.memory_space<vmem>> -> memref<128xf32, #tpu.memory_space<vmem>>
        tpu.enqueue_dma source(%dma_start3A_232 : memref<128xf32, #tpu.memory_space<vmem>>) target(%dma_start3A_229 : memref<128xf32, #tpu.memory_space<hbm>>) target_semaphore(%run_scoped3A_224 : memref<!tpu.dma_semaphore, #tpu.memory_space<semaphore_mem>>)
        %dma_wait3A_233 = arith.constant 0 : i32
        %dma_wait3A_234 = tpu.memref_slice %arg12[%run_scoped3A_212, %dma_wait3A_233] : memref<4x128xf32, #tpu.memory_space<vmem>> -> memref<1x128xf32, #tpu.memory_space<vmem>>
        %dma_wait3A_235 = tpu.memref_squeeze %dma_wait3A_234 : memref<1x128xf32, #tpu.memory_space<vmem>> -> memref<128xf32, #tpu.memory_space<vmem>>
        %dma_wait3A_236 = tpu.memref_slice %arg8[%add3A_209] : memref<1048576xf32, #tpu.memory_space<hbm>> -> memref<128xf32, #tpu.memory_space<hbm>>
        %dma_wait3A_237 = tpu.memref_slice %arg8[%add3A_209] : memref<1048576xf32, #tpu.memory_space<hbm>> -> memref<128xf32, #tpu.memory_space<hbm>>
        %dma_wait3A_238 = arith.constant 0 : i32
        %dma_wait3A_239 = tpu.memref_slice %arg12[%run_scoped3A_212, %dma_wait3A_238] : memref<4x128xf32, #tpu.memory_space<vmem>> -> memref<1x128xf32, #tpu.memory_space<vmem>>
        %dma_wait3A_240 = tpu.memref_squeeze %dma_wait3A_239 : memref<1x128xf32, #tpu.memory_space<vmem>> -> memref<128xf32, #tpu.memory_space<vmem>>
        tpu.wait_dma2 semaphore(%run_scoped3A_224 : memref<!tpu.dma_semaphore, #tpu.memory_space<semaphore_mem>>) src(%dma_wait3A_240 : memref<128xf32, #tpu.memory_space<vmem>>) dst(%dma_wait3A_237 : memref<128xf32, #tpu.memory_space<hbm>>)
        tpu.yield
      }) : () -> ()
      %add3A_213 = arith.constant 256 : i32
      %add3A_214 = arith.addi %add3A_13, %add3A_213 : i32
      %run_scoped3A_215 = arith.constant 2 : i32
      "tpu.region"() ({
        %run_scoped3A_224 = tpu.sem_alloc : memref<!tpu.dma_semaphore, #tpu.memory_space<semaphore_mem>>
        %dma_start3A_225 = arith.constant 0 : i32
        %dma_start3A_226 = tpu.memref_slice %arg10[%run_scoped3A_215, %dma_start3A_225] : memref<4x128xf32, #tpu.memory_space<vmem>> -> memref<1x128xf32, #tpu.memory_space<vmem>>
        %dma_start3A_227 = tpu.memref_squeeze %dma_start3A_226 : memref<1x128xf32, #tpu.memory_space<vmem>> -> memref<128xf32, #tpu.memory_space<vmem>>
        %dma_start3A_228 = tpu.memref_slice %arg6[%add3A_214] : memref<1048576xf32, #tpu.memory_space<hbm>> -> memref<128xf32, #tpu.memory_space<hbm>>
        %dma_start3A_229 = tpu.memref_slice %arg6[%add3A_214] : memref<1048576xf32, #tpu.memory_space<hbm>> -> memref<128xf32, #tpu.memory_space<hbm>>
        %dma_start3A_230 = arith.constant 0 : i32
        %dma_start3A_231 = tpu.memref_slice %arg10[%run_scoped3A_215, %dma_start3A_230] : memref<4x128xf32, #tpu.memory_space<vmem>> -> memref<1x128xf32, #tpu.memory_space<vmem>>
        %dma_start3A_232 = tpu.memref_squeeze %dma_start3A_231 : memref<1x128xf32, #tpu.memory_space<vmem>> -> memref<128xf32, #tpu.memory_space<vmem>>
        tpu.enqueue_dma source(%dma_start3A_232 : memref<128xf32, #tpu.memory_space<vmem>>) target(%dma_start3A_229 : memref<128xf32, #tpu.memory_space<hbm>>) target_semaphore(%run_scoped3A_224 : memref<!tpu.dma_semaphore, #tpu.memory_space<semaphore_mem>>)
        %dma_wait3A_233 = arith.constant 0 : i32
        %dma_wait3A_234 = tpu.memref_slice %arg10[%run_scoped3A_215, %dma_wait3A_233] : memref<4x128xf32, #tpu.memory_space<vmem>> -> memref<1x128xf32, #tpu.memory_space<vmem>>
        %dma_wait3A_235 = tpu.memref_squeeze %dma_wait3A_234 : memref<1x128xf32, #tpu.memory_space<vmem>> -> memref<128xf32, #tpu.memory_space<vmem>>
        %dma_wait3A_236 = tpu.memref_slice %arg6[%add3A_214] : memref<1048576xf32, #tpu.memory_space<hbm>> -> memref<128xf32, #tpu.memory_space<hbm>>
        %dma_wait3A_237 = tpu.memref_slice %arg6[%add3A_214] : memref<1048576xf32, #tpu.memory_space<hbm>> -> memref<128xf32, #tpu.memory_space<hbm>>
        %dma_wait3A_238 = arith.constant 0 : i32
        %dma_wait3A_239 = tpu.memref_slice %arg10[%run_scoped3A_215, %dma_wait3A_238] : memref<4x128xf32, #tpu.memory_space<vmem>> -> memref<1x128xf32, #tpu.memory_space<vmem>>
        %dma_wait3A_240 = tpu.memref_squeeze %dma_wait3A_239 : memref<1x128xf32, #tpu.memory_space<vmem>> -> memref<128xf32, #tpu.memory_space<vmem>>
        tpu.wait_dma2 semaphore(%run_scoped3A_224 : memref<!tpu.dma_semaphore, #tpu.memory_space<semaphore_mem>>) src(%dma_wait3A_240 : memref<128xf32, #tpu.memory_space<vmem>>) dst(%dma_wait3A_237 : memref<128xf32, #tpu.memory_space<hbm>>)
        tpu.yield
      }) : () -> ()
      %run_scoped3A_216 = arith.constant 2 : i32
      "tpu.region"() ({
        %run_scoped3A_224 = tpu.sem_alloc : memref<!tpu.dma_semaphore, #tpu.memory_space<semaphore_mem>>
        %dma_start3A_225 = arith.constant 0 : i32
        %dma_start3A_226 = tpu.memref_slice %arg11[%run_scoped3A_216, %dma_start3A_225] : memref<4x128xf32, #tpu.memory_space<vmem>> -> memref<1x128xf32, #tpu.memory_space<vmem>>
        %dma_start3A_227 = tpu.memref_squeeze %dma_start3A_226 : memref<1x128xf32, #tpu.memory_space<vmem>> -> memref<128xf32, #tpu.memory_space<vmem>>
        %dma_start3A_228 = tpu.memref_slice %arg7[%add3A_214] : memref<1048576xf32, #tpu.memory_space<hbm>> -> memref<128xf32, #tpu.memory_space<hbm>>
        %dma_start3A_229 = tpu.memref_slice %arg7[%add3A_214] : memref<1048576xf32, #tpu.memory_space<hbm>> -> memref<128xf32, #tpu.memory_space<hbm>>
        %dma_start3A_230 = arith.constant 0 : i32
        %dma_start3A_231 = tpu.memref_slice %arg11[%run_scoped3A_216, %dma_start3A_230] : memref<4x128xf32, #tpu.memory_space<vmem>> -> memref<1x128xf32, #tpu.memory_space<vmem>>
        %dma_start3A_232 = tpu.memref_squeeze %dma_start3A_231 : memref<1x128xf32, #tpu.memory_space<vmem>> -> memref<128xf32, #tpu.memory_space<vmem>>
        tpu.enqueue_dma source(%dma_start3A_232 : memref<128xf32, #tpu.memory_space<vmem>>) target(%dma_start3A_229 : memref<128xf32, #tpu.memory_space<hbm>>) target_semaphore(%run_scoped3A_224 : memref<!tpu.dma_semaphore, #tpu.memory_space<semaphore_mem>>)
        %dma_wait3A_233 = arith.constant 0 : i32
        %dma_wait3A_234 = tpu.memref_slice %arg11[%run_scoped3A_216, %dma_wait3A_233] : memref<4x128xf32, #tpu.memory_space<vmem>> -> memref<1x128xf32, #tpu.memory_space<vmem>>
        %dma_wait3A_235 = tpu.memref_squeeze %dma_wait3A_234 : memref<1x128xf32, #tpu.memory_space<vmem>> -> memref<128xf32, #tpu.memory_space<vmem>>
        %dma_wait3A_236 = tpu.memref_slice %arg7[%add3A_214] : memref<1048576xf32, #tpu.memory_space<hbm>> -> memref<128xf32, #tpu.memory_space<hbm>>
        %dma_wait3A_237 = tpu.memref_slice %arg7[%add3A_214] : memref<1048576xf32, #tpu.memory_space<hbm>> -> memref<128xf32, #tpu.memory_space<hbm>>
        %dma_wait3A_238 = arith.constant 0 : i32
        %dma_wait3A_239 = tpu.memref_slice %arg11[%run_scoped3A_216, %dma_wait3A_238] : memref<4x128xf32, #tpu.memory_space<vmem>> -> memref<1x128xf32, #tpu.memory_space<vmem>>
        %dma_wait3A_240 = tpu.memref_squeeze %dma_wait3A_239 : memref<1x128xf32, #tpu.memory_space<vmem>> -> memref<128xf32, #tpu.memory_space<vmem>>
        tpu.wait_dma2 semaphore(%run_scoped3A_224 : memref<!tpu.dma_semaphore, #tpu.memory_space<semaphore_mem>>) src(%dma_wait3A_240 : memref<128xf32, #tpu.memory_space<vmem>>) dst(%dma_wait3A_237 : memref<128xf32, #tpu.memory_space<hbm>>)
        tpu.yield
      }) : () -> ()
      %run_scoped3A_217 = arith.constant 2 : i32
      "tpu.region"() ({
        %run_scoped3A_224 = tpu.sem_alloc : memref<!tpu.dma_semaphore, #tpu.memory_space<semaphore_mem>>
        %dma_start3A_225 = arith.constant 0 : i32
        %dma_start3A_226 = tpu.memref_slice %arg12[%run_scoped3A_217, %dma_start3A_225] : memref<4x128xf32, #tpu.memory_space<vmem>> -> memref<1x128xf32, #tpu.memory_space<vmem>>
        %dma_start3A_227 = tpu.memref_squeeze %dma_start3A_226 : memref<1x128xf32, #tpu.memory_space<vmem>> -> memref<128xf32, #tpu.memory_space<vmem>>
        %dma_start3A_228 = tpu.memref_slice %arg8[%add3A_214] : memref<1048576xf32, #tpu.memory_space<hbm>> -> memref<128xf32, #tpu.memory_space<hbm>>
        %dma_start3A_229 = tpu.memref_slice %arg8[%add3A_214] : memref<1048576xf32, #tpu.memory_space<hbm>> -> memref<128xf32, #tpu.memory_space<hbm>>
        %dma_start3A_230 = arith.constant 0 : i32
        %dma_start3A_231 = tpu.memref_slice %arg12[%run_scoped3A_217, %dma_start3A_230] : memref<4x128xf32, #tpu.memory_space<vmem>> -> memref<1x128xf32, #tpu.memory_space<vmem>>
        %dma_start3A_232 = tpu.memref_squeeze %dma_start3A_231 : memref<1x128xf32, #tpu.memory_space<vmem>> -> memref<128xf32, #tpu.memory_space<vmem>>
        tpu.enqueue_dma source(%dma_start3A_232 : memref<128xf32, #tpu.memory_space<vmem>>) target(%dma_start3A_229 : memref<128xf32, #tpu.memory_space<hbm>>) target_semaphore(%run_scoped3A_224 : memref<!tpu.dma_semaphore, #tpu.memory_space<semaphore_mem>>)
        %dma_wait3A_233 = arith.constant 0 : i32
        %dma_wait3A_234 = tpu.memref_slice %arg12[%run_scoped3A_217, %dma_wait3A_233] : memref<4x128xf32, #tpu.memory_space<vmem>> -> memref<1x128xf32, #tpu.memory_space<vmem>>
        %dma_wait3A_235 = tpu.memref_squeeze %dma_wait3A_234 : memref<1x128xf32, #tpu.memory_space<vmem>> -> memref<128xf32, #tpu.memory_space<vmem>>
        %dma_wait3A_236 = tpu.memref_slice %arg8[%add3A_214] : memref<1048576xf32, #tpu.memory_space<hbm>> -> memref<128xf32, #tpu.memory_space<hbm>>
        %dma_wait3A_237 = tpu.memref_slice %arg8[%add3A_214] : memref<1048576xf32, #tpu.memory_space<hbm>> -> memref<128xf32, #tpu.memory_space<hbm>>
        %dma_wait3A_238 = arith.constant 0 : i32
        %dma_wait3A_239 = tpu.memref_slice %arg12[%run_scoped3A_217, %dma_wait3A_238] : memref<4x128xf32, #tpu.memory_space<vmem>> -> memref<1x128xf32, #tpu.memory_space<vmem>>
        %dma_wait3A_240 = tpu.memref_squeeze %dma_wait3A_239 : memref<1x128xf32, #tpu.memory_space<vmem>> -> memref<128xf32, #tpu.memory_space<vmem>>
        tpu.wait_dma2 semaphore(%run_scoped3A_224 : memref<!tpu.dma_semaphore, #tpu.memory_space<semaphore_mem>>) src(%dma_wait3A_240 : memref<128xf32, #tpu.memory_space<vmem>>) dst(%dma_wait3A_237 : memref<128xf32, #tpu.memory_space<hbm>>)
        tpu.yield
      }) : () -> ()
      %add3A_218 = arith.constant 384 : i32
      %add3A_219 = arith.addi %add3A_13, %add3A_218 : i32
      %run_scoped3A_220 = arith.constant 3 : i32
      "tpu.region"() ({
        %run_scoped3A_224 = tpu.sem_alloc : memref<!tpu.dma_semaphore, #tpu.memory_space<semaphore_mem>>
        %dma_start3A_225 = arith.constant 0 : i32
        %dma_start3A_226 = tpu.memref_slice %arg10[%run_scoped3A_220, %dma_start3A_225] : memref<4x128xf32, #tpu.memory_space<vmem>> -> memref<1x128xf32, #tpu.memory_space<vmem>>
        %dma_start3A_227 = tpu.memref_squeeze %dma_start3A_226 : memref<1x128xf32, #tpu.memory_space<vmem>> -> memref<128xf32, #tpu.memory_space<vmem>>
        %dma_start3A_228 = tpu.memref_slice %arg6[%add3A_219] : memref<1048576xf32, #tpu.memory_space<hbm>> -> memref<128xf32, #tpu.memory_space<hbm>>
        %dma_start3A_229 = tpu.memref_slice %arg6[%add3A_219] : memref<1048576xf32, #tpu.memory_space<hbm>> -> memref<128xf32, #tpu.memory_space<hbm>>
        %dma_start3A_230 = arith.constant 0 : i32
        %dma_start3A_231 = tpu.memref_slice %arg10[%run_scoped3A_220, %dma_start3A_230] : memref<4x128xf32, #tpu.memory_space<vmem>> -> memref<1x128xf32, #tpu.memory_space<vmem>>
        %dma_start3A_232 = tpu.memref_squeeze %dma_start3A_231 : memref<1x128xf32, #tpu.memory_space<vmem>> -> memref<128xf32, #tpu.memory_space<vmem>>
        tpu.enqueue_dma source(%dma_start3A_232 : memref<128xf32, #tpu.memory_space<vmem>>) target(%dma_start3A_229 : memref<128xf32, #tpu.memory_space<hbm>>) target_semaphore(%run_scoped3A_224 : memref<!tpu.dma_semaphore, #tpu.memory_space<semaphore_mem>>)
        %dma_wait3A_233 = arith.constant 0 : i32
        %dma_wait3A_234 = tpu.memref_slice %arg10[%run_scoped3A_220, %dma_wait3A_233] : memref<4x128xf32, #tpu.memory_space<vmem>> -> memref<1x128xf32, #tpu.memory_space<vmem>>
        %dma_wait3A_235 = tpu.memref_squeeze %dma_wait3A_234 : memref<1x128xf32, #tpu.memory_space<vmem>> -> memref<128xf32, #tpu.memory_space<vmem>>
        %dma_wait3A_236 = tpu.memref_slice %arg6[%add3A_219] : memref<1048576xf32, #tpu.memory_space<hbm>> -> memref<128xf32, #tpu.memory_space<hbm>>
        %dma_wait3A_237 = tpu.memref_slice %arg6[%add3A_219] : memref<1048576xf32, #tpu.memory_space<hbm>> -> memref<128xf32, #tpu.memory_space<hbm>>
        %dma_wait3A_238 = arith.constant 0 : i32
        %dma_wait3A_239 = tpu.memref_slice %arg10[%run_scoped3A_220, %dma_wait3A_238] : memref<4x128xf32, #tpu.memory_space<vmem>> -> memref<1x128xf32, #tpu.memory_space<vmem>>
        %dma_wait3A_240 = tpu.memref_squeeze %dma_wait3A_239 : memref<1x128xf32, #tpu.memory_space<vmem>> -> memref<128xf32, #tpu.memory_space<vmem>>
        tpu.wait_dma2 semaphore(%run_scoped3A_224 : memref<!tpu.dma_semaphore, #tpu.memory_space<semaphore_mem>>) src(%dma_wait3A_240 : memref<128xf32, #tpu.memory_space<vmem>>) dst(%dma_wait3A_237 : memref<128xf32, #tpu.memory_space<hbm>>)
        tpu.yield
      }) : () -> ()
      %run_scoped3A_221 = arith.constant 3 : i32
      "tpu.region"() ({
        %run_scoped3A_224 = tpu.sem_alloc : memref<!tpu.dma_semaphore, #tpu.memory_space<semaphore_mem>>
        %dma_start3A_225 = arith.constant 0 : i32
        %dma_start3A_226 = tpu.memref_slice %arg11[%run_scoped3A_221, %dma_start3A_225] : memref<4x128xf32, #tpu.memory_space<vmem>> -> memref<1x128xf32, #tpu.memory_space<vmem>>
        %dma_start3A_227 = tpu.memref_squeeze %dma_start3A_226 : memref<1x128xf32, #tpu.memory_space<vmem>> -> memref<128xf32, #tpu.memory_space<vmem>>
        %dma_start3A_228 = tpu.memref_slice %arg7[%add3A_219] : memref<1048576xf32, #tpu.memory_space<hbm>> -> memref<128xf32, #tpu.memory_space<hbm>>
        %dma_start3A_229 = tpu.memref_slice %arg7[%add3A_219] : memref<1048576xf32, #tpu.memory_space<hbm>> -> memref<128xf32, #tpu.memory_space<hbm>>
        %dma_start3A_230 = arith.constant 0 : i32
        %dma_start3A_231 = tpu.memref_slice %arg11[%run_scoped3A_221, %dma_start3A_230] : memref<4x128xf32, #tpu.memory_space<vmem>> -> memref<1x128xf32, #tpu.memory_space<vmem>>
        %dma_start3A_232 = tpu.memref_squeeze %dma_start3A_231 : memref<1x128xf32, #tpu.memory_space<vmem>> -> memref<128xf32, #tpu.memory_space<vmem>>
        tpu.enqueue_dma source(%dma_start3A_232 : memref<128xf32, #tpu.memory_space<vmem>>) target(%dma_start3A_229 : memref<128xf32, #tpu.memory_space<hbm>>) target_semaphore(%run_scoped3A_224 : memref<!tpu.dma_semaphore, #tpu.memory_space<semaphore_mem>>)
        %dma_wait3A_233 = arith.constant 0 : i32
        %dma_wait3A_234 = tpu.memref_slice %arg11[%run_scoped3A_221, %dma_wait3A_233] : memref<4x128xf32, #tpu.memory_space<vmem>> -> memref<1x128xf32, #tpu.memory_space<vmem>>
        %dma_wait3A_235 = tpu.memref_squeeze %dma_wait3A_234 : memref<1x128xf32, #tpu.memory_space<vmem>> -> memref<128xf32, #tpu.memory_space<vmem>>
        %dma_wait3A_236 = tpu.memref_slice %arg7[%add3A_219] : memref<1048576xf32, #tpu.memory_space<hbm>> -> memref<128xf32, #tpu.memory_space<hbm>>
        %dma_wait3A_237 = tpu.memref_slice %arg7[%add3A_219] : memref<1048576xf32, #tpu.memory_space<hbm>> -> memref<128xf32, #tpu.memory_space<hbm>>
        %dma_wait3A_238 = arith.constant 0 : i32
        %dma_wait3A_239 = tpu.memref_slice %arg11[%run_scoped3A_221, %dma_wait3A_238] : memref<4x128xf32, #tpu.memory_space<vmem>> -> memref<1x128xf32, #tpu.memory_space<vmem>>
        %dma_wait3A_240 = tpu.memref_squeeze %dma_wait3A_239 : memref<1x128xf32, #tpu.memory_space<vmem>> -> memref<128xf32, #tpu.memory_space<vmem>>
        tpu.wait_dma2 semaphore(%run_scoped3A_224 : memref<!tpu.dma_semaphore, #tpu.memory_space<semaphore_mem>>) src(%dma_wait3A_240 : memref<128xf32, #tpu.memory_space<vmem>>) dst(%dma_wait3A_237 : memref<128xf32, #tpu.memory_space<hbm>>)
        tpu.yield
      }) : () -> ()
      %run_scoped3A_222 = arith.constant 3 : i32
      "tpu.region"() ({
        %run_scoped3A_224 = tpu.sem_alloc : memref<!tpu.dma_semaphore, #tpu.memory_space<semaphore_mem>>
        %dma_start3A_225 = arith.constant 0 : i32
        %dma_start3A_226 = tpu.memref_slice %arg12[%run_scoped3A_222, %dma_start3A_225] : memref<4x128xf32, #tpu.memory_space<vmem>> -> memref<1x128xf32, #tpu.memory_space<vmem>>
        %dma_start3A_227 = tpu.memref_squeeze %dma_start3A_226 : memref<1x128xf32, #tpu.memory_space<vmem>> -> memref<128xf32, #tpu.memory_space<vmem>>
        %dma_start3A_228 = tpu.memref_slice %arg8[%add3A_219] : memref<1048576xf32, #tpu.memory_space<hbm>> -> memref<128xf32, #tpu.memory_space<hbm>>
        %dma_start3A_229 = tpu.memref_slice %arg8[%add3A_219] : memref<1048576xf32, #tpu.memory_space<hbm>> -> memref<128xf32, #tpu.memory_space<hbm>>
        %dma_start3A_230 = arith.constant 0 : i32
        %dma_start3A_231 = tpu.memref_slice %arg12[%run_scoped3A_222, %dma_start3A_230] : memref<4x128xf32, #tpu.memory_space<vmem>> -> memref<1x128xf32, #tpu.memory_space<vmem>>
        %dma_start3A_232 = tpu.memref_squeeze %dma_start3A_231 : memref<1x128xf32, #tpu.memory_space<vmem>> -> memref<128xf32, #tpu.memory_space<vmem>>
        tpu.enqueue_dma source(%dma_start3A_232 : memref<128xf32, #tpu.memory_space<vmem>>) target(%dma_start3A_229 : memref<128xf32, #tpu.memory_space<hbm>>) target_semaphore(%run_scoped3A_224 : memref<!tpu.dma_semaphore, #tpu.memory_space<semaphore_mem>>)
        %dma_wait3A_233 = arith.constant 0 : i32
        %dma_wait3A_234 = tpu.memref_slice %arg12[%run_scoped3A_222, %dma_wait3A_233] : memref<4x128xf32, #tpu.memory_space<vmem>> -> memref<1x128xf32, #tpu.memory_space<vmem>>
        %dma_wait3A_235 = tpu.memref_squeeze %dma_wait3A_234 : memref<1x128xf32, #tpu.memory_space<vmem>> -> memref<128xf32, #tpu.memory_space<vmem>>
        %dma_wait3A_236 = tpu.memref_slice %arg8[%add3A_219] : memref<1048576xf32, #tpu.memory_space<hbm>> -> memref<128xf32, #tpu.memory_space<hbm>>
        %dma_wait3A_237 = tpu.memref_slice %arg8[%add3A_219] : memref<1048576xf32, #tpu.memory_space<hbm>> -> memref<128xf32, #tpu.memory_space<hbm>>
        %dma_wait3A_238 = arith.constant 0 : i32
        %dma_wait3A_239 = tpu.memref_slice %arg12[%run_scoped3A_222, %dma_wait3A_238] : memref<4x128xf32, #tpu.memory_space<vmem>> -> memref<1x128xf32, #tpu.memory_space<vmem>>
        %dma_wait3A_240 = tpu.memref_squeeze %dma_wait3A_239 : memref<1x128xf32, #tpu.memory_space<vmem>> -> memref<128xf32, #tpu.memory_space<vmem>>
        tpu.wait_dma2 semaphore(%run_scoped3A_224 : memref<!tpu.dma_semaphore, #tpu.memory_space<semaphore_mem>>) src(%dma_wait3A_240 : memref<128xf32, #tpu.memory_space<vmem>>) dst(%dma_wait3A_237 : memref<128xf32, #tpu.memory_space<hbm>>)
        tpu.yield
      }) : () -> ()
      %scan3A_223 = arith.constant 0 : i32
      scf.yield %scan3A_223 : i32
    }
    %scan3A_8 = arith.constant 64 : i32
    return
  }
}

#map = affine_map<(d0, d1) -> (0, 0)>
#map1 = affine_map<(d0, d1) -> (0)>
module attributes {stable_mosaic.version = 14 : i64} {
  func.func @kern(%arg0: i32, %arg1: i32, %arg2: memref<16384x128xf32, #tpu.memory_space<hbm>>, %arg3: memref<262144xi32, #tpu.memory_space<hbm>>, %arg4: memref<4096x128xf32, #tpu.memory_space<hbm>>, %arg5: memref<4096x128xf32, #tpu.memory_space<hbm>>, %arg6: memref<4096x128xf32, #tpu.memory_space<hbm>>, %arg7: memref<128xi32, #tpu.memory_space<vmem>>, %arg8: memref<128x128xf32, #tpu.memory_space<vmem>>, %arg9: memref<2x128xf32, #tpu.memory_space<vmem>>, %arg10: memref<2x128xf32, #tpu.memory_space<vmem>>, %arg11: memref<2x128xf32, #tpu.memory_space<vmem>>, %arg12: memref<!tpu.dma_semaphore, #tpu.memory_space<semaphore_mem>>) attributes {dimension_semantics = [#tpu.dimension_semantics<core_parallel>, #tpu.dimension_semantics<subcore_parallel>], iteration_bounds = array<i64: 2, 16>, scalar_prefetch = 0 : i64, scratch_operands = 6 : i64, tpu.core_type = #tpu.core_type<sc_vector_subcore>, window_params = [{transform_indices = #map}, {transform_indices = #map1}, {transform_indices = #map}, {transform_indices = #map}, {transform_indices = #map}]} {
    %mul3A = arith.constant 2 : i32
    %mul3A_0 = arith.muli %arg1, %mul3A : i32
    %add3A = arith.addi %mul3A_0, %arg0 : i32
    %mul3A_1 = arith.constant 128 : i32
    %mul3A_2 = arith.muli %add3A, %mul3A_1 : i32
    %scan3A = arith.constant 0 : i32
    %scan3A_3 = arith.constant 0 : i32
    %scan3A_4 = arith.constant 64 : i32
    %scan3A_5 = arith.addi %scan3A_3, %scan3A_4 : i32
    %scan3A_6 = arith.constant 1 : i32
    %scan3A_7 = scf.for %scan3A_9 = %scan3A_3 to %scan3A_5 step %scan3A_6 iter_args(%scan3A_10 = %scan3A) -> (i32)  : i32 {
      %mul3A_11 = arith.constant 2 : i32
      %mul3A_12 = arith.muli %scan3A_9, %mul3A_11 : i32
      %add3A_13 = arith.addi %mul3A_2, %mul3A_12 : i32
      %mul3A_14 = arith.constant 64 : i32
      %mul3A_15 = arith.muli %add3A_13, %mul3A_14 : i32
      "tpu.region"() ({
        %run_scoped3A = tpu.sem_alloc : memref<!tpu.dma_semaphore, #tpu.memory_space<semaphore_mem>>
        %dma_start3A_28 = tpu.memref_slice %arg3[%mul3A_15] : memref<262144xi32, #tpu.memory_space<hbm>> -> memref<128xi32, #tpu.memory_space<hbm>>
        %dma_start3A_29 = tpu.memref_slice %arg3[%mul3A_15] : memref<262144xi32, #tpu.memory_space<hbm>> -> memref<128xi32, #tpu.memory_space<hbm>>
        tpu.enqueue_dma source(%dma_start3A_29 : memref<128xi32, #tpu.memory_space<hbm>>) target(%arg7 : memref<128xi32, #tpu.memory_space<vmem>>) target_semaphore(%run_scoped3A : memref<!tpu.dma_semaphore, #tpu.memory_space<semaphore_mem>>)
        %dma_wait3A_30 = tpu.memref_slice %arg3[%mul3A_15] : memref<262144xi32, #tpu.memory_space<hbm>> -> memref<128xi32, #tpu.memory_space<hbm>>
        %dma_wait3A_31 = tpu.memref_slice %arg3[%mul3A_15] : memref<262144xi32, #tpu.memory_space<hbm>> -> memref<128xi32, #tpu.memory_space<hbm>>
        tpu.wait_dma2 semaphore(%run_scoped3A : memref<!tpu.dma_semaphore, #tpu.memory_space<semaphore_mem>>) src(%dma_wait3A_31 : memref<128xi32, #tpu.memory_space<hbm>>) dst(%arg7 : memref<128xi32, #tpu.memory_space<vmem>>)
        tpu.yield
      }) : () -> ()
      %dma_start3A = arith.constant 0 : i32
      %dma_start3A_16 = arith.constant 0 : i32
      %dma_start3A_17 = tpu.memref_slice %arg2[%dma_start3A, %dma_start3A_16] : memref<16384x128xf32, #tpu.memory_space<hbm>> -> memref<16384x128xf32, #tpu.memory_space<hbm>>
      tpu.enqueue_indirect_dma source(%dma_start3A_17 : memref<16384x128xf32, #tpu.memory_space<hbm>>) target(%arg8 : memref<128x128xf32, #tpu.memory_space<vmem>>) offsets(%arg7 : memref<128xi32, #tpu.memory_space<vmem>>) semaphore(%arg12 : memref<!tpu.dma_semaphore, #tpu.memory_space<semaphore_mem>>)
      %dma_wait3A = arith.constant 0 : i32
      %dma_wait3A_18 = arith.constant 0 : i32
      %dma_wait3A_19 = tpu.memref_slice %arg2[%dma_wait3A, %dma_wait3A_18] : memref<16384x128xf32, #tpu.memory_space<hbm>> -> memref<16384x128xf32, #tpu.memory_space<hbm>>
      tpu.wait_indirect_dma semaphore(%arg12 : memref<!tpu.dma_semaphore, #tpu.memory_space<semaphore_mem>>) src(%dma_wait3A_19 : memref<16384x128xf32, #tpu.memory_space<hbm>>) dst(%arg8 : memref<128x128xf32, #tpu.memory_space<vmem>>)
      %scan3A_20 = arith.constant 0 : i32
      %scan3A_21 = arith.constant 0 : i32
      %scan3A_22 = arith.constant 2 : i32
      %scan3A_23 = arith.addi %scan3A_21, %scan3A_22 : i32
      %scan3A_24 = arith.constant 1 : i32
      %scan3A_25 = scf.for %scan3A_28 = %scan3A_21 to %scan3A_23 step %scan3A_24 iter_args(%scan3A_29 = %scan3A_20) -> (i32)  : i32 {
        %broadcast_in_dim3A = arith.constant -1.000000e+30 : f32
        %broadcast_in_dim3A_30 = vector.broadcast %broadcast_in_dim3A : f32 to vector<16xf32>
        %broadcast_in_dim3A_31 = arith.constant 0.000000e+00 : f32
        %broadcast_in_dim3A_32 = vector.broadcast %broadcast_in_dim3A_31 : f32 to vector<16xf32>
        %broadcast_in_dim3A_33 = arith.constant 0.000000e+00 : f32
        %broadcast_in_dim3A_34 = vector.broadcast %broadcast_in_dim3A_33 : f32 to vector<16xf32>
        %broadcast_in_dim3A_35 = arith.constant -1.000000e+30 : f32
        %broadcast_in_dim3A_36 = vector.broadcast %broadcast_in_dim3A_35 : f32 to vector<16xf32>
        %broadcast_in_dim3A_37 = arith.constant 0.000000e+00 : f32
        %broadcast_in_dim3A_38 = vector.broadcast %broadcast_in_dim3A_37 : f32 to vector<16xf32>
        %broadcast_in_dim3A_39 = arith.constant 0.000000e+00 : f32
        %broadcast_in_dim3A_40 = vector.broadcast %broadcast_in_dim3A_39 : f32 to vector<16xf32>
        %broadcast_in_dim3A_41 = arith.constant -1.000000e+30 : f32
        %broadcast_in_dim3A_42 = vector.broadcast %broadcast_in_dim3A_41 : f32 to vector<16xf32>
        %broadcast_in_dim3A_43 = arith.constant 0.000000e+00 : f32
        %broadcast_in_dim3A_44 = vector.broadcast %broadcast_in_dim3A_43 : f32 to vector<16xf32>
        %broadcast_in_dim3A_45 = arith.constant 0.000000e+00 : f32
        %broadcast_in_dim3A_46 = vector.broadcast %broadcast_in_dim3A_45 : f32 to vector<16xf32>
        %broadcast_in_dim3A_47 = arith.constant -1.000000e+30 : f32
        %broadcast_in_dim3A_48 = vector.broadcast %broadcast_in_dim3A_47 : f32 to vector<16xf32>
        %broadcast_in_dim3A_49 = arith.constant 0.000000e+00 : f32
        %broadcast_in_dim3A_50 = vector.broadcast %broadcast_in_dim3A_49 : f32 to vector<16xf32>
        %broadcast_in_dim3A_51 = arith.constant 0.000000e+00 : f32
        %broadcast_in_dim3A_52 = vector.broadcast %broadcast_in_dim3A_51 : f32 to vector<16xf32>
        %broadcast_in_dim3A_53 = arith.constant -1.000000e+30 : f32
        %broadcast_in_dim3A_54 = vector.broadcast %broadcast_in_dim3A_53 : f32 to vector<16xf32>
        %broadcast_in_dim3A_55 = arith.constant 0.000000e+00 : f32
        %broadcast_in_dim3A_56 = vector.broadcast %broadcast_in_dim3A_55 : f32 to vector<16xf32>
        %broadcast_in_dim3A_57 = arith.constant 0.000000e+00 : f32
        %broadcast_in_dim3A_58 = vector.broadcast %broadcast_in_dim3A_57 : f32 to vector<16xf32>
        %broadcast_in_dim3A_59 = arith.constant -1.000000e+30 : f32
        %broadcast_in_dim3A_60 = vector.broadcast %broadcast_in_dim3A_59 : f32 to vector<16xf32>
        %broadcast_in_dim3A_61 = arith.constant 0.000000e+00 : f32
        %broadcast_in_dim3A_62 = vector.broadcast %broadcast_in_dim3A_61 : f32 to vector<16xf32>
        %broadcast_in_dim3A_63 = arith.constant 0.000000e+00 : f32
        %broadcast_in_dim3A_64 = vector.broadcast %broadcast_in_dim3A_63 : f32 to vector<16xf32>
        %broadcast_in_dim3A_65 = arith.constant -1.000000e+30 : f32
        %broadcast_in_dim3A_66 = vector.broadcast %broadcast_in_dim3A_65 : f32 to vector<16xf32>
        %broadcast_in_dim3A_67 = arith.constant 0.000000e+00 : f32
        %broadcast_in_dim3A_68 = vector.broadcast %broadcast_in_dim3A_67 : f32 to vector<16xf32>
        %broadcast_in_dim3A_69 = arith.constant 0.000000e+00 : f32
        %broadcast_in_dim3A_70 = vector.broadcast %broadcast_in_dim3A_69 : f32 to vector<16xf32>
        %broadcast_in_dim3A_71 = arith.constant -1.000000e+30 : f32
        %broadcast_in_dim3A_72 = vector.broadcast %broadcast_in_dim3A_71 : f32 to vector<16xf32>
        %broadcast_in_dim3A_73 = arith.constant 0.000000e+00 : f32
        %broadcast_in_dim3A_74 = vector.broadcast %broadcast_in_dim3A_73 : f32 to vector<16xf32>
        %broadcast_in_dim3A_75 = arith.constant 0.000000e+00 : f32
        %broadcast_in_dim3A_76 = vector.broadcast %broadcast_in_dim3A_75 : f32 to vector<16xf32>
        %scan3A_77 = arith.constant 0 : i32
        %scan3A_78 = arith.constant 64 : i32
        %scan3A_79 = arith.addi %scan3A_77, %scan3A_78 : i32
        %scan3A_80 = arith.constant 1 : i32
        %scan3A_81:24 = scf.for %scan3A_203 = %scan3A_77 to %scan3A_79 step %scan3A_80 iter_args(%scan3A_204 = %broadcast_in_dim3A_30, %scan3A_205 = %broadcast_in_dim3A_32, %scan3A_206 = %broadcast_in_dim3A_34, %scan3A_207 = %broadcast_in_dim3A_36, %scan3A_208 = %broadcast_in_dim3A_38, %scan3A_209 = %broadcast_in_dim3A_40, %scan3A_210 = %broadcast_in_dim3A_42, %scan3A_211 = %broadcast_in_dim3A_44, %scan3A_212 = %broadcast_in_dim3A_46, %scan3A_213 = %broadcast_in_dim3A_48, %scan3A_214 = %broadcast_in_dim3A_50, %scan3A_215 = %broadcast_in_dim3A_52, %scan3A_216 = %broadcast_in_dim3A_54, %scan3A_217 = %broadcast_in_dim3A_56, %scan3A_218 = %broadcast_in_dim3A_58, %scan3A_219 = %broadcast_in_dim3A_60, %scan3A_220 = %broadcast_in_dim3A_62, %scan3A_221 = %broadcast_in_dim3A_64, %scan3A_222 = %broadcast_in_dim3A_66, %scan3A_223 = %broadcast_in_dim3A_68, %scan3A_224 = %broadcast_in_dim3A_70, %scan3A_225 = %broadcast_in_dim3A_72, %scan3A_226 = %broadcast_in_dim3A_74, %scan3A_227 = %broadcast_in_dim3A_76) -> (vector<16xf32>, vector<16xf32>, vector<16xf32>, vector<16xf32>, vector<16xf32>, vector<16xf32>, vector<16xf32>, vector<16xf32>, vector<16xf32>, vector<16xf32>, vector<16xf32>, vector<16xf32>, vector<16xf32>, vector<16xf32>, vector<16xf32>, vector<16xf32>, vector<16xf32>, vector<16xf32>, vector<16xf32>, vector<16xf32>, vector<16xf32>, vector<16xf32>, vector<16xf32>, vector<16xf32>)  : i32 {
          %mul3A_228 = arith.constant 64 : i32
          %mul3A_229 = arith.muli %scan3A_28, %mul3A_228 : i32
          %add3A_230 = arith.addi %mul3A_229, %scan3A_203 : i32
          %get3A = arith.index_cast %add3A_230 : i32 to index
          %get3A_231 = arith.constant 0 : index
          %get3A_232 = tpu.vector_load %arg8[%get3A, %get3A_231] {strides = array<i32>} : memref<128x128xf32, #tpu.memory_space<vmem>>, vector<1x16xf32>,
          %get3A_233 = vector.shape_cast %get3A_232 : vector<1x16xf32> to vector<16xf32>
          %max3A = arith.maximumf %scan3A_204, %get3A_233 : vector<16xf32>
          %add3A_234 = arith.addf %scan3A_205, %get3A_233 : vector<16xf32>
          %mul3A_235 = arith.mulf %get3A_233, %get3A_233 : vector<16xf32>
          %add3A_236 = arith.addf %scan3A_206, %mul3A_235 : vector<16xf32>
          %get3A_237 = arith.index_cast %add3A_230 : i32 to index
          %get3A_238 = arith.constant 16 : index
          %get3A_239 = tpu.vector_load %arg8[%get3A_237, %get3A_238] {strides = array<i32>} : memref<128x128xf32, #tpu.memory_space<vmem>>, vector<1x16xf32>,
          %get3A_240 = vector.shape_cast %get3A_239 : vector<1x16xf32> to vector<16xf32>
          %max3A_241 = arith.maximumf %scan3A_207, %get3A_240 : vector<16xf32>
          %add3A_242 = arith.addf %scan3A_208, %get3A_240 : vector<16xf32>
          %mul3A_243 = arith.mulf %get3A_240, %get3A_240 : vector<16xf32>
          %add3A_244 = arith.addf %scan3A_209, %mul3A_243 : vector<16xf32>
          %get3A_245 = arith.index_cast %add3A_230 : i32 to index
          %get3A_246 = arith.constant 32 : index
          %get3A_247 = tpu.vector_load %arg8[%get3A_245, %get3A_246] {strides = array<i32>} : memref<128x128xf32, #tpu.memory_space<vmem>>, vector<1x16xf32>,
          %get3A_248 = vector.shape_cast %get3A_247 : vector<1x16xf32> to vector<16xf32>
          %max3A_249 = arith.maximumf %scan3A_210, %get3A_248 : vector<16xf32>
          %add3A_250 = arith.addf %scan3A_211, %get3A_248 : vector<16xf32>
          %mul3A_251 = arith.mulf %get3A_248, %get3A_248 : vector<16xf32>
          %add3A_252 = arith.addf %scan3A_212, %mul3A_251 : vector<16xf32>
          %get3A_253 = arith.index_cast %add3A_230 : i32 to index
          %get3A_254 = arith.constant 48 : index
          %get3A_255 = tpu.vector_load %arg8[%get3A_253, %get3A_254] {strides = array<i32>} : memref<128x128xf32, #tpu.memory_space<vmem>>, vector<1x16xf32>,
          %get3A_256 = vector.shape_cast %get3A_255 : vector<1x16xf32> to vector<16xf32>
          %max3A_257 = arith.maximumf %scan3A_213, %get3A_256 : vector<16xf32>
          %add3A_258 = arith.addf %scan3A_214, %get3A_256 : vector<16xf32>
          %mul3A_259 = arith.mulf %get3A_256, %get3A_256 : vector<16xf32>
          %add3A_260 = arith.addf %scan3A_215, %mul3A_259 : vector<16xf32>
          %get3A_261 = arith.index_cast %add3A_230 : i32 to index
          %get3A_262 = arith.constant 64 : index
          %get3A_263 = tpu.vector_load %arg8[%get3A_261, %get3A_262] {strides = array<i32>} : memref<128x128xf32, #tpu.memory_space<vmem>>, vector<1x16xf32>,
          %get3A_264 = vector.shape_cast %get3A_263 : vector<1x16xf32> to vector<16xf32>
          %max3A_265 = arith.maximumf %scan3A_216, %get3A_264 : vector<16xf32>
          %add3A_266 = arith.addf %scan3A_217, %get3A_264 : vector<16xf32>
          %mul3A_267 = arith.mulf %get3A_264, %get3A_264 : vector<16xf32>
          %add3A_268 = arith.addf %scan3A_218, %mul3A_267 : vector<16xf32>
          %get3A_269 = arith.index_cast %add3A_230 : i32 to index
          %get3A_270 = arith.constant 80 : index
          %get3A_271 = tpu.vector_load %arg8[%get3A_269, %get3A_270] {strides = array<i32>} : memref<128x128xf32, #tpu.memory_space<vmem>>, vector<1x16xf32>,
          %get3A_272 = vector.shape_cast %get3A_271 : vector<1x16xf32> to vector<16xf32>
          %max3A_273 = arith.maximumf %scan3A_219, %get3A_272 : vector<16xf32>
          %add3A_274 = arith.addf %scan3A_220, %get3A_272 : vector<16xf32>
          %mul3A_275 = arith.mulf %get3A_272, %get3A_272 : vector<16xf32>
          %add3A_276 = arith.addf %scan3A_221, %mul3A_275 : vector<16xf32>
          %get3A_277 = arith.index_cast %add3A_230 : i32 to index
          %get3A_278 = arith.constant 96 : index
          %get3A_279 = tpu.vector_load %arg8[%get3A_277, %get3A_278] {strides = array<i32>} : memref<128x128xf32, #tpu.memory_space<vmem>>, vector<1x16xf32>,
          %get3A_280 = vector.shape_cast %get3A_279 : vector<1x16xf32> to vector<16xf32>
          %max3A_281 = arith.maximumf %scan3A_222, %get3A_280 : vector<16xf32>
          %add3A_282 = arith.addf %scan3A_223, %get3A_280 : vector<16xf32>
          %mul3A_283 = arith.mulf %get3A_280, %get3A_280 : vector<16xf32>
          %add3A_284 = arith.addf %scan3A_224, %mul3A_283 : vector<16xf32>
          %get3A_285 = arith.index_cast %add3A_230 : i32 to index
          %get3A_286 = arith.constant 112 : index
          %get3A_287 = tpu.vector_load %arg8[%get3A_285, %get3A_286] {strides = array<i32>} : memref<128x128xf32, #tpu.memory_space<vmem>>, vector<1x16xf32>,
          %get3A_288 = vector.shape_cast %get3A_287 : vector<1x16xf32> to vector<16xf32>
          %max3A_289 = arith.maximumf %scan3A_225, %get3A_288 : vector<16xf32>
          %add3A_290 = arith.addf %scan3A_226, %get3A_288 : vector<16xf32>
          %mul3A_291 = arith.mulf %get3A_288, %get3A_288 : vector<16xf32>
          %add3A_292 = arith.addf %scan3A_227, %mul3A_291 : vector<16xf32>
          scf.yield %max3A, %add3A_234, %add3A_236, %max3A_241, %add3A_242, %add3A_244, %max3A_249, %add3A_250, %add3A_252, %max3A_257, %add3A_258, %add3A_260, %max3A_265, %add3A_266, %add3A_268, %max3A_273, %add3A_274, %add3A_276, %max3A_281, %add3A_282, %add3A_284, %max3A_289, %add3A_290, %add3A_292 : vector<16xf32>, vector<16xf32>, vector<16xf32>, vector<16xf32>, vector<16xf32>, vector<16xf32>, vector<16xf32>, vector<16xf32>, vector<16xf32>, vector<16xf32>, vector<16xf32>, vector<16xf32>, vector<16xf32>, vector<16xf32>, vector<16xf32>, vector<16xf32>, vector<16xf32>, vector<16xf32>, vector<16xf32>, vector<16xf32>, vector<16xf32>, vector<16xf32>, vector<16xf32>, vector<16xf32>
        }
        %scan3A_82 = arith.constant 64 : i32
        %swap3A = arith.index_cast %scan3A_28 : i32 to index
        %swap3A_83 = arith.constant 0 : index
        %swap3A_84 = tpu.vector_load %arg9[%swap3A, %swap3A_83] {strides = array<i32>} : memref<2x128xf32, #tpu.memory_space<vmem>>, vector<1x16xf32>,
        %swap3A_85 = vector.shape_cast %swap3A_84 : vector<1x16xf32> to vector<16xf32>
        %swap3A_86 = vector.shape_cast %scan3A_81#0 : vector<16xf32> to vector<1x16xf32>
        tpu.vector_store %arg9[%swap3A, %swap3A_83], %swap3A_86 {strides = array<i32>} : memref<2x128xf32, #tpu.memory_space<vmem>>, vector<1x16xf32>,
        %swap3A_87 = arith.index_cast %scan3A_28 : i32 to index
        %swap3A_88 = arith.constant 0 : index
        %swap3A_89 = tpu.vector_load %arg10[%swap3A_87, %swap3A_88] {strides = array<i32>} : memref<2x128xf32, #tpu.memory_space<vmem>>, vector<1x16xf32>,
        %swap3A_90 = vector.shape_cast %swap3A_89 : vector<1x16xf32> to vector<16xf32>
        %swap3A_91 = vector.shape_cast %scan3A_81#1 : vector<16xf32> to vector<1x16xf32>
        tpu.vector_store %arg10[%swap3A_87, %swap3A_88], %swap3A_91 {strides = array<i32>} : memref<2x128xf32, #tpu.memory_space<vmem>>, vector<1x16xf32>,
        %swap3A_92 = arith.index_cast %scan3A_28 : i32 to index
        %swap3A_93 = arith.constant 0 : index
        %swap3A_94 = tpu.vector_load %arg11[%swap3A_92, %swap3A_93] {strides = array<i32>} : memref<2x128xf32, #tpu.memory_space<vmem>>, vector<1x16xf32>,
        %swap3A_95 = vector.shape_cast %swap3A_94 : vector<1x16xf32> to vector<16xf32>
        %swap3A_96 = vector.shape_cast %scan3A_81#2 : vector<16xf32> to vector<1x16xf32>
        tpu.vector_store %arg11[%swap3A_92, %swap3A_93], %swap3A_96 {strides = array<i32>} : memref<2x128xf32, #tpu.memory_space<vmem>>, vector<1x16xf32>,
        %swap3A_97 = arith.index_cast %scan3A_28 : i32 to index
        %swap3A_98 = arith.constant 16 : index
        %swap3A_99 = tpu.vector_load %arg9[%swap3A_97, %swap3A_98] {strides = array<i32>} : memref<2x128xf32, #tpu.memory_space<vmem>>, vector<1x16xf32>,
        %swap3A_100 = vector.shape_cast %swap3A_99 : vector<1x16xf32> to vector<16xf32>
        %swap3A_101 = vector.shape_cast %scan3A_81#3 : vector<16xf32> to vector<1x16xf32>
        tpu.vector_store %arg9[%swap3A_97, %swap3A_98], %swap3A_101 {strides = array<i32>} : memref<2x128xf32, #tpu.memory_space<vmem>>, vector<1x16xf32>,
        %swap3A_102 = arith.index_cast %scan3A_28 : i32 to index
        %swap3A_103 = arith.constant 16 : index
        %swap3A_104 = tpu.vector_load %arg10[%swap3A_102, %swap3A_103] {strides = array<i32>} : memref<2x128xf32, #tpu.memory_space<vmem>>, vector<1x16xf32>,
        %swap3A_105 = vector.shape_cast %swap3A_104 : vector<1x16xf32> to vector<16xf32>
        %swap3A_106 = vector.shape_cast %scan3A_81#4 : vector<16xf32> to vector<1x16xf32>
        tpu.vector_store %arg10[%swap3A_102, %swap3A_103], %swap3A_106 {strides = array<i32>} : memref<2x128xf32, #tpu.memory_space<vmem>>, vector<1x16xf32>,
        %swap3A_107 = arith.index_cast %scan3A_28 : i32 to index
        %swap3A_108 = arith.constant 16 : index
        %swap3A_109 = tpu.vector_load %arg11[%swap3A_107, %swap3A_108] {strides = array<i32>} : memref<2x128xf32, #tpu.memory_space<vmem>>, vector<1x16xf32>,
        %swap3A_110 = vector.shape_cast %swap3A_109 : vector<1x16xf32> to vector<16xf32>
        %swap3A_111 = vector.shape_cast %scan3A_81#5 : vector<16xf32> to vector<1x16xf32>
        tpu.vector_store %arg11[%swap3A_107, %swap3A_108], %swap3A_111 {strides = array<i32>} : memref<2x128xf32, #tpu.memory_space<vmem>>, vector<1x16xf32>,
        %swap3A_112 = arith.index_cast %scan3A_28 : i32 to index
        %swap3A_113 = arith.constant 32 : index
        %swap3A_114 = tpu.vector_load %arg9[%swap3A_112, %swap3A_113] {strides = array<i32>} : memref<2x128xf32, #tpu.memory_space<vmem>>, vector<1x16xf32>,
        %swap3A_115 = vector.shape_cast %swap3A_114 : vector<1x16xf32> to vector<16xf32>
        %swap3A_116 = vector.shape_cast %scan3A_81#6 : vector<16xf32> to vector<1x16xf32>
        tpu.vector_store %arg9[%swap3A_112, %swap3A_113], %swap3A_116 {strides = array<i32>} : memref<2x128xf32, #tpu.memory_space<vmem>>, vector<1x16xf32>,
        %swap3A_117 = arith.index_cast %scan3A_28 : i32 to index
        %swap3A_118 = arith.constant 32 : index
        %swap3A_119 = tpu.vector_load %arg10[%swap3A_117, %swap3A_118] {strides = array<i32>} : memref<2x128xf32, #tpu.memory_space<vmem>>, vector<1x16xf32>,
        %swap3A_120 = vector.shape_cast %swap3A_119 : vector<1x16xf32> to vector<16xf32>
        %swap3A_121 = vector.shape_cast %scan3A_81#7 : vector<16xf32> to vector<1x16xf32>
        tpu.vector_store %arg10[%swap3A_117, %swap3A_118], %swap3A_121 {strides = array<i32>} : memref<2x128xf32, #tpu.memory_space<vmem>>, vector<1x16xf32>,
        %swap3A_122 = arith.index_cast %scan3A_28 : i32 to index
        %swap3A_123 = arith.constant 32 : index
        %swap3A_124 = tpu.vector_load %arg11[%swap3A_122, %swap3A_123] {strides = array<i32>} : memref<2x128xf32, #tpu.memory_space<vmem>>, vector<1x16xf32>,
        %swap3A_125 = vector.shape_cast %swap3A_124 : vector<1x16xf32> to vector<16xf32>
        %swap3A_126 = vector.shape_cast %scan3A_81#8 : vector<16xf32> to vector<1x16xf32>
        tpu.vector_store %arg11[%swap3A_122, %swap3A_123], %swap3A_126 {strides = array<i32>} : memref<2x128xf32, #tpu.memory_space<vmem>>, vector<1x16xf32>,
        %swap3A_127 = arith.index_cast %scan3A_28 : i32 to index
        %swap3A_128 = arith.constant 48 : index
        %swap3A_129 = tpu.vector_load %arg9[%swap3A_127, %swap3A_128] {strides = array<i32>} : memref<2x128xf32, #tpu.memory_space<vmem>>, vector<1x16xf32>,
        %swap3A_130 = vector.shape_cast %swap3A_129 : vector<1x16xf32> to vector<16xf32>
        %swap3A_131 = vector.shape_cast %scan3A_81#9 : vector<16xf32> to vector<1x16xf32>
        tpu.vector_store %arg9[%swap3A_127, %swap3A_128], %swap3A_131 {strides = array<i32>} : memref<2x128xf32, #tpu.memory_space<vmem>>, vector<1x16xf32>,
        %swap3A_132 = arith.index_cast %scan3A_28 : i32 to index
        %swap3A_133 = arith.constant 48 : index
        %swap3A_134 = tpu.vector_load %arg10[%swap3A_132, %swap3A_133] {strides = array<i32>} : memref<2x128xf32, #tpu.memory_space<vmem>>, vector<1x16xf32>,
        %swap3A_135 = vector.shape_cast %swap3A_134 : vector<1x16xf32> to vector<16xf32>
        %swap3A_136 = vector.shape_cast %scan3A_81#10 : vector<16xf32> to vector<1x16xf32>
        tpu.vector_store %arg10[%swap3A_132, %swap3A_133], %swap3A_136 {strides = array<i32>} : memref<2x128xf32, #tpu.memory_space<vmem>>, vector<1x16xf32>,
        %swap3A_137 = arith.index_cast %scan3A_28 : i32 to index
        %swap3A_138 = arith.constant 48 : index
        %swap3A_139 = tpu.vector_load %arg11[%swap3A_137, %swap3A_138] {strides = array<i32>} : memref<2x128xf32, #tpu.memory_space<vmem>>, vector<1x16xf32>,
        %swap3A_140 = vector.shape_cast %swap3A_139 : vector<1x16xf32> to vector<16xf32>
        %swap3A_141 = vector.shape_cast %scan3A_81#11 : vector<16xf32> to vector<1x16xf32>
        tpu.vector_store %arg11[%swap3A_137, %swap3A_138], %swap3A_141 {strides = array<i32>} : memref<2x128xf32, #tpu.memory_space<vmem>>, vector<1x16xf32>,
        %swap3A_142 = arith.index_cast %scan3A_28 : i32 to index
        %swap3A_143 = arith.constant 64 : index
        %swap3A_144 = tpu.vector_load %arg9[%swap3A_142, %swap3A_143] {strides = array<i32>} : memref<2x128xf32, #tpu.memory_space<vmem>>, vector<1x16xf32>,
        %swap3A_145 = vector.shape_cast %swap3A_144 : vector<1x16xf32> to vector<16xf32>
        %swap3A_146 = vector.shape_cast %scan3A_81#12 : vector<16xf32> to vector<1x16xf32>
        tpu.vector_store %arg9[%swap3A_142, %swap3A_143], %swap3A_146 {strides = array<i32>} : memref<2x128xf32, #tpu.memory_space<vmem>>, vector<1x16xf32>,
        %swap3A_147 = arith.index_cast %scan3A_28 : i32 to index
        %swap3A_148 = arith.constant 64 : index
        %swap3A_149 = tpu.vector_load %arg10[%swap3A_147, %swap3A_148] {strides = array<i32>} : memref<2x128xf32, #tpu.memory_space<vmem>>, vector<1x16xf32>,
        %swap3A_150 = vector.shape_cast %swap3A_149 : vector<1x16xf32> to vector<16xf32>
        %swap3A_151 = vector.shape_cast %scan3A_81#13 : vector<16xf32> to vector<1x16xf32>
        tpu.vector_store %arg10[%swap3A_147, %swap3A_148], %swap3A_151 {strides = array<i32>} : memref<2x128xf32, #tpu.memory_space<vmem>>, vector<1x16xf32>,
        %swap3A_152 = arith.index_cast %scan3A_28 : i32 to index
        %swap3A_153 = arith.constant 64 : index
        %swap3A_154 = tpu.vector_load %arg11[%swap3A_152, %swap3A_153] {strides = array<i32>} : memref<2x128xf32, #tpu.memory_space<vmem>>, vector<1x16xf32>,
        %swap3A_155 = vector.shape_cast %swap3A_154 : vector<1x16xf32> to vector<16xf32>
        %swap3A_156 = vector.shape_cast %scan3A_81#14 : vector<16xf32> to vector<1x16xf32>
        tpu.vector_store %arg11[%swap3A_152, %swap3A_153], %swap3A_156 {strides = array<i32>} : memref<2x128xf32, #tpu.memory_space<vmem>>, vector<1x16xf32>,
        %swap3A_157 = arith.index_cast %scan3A_28 : i32 to index
        %swap3A_158 = arith.constant 80 : index
        %swap3A_159 = tpu.vector_load %arg9[%swap3A_157, %swap3A_158] {strides = array<i32>} : memref<2x128xf32, #tpu.memory_space<vmem>>, vector<1x16xf32>,
        %swap3A_160 = vector.shape_cast %swap3A_159 : vector<1x16xf32> to vector<16xf32>
        %swap3A_161 = vector.shape_cast %scan3A_81#15 : vector<16xf32> to vector<1x16xf32>
        tpu.vector_store %arg9[%swap3A_157, %swap3A_158], %swap3A_161 {strides = array<i32>} : memref<2x128xf32, #tpu.memory_space<vmem>>, vector<1x16xf32>,
        %swap3A_162 = arith.index_cast %scan3A_28 : i32 to index
        %swap3A_163 = arith.constant 80 : index
        %swap3A_164 = tpu.vector_load %arg10[%swap3A_162, %swap3A_163] {strides = array<i32>} : memref<2x128xf32, #tpu.memory_space<vmem>>, vector<1x16xf32>,
        %swap3A_165 = vector.shape_cast %swap3A_164 : vector<1x16xf32> to vector<16xf32>
        %swap3A_166 = vector.shape_cast %scan3A_81#16 : vector<16xf32> to vector<1x16xf32>
        tpu.vector_store %arg10[%swap3A_162, %swap3A_163], %swap3A_166 {strides = array<i32>} : memref<2x128xf32, #tpu.memory_space<vmem>>, vector<1x16xf32>,
        %swap3A_167 = arith.index_cast %scan3A_28 : i32 to index
        %swap3A_168 = arith.constant 80 : index
        %swap3A_169 = tpu.vector_load %arg11[%swap3A_167, %swap3A_168] {strides = array<i32>} : memref<2x128xf32, #tpu.memory_space<vmem>>, vector<1x16xf32>,
        %swap3A_170 = vector.shape_cast %swap3A_169 : vector<1x16xf32> to vector<16xf32>
        %swap3A_171 = vector.shape_cast %scan3A_81#17 : vector<16xf32> to vector<1x16xf32>
        tpu.vector_store %arg11[%swap3A_167, %swap3A_168], %swap3A_171 {strides = array<i32>} : memref<2x128xf32, #tpu.memory_space<vmem>>, vector<1x16xf32>,
        %swap3A_172 = arith.index_cast %scan3A_28 : i32 to index
        %swap3A_173 = arith.constant 96 : index
        %swap3A_174 = tpu.vector_load %arg9[%swap3A_172, %swap3A_173] {strides = array<i32>} : memref<2x128xf32, #tpu.memory_space<vmem>>, vector<1x16xf32>,
        %swap3A_175 = vector.shape_cast %swap3A_174 : vector<1x16xf32> to vector<16xf32>
        %swap3A_176 = vector.shape_cast %scan3A_81#18 : vector<16xf32> to vector<1x16xf32>
        tpu.vector_store %arg9[%swap3A_172, %swap3A_173], %swap3A_176 {strides = array<i32>} : memref<2x128xf32, #tpu.memory_space<vmem>>, vector<1x16xf32>,
        %swap3A_177 = arith.index_cast %scan3A_28 : i32 to index
        %swap3A_178 = arith.constant 96 : index
        %swap3A_179 = tpu.vector_load %arg10[%swap3A_177, %swap3A_178] {strides = array<i32>} : memref<2x128xf32, #tpu.memory_space<vmem>>, vector<1x16xf32>,
        %swap3A_180 = vector.shape_cast %swap3A_179 : vector<1x16xf32> to vector<16xf32>
        %swap3A_181 = vector.shape_cast %scan3A_81#19 : vector<16xf32> to vector<1x16xf32>
        tpu.vector_store %arg10[%swap3A_177, %swap3A_178], %swap3A_181 {strides = array<i32>} : memref<2x128xf32, #tpu.memory_space<vmem>>, vector<1x16xf32>,
        %swap3A_182 = arith.index_cast %scan3A_28 : i32 to index
        %swap3A_183 = arith.constant 96 : index
        %swap3A_184 = tpu.vector_load %arg11[%swap3A_182, %swap3A_183] {strides = array<i32>} : memref<2x128xf32, #tpu.memory_space<vmem>>, vector<1x16xf32>,
        %swap3A_185 = vector.shape_cast %swap3A_184 : vector<1x16xf32> to vector<16xf32>
        %swap3A_186 = vector.shape_cast %scan3A_81#20 : vector<16xf32> to vector<1x16xf32>
        tpu.vector_store %arg11[%swap3A_182, %swap3A_183], %swap3A_186 {strides = array<i32>} : memref<2x128xf32, #tpu.memory_space<vmem>>, vector<1x16xf32>,
        %swap3A_187 = arith.index_cast %scan3A_28 : i32 to index
        %swap3A_188 = arith.constant 112 : index
        %swap3A_189 = tpu.vector_load %arg9[%swap3A_187, %swap3A_188] {strides = array<i32>} : memref<2x128xf32, #tpu.memory_space<vmem>>, vector<1x16xf32>,
        %swap3A_190 = vector.shape_cast %swap3A_189 : vector<1x16xf32> to vector<16xf32>
        %swap3A_191 = vector.shape_cast %scan3A_81#21 : vector<16xf32> to vector<1x16xf32>
        tpu.vector_store %arg9[%swap3A_187, %swap3A_188], %swap3A_191 {strides = array<i32>} : memref<2x128xf32, #tpu.memory_space<vmem>>, vector<1x16xf32>,
        %swap3A_192 = arith.index_cast %scan3A_28 : i32 to index
        %swap3A_193 = arith.constant 112 : index
        %swap3A_194 = tpu.vector_load %arg10[%swap3A_192, %swap3A_193] {strides = array<i32>} : memref<2x128xf32, #tpu.memory_space<vmem>>, vector<1x16xf32>,
        %swap3A_195 = vector.shape_cast %swap3A_194 : vector<1x16xf32> to vector<16xf32>
        %swap3A_196 = vector.shape_cast %scan3A_81#22 : vector<16xf32> to vector<1x16xf32>
        tpu.vector_store %arg10[%swap3A_192, %swap3A_193], %swap3A_196 {strides = array<i32>} : memref<2x128xf32, #tpu.memory_space<vmem>>, vector<1x16xf32>,
        %swap3A_197 = arith.index_cast %scan3A_28 : i32 to index
        %swap3A_198 = arith.constant 112 : index
        %swap3A_199 = tpu.vector_load %arg11[%swap3A_197, %swap3A_198] {strides = array<i32>} : memref<2x128xf32, #tpu.memory_space<vmem>>, vector<1x16xf32>,
        %swap3A_200 = vector.shape_cast %swap3A_199 : vector<1x16xf32> to vector<16xf32>
        %swap3A_201 = vector.shape_cast %scan3A_81#23 : vector<16xf32> to vector<1x16xf32>
        tpu.vector_store %arg11[%swap3A_197, %swap3A_198], %swap3A_201 {strides = array<i32>} : memref<2x128xf32, #tpu.memory_space<vmem>>, vector<1x16xf32>,
        %scan3A_202 = arith.constant 0 : i32
        scf.yield %scan3A_202 : i32
      }
      %scan3A_26 = arith.constant 2 : i32
      "tpu.region"() ({
        %run_scoped3A = tpu.sem_alloc : memref<!tpu.dma_semaphore, #tpu.memory_space<semaphore_mem>>
        %dma_start3A_28 = arith.constant 0 : i32
        %dma_start3A_29 = tpu.memref_slice %arg4[%add3A_13, %dma_start3A_28] : memref<4096x128xf32, #tpu.memory_space<hbm>> -> memref<2x128xf32, #tpu.memory_space<hbm>>
        %dma_start3A_30 = arith.constant 0 : i32
        %dma_start3A_31 = tpu.memref_slice %arg4[%add3A_13, %dma_start3A_30] : memref<4096x128xf32, #tpu.memory_space<hbm>> -> memref<2x128xf32, #tpu.memory_space<hbm>>
        tpu.enqueue_dma source(%arg9 : memref<2x128xf32, #tpu.memory_space<vmem>>) target(%dma_start3A_31 : memref<2x128xf32, #tpu.memory_space<hbm>>) target_semaphore(%run_scoped3A : memref<!tpu.dma_semaphore, #tpu.memory_space<semaphore_mem>>)
        %dma_wait3A_32 = arith.constant 0 : i32
        %dma_wait3A_33 = tpu.memref_slice %arg4[%add3A_13, %dma_wait3A_32] : memref<4096x128xf32, #tpu.memory_space<hbm>> -> memref<2x128xf32, #tpu.memory_space<hbm>>
        %dma_wait3A_34 = arith.constant 0 : i32
        %dma_wait3A_35 = tpu.memref_slice %arg4[%add3A_13, %dma_wait3A_34] : memref<4096x128xf32, #tpu.memory_space<hbm>> -> memref<2x128xf32, #tpu.memory_space<hbm>>
        tpu.wait_dma2 semaphore(%run_scoped3A : memref<!tpu.dma_semaphore, #tpu.memory_space<semaphore_mem>>) src(%arg9 : memref<2x128xf32, #tpu.memory_space<vmem>>) dst(%dma_wait3A_35 : memref<2x128xf32, #tpu.memory_space<hbm>>)
        tpu.yield
      }) : () -> ()
      "tpu.region"() ({
        %run_scoped3A = tpu.sem_alloc : memref<!tpu.dma_semaphore, #tpu.memory_space<semaphore_mem>>
        %dma_start3A_28 = arith.constant 0 : i32
        %dma_start3A_29 = tpu.memref_slice %arg5[%add3A_13, %dma_start3A_28] : memref<4096x128xf32, #tpu.memory_space<hbm>> -> memref<2x128xf32, #tpu.memory_space<hbm>>
        %dma_start3A_30 = arith.constant 0 : i32
        %dma_start3A_31 = tpu.memref_slice %arg5[%add3A_13, %dma_start3A_30] : memref<4096x128xf32, #tpu.memory_space<hbm>> -> memref<2x128xf32, #tpu.memory_space<hbm>>
        tpu.enqueue_dma source(%arg10 : memref<2x128xf32, #tpu.memory_space<vmem>>) target(%dma_start3A_31 : memref<2x128xf32, #tpu.memory_space<hbm>>) target_semaphore(%run_scoped3A : memref<!tpu.dma_semaphore, #tpu.memory_space<semaphore_mem>>)
        %dma_wait3A_32 = arith.constant 0 : i32
        %dma_wait3A_33 = tpu.memref_slice %arg5[%add3A_13, %dma_wait3A_32] : memref<4096x128xf32, #tpu.memory_space<hbm>> -> memref<2x128xf32, #tpu.memory_space<hbm>>
        %dma_wait3A_34 = arith.constant 0 : i32
        %dma_wait3A_35 = tpu.memref_slice %arg5[%add3A_13, %dma_wait3A_34] : memref<4096x128xf32, #tpu.memory_space<hbm>> -> memref<2x128xf32, #tpu.memory_space<hbm>>
        tpu.wait_dma2 semaphore(%run_scoped3A : memref<!tpu.dma_semaphore, #tpu.memory_space<semaphore_mem>>) src(%arg10 : memref<2x128xf32, #tpu.memory_space<vmem>>) dst(%dma_wait3A_35 : memref<2x128xf32, #tpu.memory_space<hbm>>)
        tpu.yield
      }) : () -> ()
      "tpu.region"() ({
        %run_scoped3A = tpu.sem_alloc : memref<!tpu.dma_semaphore, #tpu.memory_space<semaphore_mem>>
        %dma_start3A_28 = arith.constant 0 : i32
        %dma_start3A_29 = tpu.memref_slice %arg6[%add3A_13, %dma_start3A_28] : memref<4096x128xf32, #tpu.memory_space<hbm>> -> memref<2x128xf32, #tpu.memory_space<hbm>>
        %dma_start3A_30 = arith.constant 0 : i32
        %dma_start3A_31 = tpu.memref_slice %arg6[%add3A_13, %dma_start3A_30] : memref<4096x128xf32, #tpu.memory_space<hbm>> -> memref<2x128xf32, #tpu.memory_space<hbm>>
        tpu.enqueue_dma source(%arg11 : memref<2x128xf32, #tpu.memory_space<vmem>>) target(%dma_start3A_31 : memref<2x128xf32, #tpu.memory_space<hbm>>) target_semaphore(%run_scoped3A : memref<!tpu.dma_semaphore, #tpu.memory_space<semaphore_mem>>)
        %dma_wait3A_32 = arith.constant 0 : i32
        %dma_wait3A_33 = tpu.memref_slice %arg6[%add3A_13, %dma_wait3A_32] : memref<4096x128xf32, #tpu.memory_space<hbm>> -> memref<2x128xf32, #tpu.memory_space<hbm>>
        %dma_wait3A_34 = arith.constant 0 : i32
        %dma_wait3A_35 = tpu.memref_slice %arg6[%add3A_13, %dma_wait3A_34] : memref<4096x128xf32, #tpu.memory_space<hbm>> -> memref<2x128xf32, #tpu.memory_space<hbm>>
        tpu.wait_dma2 semaphore(%run_scoped3A : memref<!tpu.dma_semaphore, #tpu.memory_space<semaphore_mem>>) src(%arg11 : memref<2x128xf32, #tpu.memory_space<vmem>>) dst(%dma_wait3A_35 : memref<2x128xf32, #tpu.memory_space<hbm>>)
        tpu.yield
      }) : () -> ()
      %scan3A_27 = arith.constant 0 : i32
      scf.yield %scan3A_27 : i32
    }
    %scan3A_8 = arith.constant 64 : i32
    return
  }
}

#map = affine_map<(d0, d1) -> (0, 0)>
#map1 = affine_map<(d0, d1) -> (0)>
module attributes {stable_mosaic.version = 14 : i64} {
  func.func @kern(%arg0: i32, %arg1: i32, %arg2: memref<4096x128xf32, #tpu.memory_space<hbm>>, %arg3: memref<524288xi32, #tpu.memory_space<hbm>>, %arg4: memref<4096x128xf32, #tpu.memory_space<hbm>>, %arg5: memref<4096x128xf32, #tpu.memory_space<hbm>>, %arg6: memref<4096x128xf32, #tpu.memory_space<hbm>>, %arg7: memref<128xi32, #tpu.memory_space<vmem>>, %arg8: memref<128x128xf32, #tpu.memory_space<vmem>>, %arg9: memref<1x128xf32, #tpu.memory_space<vmem>>, %arg10: memref<1x128xf32, #tpu.memory_space<vmem>>, %arg11: memref<1x128xf32, #tpu.memory_space<vmem>>, %arg12: memref<!tpu.dma_semaphore, #tpu.memory_space<semaphore_mem>>) attributes {dimension_semantics = [#tpu.dimension_semantics<core_parallel>, #tpu.dimension_semantics<subcore_parallel>], iteration_bounds = array<i64: 2, 16>, scalar_prefetch = 0 : i64, scratch_operands = 6 : i64, tpu.core_type = #tpu.core_type<sc_vector_subcore>, window_params = [{transform_indices = #map}, {transform_indices = #map1}, {transform_indices = #map}, {transform_indices = #map}, {transform_indices = #map}]} {
    %mul3A = arith.constant 2 : i32
    %mul3A_0 = arith.muli %arg1, %mul3A : i32
    %add3A = arith.addi %mul3A_0, %arg0 : i32
    %mul3A_1 = arith.constant 128 : i32
    %mul3A_2 = arith.muli %add3A, %mul3A_1 : i32
    %scan3A = arith.constant 0 : i32
    %scan3A_3 = arith.constant 0 : i32
    %scan3A_4 = arith.constant 128 : i32
    %scan3A_5 = arith.addi %scan3A_3, %scan3A_4 : i32
    %scan3A_6 = arith.constant 1 : i32
    %scan3A_7 = scf.for %scan3A_9 = %scan3A_3 to %scan3A_5 step %scan3A_6 iter_args(%scan3A_10 = %scan3A) -> (i32)  : i32 {
      %mul3A_11 = arith.constant 1 : i32
      %mul3A_12 = arith.muli %scan3A_9, %mul3A_11 : i32
      %add3A_13 = arith.addi %mul3A_2, %mul3A_12 : i32
      %mul3A_14 = arith.constant 128 : i32
      %mul3A_15 = arith.muli %add3A_13, %mul3A_14 : i32
      "tpu.region"() ({
        %run_scoped3A = tpu.sem_alloc : memref<!tpu.dma_semaphore, #tpu.memory_space<semaphore_mem>>
        %dma_start3A_197 = tpu.memref_slice %arg3[%mul3A_15] : memref<524288xi32, #tpu.memory_space<hbm>> -> memref<128xi32, #tpu.memory_space<hbm>>
        %dma_start3A_198 = tpu.memref_slice %arg3[%mul3A_15] : memref<524288xi32, #tpu.memory_space<hbm>> -> memref<128xi32, #tpu.memory_space<hbm>>
        tpu.enqueue_dma source(%dma_start3A_198 : memref<128xi32, #tpu.memory_space<hbm>>) target(%arg7 : memref<128xi32, #tpu.memory_space<vmem>>) target_semaphore(%run_scoped3A : memref<!tpu.dma_semaphore, #tpu.memory_space<semaphore_mem>>)
        %dma_wait3A_199 = tpu.memref_slice %arg3[%mul3A_15] : memref<524288xi32, #tpu.memory_space<hbm>> -> memref<128xi32, #tpu.memory_space<hbm>>
        %dma_wait3A_200 = tpu.memref_slice %arg3[%mul3A_15] : memref<524288xi32, #tpu.memory_space<hbm>> -> memref<128xi32, #tpu.memory_space<hbm>>
        tpu.wait_dma2 semaphore(%run_scoped3A : memref<!tpu.dma_semaphore, #tpu.memory_space<semaphore_mem>>) src(%dma_wait3A_200 : memref<128xi32, #tpu.memory_space<hbm>>) dst(%arg7 : memref<128xi32, #tpu.memory_space<vmem>>)
        tpu.yield
      }) : () -> ()
      %dma_start3A = arith.constant 0 : i32
      %dma_start3A_16 = arith.constant 0 : i32
      %dma_start3A_17 = tpu.memref_slice %arg2[%dma_start3A, %dma_start3A_16] : memref<4096x128xf32, #tpu.memory_space<hbm>> -> memref<4096x128xf32, #tpu.memory_space<hbm>>
      tpu.enqueue_indirect_dma source(%dma_start3A_17 : memref<4096x128xf32, #tpu.memory_space<hbm>>) target(%arg8 : memref<128x128xf32, #tpu.memory_space<vmem>>) offsets(%arg7 : memref<128xi32, #tpu.memory_space<vmem>>) semaphore(%arg12 : memref<!tpu.dma_semaphore, #tpu.memory_space<semaphore_mem>>)
      %dma_wait3A = arith.constant 0 : i32
      %dma_wait3A_18 = arith.constant 0 : i32
      %dma_wait3A_19 = tpu.memref_slice %arg2[%dma_wait3A, %dma_wait3A_18] : memref<4096x128xf32, #tpu.memory_space<hbm>> -> memref<4096x128xf32, #tpu.memory_space<hbm>>
      tpu.wait_indirect_dma semaphore(%arg12 : memref<!tpu.dma_semaphore, #tpu.memory_space<semaphore_mem>>) src(%dma_wait3A_19 : memref<4096x128xf32, #tpu.memory_space<hbm>>) dst(%arg8 : memref<128x128xf32, #tpu.memory_space<vmem>>)
      %scan3A_20 = arith.constant 0 : i32
      %scan3A_21 = arith.constant 0 : i32
      %broadcast_in_dim3A = arith.constant -1.000000e+30 : f32
      %broadcast_in_dim3A_22 = vector.broadcast %broadcast_in_dim3A : f32 to vector<16xf32>
      %broadcast_in_dim3A_23 = arith.constant 0.000000e+00 : f32
      %broadcast_in_dim3A_24 = vector.broadcast %broadcast_in_dim3A_23 : f32 to vector<16xf32>
      %broadcast_in_dim3A_25 = arith.constant 0.000000e+00 : f32
      %broadcast_in_dim3A_26 = vector.broadcast %broadcast_in_dim3A_25 : f32 to vector<16xf32>
      %broadcast_in_dim3A_27 = arith.constant -1.000000e+30 : f32
      %broadcast_in_dim3A_28 = vector.broadcast %broadcast_in_dim3A_27 : f32 to vector<16xf32>
      %broadcast_in_dim3A_29 = arith.constant 0.000000e+00 : f32
      %broadcast_in_dim3A_30 = vector.broadcast %broadcast_in_dim3A_29 : f32 to vector<16xf32>
      %broadcast_in_dim3A_31 = arith.constant 0.000000e+00 : f32
      %broadcast_in_dim3A_32 = vector.broadcast %broadcast_in_dim3A_31 : f32 to vector<16xf32>
      %broadcast_in_dim3A_33 = arith.constant -1.000000e+30 : f32
      %broadcast_in_dim3A_34 = vector.broadcast %broadcast_in_dim3A_33 : f32 to vector<16xf32>
      %broadcast_in_dim3A_35 = arith.constant 0.000000e+00 : f32
      %broadcast_in_dim3A_36 = vector.broadcast %broadcast_in_dim3A_35 : f32 to vector<16xf32>
      %broadcast_in_dim3A_37 = arith.constant 0.000000e+00 : f32
      %broadcast_in_dim3A_38 = vector.broadcast %broadcast_in_dim3A_37 : f32 to vector<16xf32>
      %broadcast_in_dim3A_39 = arith.constant -1.000000e+30 : f32
      %broadcast_in_dim3A_40 = vector.broadcast %broadcast_in_dim3A_39 : f32 to vector<16xf32>
      %broadcast_in_dim3A_41 = arith.constant 0.000000e+00 : f32
      %broadcast_in_dim3A_42 = vector.broadcast %broadcast_in_dim3A_41 : f32 to vector<16xf32>
      %broadcast_in_dim3A_43 = arith.constant 0.000000e+00 : f32
      %broadcast_in_dim3A_44 = vector.broadcast %broadcast_in_dim3A_43 : f32 to vector<16xf32>
      %broadcast_in_dim3A_45 = arith.constant -1.000000e+30 : f32
      %broadcast_in_dim3A_46 = vector.broadcast %broadcast_in_dim3A_45 : f32 to vector<16xf32>
      %broadcast_in_dim3A_47 = arith.constant 0.000000e+00 : f32
      %broadcast_in_dim3A_48 = vector.broadcast %broadcast_in_dim3A_47 : f32 to vector<16xf32>
      %broadcast_in_dim3A_49 = arith.constant 0.000000e+00 : f32
      %broadcast_in_dim3A_50 = vector.broadcast %broadcast_in_dim3A_49 : f32 to vector<16xf32>
      %broadcast_in_dim3A_51 = arith.constant -1.000000e+30 : f32
      %broadcast_in_dim3A_52 = vector.broadcast %broadcast_in_dim3A_51 : f32 to vector<16xf32>
      %broadcast_in_dim3A_53 = arith.constant 0.000000e+00 : f32
      %broadcast_in_dim3A_54 = vector.broadcast %broadcast_in_dim3A_53 : f32 to vector<16xf32>
      %broadcast_in_dim3A_55 = arith.constant 0.000000e+00 : f32
      %broadcast_in_dim3A_56 = vector.broadcast %broadcast_in_dim3A_55 : f32 to vector<16xf32>
      %broadcast_in_dim3A_57 = arith.constant -1.000000e+30 : f32
      %broadcast_in_dim3A_58 = vector.broadcast %broadcast_in_dim3A_57 : f32 to vector<16xf32>
      %broadcast_in_dim3A_59 = arith.constant 0.000000e+00 : f32
      %broadcast_in_dim3A_60 = vector.broadcast %broadcast_in_dim3A_59 : f32 to vector<16xf32>
      %broadcast_in_dim3A_61 = arith.constant 0.000000e+00 : f32
      %broadcast_in_dim3A_62 = vector.broadcast %broadcast_in_dim3A_61 : f32 to vector<16xf32>
      %broadcast_in_dim3A_63 = arith.constant -1.000000e+30 : f32
      %broadcast_in_dim3A_64 = vector.broadcast %broadcast_in_dim3A_63 : f32 to vector<16xf32>
      %broadcast_in_dim3A_65 = arith.constant 0.000000e+00 : f32
      %broadcast_in_dim3A_66 = vector.broadcast %broadcast_in_dim3A_65 : f32 to vector<16xf32>
      %broadcast_in_dim3A_67 = arith.constant 0.000000e+00 : f32
      %broadcast_in_dim3A_68 = vector.broadcast %broadcast_in_dim3A_67 : f32 to vector<16xf32>
      %scan3A_69 = arith.constant 0 : i32
      %scan3A_70 = arith.constant 128 : i32
      %scan3A_71 = arith.addi %scan3A_69, %scan3A_70 : i32
      %scan3A_72 = arith.constant 1 : i32
      %scan3A_73:24 = scf.for %scan3A_197 = %scan3A_69 to %scan3A_71 step %scan3A_72 iter_args(%scan3A_198 = %broadcast_in_dim3A_22, %scan3A_199 = %broadcast_in_dim3A_24, %scan3A_200 = %broadcast_in_dim3A_26, %scan3A_201 = %broadcast_in_dim3A_28, %scan3A_202 = %broadcast_in_dim3A_30, %scan3A_203 = %broadcast_in_dim3A_32, %scan3A_204 = %broadcast_in_dim3A_34, %scan3A_205 = %broadcast_in_dim3A_36, %scan3A_206 = %broadcast_in_dim3A_38, %scan3A_207 = %broadcast_in_dim3A_40, %scan3A_208 = %broadcast_in_dim3A_42, %scan3A_209 = %broadcast_in_dim3A_44, %scan3A_210 = %broadcast_in_dim3A_46, %scan3A_211 = %broadcast_in_dim3A_48, %scan3A_212 = %broadcast_in_dim3A_50, %scan3A_213 = %broadcast_in_dim3A_52, %scan3A_214 = %broadcast_in_dim3A_54, %scan3A_215 = %broadcast_in_dim3A_56, %scan3A_216 = %broadcast_in_dim3A_58, %scan3A_217 = %broadcast_in_dim3A_60, %scan3A_218 = %broadcast_in_dim3A_62, %scan3A_219 = %broadcast_in_dim3A_64, %scan3A_220 = %broadcast_in_dim3A_66, %scan3A_221 = %broadcast_in_dim3A_68) -> (vector<16xf32>, vector<16xf32>, vector<16xf32>, vector<16xf32>, vector<16xf32>, vector<16xf32>, vector<16xf32>, vector<16xf32>, vector<16xf32>, vector<16xf32>, vector<16xf32>, vector<16xf32>, vector<16xf32>, vector<16xf32>, vector<16xf32>, vector<16xf32>, vector<16xf32>, vector<16xf32>, vector<16xf32>, vector<16xf32>, vector<16xf32>, vector<16xf32>, vector<16xf32>, vector<16xf32>)  : i32 {
        %mul3A_222 = arith.constant 128 : i32
        %mul3A_223 = arith.muli %scan3A_21, %mul3A_222 : i32
        %add3A_224 = arith.addi %mul3A_223, %scan3A_197 : i32
        %get3A = arith.index_cast %add3A_224 : i32 to index
        %get3A_225 = arith.constant 0 : index
        %get3A_226 = tpu.vector_load %arg8[%get3A, %get3A_225] {strides = array<i32>} : memref<128x128xf32, #tpu.memory_space<vmem>>, vector<1x16xf32>,
        %get3A_227 = vector.shape_cast %get3A_226 : vector<1x16xf32> to vector<16xf32>
        %max3A = arith.maximumf %scan3A_198, %get3A_227 : vector<16xf32>
        %add3A_228 = arith.addf %scan3A_199, %get3A_227 : vector<16xf32>
        %mul3A_229 = arith.mulf %get3A_227, %get3A_227 : vector<16xf32>
        %add3A_230 = arith.addf %scan3A_200, %mul3A_229 : vector<16xf32>
        %get3A_231 = arith.index_cast %add3A_224 : i32 to index
        %get3A_232 = arith.constant 16 : index
        %get3A_233 = tpu.vector_load %arg8[%get3A_231, %get3A_232] {strides = array<i32>} : memref<128x128xf32, #tpu.memory_space<vmem>>, vector<1x16xf32>,
        %get3A_234 = vector.shape_cast %get3A_233 : vector<1x16xf32> to vector<16xf32>
        %max3A_235 = arith.maximumf %scan3A_201, %get3A_234 : vector<16xf32>
        %add3A_236 = arith.addf %scan3A_202, %get3A_234 : vector<16xf32>
        %mul3A_237 = arith.mulf %get3A_234, %get3A_234 : vector<16xf32>
        %add3A_238 = arith.addf %scan3A_203, %mul3A_237 : vector<16xf32>
        %get3A_239 = arith.index_cast %add3A_224 : i32 to index
        %get3A_240 = arith.constant 32 : index
        %get3A_241 = tpu.vector_load %arg8[%get3A_239, %get3A_240] {strides = array<i32>} : memref<128x128xf32, #tpu.memory_space<vmem>>, vector<1x16xf32>,
        %get3A_242 = vector.shape_cast %get3A_241 : vector<1x16xf32> to vector<16xf32>
        %max3A_243 = arith.maximumf %scan3A_204, %get3A_242 : vector<16xf32>
        %add3A_244 = arith.addf %scan3A_205, %get3A_242 : vector<16xf32>
        %mul3A_245 = arith.mulf %get3A_242, %get3A_242 : vector<16xf32>
        %add3A_246 = arith.addf %scan3A_206, %mul3A_245 : vector<16xf32>
        %get3A_247 = arith.index_cast %add3A_224 : i32 to index
        %get3A_248 = arith.constant 48 : index
        %get3A_249 = tpu.vector_load %arg8[%get3A_247, %get3A_248] {strides = array<i32>} : memref<128x128xf32, #tpu.memory_space<vmem>>, vector<1x16xf32>,
        %get3A_250 = vector.shape_cast %get3A_249 : vector<1x16xf32> to vector<16xf32>
        %max3A_251 = arith.maximumf %scan3A_207, %get3A_250 : vector<16xf32>
        %add3A_252 = arith.addf %scan3A_208, %get3A_250 : vector<16xf32>
        %mul3A_253 = arith.mulf %get3A_250, %get3A_250 : vector<16xf32>
        %add3A_254 = arith.addf %scan3A_209, %mul3A_253 : vector<16xf32>
        %get3A_255 = arith.index_cast %add3A_224 : i32 to index
        %get3A_256 = arith.constant 64 : index
        %get3A_257 = tpu.vector_load %arg8[%get3A_255, %get3A_256] {strides = array<i32>} : memref<128x128xf32, #tpu.memory_space<vmem>>, vector<1x16xf32>,
        %get3A_258 = vector.shape_cast %get3A_257 : vector<1x16xf32> to vector<16xf32>
        %max3A_259 = arith.maximumf %scan3A_210, %get3A_258 : vector<16xf32>
        %add3A_260 = arith.addf %scan3A_211, %get3A_258 : vector<16xf32>
        %mul3A_261 = arith.mulf %get3A_258, %get3A_258 : vector<16xf32>
        %add3A_262 = arith.addf %scan3A_212, %mul3A_261 : vector<16xf32>
        %get3A_263 = arith.index_cast %add3A_224 : i32 to index
        %get3A_264 = arith.constant 80 : index
        %get3A_265 = tpu.vector_load %arg8[%get3A_263, %get3A_264] {strides = array<i32>} : memref<128x128xf32, #tpu.memory_space<vmem>>, vector<1x16xf32>,
        %get3A_266 = vector.shape_cast %get3A_265 : vector<1x16xf32> to vector<16xf32>
        %max3A_267 = arith.maximumf %scan3A_213, %get3A_266 : vector<16xf32>
        %add3A_268 = arith.addf %scan3A_214, %get3A_266 : vector<16xf32>
        %mul3A_269 = arith.mulf %get3A_266, %get3A_266 : vector<16xf32>
        %add3A_270 = arith.addf %scan3A_215, %mul3A_269 : vector<16xf32>
        %get3A_271 = arith.index_cast %add3A_224 : i32 to index
        %get3A_272 = arith.constant 96 : index
        %get3A_273 = tpu.vector_load %arg8[%get3A_271, %get3A_272] {strides = array<i32>} : memref<128x128xf32, #tpu.memory_space<vmem>>, vector<1x16xf32>,
        %get3A_274 = vector.shape_cast %get3A_273 : vector<1x16xf32> to vector<16xf32>
        %max3A_275 = arith.maximumf %scan3A_216, %get3A_274 : vector<16xf32>
        %add3A_276 = arith.addf %scan3A_217, %get3A_274 : vector<16xf32>
        %mul3A_277 = arith.mulf %get3A_274, %get3A_274 : vector<16xf32>
        %add3A_278 = arith.addf %scan3A_218, %mul3A_277 : vector<16xf32>
        %get3A_279 = arith.index_cast %add3A_224 : i32 to index
        %get3A_280 = arith.constant 112 : index
        %get3A_281 = tpu.vector_load %arg8[%get3A_279, %get3A_280] {strides = array<i32>} : memref<128x128xf32, #tpu.memory_space<vmem>>, vector<1x16xf32>,
        %get3A_282 = vector.shape_cast %get3A_281 : vector<1x16xf32> to vector<16xf32>
        %max3A_283 = arith.maximumf %scan3A_219, %get3A_282 : vector<16xf32>
        %add3A_284 = arith.addf %scan3A_220, %get3A_282 : vector<16xf32>
        %mul3A_285 = arith.mulf %get3A_282, %get3A_282 : vector<16xf32>
        %add3A_286 = arith.addf %scan3A_221, %mul3A_285 : vector<16xf32>
        scf.yield %max3A, %add3A_228, %add3A_230, %max3A_235, %add3A_236, %add3A_238, %max3A_243, %add3A_244, %add3A_246, %max3A_251, %add3A_252, %add3A_254, %max3A_259, %add3A_260, %add3A_262, %max3A_267, %add3A_268, %add3A_270, %max3A_275, %add3A_276, %add3A_278, %max3A_283, %add3A_284, %add3A_286 : vector<16xf32>, vector<16xf32>, vector<16xf32>, vector<16xf32>, vector<16xf32>, vector<16xf32>, vector<16xf32>, vector<16xf32>, vector<16xf32>, vector<16xf32>, vector<16xf32>, vector<16xf32>, vector<16xf32>, vector<16xf32>, vector<16xf32>, vector<16xf32>, vector<16xf32>, vector<16xf32>, vector<16xf32>, vector<16xf32>, vector<16xf32>, vector<16xf32>, vector<16xf32>, vector<16xf32>
      }
      %scan3A_74 = arith.constant 128 : i32
      %swap3A = arith.index_cast %scan3A_21 : i32 to index
      %swap3A_75 = arith.constant 0 : index
      %swap3A_76 = tpu.vector_load %arg9[%swap3A, %swap3A_75] {strides = array<i32>} : memref<1x128xf32, #tpu.memory_space<vmem>>, vector<1x16xf32>,
      %swap3A_77 = vector.shape_cast %swap3A_76 : vector<1x16xf32> to vector<16xf32>
      %swap3A_78 = vector.shape_cast %scan3A_73#0 : vector<16xf32> to vector<1x16xf32>
      tpu.vector_store %arg9[%swap3A, %swap3A_75], %swap3A_78 {strides = array<i32>} : memref<1x128xf32, #tpu.memory_space<vmem>>, vector<1x16xf32>,
      %swap3A_79 = arith.index_cast %scan3A_21 : i32 to index
      %swap3A_80 = arith.constant 0 : index
      %swap3A_81 = tpu.vector_load %arg10[%swap3A_79, %swap3A_80] {strides = array<i32>} : memref<1x128xf32, #tpu.memory_space<vmem>>, vector<1x16xf32>,
      %swap3A_82 = vector.shape_cast %swap3A_81 : vector<1x16xf32> to vector<16xf32>
      %swap3A_83 = vector.shape_cast %scan3A_73#1 : vector<16xf32> to vector<1x16xf32>
      tpu.vector_store %arg10[%swap3A_79, %swap3A_80], %swap3A_83 {strides = array<i32>} : memref<1x128xf32, #tpu.memory_space<vmem>>, vector<1x16xf32>,
      %swap3A_84 = arith.index_cast %scan3A_21 : i32 to index
      %swap3A_85 = arith.constant 0 : index
      %swap3A_86 = tpu.vector_load %arg11[%swap3A_84, %swap3A_85] {strides = array<i32>} : memref<1x128xf32, #tpu.memory_space<vmem>>, vector<1x16xf32>,
      %swap3A_87 = vector.shape_cast %swap3A_86 : vector<1x16xf32> to vector<16xf32>
      %swap3A_88 = vector.shape_cast %scan3A_73#2 : vector<16xf32> to vector<1x16xf32>
      tpu.vector_store %arg11[%swap3A_84, %swap3A_85], %swap3A_88 {strides = array<i32>} : memref<1x128xf32, #tpu.memory_space<vmem>>, vector<1x16xf32>,
      %swap3A_89 = arith.index_cast %scan3A_21 : i32 to index
      %swap3A_90 = arith.constant 16 : index
      %swap3A_91 = tpu.vector_load %arg9[%swap3A_89, %swap3A_90] {strides = array<i32>} : memref<1x128xf32, #tpu.memory_space<vmem>>, vector<1x16xf32>,
      %swap3A_92 = vector.shape_cast %swap3A_91 : vector<1x16xf32> to vector<16xf32>
      %swap3A_93 = vector.shape_cast %scan3A_73#3 : vector<16xf32> to vector<1x16xf32>
      tpu.vector_store %arg9[%swap3A_89, %swap3A_90], %swap3A_93 {strides = array<i32>} : memref<1x128xf32, #tpu.memory_space<vmem>>, vector<1x16xf32>,
      %swap3A_94 = arith.index_cast %scan3A_21 : i32 to index
      %swap3A_95 = arith.constant 16 : index
      %swap3A_96 = tpu.vector_load %arg10[%swap3A_94, %swap3A_95] {strides = array<i32>} : memref<1x128xf32, #tpu.memory_space<vmem>>, vector<1x16xf32>,
      %swap3A_97 = vector.shape_cast %swap3A_96 : vector<1x16xf32> to vector<16xf32>
      %swap3A_98 = vector.shape_cast %scan3A_73#4 : vector<16xf32> to vector<1x16xf32>
      tpu.vector_store %arg10[%swap3A_94, %swap3A_95], %swap3A_98 {strides = array<i32>} : memref<1x128xf32, #tpu.memory_space<vmem>>, vector<1x16xf32>,
      %swap3A_99 = arith.index_cast %scan3A_21 : i32 to index
      %swap3A_100 = arith.constant 16 : index
      %swap3A_101 = tpu.vector_load %arg11[%swap3A_99, %swap3A_100] {strides = array<i32>} : memref<1x128xf32, #tpu.memory_space<vmem>>, vector<1x16xf32>,
      %swap3A_102 = vector.shape_cast %swap3A_101 : vector<1x16xf32> to vector<16xf32>
      %swap3A_103 = vector.shape_cast %scan3A_73#5 : vector<16xf32> to vector<1x16xf32>
      tpu.vector_store %arg11[%swap3A_99, %swap3A_100], %swap3A_103 {strides = array<i32>} : memref<1x128xf32, #tpu.memory_space<vmem>>, vector<1x16xf32>,
      %swap3A_104 = arith.index_cast %scan3A_21 : i32 to index
      %swap3A_105 = arith.constant 32 : index
      %swap3A_106 = tpu.vector_load %arg9[%swap3A_104, %swap3A_105] {strides = array<i32>} : memref<1x128xf32, #tpu.memory_space<vmem>>, vector<1x16xf32>,
      %swap3A_107 = vector.shape_cast %swap3A_106 : vector<1x16xf32> to vector<16xf32>
      %swap3A_108 = vector.shape_cast %scan3A_73#6 : vector<16xf32> to vector<1x16xf32>
      tpu.vector_store %arg9[%swap3A_104, %swap3A_105], %swap3A_108 {strides = array<i32>} : memref<1x128xf32, #tpu.memory_space<vmem>>, vector<1x16xf32>,
      %swap3A_109 = arith.index_cast %scan3A_21 : i32 to index
      %swap3A_110 = arith.constant 32 : index
      %swap3A_111 = tpu.vector_load %arg10[%swap3A_109, %swap3A_110] {strides = array<i32>} : memref<1x128xf32, #tpu.memory_space<vmem>>, vector<1x16xf32>,
      %swap3A_112 = vector.shape_cast %swap3A_111 : vector<1x16xf32> to vector<16xf32>
      %swap3A_113 = vector.shape_cast %scan3A_73#7 : vector<16xf32> to vector<1x16xf32>
      tpu.vector_store %arg10[%swap3A_109, %swap3A_110], %swap3A_113 {strides = array<i32>} : memref<1x128xf32, #tpu.memory_space<vmem>>, vector<1x16xf32>,
      %swap3A_114 = arith.index_cast %scan3A_21 : i32 to index
      %swap3A_115 = arith.constant 32 : index
      %swap3A_116 = tpu.vector_load %arg11[%swap3A_114, %swap3A_115] {strides = array<i32>} : memref<1x128xf32, #tpu.memory_space<vmem>>, vector<1x16xf32>,
      %swap3A_117 = vector.shape_cast %swap3A_116 : vector<1x16xf32> to vector<16xf32>
      %swap3A_118 = vector.shape_cast %scan3A_73#8 : vector<16xf32> to vector<1x16xf32>
      tpu.vector_store %arg11[%swap3A_114, %swap3A_115], %swap3A_118 {strides = array<i32>} : memref<1x128xf32, #tpu.memory_space<vmem>>, vector<1x16xf32>,
      %swap3A_119 = arith.index_cast %scan3A_21 : i32 to index
      %swap3A_120 = arith.constant 48 : index
      %swap3A_121 = tpu.vector_load %arg9[%swap3A_119, %swap3A_120] {strides = array<i32>} : memref<1x128xf32, #tpu.memory_space<vmem>>, vector<1x16xf32>,
      %swap3A_122 = vector.shape_cast %swap3A_121 : vector<1x16xf32> to vector<16xf32>
      %swap3A_123 = vector.shape_cast %scan3A_73#9 : vector<16xf32> to vector<1x16xf32>
      tpu.vector_store %arg9[%swap3A_119, %swap3A_120], %swap3A_123 {strides = array<i32>} : memref<1x128xf32, #tpu.memory_space<vmem>>, vector<1x16xf32>,
      %swap3A_124 = arith.index_cast %scan3A_21 : i32 to index
      %swap3A_125 = arith.constant 48 : index
      %swap3A_126 = tpu.vector_load %arg10[%swap3A_124, %swap3A_125] {strides = array<i32>} : memref<1x128xf32, #tpu.memory_space<vmem>>, vector<1x16xf32>,
      %swap3A_127 = vector.shape_cast %swap3A_126 : vector<1x16xf32> to vector<16xf32>
      %swap3A_128 = vector.shape_cast %scan3A_73#10 : vector<16xf32> to vector<1x16xf32>
      tpu.vector_store %arg10[%swap3A_124, %swap3A_125], %swap3A_128 {strides = array<i32>} : memref<1x128xf32, #tpu.memory_space<vmem>>, vector<1x16xf32>,
      %swap3A_129 = arith.index_cast %scan3A_21 : i32 to index
      %swap3A_130 = arith.constant 48 : index
      %swap3A_131 = tpu.vector_load %arg11[%swap3A_129, %swap3A_130] {strides = array<i32>} : memref<1x128xf32, #tpu.memory_space<vmem>>, vector<1x16xf32>,
      %swap3A_132 = vector.shape_cast %swap3A_131 : vector<1x16xf32> to vector<16xf32>
      %swap3A_133 = vector.shape_cast %scan3A_73#11 : vector<16xf32> to vector<1x16xf32>
      tpu.vector_store %arg11[%swap3A_129, %swap3A_130], %swap3A_133 {strides = array<i32>} : memref<1x128xf32, #tpu.memory_space<vmem>>, vector<1x16xf32>,
      %swap3A_134 = arith.index_cast %scan3A_21 : i32 to index
      %swap3A_135 = arith.constant 64 : index
      %swap3A_136 = tpu.vector_load %arg9[%swap3A_134, %swap3A_135] {strides = array<i32>} : memref<1x128xf32, #tpu.memory_space<vmem>>, vector<1x16xf32>,
      %swap3A_137 = vector.shape_cast %swap3A_136 : vector<1x16xf32> to vector<16xf32>
      %swap3A_138 = vector.shape_cast %scan3A_73#12 : vector<16xf32> to vector<1x16xf32>
      tpu.vector_store %arg9[%swap3A_134, %swap3A_135], %swap3A_138 {strides = array<i32>} : memref<1x128xf32, #tpu.memory_space<vmem>>, vector<1x16xf32>,
      %swap3A_139 = arith.index_cast %scan3A_21 : i32 to index
      %swap3A_140 = arith.constant 64 : index
      %swap3A_141 = tpu.vector_load %arg10[%swap3A_139, %swap3A_140] {strides = array<i32>} : memref<1x128xf32, #tpu.memory_space<vmem>>, vector<1x16xf32>,
      %swap3A_142 = vector.shape_cast %swap3A_141 : vector<1x16xf32> to vector<16xf32>
      %swap3A_143 = vector.shape_cast %scan3A_73#13 : vector<16xf32> to vector<1x16xf32>
      tpu.vector_store %arg10[%swap3A_139, %swap3A_140], %swap3A_143 {strides = array<i32>} : memref<1x128xf32, #tpu.memory_space<vmem>>, vector<1x16xf32>,
      %swap3A_144 = arith.index_cast %scan3A_21 : i32 to index
      %swap3A_145 = arith.constant 64 : index
      %swap3A_146 = tpu.vector_load %arg11[%swap3A_144, %swap3A_145] {strides = array<i32>} : memref<1x128xf32, #tpu.memory_space<vmem>>, vector<1x16xf32>,
      %swap3A_147 = vector.shape_cast %swap3A_146 : vector<1x16xf32> to vector<16xf32>
      %swap3A_148 = vector.shape_cast %scan3A_73#14 : vector<16xf32> to vector<1x16xf32>
      tpu.vector_store %arg11[%swap3A_144, %swap3A_145], %swap3A_148 {strides = array<i32>} : memref<1x128xf32, #tpu.memory_space<vmem>>, vector<1x16xf32>,
      %swap3A_149 = arith.index_cast %scan3A_21 : i32 to index
      %swap3A_150 = arith.constant 80 : index
      %swap3A_151 = tpu.vector_load %arg9[%swap3A_149, %swap3A_150] {strides = array<i32>} : memref<1x128xf32, #tpu.memory_space<vmem>>, vector<1x16xf32>,
      %swap3A_152 = vector.shape_cast %swap3A_151 : vector<1x16xf32> to vector<16xf32>
      %swap3A_153 = vector.shape_cast %scan3A_73#15 : vector<16xf32> to vector<1x16xf32>
      tpu.vector_store %arg9[%swap3A_149, %swap3A_150], %swap3A_153 {strides = array<i32>} : memref<1x128xf32, #tpu.memory_space<vmem>>, vector<1x16xf32>,
      %swap3A_154 = arith.index_cast %scan3A_21 : i32 to index
      %swap3A_155 = arith.constant 80 : index
      %swap3A_156 = tpu.vector_load %arg10[%swap3A_154, %swap3A_155] {strides = array<i32>} : memref<1x128xf32, #tpu.memory_space<vmem>>, vector<1x16xf32>,
      %swap3A_157 = vector.shape_cast %swap3A_156 : vector<1x16xf32> to vector<16xf32>
      %swap3A_158 = vector.shape_cast %scan3A_73#16 : vector<16xf32> to vector<1x16xf32>
      tpu.vector_store %arg10[%swap3A_154, %swap3A_155], %swap3A_158 {strides = array<i32>} : memref<1x128xf32, #tpu.memory_space<vmem>>, vector<1x16xf32>,
      %swap3A_159 = arith.index_cast %scan3A_21 : i32 to index
      %swap3A_160 = arith.constant 80 : index
      %swap3A_161 = tpu.vector_load %arg11[%swap3A_159, %swap3A_160] {strides = array<i32>} : memref<1x128xf32, #tpu.memory_space<vmem>>, vector<1x16xf32>,
      %swap3A_162 = vector.shape_cast %swap3A_161 : vector<1x16xf32> to vector<16xf32>
      %swap3A_163 = vector.shape_cast %scan3A_73#17 : vector<16xf32> to vector<1x16xf32>
      tpu.vector_store %arg11[%swap3A_159, %swap3A_160], %swap3A_163 {strides = array<i32>} : memref<1x128xf32, #tpu.memory_space<vmem>>, vector<1x16xf32>,
      %swap3A_164 = arith.index_cast %scan3A_21 : i32 to index
      %swap3A_165 = arith.constant 96 : index
      %swap3A_166 = tpu.vector_load %arg9[%swap3A_164, %swap3A_165] {strides = array<i32>} : memref<1x128xf32, #tpu.memory_space<vmem>>, vector<1x16xf32>,
      %swap3A_167 = vector.shape_cast %swap3A_166 : vector<1x16xf32> to vector<16xf32>
      %swap3A_168 = vector.shape_cast %scan3A_73#18 : vector<16xf32> to vector<1x16xf32>
      tpu.vector_store %arg9[%swap3A_164, %swap3A_165], %swap3A_168 {strides = array<i32>} : memref<1x128xf32, #tpu.memory_space<vmem>>, vector<1x16xf32>,
      %swap3A_169 = arith.index_cast %scan3A_21 : i32 to index
      %swap3A_170 = arith.constant 96 : index
      %swap3A_171 = tpu.vector_load %arg10[%swap3A_169, %swap3A_170] {strides = array<i32>} : memref<1x128xf32, #tpu.memory_space<vmem>>, vector<1x16xf32>,
      %swap3A_172 = vector.shape_cast %swap3A_171 : vector<1x16xf32> to vector<16xf32>
      %swap3A_173 = vector.shape_cast %scan3A_73#19 : vector<16xf32> to vector<1x16xf32>
      tpu.vector_store %arg10[%swap3A_169, %swap3A_170], %swap3A_173 {strides = array<i32>} : memref<1x128xf32, #tpu.memory_space<vmem>>, vector<1x16xf32>,
      %swap3A_174 = arith.index_cast %scan3A_21 : i32 to index
      %swap3A_175 = arith.constant 96 : index
      %swap3A_176 = tpu.vector_load %arg11[%swap3A_174, %swap3A_175] {strides = array<i32>} : memref<1x128xf32, #tpu.memory_space<vmem>>, vector<1x16xf32>,
      %swap3A_177 = vector.shape_cast %swap3A_176 : vector<1x16xf32> to vector<16xf32>
      %swap3A_178 = vector.shape_cast %scan3A_73#20 : vector<16xf32> to vector<1x16xf32>
      tpu.vector_store %arg11[%swap3A_174, %swap3A_175], %swap3A_178 {strides = array<i32>} : memref<1x128xf32, #tpu.memory_space<vmem>>, vector<1x16xf32>,
      %swap3A_179 = arith.index_cast %scan3A_21 : i32 to index
      %swap3A_180 = arith.constant 112 : index
      %swap3A_181 = tpu.vector_load %arg9[%swap3A_179, %swap3A_180] {strides = array<i32>} : memref<1x128xf32, #tpu.memory_space<vmem>>, vector<1x16xf32>,
      %swap3A_182 = vector.shape_cast %swap3A_181 : vector<1x16xf32> to vector<16xf32>
      %swap3A_183 = vector.shape_cast %scan3A_73#21 : vector<16xf32> to vector<1x16xf32>
      tpu.vector_store %arg9[%swap3A_179, %swap3A_180], %swap3A_183 {strides = array<i32>} : memref<1x128xf32, #tpu.memory_space<vmem>>, vector<1x16xf32>,
      %swap3A_184 = arith.index_cast %scan3A_21 : i32 to index
      %swap3A_185 = arith.constant 112 : index
      %swap3A_186 = tpu.vector_load %arg10[%swap3A_184, %swap3A_185] {strides = array<i32>} : memref<1x128xf32, #tpu.memory_space<vmem>>, vector<1x16xf32>,
      %swap3A_187 = vector.shape_cast %swap3A_186 : vector<1x16xf32> to vector<16xf32>
      %swap3A_188 = vector.shape_cast %scan3A_73#22 : vector<16xf32> to vector<1x16xf32>
      tpu.vector_store %arg10[%swap3A_184, %swap3A_185], %swap3A_188 {strides = array<i32>} : memref<1x128xf32, #tpu.memory_space<vmem>>, vector<1x16xf32>,
      %swap3A_189 = arith.index_cast %scan3A_21 : i32 to index
      %swap3A_190 = arith.constant 112 : index
      %swap3A_191 = tpu.vector_load %arg11[%swap3A_189, %swap3A_190] {strides = array<i32>} : memref<1x128xf32, #tpu.memory_space<vmem>>, vector<1x16xf32>,
      %swap3A_192 = vector.shape_cast %swap3A_191 : vector<1x16xf32> to vector<16xf32>
      %swap3A_193 = vector.shape_cast %scan3A_73#23 : vector<16xf32> to vector<1x16xf32>
      tpu.vector_store %arg11[%swap3A_189, %swap3A_190], %swap3A_193 {strides = array<i32>} : memref<1x128xf32, #tpu.memory_space<vmem>>, vector<1x16xf32>,
      %scan3A_194 = arith.constant 0 : i32
      %scan3A_195 = arith.constant 1 : i32
      "tpu.region"() ({
        %run_scoped3A = tpu.sem_alloc : memref<!tpu.dma_semaphore, #tpu.memory_space<semaphore_mem>>
        %dma_start3A_197 = arith.constant 0 : i32
        %dma_start3A_198 = tpu.memref_slice %arg4[%add3A_13, %dma_start3A_197] : memref<4096x128xf32, #tpu.memory_space<hbm>> -> memref<1x128xf32, #tpu.memory_space<hbm>>
        %dma_start3A_199 = arith.constant 0 : i32
        %dma_start3A_200 = tpu.memref_slice %arg4[%add3A_13, %dma_start3A_199] : memref<4096x128xf32, #tpu.memory_space<hbm>> -> memref<1x128xf32, #tpu.memory_space<hbm>>
        tpu.enqueue_dma source(%arg9 : memref<1x128xf32, #tpu.memory_space<vmem>>) target(%dma_start3A_200 : memref<1x128xf32, #tpu.memory_space<hbm>>) target_semaphore(%run_scoped3A : memref<!tpu.dma_semaphore, #tpu.memory_space<semaphore_mem>>)
        %dma_wait3A_201 = arith.constant 0 : i32
        %dma_wait3A_202 = tpu.memref_slice %arg4[%add3A_13, %dma_wait3A_201] : memref<4096x128xf32, #tpu.memory_space<hbm>> -> memref<1x128xf32, #tpu.memory_space<hbm>>
        %dma_wait3A_203 = arith.constant 0 : i32
        %dma_wait3A_204 = tpu.memref_slice %arg4[%add3A_13, %dma_wait3A_203] : memref<4096x128xf32, #tpu.memory_space<hbm>> -> memref<1x128xf32, #tpu.memory_space<hbm>>
        tpu.wait_dma2 semaphore(%run_scoped3A : memref<!tpu.dma_semaphore, #tpu.memory_space<semaphore_mem>>) src(%arg9 : memref<1x128xf32, #tpu.memory_space<vmem>>) dst(%dma_wait3A_204 : memref<1x128xf32, #tpu.memory_space<hbm>>)
        tpu.yield
      }) : () -> ()
      "tpu.region"() ({
        %run_scoped3A = tpu.sem_alloc : memref<!tpu.dma_semaphore, #tpu.memory_space<semaphore_mem>>
        %dma_start3A_197 = arith.constant 0 : i32
        %dma_start3A_198 = tpu.memref_slice %arg5[%add3A_13, %dma_start3A_197] : memref<4096x128xf32, #tpu.memory_space<hbm>> -> memref<1x128xf32, #tpu.memory_space<hbm>>
        %dma_start3A_199 = arith.constant 0 : i32
        %dma_start3A_200 = tpu.memref_slice %arg5[%add3A_13, %dma_start3A_199] : memref<4096x128xf32, #tpu.memory_space<hbm>> -> memref<1x128xf32, #tpu.memory_space<hbm>>
        tpu.enqueue_dma source(%arg10 : memref<1x128xf32, #tpu.memory_space<vmem>>) target(%dma_start3A_200 : memref<1x128xf32, #tpu.memory_space<hbm>>) target_semaphore(%run_scoped3A : memref<!tpu.dma_semaphore, #tpu.memory_space<semaphore_mem>>)
        %dma_wait3A_201 = arith.constant 0 : i32
        %dma_wait3A_202 = tpu.memref_slice %arg5[%add3A_13, %dma_wait3A_201] : memref<4096x128xf32, #tpu.memory_space<hbm>> -> memref<1x128xf32, #tpu.memory_space<hbm>>
        %dma_wait3A_203 = arith.constant 0 : i32
        %dma_wait3A_204 = tpu.memref_slice %arg5[%add3A_13, %dma_wait3A_203] : memref<4096x128xf32, #tpu.memory_space<hbm>> -> memref<1x128xf32, #tpu.memory_space<hbm>>
        tpu.wait_dma2 semaphore(%run_scoped3A : memref<!tpu.dma_semaphore, #tpu.memory_space<semaphore_mem>>) src(%arg10 : memref<1x128xf32, #tpu.memory_space<vmem>>) dst(%dma_wait3A_204 : memref<1x128xf32, #tpu.memory_space<hbm>>)
        tpu.yield
      }) : () -> ()
      "tpu.region"() ({
        %run_scoped3A = tpu.sem_alloc : memref<!tpu.dma_semaphore, #tpu.memory_space<semaphore_mem>>
        %dma_start3A_197 = arith.constant 0 : i32
        %dma_start3A_198 = tpu.memref_slice %arg6[%add3A_13, %dma_start3A_197] : memref<4096x128xf32, #tpu.memory_space<hbm>> -> memref<1x128xf32, #tpu.memory_space<hbm>>
        %dma_start3A_199 = arith.constant 0 : i32
        %dma_start3A_200 = tpu.memref_slice %arg6[%add3A_13, %dma_start3A_199] : memref<4096x128xf32, #tpu.memory_space<hbm>> -> memref<1x128xf32, #tpu.memory_space<hbm>>
        tpu.enqueue_dma source(%arg11 : memref<1x128xf32, #tpu.memory_space<vmem>>) target(%dma_start3A_200 : memref<1x128xf32, #tpu.memory_space<hbm>>) target_semaphore(%run_scoped3A : memref<!tpu.dma_semaphore, #tpu.memory_space<semaphore_mem>>)
        %dma_wait3A_201 = arith.constant 0 : i32
        %dma_wait3A_202 = tpu.memref_slice %arg6[%add3A_13, %dma_wait3A_201] : memref<4096x128xf32, #tpu.memory_space<hbm>> -> memref<1x128xf32, #tpu.memory_space<hbm>>
        %dma_wait3A_203 = arith.constant 0 : i32
        %dma_wait3A_204 = tpu.memref_slice %arg6[%add3A_13, %dma_wait3A_203] : memref<4096x128xf32, #tpu.memory_space<hbm>> -> memref<1x128xf32, #tpu.memory_space<hbm>>
        tpu.wait_dma2 semaphore(%run_scoped3A : memref<!tpu.dma_semaphore, #tpu.memory_space<semaphore_mem>>) src(%arg11 : memref<1x128xf32, #tpu.memory_space<vmem>>) dst(%dma_wait3A_204 : memref<1x128xf32, #tpu.memory_space<hbm>>)
        tpu.yield
      }) : () -> ()
      %scan3A_196 = arith.constant 0 : i32
      scf.yield %scan3A_196 : i32
    }
    %scan3A_8 = arith.constant 128 : i32
    return
  }
}

module attributes {stable_mosaic.version = 14 : i64} {
  func.func @_l1_body(%arg0: i32, %arg1: memref<64x64xf32, #tpu.memory_space<vmem>>, %arg2: memref<64x64xf32, #tpu.memory_space<vmem>>, %arg3: memref<64x64xf32, #tpu.memory_space<vmem>>, %arg4: memref<64x3xf32, #tpu.memory_space<vmem>>, %arg5: memref<14x64xf32, #tpu.memory_space<vmem>>, %arg6: memref<64x64xf32, #tpu.memory_space<vmem>>, %arg7: memref<64x64xf32, #tpu.memory_space<vmem>>, %arg8: memref<64x64xf32, #tpu.memory_space<vmem>>) attributes {dimension_semantics = [#tpu.dimension_semantics<arbitrary>], iteration_bounds = array<i64: 256>, scalar_prefetch = 0 : i64, scratch_operands = 0 : i64, tpu.core_type = #tpu.core_type<tc>, window_params = [{transform_indices = @transform_0, window_bounds = array<i64: 64, 64>}, {transform_indices = @transform_1, window_bounds = array<i64: 64, 64>}, {transform_indices = @transform_2, window_bounds = array<i64: 64, 64>}, {transform_indices = @transform_3, window_bounds = array<i64: 64, 3>}, {pipeline_mode = #tpu.pipeline_mode<synchronous>, transform_indices = @transform_4, window_bounds = array<i64: 14, 64>}, {transform_indices = @transform_5, window_bounds = array<i64: 64, 64>}, {transform_indices = @transform_6, window_bounds = array<i64: 64, 64>}, {transform_indices = @transform_7, window_bounds = array<i64: 64, 64>}]} {
    %get3A = arith.constant 0 : index
    %get3A_0 = arith.constant 0 : index
    %get3A_1 = vector.load %arg4[%get3A, %get3A_0] : memref<64x3xf32, #tpu.memory_space<vmem>>, vector<64x1xf32>
    %get3A_2 = vector.shape_cast %get3A_1 : vector<64x1xf32> to vector<64xf32>
    %broadcast_in_dim3A = vector.shape_cast %get3A_2 : vector<64xf32> to vector<64x1xf32>
    %get3A_3 = arith.constant 0 : index
    %get3A_4 = arith.constant 1 : index
    %get3A_5 = vector.load %arg4[%get3A_3, %get3A_4] : memref<64x3xf32, #tpu.memory_space<vmem>>, vector<64x1xf32>
    %get3A_6 = vector.shape_cast %get3A_5 : vector<64x1xf32> to vector<64xf32>
    %broadcast_in_dim3A_7 = vector.shape_cast %get3A_6 : vector<64xf32> to vector<64x1xf32>
    %get3A_8 = arith.constant 0 : index
    %get3A_9 = arith.constant 2 : index
    %get3A_10 = vector.load %arg4[%get3A_8, %get3A_9] : memref<64x3xf32, #tpu.memory_space<vmem>>, vector<64x1xf32>
    %get3A_11 = vector.shape_cast %get3A_10 : vector<64x1xf32> to vector<64xf32>
    %broadcast_in_dim3A_12 = vector.shape_cast %get3A_11 : vector<64xf32> to vector<64x1xf32>
    %get3A_13 = arith.constant 0 : index
    %get3A_14 = arith.constant 0 : index
    %get3A_15 = vector.load %arg1[%get3A_13, %get3A_14] : memref<64x64xf32, #tpu.memory_space<vmem>>, vector<64x64xf32>
    %sub3A = vector.broadcast %broadcast_in_dim3A : vector<64x1xf32> to vector<64x64xf32>
    %sub3A_16 = arith.subf %get3A_15, %sub3A : vector<64x64xf32>
    %get3A_17 = arith.constant 0 : index
    %get3A_18 = arith.constant 0 : index
    %get3A_19 = vector.load %arg2[%get3A_17, %get3A_18] : memref<64x64xf32, #tpu.memory_space<vmem>>, vector<64x64xf32>
    %sub3A_20 = vector.broadcast %broadcast_in_dim3A_7 : vector<64x1xf32> to vector<64x64xf32>
    %sub3A_21 = arith.subf %get3A_19, %sub3A_20 : vector<64x64xf32>
    %get3A_22 = arith.constant 0 : index
    %get3A_23 = arith.constant 0 : index
    %get3A_24 = vector.load %arg3[%get3A_22, %get3A_23] : memref<64x64xf32, #tpu.memory_space<vmem>>, vector<64x64xf32>
    %sub3A_25 = vector.broadcast %broadcast_in_dim3A_12 : vector<64x1xf32> to vector<64x64xf32>
    %sub3A_26 = arith.subf %get3A_24, %sub3A_25 : vector<64x64xf32>
    %mul3A = arith.mulf %sub3A_16, %sub3A_16 : vector<64x64xf32>
    %mul3A_27 = arith.mulf %sub3A_21, %sub3A_21 : vector<64x64xf32>
    %add3A = arith.addf %mul3A, %mul3A_27 : vector<64x64xf32>
    %mul3A_28 = arith.mulf %sub3A_26, %sub3A_26 : vector<64x64xf32>
    %add3A_29 = arith.addf %add3A, %mul3A_28 : vector<64x64xf32>
    %add3A_30 = arith.constant 9.99999996E-13 : f32
    %add3A_31 = vector.broadcast %add3A_30 : f32 to vector<64x64xf32>
    %add3A_32 = arith.addf %add3A_29, %add3A_31 : vector<64x64xf32>
    %sqrt3A = math.sqrt %add3A_32 : vector<64x64xf32>
    %add3A_33 = arith.constant 9.99999993E-9 : f32
    %add3A_34 = vector.broadcast %add3A_33 : f32 to vector<64x64xf32>
    %add3A_35 = arith.addf %sqrt3A, %add3A_34 : vector<64x64xf32>
    %div3A = arith.constant 1.000000e+00 : f32
    %div3A_36 = vector.broadcast %div3A : f32 to vector<64x64xf32>
    %div3A_37 = arith.divf %div3A_36, %add3A_35 : vector<64x64xf32>
    %mul3A_38 = arith.mulf %sub3A_16, %div3A_37 : vector<64x64xf32>
    %mul3A_39 = arith.mulf %sub3A_21, %div3A_37 : vector<64x64xf32>
    %mul3A_40 = arith.mulf %sub3A_26, %div3A_37 : vector<64x64xf32>
    %mul3A_41 = arith.mulf %broadcast_in_dim3A, %broadcast_in_dim3A : vector<64x1xf32>
    %mul3A_42 = arith.mulf %broadcast_in_dim3A_7, %broadcast_in_dim3A_7 : vector<64x1xf32>
    %add3A_43 = arith.addf %mul3A_41, %mul3A_42 : vector<64x1xf32>
    %mul3A_44 = arith.mulf %broadcast_in_dim3A_12, %broadcast_in_dim3A_12 : vector<64x1xf32>
    %add3A_45 = arith.addf %add3A_43, %mul3A_44 : vector<64x1xf32>
    %add3A_46 = arith.constant 9.99999996E-13 : f32
    %add3A_47 = vector.broadcast %add3A_46 : f32 to vector<64x1xf32>
    %add3A_48 = arith.addf %add3A_45, %add3A_47 : vector<64x1xf32>
    %sqrt3A_49 = math.sqrt %add3A_48 : vector<64x1xf32>
    %add3A_50 = arith.constant 9.99999993E-9 : f32
    %add3A_51 = vector.broadcast %add3A_50 : f32 to vector<64x1xf32>
    %add3A_52 = arith.addf %sqrt3A_49, %add3A_51 : vector<64x1xf32>
    %div3A_53 = arith.divf %broadcast_in_dim3A, %add3A_52 : vector<64x1xf32>
    %div3A_54 = arith.divf %broadcast_in_dim3A_7, %add3A_52 : vector<64x1xf32>
    %div3A_55 = arith.divf %broadcast_in_dim3A_12, %add3A_52 : vector<64x1xf32>
    %mul3A_56 = vector.broadcast %div3A_53 : vector<64x1xf32> to vector<64x64xf32>
    %mul3A_57 = arith.mulf %mul3A_56, %mul3A_38 : vector<64x64xf32>
    %mul3A_58 = vector.broadcast %div3A_54 : vector<64x1xf32> to vector<64x64xf32>
    %mul3A_59 = arith.mulf %mul3A_58, %mul3A_39 : vector<64x64xf32>
    %add3A_60 = arith.addf %mul3A_57, %mul3A_59 : vector<64x64xf32>
    %mul3A_61 = vector.broadcast %div3A_55 : vector<64x1xf32> to vector<64x64xf32>
    %mul3A_62 = arith.mulf %mul3A_61, %mul3A_40 : vector<64x64xf32>
    %add3A_63 = arith.addf %add3A_60, %mul3A_62 : vector<64x64xf32>
    %convert_element_type3A = arith.truncf %broadcast_in_dim3A : vector<64x1xf32> to vector<64x1xbf16>
    %convert_element_type3A_64 = arith.extf %convert_element_type3A : vector<64x1xbf16> to vector<64x1xf32>
    %convert_element_type3A_65 = arith.truncf %broadcast_in_dim3A_7 : vector<64x1xf32> to vector<64x1xbf16>
    %convert_element_type3A_66 = arith.extf %convert_element_type3A_65 : vector<64x1xbf16> to vector<64x1xf32>
    %convert_element_type3A_67 = arith.truncf %broadcast_in_dim3A_12 : vector<64x1xf32> to vector<64x1xbf16>
    %convert_element_type3A_68 = arith.extf %convert_element_type3A_67 : vector<64x1xbf16> to vector<64x1xf32>
    %get3A_69 = arith.constant 0 : index
    %get3A_70 = arith.constant 0 : index
    %get3A_71 = vector.load %arg5[%get3A_69, %get3A_70] : memref<14x64xf32, #tpu.memory_space<vmem>>, vector<1x64xf32>
    %get3A_72 = vector.shape_cast %get3A_71 : vector<1x64xf32> to vector<64xf32>
    %convert_element_type3A_73 = arith.truncf %get3A_72 : vector<64xf32> to vector<64xbf16>
    %convert_element_type3A_74 = arith.extf %convert_element_type3A_73 : vector<64xbf16> to vector<64xf32>
    %broadcast_in_dim3A_75 = vector.shape_cast %convert_element_type3A_74 : vector<64xf32> to vector<1x64xf32>
    %mul3A_76 = vector.broadcast %convert_element_type3A_64 : vector<64x1xf32> to vector<64x64xf32>
    %mul3A_77 = vector.broadcast %broadcast_in_dim3A_75 : vector<1x64xf32> to vector<64x64xf32>
    %mul3A_78 = arith.mulf %mul3A_76, %mul3A_77 : vector<64x64xf32>
    %get3A_79 = arith.constant 1 : index
    %get3A_80 = arith.constant 0 : index
    %get3A_81 = vector.load %arg5[%get3A_79, %get3A_80] : memref<14x64xf32, #tpu.memory_space<vmem>>, vector<1x64xf32>
    %get3A_82 = vector.shape_cast %get3A_81 : vector<1x64xf32> to vector<64xf32>
    %convert_element_type3A_83 = arith.truncf %get3A_82 : vector<64xf32> to vector<64xbf16>
    %convert_element_type3A_84 = arith.extf %convert_element_type3A_83 : vector<64xbf16> to vector<64xf32>
    %broadcast_in_dim3A_85 = vector.shape_cast %convert_element_type3A_84 : vector<64xf32> to vector<1x64xf32>
    %mul3A_86 = vector.broadcast %convert_element_type3A_66 : vector<64x1xf32> to vector<64x64xf32>
    %mul3A_87 = vector.broadcast %broadcast_in_dim3A_85 : vector<1x64xf32> to vector<64x64xf32>
    %mul3A_88 = arith.mulf %mul3A_86, %mul3A_87 : vector<64x64xf32>
    %add3A_89 = arith.addf %mul3A_78, %mul3A_88 : vector<64x64xf32>
    %get3A_90 = arith.constant 2 : index
    %get3A_91 = arith.constant 0 : index
    %get3A_92 = vector.load %arg5[%get3A_90, %get3A_91] : memref<14x64xf32, #tpu.memory_space<vmem>>, vector<1x64xf32>
    %get3A_93 = vector.shape_cast %get3A_92 : vector<1x64xf32> to vector<64xf32>
    %convert_element_type3A_94 = arith.truncf %get3A_93 : vector<64xf32> to vector<64xbf16>
    %convert_element_type3A_95 = arith.extf %convert_element_type3A_94 : vector<64xbf16> to vector<64xf32>
    %broadcast_in_dim3A_96 = vector.shape_cast %convert_element_type3A_95 : vector<64xf32> to vector<1x64xf32>
    %mul3A_97 = vector.broadcast %convert_element_type3A_68 : vector<64x1xf32> to vector<64x64xf32>
    %mul3A_98 = vector.broadcast %broadcast_in_dim3A_96 : vector<1x64xf32> to vector<64x64xf32>
    %mul3A_99 = arith.mulf %mul3A_97, %mul3A_98 : vector<64x64xf32>
    %add3A_100 = arith.addf %add3A_89, %mul3A_99 : vector<64x64xf32>
    %broadcast_in_dim3A_101 = vector.shape_cast %add3A_100 : vector<64x64xf32> to vector<64x1x64xf32>
    %broadcast_in_dim3A_102 = vector.shape_cast %broadcast_in_dim3A_101 : vector<64x1x64xf32> to vector<64x1x64xf32>
    %broadcast_in_dim3A_103 = vector.broadcast %broadcast_in_dim3A_102 : vector<64x1x64xf32> to vector<64x64x64xf32>
    %get3A_104 = arith.constant 0 : index
    %get3A_105 = arith.constant 0 : index
    %get3A_106 = vector.load %arg1[%get3A_104, %get3A_105] : memref<64x64xf32, #tpu.memory_space<vmem>>, vector<64x64xf32>
    %get3A_107 = arith.constant 0 : index
    %get3A_108 = arith.constant 0 : index
    %get3A_109 = vector.load %arg2[%get3A_107, %get3A_108] : memref<64x64xf32, #tpu.memory_space<vmem>>, vector<64x64xf32>
    %get3A_110 = arith.constant 0 : index
    %get3A_111 = arith.constant 0 : index
    %get3A_112 = vector.load %arg3[%get3A_110, %get3A_111] : memref<64x64xf32, #tpu.memory_space<vmem>>, vector<64x64xf32>
    %convert_element_type3A_113 = arith.truncf %get3A_106 : vector<64x64xf32> to vector<64x64xbf16>
    %convert_element_type3A_114 = arith.extf %convert_element_type3A_113 : vector<64x64xbf16> to vector<64x64xf32>
    %broadcast_in_dim3A_115 = vector.shape_cast %convert_element_type3A_114 : vector<64x64xf32> to vector<64x64x1xf32>
    %get3A_116 = arith.constant 3 : index
    %get3A_117 = arith.constant 0 : index
    %get3A_118 = vector.load %arg5[%get3A_116, %get3A_117] : memref<14x64xf32, #tpu.memory_space<vmem>>, vector<1x64xf32>
    %get3A_119 = vector.shape_cast %get3A_118 : vector<1x64xf32> to vector<64xf32>
    %convert_element_type3A_120 = arith.truncf %get3A_119 : vector<64xf32> to vector<64xbf16>
    %convert_element_type3A_121 = arith.extf %convert_element_type3A_120 : vector<64xbf16> to vector<64xf32>
    %broadcast_in_dim3A_122 = vector.shape_cast %convert_element_type3A_121 : vector<64xf32> to vector<1x1x64xf32>
    %mul3A_123 = vector.broadcast %broadcast_in_dim3A_115 : vector<64x64x1xf32> to vector<64x64x64xf32>
    %mul3A_124 = vector.broadcast %broadcast_in_dim3A_122 : vector<1x1x64xf32> to vector<64x64x64xf32>
    %mul3A_125 = arith.mulf %mul3A_123, %mul3A_124 : vector<64x64x64xf32>
    %add3A_126 = arith.addf %broadcast_in_dim3A_103, %mul3A_125 : vector<64x64x64xf32>
    %convert_element_type3A_127 = arith.truncf %get3A_109 : vector<64x64xf32> to vector<64x64xbf16>
    %convert_element_type3A_128 = arith.extf %convert_element_type3A_127 : vector<64x64xbf16> to vector<64x64xf32>
    %broadcast_in_dim3A_129 = vector.shape_cast %convert_element_type3A_128 : vector<64x64xf32> to vector<64x64x1xf32>
    %get3A_130 = arith.constant 4 : index
    %get3A_131 = arith.constant 0 : index
    %get3A_132 = vector.load %arg5[%get3A_130, %get3A_131] : memref<14x64xf32, #tpu.memory_space<vmem>>, vector<1x64xf32>
    %get3A_133 = vector.shape_cast %get3A_132 : vector<1x64xf32> to vector<64xf32>
    %convert_element_type3A_134 = arith.truncf %get3A_133 : vector<64xf32> to vector<64xbf16>
    %convert_element_type3A_135 = arith.extf %convert_element_type3A_134 : vector<64xbf16> to vector<64xf32>
    %broadcast_in_dim3A_136 = vector.shape_cast %convert_element_type3A_135 : vector<64xf32> to vector<1x1x64xf32>
    %mul3A_137 = vector.broadcast %broadcast_in_dim3A_129 : vector<64x64x1xf32> to vector<64x64x64xf32>
    %mul3A_138 = vector.broadcast %broadcast_in_dim3A_136 : vector<1x1x64xf32> to vector<64x64x64xf32>
    %mul3A_139 = arith.mulf %mul3A_137, %mul3A_138 : vector<64x64x64xf32>
    %add3A_140 = arith.addf %add3A_126, %mul3A_139 : vector<64x64x64xf32>
    %convert_element_type3A_141 = arith.truncf %get3A_112 : vector<64x64xf32> to vector<64x64xbf16>
    %convert_element_type3A_142 = arith.extf %convert_element_type3A_141 : vector<64x64xbf16> to vector<64x64xf32>
    %broadcast_in_dim3A_143 = vector.shape_cast %convert_element_type3A_142 : vector<64x64xf32> to vector<64x64x1xf32>
    %get3A_144 = arith.constant 5 : index
    %get3A_145 = arith.constant 0 : index
    %get3A_146 = vector.load %arg5[%get3A_144, %get3A_145] : memref<14x64xf32, #tpu.memory_space<vmem>>, vector<1x64xf32>
    %get3A_147 = vector.shape_cast %get3A_146 : vector<1x64xf32> to vector<64xf32>
    %convert_element_type3A_148 = arith.truncf %get3A_147 : vector<64xf32> to vector<64xbf16>
    %convert_element_type3A_149 = arith.extf %convert_element_type3A_148 : vector<64xbf16> to vector<64xf32>
    %broadcast_in_dim3A_150 = vector.shape_cast %convert_element_type3A_149 : vector<64xf32> to vector<1x1x64xf32>
    %mul3A_151 = vector.broadcast %broadcast_in_dim3A_143 : vector<64x64x1xf32> to vector<64x64x64xf32>
    %mul3A_152 = vector.broadcast %broadcast_in_dim3A_150 : vector<1x1x64xf32> to vector<64x64x64xf32>
    %mul3A_153 = arith.mulf %mul3A_151, %mul3A_152 : vector<64x64x64xf32>
    %add3A_154 = arith.addf %add3A_140, %mul3A_153 : vector<64x64x64xf32>
    %convert_element_type3A_155 = arith.truncf %sub3A_16 : vector<64x64xf32> to vector<64x64xbf16>
    %convert_element_type3A_156 = arith.extf %convert_element_type3A_155 : vector<64x64xbf16> to vector<64x64xf32>
    %broadcast_in_dim3A_157 = vector.shape_cast %convert_element_type3A_156 : vector<64x64xf32> to vector<64x64x1xf32>
    %get3A_158 = arith.constant 6 : index
    %get3A_159 = arith.constant 0 : index
    %get3A_160 = vector.load %arg5[%get3A_158, %get3A_159] : memref<14x64xf32, #tpu.memory_space<vmem>>, vector<1x64xf32>
    %get3A_161 = vector.shape_cast %get3A_160 : vector<1x64xf32> to vector<64xf32>
    %convert_element_type3A_162 = arith.truncf %get3A_161 : vector<64xf32> to vector<64xbf16>
    %convert_element_type3A_163 = arith.extf %convert_element_type3A_162 : vector<64xbf16> to vector<64xf32>
    %broadcast_in_dim3A_164 = vector.shape_cast %convert_element_type3A_163 : vector<64xf32> to vector<1x1x64xf32>
    %mul3A_165 = vector.broadcast %broadcast_in_dim3A_157 : vector<64x64x1xf32> to vector<64x64x64xf32>
    %mul3A_166 = vector.broadcast %broadcast_in_dim3A_164 : vector<1x1x64xf32> to vector<64x64x64xf32>
    %mul3A_167 = arith.mulf %mul3A_165, %mul3A_166 : vector<64x64x64xf32>
    %add3A_168 = arith.addf %add3A_154, %mul3A_167 : vector<64x64x64xf32>
    %convert_element_type3A_169 = arith.truncf %sub3A_21 : vector<64x64xf32> to vector<64x64xbf16>
    %convert_element_type3A_170 = arith.extf %convert_element_type3A_169 : vector<64x64xbf16> to vector<64x64xf32>
    %broadcast_in_dim3A_171 = vector.shape_cast %convert_element_type3A_170 : vector<64x64xf32> to vector<64x64x1xf32>
    %get3A_172 = arith.constant 7 : index
    %get3A_173 = arith.constant 0 : index
    %get3A_174 = vector.load %arg5[%get3A_172, %get3A_173] : memref<14x64xf32, #tpu.memory_space<vmem>>, vector<1x64xf32>
    %get3A_175 = vector.shape_cast %get3A_174 : vector<1x64xf32> to vector<64xf32>
    %convert_element_type3A_176 = arith.truncf %get3A_175 : vector<64xf32> to vector<64xbf16>
    %convert_element_type3A_177 = arith.extf %convert_element_type3A_176 : vector<64xbf16> to vector<64xf32>
    %broadcast_in_dim3A_178 = vector.shape_cast %convert_element_type3A_177 : vector<64xf32> to vector<1x1x64xf32>
    %mul3A_179 = vector.broadcast %broadcast_in_dim3A_171 : vector<64x64x1xf32> to vector<64x64x64xf32>
    %mul3A_180 = vector.broadcast %broadcast_in_dim3A_178 : vector<1x1x64xf32> to vector<64x64x64xf32>
    %mul3A_181 = arith.mulf %mul3A_179, %mul3A_180 : vector<64x64x64xf32>
    %add3A_182 = arith.addf %add3A_168, %mul3A_181 : vector<64x64x64xf32>
    %convert_element_type3A_183 = arith.truncf %sub3A_26 : vector<64x64xf32> to vector<64x64xbf16>
    %convert_element_type3A_184 = arith.extf %convert_element_type3A_183 : vector<64x64xbf16> to vector<64x64xf32>
    %broadcast_in_dim3A_185 = vector.shape_cast %convert_element_type3A_184 : vector<64x64xf32> to vector<64x64x1xf32>
    %get3A_186 = arith.constant 8 : index
    %get3A_187 = arith.constant 0 : index
    %get3A_188 = vector.load %arg5[%get3A_186, %get3A_187] : memref<14x64xf32, #tpu.memory_space<vmem>>, vector<1x64xf32>
    %get3A_189 = vector.shape_cast %get3A_188 : vector<1x64xf32> to vector<64xf32>
    %convert_element_type3A_190 = arith.truncf %get3A_189 : vector<64xf32> to vector<64xbf16>
    %convert_element_type3A_191 = arith.extf %convert_element_type3A_190 : vector<64xbf16> to vector<64xf32>
    %broadcast_in_dim3A_192 = vector.shape_cast %convert_element_type3A_191 : vector<64xf32> to vector<1x1x64xf32>
    %mul3A_193 = vector.broadcast %broadcast_in_dim3A_185 : vector<64x64x1xf32> to vector<64x64x64xf32>
    %mul3A_194 = vector.broadcast %broadcast_in_dim3A_192 : vector<1x1x64xf32> to vector<64x64x64xf32>
    %mul3A_195 = arith.mulf %mul3A_193, %mul3A_194 : vector<64x64x64xf32>
    %add3A_196 = arith.addf %add3A_182, %mul3A_195 : vector<64x64x64xf32>
    %convert_element_type3A_197 = arith.truncf %sqrt3A : vector<64x64xf32> to vector<64x64xbf16>
    %convert_element_type3A_198 = arith.extf %convert_element_type3A_197 : vector<64x64xbf16> to vector<64x64xf32>
    %broadcast_in_dim3A_199 = vector.shape_cast %convert_element_type3A_198 : vector<64x64xf32> to vector<64x64x1xf32>
    %get3A_200 = arith.constant 9 : index
    %get3A_201 = arith.constant 0 : index
    %get3A_202 = vector.load %arg5[%get3A_200, %get3A_201] : memref<14x64xf32, #tpu.memory_space<vmem>>, vector<1x64xf32>
    %get3A_203 = vector.shape_cast %get3A_202 : vector<1x64xf32> to vector<64xf32>
    %convert_element_type3A_204 = arith.truncf %get3A_203 : vector<64xf32> to vector<64xbf16>
    %convert_element_type3A_205 = arith.extf %convert_element_type3A_204 : vector<64xbf16> to vector<64xf32>
    %broadcast_in_dim3A_206 = vector.shape_cast %convert_element_type3A_205 : vector<64xf32> to vector<1x1x64xf32>
    %mul3A_207 = vector.broadcast %broadcast_in_dim3A_199 : vector<64x64x1xf32> to vector<64x64x64xf32>
    %mul3A_208 = vector.broadcast %broadcast_in_dim3A_206 : vector<1x1x64xf32> to vector<64x64x64xf32>
    %mul3A_209 = arith.mulf %mul3A_207, %mul3A_208 : vector<64x64x64xf32>
    %add3A_210 = arith.addf %add3A_196, %mul3A_209 : vector<64x64x64xf32>
    %convert_element_type3A_211 = arith.truncf %mul3A_38 : vector<64x64xf32> to vector<64x64xbf16>
    %convert_element_type3A_212 = arith.extf %convert_element_type3A_211 : vector<64x64xbf16> to vector<64x64xf32>
    %broadcast_in_dim3A_213 = vector.shape_cast %convert_element_type3A_212 : vector<64x64xf32> to vector<64x64x1xf32>
    %get3A_214 = arith.constant 10 : index
    %get3A_215 = arith.constant 0 : index
    %get3A_216 = vector.load %arg5[%get3A_214, %get3A_215] : memref<14x64xf32, #tpu.memory_space<vmem>>, vector<1x64xf32>
    %get3A_217 = vector.shape_cast %get3A_216 : vector<1x64xf32> to vector<64xf32>
    %convert_element_type3A_218 = arith.truncf %get3A_217 : vector<64xf32> to vector<64xbf16>
    %convert_element_type3A_219 = arith.extf %convert_element_type3A_218 : vector<64xbf16> to vector<64xf32>
    %broadcast_in_dim3A_220 = vector.shape_cast %convert_element_type3A_219 : vector<64xf32> to vector<1x1x64xf32>
    %mul3A_221 = vector.broadcast %broadcast_in_dim3A_213 : vector<64x64x1xf32> to vector<64x64x64xf32>
    %mul3A_222 = vector.broadcast %broadcast_in_dim3A_220 : vector<1x1x64xf32> to vector<64x64x64xf32>
    %mul3A_223 = arith.mulf %mul3A_221, %mul3A_222 : vector<64x64x64xf32>
    %add3A_224 = arith.addf %add3A_210, %mul3A_223 : vector<64x64x64xf32>
    %convert_element_type3A_225 = arith.truncf %mul3A_39 : vector<64x64xf32> to vector<64x64xbf16>
    %convert_element_type3A_226 = arith.extf %convert_element_type3A_225 : vector<64x64xbf16> to vector<64x64xf32>
    %broadcast_in_dim3A_227 = vector.shape_cast %convert_element_type3A_226 : vector<64x64xf32> to vector<64x64x1xf32>
    %get3A_228 = arith.constant 11 : index
    %get3A_229 = arith.constant 0 : index
    %get3A_230 = vector.load %arg5[%get3A_228, %get3A_229] : memref<14x64xf32, #tpu.memory_space<vmem>>, vector<1x64xf32>
    %get3A_231 = vector.shape_cast %get3A_230 : vector<1x64xf32> to vector<64xf32>
    %convert_element_type3A_232 = arith.truncf %get3A_231 : vector<64xf32> to vector<64xbf16>
    %convert_element_type3A_233 = arith.extf %convert_element_type3A_232 : vector<64xbf16> to vector<64xf32>
    %broadcast_in_dim3A_234 = vector.shape_cast %convert_element_type3A_233 : vector<64xf32> to vector<1x1x64xf32>
    %mul3A_235 = vector.broadcast %broadcast_in_dim3A_227 : vector<64x64x1xf32> to vector<64x64x64xf32>
    %mul3A_236 = vector.broadcast %broadcast_in_dim3A_234 : vector<1x1x64xf32> to vector<64x64x64xf32>
    %mul3A_237 = arith.mulf %mul3A_235, %mul3A_236 : vector<64x64x64xf32>
    %add3A_238 = arith.addf %add3A_224, %mul3A_237 : vector<64x64x64xf32>
    %convert_element_type3A_239 = arith.truncf %mul3A_40 : vector<64x64xf32> to vector<64x64xbf16>
    %convert_element_type3A_240 = arith.extf %convert_element_type3A_239 : vector<64x64xbf16> to vector<64x64xf32>
    %broadcast_in_dim3A_241 = vector.shape_cast %convert_element_type3A_240 : vector<64x64xf32> to vector<64x64x1xf32>
    %get3A_242 = arith.constant 12 : index
    %get3A_243 = arith.constant 0 : index
    %get3A_244 = vector.load %arg5[%get3A_242, %get3A_243] : memref<14x64xf32, #tpu.memory_space<vmem>>, vector<1x64xf32>
    %get3A_245 = vector.shape_cast %get3A_244 : vector<1x64xf32> to vector<64xf32>
    %convert_element_type3A_246 = arith.truncf %get3A_245 : vector<64xf32> to vector<64xbf16>
    %convert_element_type3A_247 = arith.extf %convert_element_type3A_246 : vector<64xbf16> to vector<64xf32>
    %broadcast_in_dim3A_248 = vector.shape_cast %convert_element_type3A_247 : vector<64xf32> to vector<1x1x64xf32>
    %mul3A_249 = vector.broadcast %broadcast_in_dim3A_241 : vector<64x64x1xf32> to vector<64x64x64xf32>
    %mul3A_250 = vector.broadcast %broadcast_in_dim3A_248 : vector<1x1x64xf32> to vector<64x64x64xf32>
    %mul3A_251 = arith.mulf %mul3A_249, %mul3A_250 : vector<64x64x64xf32>
    %add3A_252 = arith.addf %add3A_238, %mul3A_251 : vector<64x64x64xf32>
    %convert_element_type3A_253 = arith.truncf %add3A_63 : vector<64x64xf32> to vector<64x64xbf16>
    %convert_element_type3A_254 = arith.extf %convert_element_type3A_253 : vector<64x64xbf16> to vector<64x64xf32>
    %broadcast_in_dim3A_255 = vector.shape_cast %convert_element_type3A_254 : vector<64x64xf32> to vector<64x64x1xf32>
    %get3A_256 = arith.constant 13 : index
    %get3A_257 = arith.constant 0 : index
    %get3A_258 = vector.load %arg5[%get3A_256, %get3A_257] : memref<14x64xf32, #tpu.memory_space<vmem>>, vector<1x64xf32>
    %get3A_259 = vector.shape_cast %get3A_258 : vector<1x64xf32> to vector<64xf32>
    %convert_element_type3A_260 = arith.truncf %get3A_259 : vector<64xf32> to vector<64xbf16>
    %convert_element_type3A_261 = arith.extf %convert_element_type3A_260 : vector<64xbf16> to vector<64xf32>
    %broadcast_in_dim3A_262 = vector.shape_cast %convert_element_type3A_261 : vector<64xf32> to vector<1x1x64xf32>
    %mul3A_263 = vector.broadcast %broadcast_in_dim3A_255 : vector<64x64x1xf32> to vector<64x64x64xf32>
    %mul3A_264 = vector.broadcast %broadcast_in_dim3A_262 : vector<1x1x64xf32> to vector<64x64x64xf32>
    %mul3A_265 = arith.mulf %mul3A_263, %mul3A_264 : vector<64x64x64xf32>
    %add3A_266 = arith.addf %add3A_252, %mul3A_265 : vector<64x64x64xf32>
    %reduce_max3A = arith.constant dense<0xFF800000> : vector<64x64xf32>
    %reduce_max3A_267 = vector.multi_reduction <maximumf>, %add3A_266, %reduce_max3A [1] : vector<64x64x64xf32> to vector<64x64xf32>
    %swap3A = arith.constant 0 : index
    %swap3A_268 = arith.constant 0 : index
    %swap3A_269 = vector.load %arg6[%swap3A, %swap3A_268] : memref<64x64xf32, #tpu.memory_space<vmem>>, vector<64x64xf32>
    tpu.vector_store %arg6[%swap3A, %swap3A_268], %reduce_max3A_267 {strides = array<i32>} : memref<64x64xf32, #tpu.memory_space<vmem>>, vector<64x64xf32>,
    %reduce_sum3A = arith.constant dense<0.000000e+00> : vector<64x64xf32>
    %reduce_sum3A_270 = vector.multi_reduction <add>, %add3A_266, %reduce_sum3A [1] : vector<64x64x64xf32> to vector<64x64xf32>
    %swap3A_271 = arith.constant 0 : index
    %swap3A_272 = arith.constant 0 : index
    %swap3A_273 = vector.load %arg7[%swap3A_271, %swap3A_272] : memref<64x64xf32, #tpu.memory_space<vmem>>, vector<64x64xf32>
    tpu.vector_store %arg7[%swap3A_271, %swap3A_272], %reduce_sum3A_270 {strides = array<i32>} : memref<64x64xf32, #tpu.memory_space<vmem>>, vector<64x64xf32>,
    %mul3A_274 = arith.mulf %add3A_266, %add3A_266 : vector<64x64x64xf32>
    %reduce_sum3A_275 = arith.constant dense<0.000000e+00> : vector<64x64xf32>
    %reduce_sum3A_276 = vector.multi_reduction <add>, %mul3A_274, %reduce_sum3A_275 [1] : vector<64x64x64xf32> to vector<64x64xf32>
    %swap3A_277 = arith.constant 0 : index
    %swap3A_278 = arith.constant 0 : index
    %swap3A_279 = vector.load %arg8[%swap3A_277, %swap3A_278] : memref<64x64xf32, #tpu.memory_space<vmem>>, vector<64x64xf32>
    tpu.vector_store %arg8[%swap3A_277, %swap3A_278], %reduce_sum3A_276 {strides = array<i32>} : memref<64x64xf32, #tpu.memory_space<vmem>>, vector<64x64xf32>,
    return
  }
  func.func @transform_0(%arg0: i32) -> (i32, i32) {
    %c0_i32 = arith.constant 0 : i32
    %c0_i32_0 = arith.constant 0 : i32
    return %arg0, %c0_i32 : i32, i32
  }
  func.func @transform_1(%arg0: i32) -> (i32, i32) {
    %c0_i32 = arith.constant 0 : i32
    %c0_i32_0 = arith.constant 0 : i32
    return %arg0, %c0_i32 : i32, i32
  }
  func.func @transform_2(%arg0: i32) -> (i32, i32) {
    %c0_i32 = arith.constant 0 : i32
    %c0_i32_0 = arith.constant 0 : i32
    return %arg0, %c0_i32 : i32, i32
  }
  func.func @transform_3(%arg0: i32) -> (i32, i32) {
    %c0_i32 = arith.constant 0 : i32
    %c0_i32_0 = arith.constant 0 : i32
    return %arg0, %c0_i32 : i32, i32
  }
  func.func @transform_4(%arg0: i32) -> (i32, i32) {
    %c0_i32 = arith.constant 0 : i32
    %c0_i32_0 = arith.constant 0 : i32
    %c0_i32_1 = arith.constant 0 : i32
    return %c0_i32, %c0_i32_0 : i32, i32
  }
  func.func @transform_5(%arg0: i32) -> (i32, i32) {
    %c0_i32 = arith.constant 0 : i32
    %c0_i32_0 = arith.constant 0 : i32
    return %arg0, %c0_i32 : i32, i32
  }
  func.func @transform_6(%arg0: i32) -> (i32, i32) {
    %c0_i32 = arith.constant 0 : i32
    %c0_i32_0 = arith.constant 0 : i32
    return %arg0, %c0_i32 : i32, i32
  }
  func.func @transform_7(%arg0: i32) -> (i32, i32) {
    %c0_i32 = arith.constant 0 : i32
    %c0_i32_0 = arith.constant 0 : i32
    return %arg0, %c0_i32 : i32, i32
  }
}

module attributes {stable_mosaic.version = 14 : i64} {
  func.func @_mm_body(%arg0: i32, %arg1: memref<512x128xf32, #tpu.memory_space<vmem>>, %arg2: memref<128x128xf32, #tpu.memory_space<vmem>>, %arg3: memref<1x128xf32, #tpu.memory_space<vmem>>, %arg4: memref<512x128xf32, #tpu.memory_space<vmem>>) attributes {dimension_semantics = [#tpu.dimension_semantics<arbitrary>], iteration_bounds = array<i64: 32>, scalar_prefetch = 0 : i64, scratch_operands = 0 : i64, tpu.core_type = #tpu.core_type<tc>, window_params = [{transform_indices = @transform_0, window_bounds = array<i64: 512, 128>}, {pipeline_mode = #tpu.pipeline_mode<synchronous>, transform_indices = @transform_1, window_bounds = array<i64: 128, 128>}, {pipeline_mode = #tpu.pipeline_mode<synchronous>, transform_indices = @transform_2, window_bounds = array<i64: 1, 128>}, {transform_indices = @transform_3, window_bounds = array<i64: 512, 128>}]} {
    %get3A = arith.constant 0 : index
    %get3A_0 = arith.constant 0 : index
    %get3A_1 = vector.load %arg1[%get3A, %get3A_0] : memref<512x128xf32, #tpu.memory_space<vmem>>, vector<512x128xf32>
    %convert_element_type3A = arith.truncf %get3A_1 : vector<512x128xf32> to vector<512x128xbf16>
    %convert_element_type3A_2 = arith.extf %convert_element_type3A : vector<512x128xbf16> to vector<512x128xf32>
    %get3A_3 = arith.constant 0 : index
    %get3A_4 = arith.constant 0 : index
    %get3A_5 = vector.load %arg2[%get3A_3, %get3A_4] : memref<128x128xf32, #tpu.memory_space<vmem>>, vector<128x128xf32>
    %dot_general3A = arith.constant dense<0.000000e+00> : vector<512x128xf32>
    %dot_general3A_6 = tpu.matmul %convert_element_type3A_2, %get3A_5, %dot_general3A {dimension_numbers = #tpu.dot_dimension_numbers<[1], [0], [0], [1], [0, 0, 1, 1], [], []>, transpose_lhs_hint = false} : vector<512x128xf32>, vector<128x128xf32>, vector<512x128xf32> -> vector<512x128xf32>
    %get3A_7 = arith.constant 0 : index
    %get3A_8 = arith.constant 0 : index
    %get3A_9 = vector.load %arg3[%get3A_7, %get3A_8] : memref<1x128xf32, #tpu.memory_space<vmem>>, vector<1x128xf32>
    %add3A = vector.broadcast %get3A_9 : vector<1x128xf32> to vector<512x128xf32>
    %add3A_10 = arith.addf %dot_general3A_6, %add3A : vector<512x128xf32>
    %swap3A = arith.constant 0 : index
    %swap3A_11 = arith.constant 0 : index
    %swap3A_12 = vector.load %arg4[%swap3A, %swap3A_11] : memref<512x128xf32, #tpu.memory_space<vmem>>, vector<512x128xf32>
    tpu.vector_store %arg4[%swap3A, %swap3A_11], %add3A_10 {strides = array<i32>} : memref<512x128xf32, #tpu.memory_space<vmem>>, vector<512x128xf32>,
    return
  }
  func.func @transform_0(%arg0: i32) -> (i32, i32) {
    %c0_i32 = arith.constant 0 : i32
    %c0_i32_0 = arith.constant 0 : i32
    return %arg0, %c0_i32 : i32, i32
  }
  func.func @transform_1(%arg0: i32) -> (i32, i32) {
    %c0_i32 = arith.constant 0 : i32
    %c0_i32_0 = arith.constant 0 : i32
    %c0_i32_1 = arith.constant 0 : i32
    return %c0_i32, %c0_i32_0 : i32, i32
  }
  func.func @transform_2(%arg0: i32) -> (i32, i32) {
    %c0_i32 = arith.constant 0 : i32
    %c0_i32_0 = arith.constant 0 : i32
    %c0_i32_1 = arith.constant 0 : i32
    return %c0_i32, %c0_i32_0 : i32, i32
  }
  func.func @transform_3(%arg0: i32) -> (i32, i32) {
    %c0_i32 = arith.constant 0 : i32
    %c0_i32_0 = arith.constant 0 : i32
    return %arg0, %c0_i32 : i32, i32
  }
}

module attributes {stable_mosaic.version = 14 : i64} {
  func.func @_mm_body(%arg0: i32, %arg1: memref<512x128xf32, #tpu.memory_space<vmem>>, %arg2: memref<128x128xf32, #tpu.memory_space<vmem>>, %arg3: memref<1x128xf32, #tpu.memory_space<vmem>>, %arg4: memref<512x128xf32, #tpu.memory_space<vmem>>) attributes {dimension_semantics = [#tpu.dimension_semantics<arbitrary>], iteration_bounds = array<i64: 8>, scalar_prefetch = 0 : i64, scratch_operands = 0 : i64, tpu.core_type = #tpu.core_type<tc>, window_params = [{transform_indices = @transform_0, window_bounds = array<i64: 512, 128>}, {pipeline_mode = #tpu.pipeline_mode<synchronous>, transform_indices = @transform_1, window_bounds = array<i64: 128, 128>}, {pipeline_mode = #tpu.pipeline_mode<synchronous>, transform_indices = @transform_2, window_bounds = array<i64: 1, 128>}, {transform_indices = @transform_3, window_bounds = array<i64: 512, 128>}]} {
    %get3A = arith.constant 0 : index
    %get3A_0 = arith.constant 0 : index
    %get3A_1 = vector.load %arg1[%get3A, %get3A_0] : memref<512x128xf32, #tpu.memory_space<vmem>>, vector<512x128xf32>
    %convert_element_type3A = arith.truncf %get3A_1 : vector<512x128xf32> to vector<512x128xbf16>
    %convert_element_type3A_2 = arith.extf %convert_element_type3A : vector<512x128xbf16> to vector<512x128xf32>
    %get3A_3 = arith.constant 0 : index
    %get3A_4 = arith.constant 0 : index
    %get3A_5 = vector.load %arg2[%get3A_3, %get3A_4] : memref<128x128xf32, #tpu.memory_space<vmem>>, vector<128x128xf32>
    %dot_general3A = arith.constant dense<0.000000e+00> : vector<512x128xf32>
    %dot_general3A_6 = tpu.matmul %convert_element_type3A_2, %get3A_5, %dot_general3A {dimension_numbers = #tpu.dot_dimension_numbers<[1], [0], [0], [1], [0, 0, 1, 1], [], []>, transpose_lhs_hint = false} : vector<512x128xf32>, vector<128x128xf32>, vector<512x128xf32> -> vector<512x128xf32>
    %get3A_7 = arith.constant 0 : index
    %get3A_8 = arith.constant 0 : index
    %get3A_9 = vector.load %arg3[%get3A_7, %get3A_8] : memref<1x128xf32, #tpu.memory_space<vmem>>, vector<1x128xf32>
    %add3A = vector.broadcast %get3A_9 : vector<1x128xf32> to vector<512x128xf32>
    %add3A_10 = arith.addf %dot_general3A_6, %add3A : vector<512x128xf32>
    %swap3A = arith.constant 0 : index
    %swap3A_11 = arith.constant 0 : index
    %swap3A_12 = vector.load %arg4[%swap3A, %swap3A_11] : memref<512x128xf32, #tpu.memory_space<vmem>>, vector<512x128xf32>
    tpu.vector_store %arg4[%swap3A, %swap3A_11], %add3A_10 {strides = array<i32>} : memref<512x128xf32, #tpu.memory_space<vmem>>, vector<512x128xf32>,
    return
  }
  func.func @transform_0(%arg0: i32) -> (i32, i32) {
    %c0_i32 = arith.constant 0 : i32
    %c0_i32_0 = arith.constant 0 : i32
    return %arg0, %c0_i32 : i32, i32
  }
  func.func @transform_1(%arg0: i32) -> (i32, i32) {
    %c0_i32 = arith.constant 0 : i32
    %c0_i32_0 = arith.constant 0 : i32
    %c0_i32_1 = arith.constant 0 : i32
    return %c0_i32, %c0_i32_0 : i32, i32
  }
  func.func @transform_2(%arg0: i32) -> (i32, i32) {
    %c0_i32 = arith.constant 0 : i32
    %c0_i32_0 = arith.constant 0 : i32
    %c0_i32_1 = arith.constant 0 : i32
    return %c0_i32, %c0_i32_0 : i32, i32
  }
  func.func @transform_3(%arg0: i32) -> (i32, i32) {
    %c0_i32 = arith.constant 0 : i32
    %c0_i32_0 = arith.constant 0 : i32
    return %arg0, %c0_i32 : i32, i32
  }
}

</mosaic_0001>

<sc_bundles>
// kernel: gather_offload_async_start.1
scs
__scs_entry_jumppad:
0x0: {  	(pc) =	sbr.rel $0x88, $3  }
0x1: {  	(tag) =	ssettag $0x0;
	lr =	simm.s32 $0x1  }
0x2: {  	[smem:$0x3F7B] =	sst lr;
	_ =	strace $0xD0000000  }
0x3: {  	_ = 	snop  }
0x4: {  	_ = 	snop  }
0x5: {  	_ = 	snop  }
0x6: {  	_ = 	snop  }
0x7: {  	_ = 	snop  }
__scs_overlays_trampoline_lowered:
0x8: {  	[smem:$0x3F8A] =	sst s0  }
0x9: {  	[smem:$0x3F8B] =	sst s1  }
0xa: {  	[smem:$0x3F8C] =	sst s2  }
0xb: {  	[smem:$0x3F8D] =	sst s3  }
0xc: {  	[smem:$0x3F8E] =	sst s4  }
0xd: {  	[smem:$0x3F8F] =	sst s5  }
0xe: {  	[smem:$0x3F90] =	sst s6  }
0xf: {  	[smem:$0x3F91] =	sst s7  }
0x10: {  	[smem:$0x3F92] =	sst s8  }
0x11: {  	[smem:$0x3F93] =	sst s9;
	s0 =	simm.s32 @!p0 $0x0  }
0x12: {  	s1 =	sld [smem:$0x3F79];
	s0 =	simm.s32 @p0 $0x1  }
0x13: {  	[smem:$0x3F94] =	sst s0;
	s0 =	simm.s32 @!p1 $0x0  }
0x14: {  	s2 =	sld [smem:$0x3F78];
	s0 =	simm.s32 @p1 $0x1  }
0x15: {  	[smem:$0x3F95] =	sst s0;
	s0 =	simm.s32 @!p2 $0x0  }
0x16: {  	s3 =	sld [smem:$0x3FDB];
	s0 =	simm.s32 @p2 $0x1  }
0x17: {  	s4 =	simm.s32 $0x1BF5;
	[smem:$0x3F97] =	sst s0  }
0x18: {  	s0 =	sld [smem:$0x3F7A];
	_ =	swait.ge [sflag:s4], $0x0  }
0x19: {  	s7 =	sld [smem:$0x3F7B]  }
0x1a: {  	s8 =	sadd.s32 $0xFFFFE003, lr  }
0x1b: {  	s9 =	sadd.s32 $0xFFFFFEF7, lr;
	s5 =	simm.s32 $0xFFFFFFFF;
	p2 =	slt.u32 s8, $0xFFFFF086  }
0x1c: {  	p1 =	slt.u32 s9, $0xF7A;
	s5 =	simm.s32 @!p2 $0x0  }
0x1d: {  	s5 =	simm.s32 @p1 $0x1;
	p0 =	seq.s32 s7, s2  }
0x1e: {  	s7 =	smul.u32 @!p0 $0xF7A, s2;
	p2 =	seq.s32 @!p0 s5, $0x0  }
0x1f: {  	s9 =	smul.u32 $0xF7A, s1;
	s8 =	simm.s32 @!p0 $0x1BF5;
	p2 =	por !p2, p0  }
0x20: {  	[sflag:s8] =	ssyncset.s32 @!p0 $0xFFFFF086;
	s6 =	sadd.s32 @!p0 s3, s7;
	s7 =	simm.s32 @!p0 $0x108  }
0x21: {  	s3 =	sadd.s32 s3, s9;
	s6 =	sadd.s32 @!p0 $0x88, s6;
	s7 =	simm.s32 @p2 $0x1082  }
0x22: {  	[simem:s7], [sflag:s8] =	dma.local @!p0 [hbm:s6], $0xF7A  }
0x23: {  	s9 =	sor.u32 $0xD0000000, s2;
	s6 =	simm.s32 $0x108;
	_ =	swait.ge @!p0 [sflag:s8], $0x0  }
0x24: {  	s3 =	sadd.s32 $0x88, s3;
	s6 =	simm.s32 @!p1 $0x1082;
	[sflag:s4] =	ssyncset.s32 $0xFFFFF086  }
0x25: {  	[simem:s6], [sflag:s4] =	dma.local [hbm:s3], $0xF7A  }
0x26: {  	[smem:$0x3F7B] =	sst s1;
	(tag) =	ssettag s2;
	_ =	strace s9  }
0x27: {  	s1 =	sld [smem:$0x3F8B]  }
0x28: {  	s2 =	sld [smem:$0x3F8C]  }
0x29: {  	s4 =	sld [smem:$0x3F8E]  }
0x2a: {  	p0 =	seq.s32 s5, $0x0;
	s5 =	sld [smem:$0x3F8F]  }
0x2b: {  	s6 =	sld [smem:$0x3F90]  }
0x2c: {  	s7 =	sld [smem:$0x3F91]  }
0x2d: {  	s3 =	simm.s32 $0x108;
	s8 =	sld [smem:$0x3F92]  }
0x2e: {  	s3 =	simm.s32 @!p0 $0x1082;
	s9 =	sld [smem:$0x3F93]  }
0x2f: {  	lr =	sadd.s32 s0, s3;
	s0 =	sld [smem:$0x3F8A]  }
0x30: {  	s3 =	sld [smem:$0x3F8D]  }
0x31: {  	[smem:$0x3F96] =	sst s10  }
0x32: {  	s10 =	sld [smem:$0x3F94];
	_ =	sdelay $0x3  }
0x33: {  	p0 =	seq.s32 s10, $0x1;
	s10 =	sld [smem:$0x3F96];
	_ =	sdelay $0x3  }
0x34: {  	[smem:$0x3F96] =	sst s10  }
0x35: {  	s10 =	sld [smem:$0x3F95];
	_ =	sdelay $0x3  }
0x36: {  	p1 =	seq.s32 s10, $0x1;
	s10 =	sld [smem:$0x3F96];
	_ =	sdelay $0x3  }
0x37: {  	[smem:$0x3F96] =	sst s10  }
0x38: {  	s10 =	sld [smem:$0x3F97]  }
0x39: {  	_ = 	snop;
	(pc) =	sbr.ind lr, $3  }
0x3a: {  	_ = 	snop  }
0x3b: {  	_ = 	snop  }
0x3c: {  	p2 =	seq.s32 s10, $0x1;
	s10 =	sld [smem:$0x3F96]  }
0x3d: {  	_ =	shalt  }
0x3e: {  	_ =	shalt  }
0x3f: {  	_ =	shalt  }
0x40: {  	_ =	shalt  }
0x41: {  	_ =	shalt  }
0x42: {  	_ =	shalt  }
0x43: {  	_ =	shalt  }
0x44: {  	_ =	shalt  }
0x45: {  	_ =	shalt  }
0x46: {  	_ =	shalt  }
0x47: {  	_ =	shalt  }
0x48: {  	_ =	shalt  }
0x49: {  	_ =	shalt  }
0x4a: {  	_ =	shalt  }
0x4b: {  	_ =	shalt  }
0x4c: {  	_ =	shalt  }
0x4d: {  	_ =	shalt  }
0x4e: {  	_ =	shalt  }
0x4f: {  	_ =	shalt  }
0x50: {  	_ =	shalt  }
0x51: {  	_ =	shalt  }
0x52: {  	_ =	shalt  }
0x53: {  	_ =	shalt  }
0x54: {  	_ =	shalt  }
0x55: {  	_ =	shalt  }
0x56: {  	_ =	shalt  }
0x57: {  	_ =	shalt  }
0x58: {  	_ =	shalt  }
0x59: {  	_ =	shalt  }
0x5a: {  	_ =	shalt  }
0x5b: {  	_ =	shalt  }
0x5c: {  	_ =	shalt  }
0x5d: {  	_ =	shalt  }
0x5e: {  	_ =	shalt  }
0x5f: {  	_ =	shalt  }
0x60: {  	_ =	shalt  }
0x61: {  	_ =	shalt  }
0x62: {  	_ =	shalt  }
0x63: {  	_ =	shalt  }
0x64: {  	_ =	shalt  }
0x65: {  	_ =	shalt  }
0x66: {  	_ =	shalt  }
0x67: {  	_ =	shalt  }
0x68: {  	_ =	shalt  }
0x69: {  	_ =	shalt  }
0x6a: {  	_ =	shalt  }
0x6b: {  	_ =	shalt  }
0x6c: {  	_ =	shalt  }
0x6d: {  	_ =	shalt  }
0x6e: {  	_ =	shalt  }
0x6f: {  	_ =	shalt  }
0x70: {  	_ =	shalt  }
0x71: {  	_ =	shalt  }
0x72: {  	_ =	shalt  }
0x73: {  	_ =	shalt  }
0x74: {  	_ =	shalt  }
0x75: {  	_ =	shalt  }
0x76: {  	_ =	shalt  }
0x77: {  	_ =	shalt  }
0x78: {  	_ =	shalt  }
0x79: {  	_ =	shalt  }
0x7a: {  	_ =	shalt  }
0x7b: {  	_ =	shalt  }
0x7c: {  	_ =	shalt  }
0x7d: {  	_ =	shalt  }
0x7e: {  	_ =	shalt  }
0x7f: {  	_ =	shalt  }
0x80: {  	_ =	shalt  }
0x81: {  	_ =	shalt  }
0x82: {  	_ =	shalt  }
0x83: {  	_ =	shalt  }
0x84: {  	_ =	shalt  }
0x85: {  	_ =	shalt  }
0x86: {  	_ =	shalt  }
0x87: {  	_ =	shalt  }
.Lfunc_end0:
.L_simem_size_0:
called_computation.2_lowered:
.L_overlay_start_0:
0x88: {  	s2 =	sld [smem:$0x3FD9]  }
0x89: {  	s3 =	sld [smem:$0x3FFE];
	_ =	sdelay $0x1  }
0x8a: {  	s1 =	srdreg.scid  }
0x8b: {  	s0 =	sand.u32 $0x1, s1  }
0x8c: {  	s16 =	sshll.u32 s0, $0xA;
	s2 =	sadd.s32 s3, s2  }
0x8d: {  	s2 =	sadd.s32 s2, s16  }
0x8e: {  	[smem:$0x3FA2] =	sst s2  }
0x8f: {  	_ = 	snop  }
0x90: {  	(tm) =	ssettm $0x1  }
0x91: {  	s17 =	sld [smem:$0x3FFB];
	_ =	sdelay $0x3  }
0x92: {  	_ =	strace s17  }
0x93: {  	s2 =	sld [smem:$0x3FFC];
	_ =	sdelay $0x3  }
0x94: {  	_ =	strace s2  }
0x95: {  	s2 =	sld [smem:$0x3FFD];
	_ =	sdelay $0x3  }
0x96: {  	_ =	strace s2  }
0x97: {  	_ =	strace $0x8FFFFFFF  }
0x98: {  	s18 =	sld [smem:$0x3FDB];
	_ =	sdelay $0x1  }
0x99: {  	s19 =	simm.s32 $_scs_section_size  }
0x9a: {  	s4 =	simm.s32 $_size__tile_overlayer_lowered;
	s5 =	simm.s32 $_tile_overlayer_lowered  }
0x9b: {  	s22 =	simm.s32 $0x1BFF;
	s21 =	sshll.u32 s5, $0x1;
	s2 =	sadd.s32 s19, s18  }
0x9c: {  	s6 =	simm.s32 $0x0;
	s20 =	sshll.u32 s4, $0x1;
	s4 =	sadd.s32 s21, s2  }
0x9d: {  	[timem:s6], [sflag:s22] =	dma.local [hbm:s4], s20  }
0x9e: {  	_ =	swait.ge [sflag:s22], s20  }
0x9f: {  	s3 =	ssub.s32 $0x0, s20;
	[sflag:s22] =	ssyncset.done $0x0  }
0xa0: {  	[sflag:s22] =	ssyncadd.s32 s3;
	_ =	sdelay $0x1  }
0xa1: {  	s23 =	simm.s32 $0x1B8B  }
0xa2: {  	_ =	swait.ge [sflag:s23], $0x1  }
0xa3: {  	[sflag:s23] =	ssyncset.done $0x0  }
0xa4: {  	s25 =	simm.s32 $0x1B8E;
	s24 =	sld [smem:$0x3FFE];
	[sflag:s23] =	ssyncadd.s32 $0xFFFFFFFF  }
0xa5: {  	s26 =	simm.s32 $execute0_lowered;
	[smem:$0x3FD2] =	sst s25  }
0xa6: {  	s4 =	sshll.u32 s26, $0x1;
	_ =	strace $0x8000004F;
	[dreg:$0x1] =	wrdreg $0xFFFFFFFF  }
0xa7: {  	s28 =	simm.s32 $_size_execute0_lowered;
	s2 =	sadd.s32 s2, s4;
	[dreg:$0x0] =	wrdreg $0x0  }
0xa8: {  	s4 =	sshll.u32 s28, $0x1;
	[dreg:$0x2] =	wrdreg s2  }
0xa9: {  	[dreg:$0x3] =	wrdreg s4  }
0xaa: {  	[dreg:$0x4] =	wrdreg $0xC0  }
0xab: {  	_ =	task [dreg:s6], $0x5FFFF  }
0xac: {  	[dreg:$0x1] =	wrdreg $0xFFFFFFFF  }
0xad: {  	[dreg:$0x0] =	wrdreg $0x60  }
0xae: {  	[dreg:$0x2] =	wrdreg s24  }
0xaf: {  	[dreg:$0x3] =	wrdreg $0x9  }
0xb0: {  	_ =	task.clear_ibuf [dreg:s6], $0x4FFFF;
	_ =	strace $0x9000004F  }
0xb1: {  	s29 =	simm.s32 $0x9;
	_ =	strace $0x80000051  }
0xb2: {  	_ =	swait.ge [sflag:s29], $0x1  }
0xb3: {  	[sflag:s29] =	ssyncadd.s32 $0xFFFFFFFF  }
0xb4: {  	_ =	strace $0x90000051  }
0xb5: {  	_ =	sfence  }
0xb6: {  	s30 =	sld [smem:$0x0];
	_ =	sdelay $0x2  }
0xb7: {  	s31 =	sshll.u32 s1, $0xD;
	s1 =	sshrl.u32 s1, $0x2  }
0xb8: {  	s3 =	sand.u32 $0x4000, s31;
	s1 =	sadd.s32 s1, s30  }
0xb9: {  	s0 =	sor.u32 s3, s0;
	s1 =	sshll.u32 s1, $0x11  }
0xba: {  	s0 =	sor.u32 s1, s0  }
0xbb: {  	s0 =	sadd.s32 $0x8F2B, s0  }
0xbc: {  	[sflag:s0] =	ssyncadd.remote.s32 $0x1  }
0xbd: {  	_ =	sfence.sel $0xFFFF  }
0xbe: {  	[dreg:$0x0] =	wrdreg $0xFFFFFFFF;
	(pc) =	sbr.abs _section_cstart, $3  }
0xbf: {  	[dreg:$0x1] =	wrdreg $0xFFFFFFFF  }
0xc0: {  	_ =	task.clear_ibuf [dreg:s6], $0x2FFFF;
	_ =	strace $0x9FFFFFFF  }
0xc1: {  	(tm) =	ssettm $0x7FFFFFFF  }
tec
execute0_lowered:
.L_overlay_start_1:
0x0: {  	(tag) =	ssettag $0x1  }
0x1: {  	s7 =	rddreg [dreg:$0x0]  }
0x2: {  	s0 =	rddreg [dreg:$0x1];
	_ =	strace $0x80000050  }
0x3: {  	s1 =	srdreg.scid;
	s4 =	simm.s32 $0x1;
	s9 =	simm.s32 $0x3  }
0x4: {  	s12 =	simm.s32 $0x0;
	s10 =	simm.s32 $0x0;
	s5 =	sshll.u32 s1, $0x4  }
.Ltmp0:
0x5: {  	s1 =	stileid.u32;
	s5 =	sand.u32 $0x10, s5;
	(pc) =	sbr.rel .LBB2_1-.Ltmp0, $4  }
0x6: {  	s2 =	sadd.s32 $0x50800, s7;
	s3 =	sadd.s32 $0x840A00, s7;
	s6 =	sor.u32 s1, s5  }
0x7: {  	[sflag:s4] =	ssyncpa.u1 $0x0;
	s5 =	simm.s32 $0x2;
	s6 =	sshll.u32 s6, $0x7  }
0x8: {  	s7 =	sadd.s32 $0x8000, s7;
	[sflag:s5] =	ssyncpa.u1 $0x0;
	s8 =	sadd.s32 $0x80, s6  }
0x9: {  	vm0 =	vmmov $0xff;
	vm1 =	vcmask $0x3F20;
	[sflag:s9] =	ssyncpa.u1 $0x0;
	s9 =	simm.s32 $0x80;
	s11 =	smov.u32 s6  }
.LBB2_9:
0xa: {  	p0 =	seq.s32 s10, $0x2  }
.Ltmp1:
0xb: {  	_ = 	snop;
	(pc) =	sbr.rel @p0 .LBB2_11-.Ltmp1, $1  }
0xc: {  	_ =	sdelay $0x3  }
.LBB2_10:
0xd: {  	s12 =	sadd.s32 $0x80, s11  }
0xe: {  	s13 =	smov.u32 s6;
	p0 =	slt.s32 s12, s8  }
0xf: {  	s13 =	smov.u32 @p0 s12  }
0x10: {  	s10 =	sadd.s32 $0x1, s10;
	s12 =	smov.u32 s11;
	s11 =	smov.u32 s13  }
.LBB2_1:
0x11: {  	p0 =	sne.s32 s10, $0x0  }
.Ltmp2:
0x12: {  	_ = 	snop;
	(pc) =	sbr.rel @!p0 .LBB2_2-.Ltmp2, $1  }
0x13: {  	_ =	sdelay $0x3  }
0x14: {  	s13 =	sand.u32 $0x1, s10  }
0x15: {  	p0 =	seq.s32 s13, $0x0  }
.Ltmp3:
0x16: {  	_ = 	snop;
	(pc) =	sbr.rel @p0 .LBB2_9-.Ltmp3, $1  }
0x17: {  	_ =	sdelay $0x3  }
0x18: {  	_ =	swait.ge [sflag:s5], $0x80  }
0x19: {  	[sflag:s5] =	ssyncset.done $0x0  }
0x1a: {  	s13 =	simm.s32 $0x0;
	[sflag:s5] =	ssyncadd.s32 $0xFFFFFF80  }
0x1b: {  	v0 =	vld.msk [tilespmem:s13+$0x80 ss:$0x1], $0xffff;
	_ =	sdelay $0x4  }
0x1c: {  	v1 =	vshll.u32 v0, $0x4  }
0x1d: {  	vm2 =	veq.s32 v0, $0x80000000;
	v0 =	vshll.u32 v0, $0x12;
	v1 =	vand.u32 $0x3FF80, v1  }
0x1e: {  	v0 =	vand.u32 $0x1C0000, v0;
	v1 =	vsel vm2, $0xFFFFFF80, v1  }
0x1f: {  	v0 =	vsel vm2, $0xFFFC0000, v0;
	v2 =	vand.u32 $0xFFFFFC00, v1  }
0x20: {  	v1 =	vand.u32 $0x380, v1;
	v0 =	vadd.s32 v0, v2  }
0x21: {  	v0 =	vor.u32 v1, v0  }
0x22: {  	v0 =	vshrl.u32 v0, $0x3;
	_ =	sdelay $0x3  }
0x23: {  	s13 =	simm.s32 $0x4100  }
0x24: {  	[tilespmem:s13], [sflag:$0x1] =	stream.indirect_vreg.gather [hbm:s2], $0x80, v0, vm0, $0x38;
	[tilespmem:$0x8100] =	vst v63  }
0x25: {  	s14 =	simm.s32 $0x4500;
	s31 =	simm.s32 $0x10  }
0x26: {  	[tilespmem:s14], [sflag:$0x1] =	stream.indirect_vreg.gather [hbm:s2], $0x80, v0, vm1, $0x38;
	[tilespmem:$0x8100] =	vst v63  }
0x27: {  	s14 =	simm.s32 $0x80;
	v0 =	vld.msk [tilespmem:s31+$0x80 ss:$0x1], $0xffff  }
.LBB2_5:
0x28: {  	p0 =	sne.s32 s14, $0x1C0;
	_ =	sdelay $0x4  }
0x29: {  	v1 =	vshll.u32 v0, $0x4  }
0x2a: {  	vm2 =	veq.s32 v0, $0x80000000;
	v0 =	vshll.u32 v0, $0x12;
	v1 =	vand.u32 $0x3FF80, v1  }
0x2b: {  	v0 =	vand.u32 $0x1C0000, v0;
	v1 =	vsel vm2, $0xFFFFFF80, v1  }
0x2c: {  	v0 =	vsel vm2, $0xFFFC0000, v0;
	v2 =	vand.u32 $0xFFFFFC00, v1  }
0x2d: {  	v1 =	vand.u32 $0x380, v1;
	v0 =	vadd.s32 v0, v2  }
0x2e: {  	v0 =	vor.u32 v1, v0  }
0x2f: {  	v0 =	vshrl.u32 v0, $0x3;
	_ =	sdelay $0x3  }
.Ltmp4:
0x30: {  	s13 =	sadd.s32 $0x800, s13;
	(pc) =	sbr.rel @p0 .LBB2_5-.Ltmp4, $4  }
0x31: {  	[tilespmem:s13], [sflag:$0x1] =	stream.indirect_vreg.gather [hbm:s2], $0x80, v0, vm0, $0x38;
	[tilespmem:$0x8100] =	vst v63  }
0x32: {  	s15 =	sshra.s32 s14, $0x2;
	s16 =	sadd.s32 $0x400, s13  }
0x33: {  	[tilespmem:s16], [sflag:$0x1] =	stream.indirect_vreg.gather [hbm:s2], $0x80, v0, vm1, $0x38;
	[tilespmem:$0x8100] =	vst v63  }
0x34: {  	s14 =	sadd.s32 $0x40, s14;
	v0 =	vld.msk [tilespmem:s15+$0x80 ss:$0x1], $0xffff  }
0x35: {  	_ =	sdelay $0x3  }
0x36: {  	v1 =	vshll.u32 v0, $0x4  }
0x37: {  	vm2 =	veq.s32 v0, $0x80000000;
	v63 =	vshll.u32 v0, $0x12;
	v1 =	vand.u32 $0x3FF80, v1  }
0x38: {  	v0 =	vand.u32 $0x1C0000, v63;
	v1 =	vsel vm2, $0xFFFFFF80, v1  }
0x39: {  	v0 =	vsel vm2, $0xFFFC0000, v0;
	v2 =	vand.u32 $0xFFFFFC00, v1  }
0x3a: {  	v1 =	vand.u32 $0x380, v1;
	v0 =	vadd.s32 v0, v2  }
0x3b: {  	v0 =	vor.u32 v1, v0  }
0x3c: {  	v0 =	vshrl.u32 v0, $0x3;
	_ =	sdelay $0x3  }
0x3d: {  	s13 =	sadd.s32 $0x800, s13  }
0x3e: {  	[tilespmem:s13], [sflag:$0x1] =	stream.indirect_vreg.gather [hbm:s2], $0x80, v0, vm0, $0x38;
	[tilespmem:$0x8100] =	vst v63  }
0x3f: {  	s13 =	sadd.s32 $0x400, s13  }
0x40: {  	[tilespmem:s13], [sflag:$0x1] =	stream.indirect_vreg.gather [hbm:s2], $0x80, v0, vm1, $0x38;
	[tilespmem:$0x8100] =	vst v63  }
0x41: {  	s12 =	sshll.u32 s12, $0x4;
	s14 =	simm.s32 $0x80;
	_ =	swait.ge [sflag:s4], $0x4000  }
0x42: {  	s15 =	simm.s32 $0x4500;
	s12 =	sadd.s32 s12, s7;
	[sflag:s4] =	ssyncset.done $0x0  }
0x43: {  	s16 =	sadd.s32 $0x0, s12;
	s13 =	simm.s32 $0x4100;
	[sflag:s4] =	ssyncadd.s32 $0xFFFFC000  }
.LBB2_7:
0x44: {  	[hbm:s16] =	stream.linear.scatter [tilespmem:s13], [sflag:$0x3], $0x400, $0x38;
	[tilespmem:$0x8100] =	vst v63  }
0x45: {  	s16 =	smov.u32 s14;
	s13 =	smov.u32 s15;
	p0 =	sne.s32 s14, $0x780  }
.Ltmp5:
0x46: {  	s14 =	sadd.s32 $0x80, s14;
	(pc) =	sbr.rel @p0 .LBB2_7-.Ltmp5, $2  }
0x47: {  	_ =	sdelay $0x2  }
0x48: {  	s15 =	sadd.s32 $0x400, s15;
	s16 =	sadd.s32 s16, s12  }
.Ltmp6:
0x49: {  	(pc) =	sbr.rel .LBB2_9-.Ltmp6, $2  }
0x4a: {  	_ =	sdelay $0x2  }
0x4b: {  	[hbm:s16] =	stream.linear.scatter [tilespmem:s13], [sflag:$0x3], $0x400, $0x38;
	[tilespmem:$0x8100] =	vst v63  }
.LBB2_2:
.Ltmp7:
0x4c: {  	(pc) =	sbr.rel .LBB2_10-.Ltmp7, $4  }
0x4d: {  	_ = 	snop  }
0x4e: {  	s12 =	sshrl.u32 s11, $0x3  }
0x4f: {  	s13 =	sand.u32 $0x7, s11;
	s12 =	sadd.s32 s3, s12  }
0x50: {  	[tilespmem:s9], [sflag:$0x2] =	stream.linear.gather [hbm4b:s12+s13], $0x80, $0x38;
	[tilespmem:$0x8100] =	vst v63  }
.LBB2_11:
0x51: {  	s2 =	simm.s32 $0x3  }
0x52: {  	_ =	swait.ge [sflag:s2], $0x4000  }
0x53: {  	[sflag:s2] =	ssyncset.done $0x0  }
0x54: {  	[sflag:s2] =	ssyncadd.s32 $0xFFFFC000  }
0x55: {  	_ =	sfence.sel $0x180000  }
0x56: {  	s3 =	simm.s32 $0x2;
	[bflag:$0x0] =	sbarrier.arrive $0xFFFF  }
0x57: {  	[sflag:s3] =	ssyncpa.u1 $0x1  }
0x58: {  	s31 =	simm.s32 $0x1;
	[sflag:s2] =	ssyncpa.u1 $0x1  }
0x59: {  	[sflag:s31] =	ssyncpa.u1 $0x1  }
0x5a: {  	p0 =	sne.s32 s1, $0x0;
	_ =	strace $0x90000050  }
0x5b: {  	s0 =	sadd.s32 @!p0 $0x100000, s0;
	[bflag:$0x2] =	sbarrier.arrive $0xFFFF  }
0x5c: {  	[sflag:s0] =	ssyncadd.tile.s32 @!p0 $0x1;
	_ =	shalt  }
.Lfunc_end2:
_tile_overlayer_lowered:
.L_overlay_start_2:
0x5d: {  	(tag) =	ssettag $0x2  }
0x5e: {  	s0 =	rddreg [dreg:$0x0];
	s2 =	stileid.u32  }
0x5f: {  	s1 =	rddreg [dreg:$0x1];
	p0 =	sne.s32 s2, $0x0  }
0x60: {  	s3 =	rddreg [dreg:$0x2];
	[bflag:$0x3] =	sbarrier.arrive $0xFFFF;
	s2 =	simm.s32 @!p0 $0x1C01  }
0x61: {  	[timem:s3], [sflag:s2] =	dma.local @!p0 [hbm:s0], s1  }
0x62: {  	s0 =	simm.s32 @!p0 $0x1  }
0x63: {  	_ =	swait.ge @!p0 [sflag:s0], s1  }
0x64: {  	s1 =	ssub.s32 @!p0 $0x0, s1;
	[sflag:s0] =	ssyncset.done @!p0 $0x0  }
0x65: {  	[sflag:s0] =	ssyncadd.s32 @!p0 s1  }
0x66: {  	[bflag:$0x3] =	sbarrier.arrive $0xFFFF  }
0x67: {  	_ =	shalt  }

// kernel: gather_offload_async_start
scs
__scs_entry_jumppad:
0x0: {  	(pc) =	sbr.rel $0x88, $3  }
0x1: {  	(tag) =	ssettag $0x0;
	lr =	simm.s32 $0x1  }
0x2: {  	[smem:$0x3F7B] =	sst lr;
	_ =	strace $0xD0000000  }
0x3: {  	_ = 	snop  }
0x4: {  	_ = 	snop  }
0x5: {  	_ = 	snop  }
0x6: {  	_ = 	snop  }
0x7: {  	_ = 	snop  }
__scs_overlays_trampoline_lowered:
0x8: {  	[smem:$0x3F8A] =	sst s0  }
0x9: {  	[smem:$0x3F8B] =	sst s1  }
0xa: {  	[smem:$0x3F8C] =	sst s2  }
0xb: {  	[smem:$0x3F8D] =	sst s3  }
0xc: {  	[smem:$0x3F8E] =	sst s4  }
0xd: {  	[smem:$0x3F8F] =	sst s5  }
0xe: {  	[smem:$0x3F90] =	sst s6  }
0xf: {  	[smem:$0x3F91] =	sst s7  }
0x10: {  	[smem:$0x3F92] =	sst s8  }
0x11: {  	[smem:$0x3F93] =	sst s9;
	s0 =	simm.s32 @!p0 $0x0  }
0x12: {  	s1 =	sld [smem:$0x3F79];
	s0 =	simm.s32 @p0 $0x1  }
0x13: {  	[smem:$0x3F94] =	sst s0;
	s0 =	simm.s32 @!p1 $0x0  }
0x14: {  	s2 =	sld [smem:$0x3F78];
	s0 =	simm.s32 @p1 $0x1  }
0x15: {  	[smem:$0x3F95] =	sst s0;
	s0 =	simm.s32 @!p2 $0x0  }
0x16: {  	s3 =	sld [smem:$0x3FDB];
	s0 =	simm.s32 @p2 $0x1  }
0x17: {  	s4 =	simm.s32 $0x1BF5;
	[smem:$0x3F97] =	sst s0  }
0x18: {  	s0 =	sld [smem:$0x3F7A];
	_ =	swait.ge [sflag:s4], $0x0  }
0x19: {  	s7 =	sld [smem:$0x3F7B]  }
0x1a: {  	s8 =	sadd.s32 $0xFFFFE003, lr  }
0x1b: {  	s9 =	sadd.s32 $0xFFFFFEF7, lr;
	s5 =	simm.s32 $0xFFFFFFFF;
	p2 =	slt.u32 s8, $0xFFFFF086  }
0x1c: {  	p1 =	slt.u32 s9, $0xF7A;
	s5 =	simm.s32 @!p2 $0x0  }
0x1d: {  	s5 =	simm.s32 @p1 $0x1;
	p0 =	seq.s32 s7, s2  }
0x1e: {  	s7 =	smul.u32 @!p0 $0xF7A, s2;
	p2 =	seq.s32 @!p0 s5, $0x0  }
0x1f: {  	s9 =	smul.u32 $0xF7A, s1;
	s8 =	simm.s32 @!p0 $0x1BF5;
	p2 =	por !p2, p0  }
0x20: {  	[sflag:s8] =	ssyncset.s32 @!p0 $0xFFFFF086;
	s6 =	sadd.s32 @!p0 s3, s7;
	s7 =	simm.s32 @!p0 $0x108  }
0x21: {  	s3 =	sadd.s32 s3, s9;
	s6 =	sadd.s32 @!p0 $0x88, s6;
	s7 =	simm.s32 @p2 $0x1082  }
0x22: {  	[simem:s7], [sflag:s8] =	dma.local @!p0 [hbm:s6], $0xF7A  }
0x23: {  	s9 =	sor.u32 $0xD0000000, s2;
	s6 =	simm.s32 $0x108;
	_ =	swait.ge @!p0 [sflag:s8], $0x0  }
0x24: {  	s3 =	sadd.s32 $0x88, s3;
	s6 =	simm.s32 @!p1 $0x1082;
	[sflag:s4] =	ssyncset.s32 $0xFFFFF086  }
0x25: {  	[simem:s6], [sflag:s4] =	dma.local [hbm:s3], $0xF7A  }
0x26: {  	[smem:$0x3F7B] =	sst s1;
	(tag) =	ssettag s2;
	_ =	strace s9  }
0x27: {  	s1 =	sld [smem:$0x3F8B]  }
0x28: {  	s2 =	sld [smem:$0x3F8C]  }
0x29: {  	s4 =	sld [smem:$0x3F8E]  }
0x2a: {  	p0 =	seq.s32 s5, $0x0;
	s5 =	sld [smem:$0x3F8F]  }
0x2b: {  	s6 =	sld [smem:$0x3F90]  }
0x2c: {  	s7 =	sld [smem:$0x3F91]  }
0x2d: {  	s3 =	simm.s32 $0x108;
	s8 =	sld [smem:$0x3F92]  }
0x2e: {  	s3 =	simm.s32 @!p0 $0x1082;
	s9 =	sld [smem:$0x3F93]  }
0x2f: {  	lr =	sadd.s32 s0, s3;
	s0 =	sld [smem:$0x3F8A]  }
0x30: {  	s3 =	sld [smem:$0x3F8D]  }
0x31: {  	[smem:$0x3F96] =	sst s10  }
0x32: {  	s10 =	sld [smem:$0x3F94];
	_ =	sdelay $0x3  }
0x33: {  	p0 =	seq.s32 s10, $0x1;
	s10 =	sld [smem:$0x3F96];
	_ =	sdelay $0x3  }
0x34: {  	[smem:$0x3F96] =	sst s10  }
0x35: {  	s10 =	sld [smem:$0x3F95];
	_ =	sdelay $0x3  }
0x36: {  	p1 =	seq.s32 s10, $0x1;
	s10 =	sld [smem:$0x3F96];
	_ =	sdelay $0x3  }
0x37: {  	[smem:$0x3F96] =	sst s10  }
0x38: {  	s10 =	sld [smem:$0x3F97]  }
0x39: {  	_ = 	snop;
	(pc) =	sbr.ind lr, $3  }
0x3a: {  	_ = 	snop  }
0x3b: {  	_ = 	snop  }
0x3c: {  	p2 =	seq.s32 s10, $0x1;
	s10 =	sld [smem:$0x3F96]  }
0x3d: {  	_ =	shalt  }
0x3e: {  	_ =	shalt  }
0x3f: {  	_ =	shalt  }
0x40: {  	_ =	shalt  }
0x41: {  	_ =	shalt  }
0x42: {  	_ =	shalt  }
0x43: {  	_ =	shalt  }
0x44: {  	_ =	shalt  }
0x45: {  	_ =	shalt  }
0x46: {  	_ =	shalt  }
0x47: {  	_ =	shalt  }
0x48: {  	_ =	shalt  }
0x49: {  	_ =	shalt  }
0x4a: {  	_ =	shalt  }
0x4b: {  	_ =	shalt  }
0x4c: {  	_ =	shalt  }
0x4d: {  	_ =	shalt  }
0x4e: {  	_ =	shalt  }
0x4f: {  	_ =	shalt  }
0x50: {  	_ =	shalt  }
0x51: {  	_ =	shalt  }
0x52: {  	_ =	shalt  }
0x53: {  	_ =	shalt  }
0x54: {  	_ =	shalt  }
0x55: {  	_ =	shalt  }
0x56: {  	_ =	shalt  }
0x57: {  	_ =	shalt  }
0x58: {  	_ =	shalt  }
0x59: {  	_ =	shalt  }
0x5a: {  	_ =	shalt  }
0x5b: {  	_ =	shalt  }
0x5c: {  	_ =	shalt  }
0x5d: {  	_ =	shalt  }
0x5e: {  	_ =	shalt  }
0x5f: {  	_ =	shalt  }
0x60: {  	_ =	shalt  }
0x61: {  	_ =	shalt  }
0x62: {  	_ =	shalt  }
0x63: {  	_ =	shalt  }
0x64: {  	_ =	shalt  }
0x65: {  	_ =	shalt  }
0x66: {  	_ =	shalt  }
0x67: {  	_ =	shalt  }
0x68: {  	_ =	shalt  }
0x69: {  	_ =	shalt  }
0x6a: {  	_ =	shalt  }
0x6b: {  	_ =	shalt  }
0x6c: {  	_ =	shalt  }
0x6d: {  	_ =	shalt  }
0x6e: {  	_ =	shalt  }
0x6f: {  	_ =	shalt  }
0x70: {  	_ =	shalt  }
0x71: {  	_ =	shalt  }
0x72: {  	_ =	shalt  }
0x73: {  	_ =	shalt  }
0x74: {  	_ =	shalt  }
0x75: {  	_ =	shalt  }
0x76: {  	_ =	shalt  }
0x77: {  	_ =	shalt  }
0x78: {  	_ =	shalt  }
0x79: {  	_ =	shalt  }
0x7a: {  	_ =	shalt  }
0x7b: {  	_ =	shalt  }
0x7c: {  	_ =	shalt  }
0x7d: {  	_ =	shalt  }
0x7e: {  	_ =	shalt  }
0x7f: {  	_ =	shalt  }
0x80: {  	_ =	shalt  }
0x81: {  	_ =	shalt  }
0x82: {  	_ =	shalt  }
0x83: {  	_ =	shalt  }
0x84: {  	_ =	shalt  }
0x85: {  	_ =	shalt  }
0x86: {  	_ =	shalt  }
0x87: {  	_ =	shalt  }
.Lfunc_end0:
.L_simem_size_0:
called_computation.1_lowered:
.L_overlay_start_0:
0x88: {  	s2 =	sld [smem:$0x3FD9]  }
0x89: {  	s3 =	sld [smem:$0x3FFE];
	_ =	sdelay $0x1  }
0x8a: {  	s1 =	srdreg.scid  }
0x8b: {  	s0 =	sand.u32 $0x1, s1  }
0x8c: {  	s16 =	sshll.u32 s0, $0xA;
	s2 =	sadd.s32 s3, s2  }
0x8d: {  	s2 =	sadd.s32 s2, s16  }
0x8e: {  	[smem:$0x3FA2] =	sst s2  }
0x8f: {  	_ = 	snop  }
0x90: {  	(tm) =	ssettm $0x1  }
0x91: {  	s17 =	sld [smem:$0x3FFB];
	_ =	sdelay $0x3  }
0x92: {  	_ =	strace s17  }
0x93: {  	s2 =	sld [smem:$0x3FFC];
	_ =	sdelay $0x3  }
0x94: {  	_ =	strace s2  }
0x95: {  	s2 =	sld [smem:$0x3FFD];
	_ =	sdelay $0x3  }
0x96: {  	_ =	strace s2  }
0x97: {  	_ =	strace $0x8FFFFFFF  }
0x98: {  	s18 =	sld [smem:$0x3FDB];
	_ =	sdelay $0x1  }
0x99: {  	s19 =	simm.s32 $_scs_section_size  }
0x9a: {  	s4 =	simm.s32 $_size__tile_overlayer_lowered;
	s5 =	simm.s32 $_tile_overlayer_lowered  }
0x9b: {  	s22 =	simm.s32 $0x1BFF;
	s21 =	sshll.u32 s5, $0x1;
	s2 =	sadd.s32 s19, s18  }
0x9c: {  	s6 =	simm.s32 $0x0;
	s20 =	sshll.u32 s4, $0x1;
	s4 =	sadd.s32 s21, s2  }
0x9d: {  	[timem:s6], [sflag:s22] =	dma.local [hbm:s4], s20  }
0x9e: {  	_ =	swait.ge [sflag:s22], s20  }
0x9f: {  	s3 =	ssub.s32 $0x0, s20;
	[sflag:s22] =	ssyncset.done $0x0  }
0xa0: {  	[sflag:s22] =	ssyncadd.s32 s3;
	_ =	sdelay $0x1  }
0xa1: {  	s23 =	simm.s32 $0x1B8B  }
0xa2: {  	_ =	swait.ge [sflag:s23], $0x1  }
0xa3: {  	[sflag:s23] =	ssyncset.done $0x0  }
0xa4: {  	s25 =	simm.s32 $0x1B8E;
	s24 =	sld [smem:$0x3FFE];
	[sflag:s23] =	ssyncadd.s32 $0xFFFFFFFF  }
0xa5: {  	s26 =	simm.s32 $execute0_lowered;
	[smem:$0x3FD2] =	sst s25  }
0xa6: {  	s4 =	sshll.u32 s26, $0x1;
	_ =	strace $0x80000049;
	[dreg:$0x1] =	wrdreg $0xFFFFFFFF  }
0xa7: {  	s28 =	simm.s32 $_size_execute0_lowered;
	s2 =	sadd.s32 s2, s4;
	[dreg:$0x0] =	wrdreg $0x0  }
0xa8: {  	s4 =	sshll.u32 s28, $0x1;
	[dreg:$0x2] =	wrdreg s2  }
0xa9: {  	[dreg:$0x3] =	wrdreg s4  }
0xaa: {  	[dreg:$0x4] =	wrdreg $0xC0  }
0xab: {  	_ =	task [dreg:s6], $0x5FFFF  }
0xac: {  	[dreg:$0x1] =	wrdreg $0xFFFFFFFF  }
0xad: {  	[dreg:$0x0] =	wrdreg $0x60  }
0xae: {  	[dreg:$0x2] =	wrdreg s24  }
0xaf: {  	[dreg:$0x3] =	wrdreg $0x9  }
0xb0: {  	_ =	task.clear_ibuf [dreg:s6], $0x4FFFF;
	_ =	strace $0x90000049  }
0xb1: {  	s29 =	simm.s32 $0x9;
	_ =	strace $0x8000004B  }
0xb2: {  	_ =	swait.ge [sflag:s29], $0x1  }
0xb3: {  	[sflag:s29] =	ssyncadd.s32 $0xFFFFFFFF  }
0xb4: {  	_ =	strace $0x9000004B  }
0xb5: {  	_ =	sfence  }
0xb6: {  	s30 =	sld [smem:$0x0];
	_ =	sdelay $0x2  }
0xb7: {  	s31 =	sshll.u32 s1, $0xD;
	s1 =	sshrl.u32 s1, $0x2  }
0xb8: {  	s3 =	sand.u32 $0x4000, s31;
	s1 =	sadd.s32 s1, s30  }
0xb9: {  	s0 =	sor.u32 s3, s0;
	s1 =	sshll.u32 s1, $0x11  }
0xba: {  	s0 =	sor.u32 s1, s0  }
0xbb: {  	s0 =	sadd.s32 $0x8F2B, s0  }
0xbc: {  	[sflag:s0] =	ssyncadd.remote.s32 $0x1  }
0xbd: {  	_ =	sfence.sel $0xFFFF  }
0xbe: {  	[dreg:$0x0] =	wrdreg $0xFFFFFFFF;
	(pc) =	sbr.abs _section_cstart, $3  }
0xbf: {  	[dreg:$0x1] =	wrdreg $0xFFFFFFFF  }
0xc0: {  	_ =	task.clear_ibuf [dreg:s6], $0x2FFFF;
	_ =	strace $0x9FFFFFFF  }
0xc1: {  	(tm) =	ssettm $0x7FFFFFFF  }
tec
execute0_lowered:
.L_overlay_start_1:
0x0: {  	(tag) =	ssettag $0x1  }
0x1: {  	s2 =	rddreg [dreg:$0x0]  }
0x2: {  	s0 =	rddreg [dreg:$0x1]  }
0x3: {  	s1 =	srdreg.scid;
	_ =	strace $0x8000004A;
	s4 =	simm.s32 $0x1  }
0x4: {  	s9 =	simm.s32 $0x3;
	s12 =	simm.s32 $0x0;
	s5 =	sshll.u32 s1, $0x4  }
.Ltmp0:
0x5: {  	s1 =	stileid.u32;
	s5 =	sand.u32 $0x10, s5;
	(pc) =	sbr.rel .LBB2_1-.Ltmp0, $4  }
0x6: {  	s10 =	simm.s32 $0x0;
	s3 =	sadd.s32 $0x840A00, s2;
	s6 =	sor.u32 s1, s5  }
0x7: {  	[sflag:s4] =	ssyncpa.u1 $0x0;
	s5 =	simm.s32 $0x2;
	s6 =	sshll.u32 s6, $0x7  }
0x8: {  	s7 =	sadd.s32 $0x40800, s2;
	[sflag:s5] =	ssyncpa.u1 $0x0;
	s8 =	sadd.s32 $0x80, s6  }
0x9: {  	vm0 =	vmmov $0xff;
	vm1 =	vcmask $0x3F20;
	[sflag:s9] =	ssyncpa.u1 $0x0;
	s9 =	simm.s32 $0x80;
	s11 =	smov.u32 s6  }
.LBB2_9:
0xa: {  	p0 =	seq.s32 s10, $0x2  }
.Ltmp1:
0xb: {  	_ = 	snop;
	(pc) =	sbr.rel @p0 .LBB2_11-.Ltmp1, $1  }
0xc: {  	_ =	sdelay $0x3  }
.LBB2_10:
0xd: {  	s12 =	sadd.s32 $0x80, s11  }
0xe: {  	s13 =	smov.u32 s6;
	p0 =	slt.s32 s12, s8  }
0xf: {  	s13 =	smov.u32 @p0 s12  }
0x10: {  	s10 =	sadd.s32 $0x1, s10;
	s12 =	smov.u32 s11;
	s11 =	smov.u32 s13  }
.LBB2_1:
0x11: {  	p0 =	sne.s32 s10, $0x0  }
.Ltmp2:
0x12: {  	_ = 	snop;
	(pc) =	sbr.rel @!p0 .LBB2_2-.Ltmp2, $1  }
0x13: {  	_ =	sdelay $0x3  }
0x14: {  	s13 =	sand.u32 $0x1, s10  }
0x15: {  	p0 =	seq.s32 s13, $0x0  }
.Ltmp3:
0x16: {  	_ = 	snop;
	(pc) =	sbr.rel @p0 .LBB2_9-.Ltmp3, $1  }
0x17: {  	_ =	sdelay $0x3  }
0x18: {  	_ =	swait.ge [sflag:s5], $0x80  }
0x19: {  	[sflag:s5] =	ssyncset.done $0x0  }
0x1a: {  	s13 =	simm.s32 $0x0;
	[sflag:s5] =	ssyncadd.s32 $0xFFFFFF80  }
0x1b: {  	v0 =	vld.msk [tilespmem:s13+$0x80 ss:$0x1], $0xffff;
	_ =	sdelay $0x4  }
0x1c: {  	v1 =	vshll.u32 v0, $0x4  }
0x1d: {  	vm2 =	veq.s32 v0, $0x80000000;
	v0 =	vshll.u32 v0, $0x12;
	v1 =	vand.u32 $0x3FF80, v1  }
0x1e: {  	v0 =	vand.u32 $0x1C0000, v0;
	v1 =	vsel vm2, $0xFFFFFF80, v1  }
0x1f: {  	v0 =	vsel vm2, $0xFFFC0000, v0;
	v2 =	vand.u32 $0xFFFFFC00, v1  }
0x20: {  	v1 =	vand.u32 $0x380, v1;
	v0 =	vadd.s32 v0, v2  }
0x21: {  	v0 =	vor.u32 v1, v0  }
0x22: {  	v0 =	vshrl.u32 v0, $0x3;
	_ =	sdelay $0x3  }
0x23: {  	s13 =	simm.s32 $0x4100  }
0x24: {  	[tilespmem:s13], [sflag:$0x1] =	stream.indirect_vreg.gather [hbm:s2], $0x80, v0, vm0, $0x38;
	[tilespmem:$0x8100] =	vst v63  }
0x25: {  	s14 =	simm.s32 $0x4500;
	s31 =	simm.s32 $0x10  }
0x26: {  	[tilespmem:s14], [sflag:$0x1] =	stream.indirect_vreg.gather [hbm:s2], $0x80, v0, vm1, $0x38;
	[tilespmem:$0x8100] =	vst v63  }
0x27: {  	s14 =	simm.s32 $0x80;
	v0 =	vld.msk [tilespmem:s31+$0x80 ss:$0x1], $0xffff  }
.LBB2_5:
0x28: {  	p0 =	sne.s32 s14, $0x1C0;
	_ =	sdelay $0x4  }
0x29: {  	v1 =	vshll.u32 v0, $0x4  }
0x2a: {  	vm2 =	veq.s32 v0, $0x80000000;
	v0 =	vshll.u32 v0, $0x12;
	v1 =	vand.u32 $0x3FF80, v1  }
0x2b: {  	v0 =	vand.u32 $0x1C0000, v0;
	v1 =	vsel vm2, $0xFFFFFF80, v1  }
0x2c: {  	v0 =	vsel vm2, $0xFFFC0000, v0;
	v2 =	vand.u32 $0xFFFFFC00, v1  }
0x2d: {  	v1 =	vand.u32 $0x380, v1;
	v0 =	vadd.s32 v0, v2  }
0x2e: {  	v0 =	vor.u32 v1, v0  }
0x2f: {  	v0 =	vshrl.u32 v0, $0x3;
	_ =	sdelay $0x3  }
.Ltmp4:
0x30: {  	s13 =	sadd.s32 $0x800, s13;
	(pc) =	sbr.rel @p0 .LBB2_5-.Ltmp4, $4  }
0x31: {  	[tilespmem:s13], [sflag:$0x1] =	stream.indirect_vreg.gather [hbm:s2], $0x80, v0, vm0, $0x38;
	[tilespmem:$0x8100] =	vst v63  }
0x32: {  	s15 =	sshra.s32 s14, $0x2;
	s16 =	sadd.s32 $0x400, s13  }
0x33: {  	[tilespmem:s16], [sflag:$0x1] =	stream.indirect_vreg.gather [hbm:s2], $0x80, v0, vm1, $0x38;
	[tilespmem:$0x8100] =	vst v63  }
0x34: {  	s14 =	sadd.s32 $0x40, s14;
	v0 =	vld.msk [tilespmem:s15+$0x80 ss:$0x1], $0xffff  }
0x35: {  	_ =	sdelay $0x3  }
0x36: {  	v1 =	vshll.u32 v0, $0x4  }
0x37: {  	vm2 =	veq.s32 v0, $0x80000000;
	v63 =	vshll.u32 v0, $0x12;
	v1 =	vand.u32 $0x3FF80, v1  }
0x38: {  	v0 =	vand.u32 $0x1C0000, v63;
	v1 =	vsel vm2, $0xFFFFFF80, v1  }
0x39: {  	v0 =	vsel vm2, $0xFFFC0000, v0;
	v2 =	vand.u32 $0xFFFFFC00, v1  }
0x3a: {  	v1 =	vand.u32 $0x380, v1;
	v0 =	vadd.s32 v0, v2  }
0x3b: {  	v0 =	vor.u32 v1, v0  }
0x3c: {  	v0 =	vshrl.u32 v0, $0x3;
	_ =	sdelay $0x3  }
0x3d: {  	s13 =	sadd.s32 $0x800, s13  }
0x3e: {  	[tilespmem:s13], [sflag:$0x1] =	stream.indirect_vreg.gather [hbm:s2], $0x80, v0, vm0, $0x38;
	[tilespmem:$0x8100] =	vst v63  }
0x3f: {  	s13 =	sadd.s32 $0x400, s13  }
0x40: {  	[tilespmem:s13], [sflag:$0x1] =	stream.indirect_vreg.gather [hbm:s2], $0x80, v0, vm1, $0x38;
	[tilespmem:$0x8100] =	vst v63  }
0x41: {  	s12 =	sshll.u32 s12, $0x4;
	s14 =	simm.s32 $0x80;
	_ =	swait.ge [sflag:s4], $0x4000  }
0x42: {  	s15 =	simm.s32 $0x4500;
	s12 =	sadd.s32 s12, s7;
	[sflag:s4] =	ssyncset.done $0x0  }
0x43: {  	s16 =	sadd.s32 $0x0, s12;
	s13 =	simm.s32 $0x4100;
	[sflag:s4] =	ssyncadd.s32 $0xFFFFC000  }
.LBB2_7:
0x44: {  	[hbm:s16] =	stream.linear.scatter [tilespmem:s13], [sflag:$0x3], $0x400, $0x38;
	[tilespmem:$0x8100] =	vst v63  }
0x45: {  	s16 =	smov.u32 s14;
	s13 =	smov.u32 s15;
	p0 =	sne.s32 s14, $0x780  }
.Ltmp5:
0x46: {  	s14 =	sadd.s32 $0x80, s14;
	(pc) =	sbr.rel @p0 .LBB2_7-.Ltmp5, $2  }
0x47: {  	_ =	sdelay $0x2  }
0x48: {  	s15 =	sadd.s32 $0x400, s15;
	s16 =	sadd.s32 s16, s12  }
.Ltmp6:
0x49: {  	(pc) =	sbr.rel .LBB2_9-.Ltmp6, $2  }
0x4a: {  	_ =	sdelay $0x2  }
0x4b: {  	[hbm:s16] =	stream.linear.scatter [tilespmem:s13], [sflag:$0x3], $0x400, $0x38;
	[tilespmem:$0x8100] =	vst v63  }
.LBB2_2:
.Ltmp7:
0x4c: {  	(pc) =	sbr.rel .LBB2_10-.Ltmp7, $4  }
0x4d: {  	_ = 	snop  }
0x4e: {  	s12 =	sshrl.u32 s11, $0x3  }
0x4f: {  	s13 =	sand.u32 $0x7, s11;
	s12 =	sadd.s32 s3, s12  }
0x50: {  	[tilespmem:s9], [sflag:$0x2] =	stream.linear.gather [hbm4b:s12+s13], $0x80, $0x38;
	[tilespmem:$0x8100] =	vst v63  }
.LBB2_11:
0x51: {  	s2 =	simm.s32 $0x3  }
0x52: {  	_ =	swait.ge [sflag:s2], $0x4000  }
0x53: {  	[sflag:s2] =	ssyncset.done $0x0  }
0x54: {  	[sflag:s2] =	ssyncadd.s32 $0xFFFFC000  }
0x55: {  	_ =	sfence.sel $0x180000  }
0x56: {  	s3 =	simm.s32 $0x2;
	[bflag:$0x0] =	sbarrier.arrive $0xFFFF  }
0x57: {  	[sflag:s3] =	ssyncpa.u1 $0x1  }
0x58: {  	s31 =	simm.s32 $0x1;
	[sflag:s2] =	ssyncpa.u1 $0x1  }
0x59: {  	[sflag:s31] =	ssyncpa.u1 $0x1  }
0x5a: {  	p0 =	sne.s32 s1, $0x0;
	_ =	strace $0x9000004A  }
0x5b: {  	s0 =	sadd.s32 @!p0 $0x100000, s0;
	[bflag:$0x2] =	sbarrier.arrive $0xFFFF  }
0x5c: {  	[sflag:s0] =	ssyncadd.tile.s32 @!p0 $0x1;
	_ =	shalt  }
.Lfunc_end2:
_tile_overlayer_lowered:
.L_overlay_start_2:
0x5d: {  	(tag) =	ssettag $0x2  }
0x5e: {  	s0 =	rddreg [dreg:$0x0];
	s2 =	stileid.u32  }
0x5f: {  	s1 =	rddreg [dreg:$0x1];
	p0 =	sne.s32 s2, $0x0  }
0x60: {  	s3 =	rddreg [dreg:$0x2];
	[bflag:$0x3] =	sbarrier.arrive $0xFFFF;
	s2 =	simm.s32 @!p0 $0x1C01  }
0x61: {  	[timem:s3], [sflag:s2] =	dma.local @!p0 [hbm:s0], s1  }
0x62: {  	s0 =	simm.s32 @!p0 $0x1  }
0x63: {  	_ =	swait.ge @!p0 [sflag:s0], s1  }
0x64: {  	s1 =	ssub.s32 @!p0 $0x0, s1;
	[sflag:s0] =	ssyncset.done @!p0 $0x0  }
0x65: {  	[sflag:s0] =	ssyncadd.s32 @!p0 s1  }
0x66: {  	[bflag:$0x3] =	sbarrier.arrive $0xFFFF  }
0x67: {  	_ =	shalt  }

// kernel: kernel.10.cloned.1.call-start
scs
__scs_entry_jumppad:
0x0: {  	(pc) =	sbr.rel $0x88, $3  }
0x1: {  	(tag) =	ssettag $0x0;
	lr =	simm.s32 $0x1  }
0x2: {  	[smem:$0x3F7B] =	sst lr;
	_ =	strace $0xD0000000  }
0x3: {  	_ = 	snop  }
0x4: {  	_ = 	snop  }
0x5: {  	_ = 	snop  }
0x6: {  	_ = 	snop  }
0x7: {  	_ = 	snop  }
__scs_overlays_trampoline_lowered:
0x8: {  	[smem:$0x3F8A] =	sst s0  }
0x9: {  	[smem:$0x3F8B] =	sst s1  }
0xa: {  	[smem:$0x3F8C] =	sst s2  }
0xb: {  	[smem:$0x3F8D] =	sst s3  }
0xc: {  	[smem:$0x3F8E] =	sst s4  }
0xd: {  	[smem:$0x3F8F] =	sst s5  }
0xe: {  	[smem:$0x3F90] =	sst s6  }
0xf: {  	[smem:$0x3F91] =	sst s7  }
0x10: {  	[smem:$0x3F92] =	sst s8  }
0x11: {  	[smem:$0x3F93] =	sst s9;
	s0 =	simm.s32 @!p0 $0x0  }
0x12: {  	s1 =	sld [smem:$0x3F79];
	s0 =	simm.s32 @p0 $0x1  }
0x13: {  	[smem:$0x3F94] =	sst s0;
	s0 =	simm.s32 @!p1 $0x0  }
0x14: {  	s2 =	sld [smem:$0x3F78];
	s0 =	simm.s32 @p1 $0x1  }
0x15: {  	[smem:$0x3F95] =	sst s0;
	s0 =	simm.s32 @!p2 $0x0  }
0x16: {  	s3 =	sld [smem:$0x3FDB];
	s0 =	simm.s32 @p2 $0x1  }
0x17: {  	s4 =	simm.s32 $0x1BF5;
	[smem:$0x3F97] =	sst s0  }
0x18: {  	s0 =	sld [smem:$0x3F7A];
	_ =	swait.ge [sflag:s4], $0x0  }
0x19: {  	s7 =	sld [smem:$0x3F7B]  }
0x1a: {  	s8 =	sadd.s32 $0xFFFFE003, lr  }
0x1b: {  	s9 =	sadd.s32 $0xFFFFFEF7, lr;
	s5 =	simm.s32 $0xFFFFFFFF;
	p2 =	slt.u32 s8, $0xFFFFF086  }
0x1c: {  	p1 =	slt.u32 s9, $0xF7A;
	s5 =	simm.s32 @!p2 $0x0  }
0x1d: {  	s5 =	simm.s32 @p1 $0x1;
	p0 =	seq.s32 s7, s2  }
0x1e: {  	s7 =	smul.u32 @!p0 $0xF7A, s2;
	p2 =	seq.s32 @!p0 s5, $0x0  }
0x1f: {  	s9 =	smul.u32 $0xF7A, s1;
	s8 =	simm.s32 @!p0 $0x1BF5;
	p2 =	por !p2, p0  }
0x20: {  	[sflag:s8] =	ssyncset.s32 @!p0 $0xFFFFF086;
	s6 =	sadd.s32 @!p0 s3, s7;
	s7 =	simm.s32 @!p0 $0x108  }
0x21: {  	s3 =	sadd.s32 s3, s9;
	s6 =	sadd.s32 @!p0 $0x88, s6;
	s7 =	simm.s32 @p2 $0x1082  }
0x22: {  	[simem:s7], [sflag:s8] =	dma.local @!p0 [hbm:s6], $0xF7A  }
0x23: {  	s9 =	sor.u32 $0xD0000000, s2;
	s6 =	simm.s32 $0x108;
	_ =	swait.ge @!p0 [sflag:s8], $0x0  }
0x24: {  	s3 =	sadd.s32 $0x88, s3;
	s6 =	simm.s32 @!p1 $0x1082;
	[sflag:s4] =	ssyncset.s32 $0xFFFFF086  }
0x25: {  	[simem:s6], [sflag:s4] =	dma.local [hbm:s3], $0xF7A  }
0x26: {  	[smem:$0x3F7B] =	sst s1;
	(tag) =	ssettag s2;
	_ =	strace s9  }
0x27: {  	s1 =	sld [smem:$0x3F8B]  }
0x28: {  	s2 =	sld [smem:$0x3F8C]  }
0x29: {  	s4 =	sld [smem:$0x3F8E]  }
0x2a: {  	p0 =	seq.s32 s5, $0x0;
	s5 =	sld [smem:$0x3F8F]  }
0x2b: {  	s6 =	sld [smem:$0x3F90]  }
0x2c: {  	s7 =	sld [smem:$0x3F91]  }
0x2d: {  	s3 =	simm.s32 $0x108;
	s8 =	sld [smem:$0x3F92]  }
0x2e: {  	s3 =	simm.s32 @!p0 $0x1082;
	s9 =	sld [smem:$0x3F93]  }
0x2f: {  	lr =	sadd.s32 s0, s3;
	s0 =	sld [smem:$0x3F8A]  }
0x30: {  	s3 =	sld [smem:$0x3F8D]  }
0x31: {  	[smem:$0x3F96] =	sst s10  }
0x32: {  	s10 =	sld [smem:$0x3F94];
	_ =	sdelay $0x3  }
0x33: {  	p0 =	seq.s32 s10, $0x1;
	s10 =	sld [smem:$0x3F96];
	_ =	sdelay $0x3  }
0x34: {  	[smem:$0x3F96] =	sst s10  }
0x35: {  	s10 =	sld [smem:$0x3F95];
	_ =	sdelay $0x3  }
0x36: {  	p1 =	seq.s32 s10, $0x1;
	s10 =	sld [smem:$0x3F96];
	_ =	sdelay $0x3  }
0x37: {  	[smem:$0x3F96] =	sst s10  }
0x38: {  	s10 =	sld [smem:$0x3F97]  }
0x39: {  	_ = 	snop;
	(pc) =	sbr.ind lr, $3  }
0x3a: {  	_ = 	snop  }
0x3b: {  	_ = 	snop  }
0x3c: {  	p2 =	seq.s32 s10, $0x1;
	s10 =	sld [smem:$0x3F96]  }
0x3d: {  	_ =	shalt  }
0x3e: {  	_ =	shalt  }
0x3f: {  	_ =	shalt  }
0x40: {  	_ =	shalt  }
0x41: {  	_ =	shalt  }
0x42: {  	_ =	shalt  }
0x43: {  	_ =	shalt  }
0x44: {  	_ =	shalt  }
0x45: {  	_ =	shalt  }
0x46: {  	_ =	shalt  }
0x47: {  	_ =	shalt  }
0x48: {  	_ =	shalt  }
0x49: {  	_ =	shalt  }
0x4a: {  	_ =	shalt  }
0x4b: {  	_ =	shalt  }
0x4c: {  	_ =	shalt  }
0x4d: {  	_ =	shalt  }
0x4e: {  	_ =	shalt  }
0x4f: {  	_ =	shalt  }
0x50: {  	_ =	shalt  }
0x51: {  	_ =	shalt  }
0x52: {  	_ =	shalt  }
0x53: {  	_ =	shalt  }
0x54: {  	_ =	shalt  }
0x55: {  	_ =	shalt  }
0x56: {  	_ =	shalt  }
0x57: {  	_ =	shalt  }
0x58: {  	_ =	shalt  }
0x59: {  	_ =	shalt  }
0x5a: {  	_ =	shalt  }
0x5b: {  	_ =	shalt  }
0x5c: {  	_ =	shalt  }
0x5d: {  	_ =	shalt  }
0x5e: {  	_ =	shalt  }
0x5f: {  	_ =	shalt  }
0x60: {  	_ =	shalt  }
0x61: {  	_ =	shalt  }
0x62: {  	_ =	shalt  }
0x63: {  	_ =	shalt  }
0x64: {  	_ =	shalt  }
0x65: {  	_ =	shalt  }
0x66: {  	_ =	shalt  }
0x67: {  	_ =	shalt  }
0x68: {  	_ =	shalt  }
0x69: {  	_ =	shalt  }
0x6a: {  	_ =	shalt  }
0x6b: {  	_ =	shalt  }
0x6c: {  	_ =	shalt  }
0x6d: {  	_ =	shalt  }
0x6e: {  	_ =	shalt  }
0x6f: {  	_ =	shalt  }
0x70: {  	_ =	shalt  }
0x71: {  	_ =	shalt  }
0x72: {  	_ =	shalt  }
0x73: {  	_ =	shalt  }
0x74: {  	_ =	shalt  }
0x75: {  	_ =	shalt  }
0x76: {  	_ =	shalt  }
0x77: {  	_ =	shalt  }
0x78: {  	_ =	shalt  }
0x79: {  	_ =	shalt  }
0x7a: {  	_ =	shalt  }
0x7b: {  	_ =	shalt  }
0x7c: {  	_ =	shalt  }
0x7d: {  	_ =	shalt  }
0x7e: {  	_ =	shalt  }
0x7f: {  	_ =	shalt  }
0x80: {  	_ =	shalt  }
0x81: {  	_ =	shalt  }
0x82: {  	_ =	shalt  }
0x83: {  	_ =	shalt  }
0x84: {  	_ =	shalt  }
0x85: {  	_ =	shalt  }
0x86: {  	_ =	shalt  }
0x87: {  	_ =	shalt  }
.Lfunc_end0:
.L_simem_size_0:
called_computation.3_lowered:
.L_overlay_start_0:
0x88: {  	s2 =	sld [smem:$0x3FD9]  }
0x89: {  	s3 =	sld [smem:$0x3FFE];
	_ =	sdelay $0x1  }
0x8a: {  	s1 =	srdreg.scid  }
0x8b: {  	s0 =	sand.u32 $0x1, s1  }
0x8c: {  	s17 =	sshll.u32 s0, $0xA;
	s2 =	sadd.s32 s3, s2  }
0x8d: {  	s2 =	sadd.s32 s2, s17  }
0x8e: {  	[smem:$0x3FA2] =	sst s2  }
0x8f: {  	_ = 	snop  }
0x90: {  	s18 =	sld [smem:$0x3FD0];
	(tm) =	ssettm $0x1  }
0x91: {  	s19 =	sld [smem:$0x3FFB];
	_ =	sdelay $0x3  }
0x92: {  	_ =	strace s19  }
0x93: {  	s2 =	sld [smem:$0x3FFC];
	_ =	sdelay $0x3  }
0x94: {  	_ =	strace s2  }
0x95: {  	s2 =	sld [smem:$0x3FFD];
	_ =	sdelay $0x3  }
0x96: {  	_ =	strace s2  }
0x97: {  	_ =	strace $0x8FFFFFFF  }
0x98: {  	s20 =	sld [smem:$0x3FDB];
	_ =	sdelay $0x1  }
0x99: {  	s4 =	simm.s32 $_scs_section_size  }
0x9a: {  	s5 =	simm.s32 $_size__tile_overlayer_lowered;
	s6 =	simm.s32 $_tile_overlayer_lowered  }
0x9b: {  	s7 =	simm.s32 $0x1BFF;
	s21 =	sshll.u32 s6, $0x1;
	s4 =	sadd.s32 s4, s20  }
0x9c: {  	s22 =	simm.s32 $0x0;
	s5 =	sshll.u32 s5, $0x1;
	s6 =	sadd.s32 s21, s4  }
0x9d: {  	[timem:s22], [sflag:s7] =	dma.local [hbm:s6], s5  }
0x9e: {  	_ =	swait.ge [sflag:s7], s5  }
0x9f: {  	s5 =	ssub.s32 $0x0, s5;
	[sflag:s7] =	ssyncset.done $0x0  }
0xa0: {  	[sflag:s7] =	ssyncadd.s32 s5;
	_ =	sdelay $0x1  }
0xa1: {  	s23 =	simm.s32 $0x1B8B  }
0xa2: {  	_ =	swait.ge [sflag:s23], $0x1  }
0xa3: {  	[sflag:s23] =	ssyncset.done $0x0  }
0xa4: {  	[sflag:s23] =	ssyncadd.s32 $0xFFFFFFFF  }
0xa5: {  	s5 =	sld [smem:$0x0]  }
0xa6: {  	s6 =	sand.u32 $0xFFFFFFFE, s1  }
0xa7: {  	p0 =	sne.s32 s1, s6  }
0xa8: {  	s6 =	sshll.u32 @p0 s6, $0xE  }
0xa9: {  	s6 =	sadd.s32 @p0 $0x11B8D, s6;
	s7 =	sshll.u32 @p0 s5, $0x11  }
0xaa: {  	s6 =	sor.u32 @p0 s7, s6  }
0xab: {  	[sflag:s6] =	ssyncadd.remote.s32 @p0 $0x1;
	_ =	sdelay $0x1  }
0xac: {  	s6 =	simm.s32 @p0 $0x1B8D  }
0xad: {  	_ =	swait.eq @p0 [sflag:s6], $0x1  }
0xae: {  	[sflag:s6] =	ssyncadd.s32 @p0 $0xFFFFFFFF  }
0xaf: {  	s7 =	sshll.u32 @!p0 s1, $0xE  }
0xb0: {  	s7 =	sor.u32 @!p0 $0x4000, s7;
	s6 =	simm.s32 @!p0 $0x1B8D  }
0xb1: {  	s5 =	sshll.u32 @!p0 s5, $0x11;
	s7 =	sadd.s32 @!p0 $0x11B8D, s7;
	_ =	swait.eq @!p0 [sflag:s6], $0x1  }
0xb2: {  	s5 =	sor.u32 @!p0 s5, s7;
	[sflag:s6] =	ssyncadd.s32 @!p0 $0xFFFFFFFF  }
0xb3: {  	s25 =	simm.s32 $0x1B8E;
	s24 =	sld [smem:$0x3FFE];
	[sflag:s5] =	ssyncadd.remote.s32 @!p0 $0x1  }
0xb4: {  	s26 =	simm.s32 $execute0_lowered;
	[smem:$0x3FD2] =	sst s25  }
0xb5: {  	s6 =	sshll.u32 s26, $0x1;
	_ =	strace $0x8000004C;
	[dreg:$0x1] =	wrdreg $0xFFFFFFFF  }
0xb6: {  	s28 =	simm.s32 $_size_execute0_lowered;
	s4 =	sadd.s32 s4, s6;
	[dreg:$0x0] =	wrdreg $0x0  }
0xb7: {  	s6 =	sshll.u32 s28, $0x1;
	[dreg:$0x2] =	wrdreg s4  }
0xb8: {  	[dreg:$0x3] =	wrdreg s6  }
0xb9: {  	[dreg:$0x4] =	wrdreg $0xC0  }
0xba: {  	_ =	task [dreg:s22], $0x5FFFF  }
0xbb: {  	[dreg:$0x1] =	wrdreg $0xFFFFFFFF  }
0xbc: {  	[dreg:$0x0] =	wrdreg $0x60  }
0xbd: {  	[dreg:$0x2] =	wrdreg s24  }
0xbe: {  	[dreg:$0x3] =	wrdreg s18  }
0xbf: {  	[dreg:$0x4] =	wrdreg $0xA  }
0xc0: {  	_ =	task.clear_ibuf [dreg:s22], $0x5FFFF;
	_ =	strace $0x9000004C  }
0xc1: {  	s29 =	simm.s32 $0xA;
	_ =	strace $0x8000004E  }
0xc2: {  	_ =	swait.ge [sflag:s29], $0x1  }
0xc3: {  	[sflag:s29] =	ssyncadd.s32 $0xFFFFFFFF  }
0xc4: {  	_ =	strace $0x9000004E  }
0xc5: {  	_ =	sfence  }
0xc6: {  	s30 =	sld [smem:$0x0];
	_ =	sdelay $0x2  }
0xc7: {  	s31 =	sshll.u32 s1, $0xD;
	s1 =	sshrl.u32 s1, $0x2  }
0xc8: {  	s4 =	sand.u32 $0x4000, s31;
	s1 =	sadd.s32 s1, s30  }
0xc9: {  	s0 =	sor.u32 s4, s0;
	s1 =	sshll.u32 s1, $0x11  }
0xca: {  	s0 =	sor.u32 s1, s0  }
0xcb: {  	s0 =	sadd.s32 $0x8F2B, s0  }
0xcc: {  	[sflag:s0] =	ssyncadd.remote.s32 $0x1  }
0xcd: {  	_ =	sfence.sel $0xFFFF  }
0xce: {  	[dreg:$0x0] =	wrdreg $0xFFFFFFFF;
	(pc) =	sbr.abs _section_cstart, $3  }
0xcf: {  	[dreg:$0x1] =	wrdreg $0xFFFFFFFF  }
0xd0: {  	_ =	task.clear_ibuf [dreg:s22], $0x2FFFF;
	_ =	strace $0x9FFFFFFF  }
0xd1: {  	(tm) =	ssettm $0x7FFFFFFF  }
tec
execute0_lowered:
.L_overlay_start_1:
0x0: {  	(tag) =	ssettag $0x1  }
0x1: {  	s5 =	rddreg [dreg:$0x0]  }
0x2: {  	s2 =	rddreg [dreg:$0x1]  }
0x3: {  	s0 =	rddreg [dreg:$0x2]  }
0x4: {  	s1 =	stileid.u32;
	s4 =	srdreg.scid;
	s3 =	simm.s32 $0x0  }
0x5: {  	s10 =	simm.s32 $0x400;
	s11 =	simm.s32 $0x600;
	s12 =	simm.s32 $0x280  }
0x6: {  	s13 =	simm.s32 $0x480;
	s14 =	simm.s32 $0x680;
	s15 =	simm.s32 $0x100  }
0x7: {  	s16 =	simm.s32 $0x300;
	s17 =	simm.s32 $0x500;
	s18 =	simm.s32 $0x700  }
0x8: {  	s19 =	simm.s32 $0x180;
	s20 =	simm.s32 $0x380;
	s21 =	simm.s32 $0x580  }
0x9: {  	s22 =	simm.s32 $0x780;
	s23 =	simm.s32 $0x1;
	s24 =	simm.s32 $0x0  }
0xa: {  	s6 =	sshll.u32 s1, $0xD;
	s7 =	sand.u32 $0x1, s4;
	[smem:$0x7FF] =	sst s3  }
0xb: {  	s4 =	sadd.s32 $0x841600, s5;
	s26 =	sadd.s32 s6, s5;
	s28 =	sshll.u32 s7, $0xC  }
0xc: {  	_ =	strace $0x8000004D;
	s7 =	ssub.s32 $0x2, s7;
	s6 =	sadd.s32 s28, s26  }
0xd: {  	s5 =	sadd.s32 $0x840E00, s5;
	s9 =	sshrl.u32 s7, $0x1;
	s8 =	sadd.s32 $0x70800, s6  }
0xe: {  	s29 =	sadd.s32 $0x90800, s6;
	s30 =	sadd.s32 $0xB0800, s6;
	[dreg:$0x3] =	wrdreg s8  }
0xf: {  	s7 =	ssub.s32 s7, s9;
	s31 =	sadd.s32 $0x50800, s6;
	[dreg:$0x4] =	wrdreg s29  }
0x10: {  	s9 =	simm.s32 $0x200;
	[dreg:$0x5] =	wrdreg s30;
	s6 =	smax.u32 s7, $0x1  }
0x11: {  	[dreg:$0x6] =	wrdreg s31;
	s7 =	simm.s32 $0x2;
	s8 =	simm.s32 $0x80  }
.LBB2_1:
0x12: {  	s25 =	rddreg [dreg:$0x6]  }
0x13: {  	s25 =	sadd.s32 $0x0, s25  }
0x14: {  	[tilespmem:s3], [sflag:$0x2] =	stream.linear.gather [hbm4b:s25+s3], $0x200, $0x38;
	[tilespmem:$0x800] =	vst v63  }
0x15: {  	_ =	swait.ge [sflag:s7], $0x200  }
0x16: {  	[sflag:s7] =	ssyncset.done $0x0  }
0x17: {  	[sflag:s7] =	ssyncadd.s32 $0xFFFFFE00  }
0x18: {  	[tilespmem:s9], [sflag:$0x1] =	stream.indirect.gather [hbm4b:s4+s8], $0x1, s3, s8, $0xb8;
	[tilespmem:$0x800] =	vst v63  }
0x19: {  	_ = 	snop  }
0x1a: {  	[tilespmem:s10], [sflag:$0x1] =	stream.indirect.gather [hbm4b:s5+s8], $0x1, s3, s8, $0xb8;
	[tilespmem:$0x800] =	vst v63  }
0x1b: {  	_ = 	snop  }
0x1c: {  	[tilespmem:s11], [sflag:$0x1] =	stream.indirect.gather [hbm4b:s2+s8], $0x1, s3, s8, $0xb8;
	[tilespmem:$0x800] =	vst v63  }
0x1d: {  	_ = 	snop  }
0x1e: {  	[tilespmem:s12], [sflag:$0x1] =	stream.indirect.gather [hbm4b:s4+s8], $0x1, s8, s8, $0xb8;
	[tilespmem:$0x800] =	vst v63  }
0x1f: {  	_ = 	snop  }
0x20: {  	[tilespmem:s13], [sflag:$0x1] =	stream.indirect.gather [hbm4b:s5+s8], $0x1, s8, s8, $0xb8;
	[tilespmem:$0x800] =	vst v63  }
0x21: {  	_ = 	snop  }
0x22: {  	[tilespmem:s14], [sflag:$0x1] =	stream.indirect.gather [hbm4b:s2+s8], $0x1, s8, s8, $0xb8;
	[tilespmem:$0x800] =	vst v63  }
0x23: {  	_ = 	snop  }
0x24: {  	[tilespmem:s16], [sflag:$0x1] =	stream.indirect.gather [hbm4b:s4+s8], $0x1, s15, s8, $0xb8;
	[tilespmem:$0x800] =	vst v63  }
0x25: {  	_ = 	snop  }
0x26: {  	[tilespmem:s17], [sflag:$0x1] =	stream.indirect.gather [hbm4b:s5+s8], $0x1, s15, s8, $0xb8;
	[tilespmem:$0x800] =	vst v63  }
0x27: {  	_ = 	snop  }
0x28: {  	[tilespmem:s18], [sflag:$0x1] =	stream.indirect.gather [hbm4b:s2+s8], $0x1, s15, s8, $0xb8;
	[tilespmem:$0x800] =	vst v63  }
0x29: {  	_ = 	snop  }
0x2a: {  	[tilespmem:s20], [sflag:$0x1] =	stream.indirect.gather [hbm4b:s4+s8], $0x1, s19, s8, $0xb8;
	[tilespmem:$0x800] =	vst v63  }
0x2b: {  	_ = 	snop  }
0x2c: {  	[tilespmem:s21], [sflag:$0x1] =	stream.indirect.gather [hbm4b:s5+s8], $0x1, s19, s8, $0xb8;
	[tilespmem:$0x800] =	vst v63  }
0x2d: {  	_ = 	snop  }
0x2e: {  	[tilespmem:s22], [sflag:$0x1] =	stream.indirect.gather [hbm4b:s2+s8], $0x1, s19, s8, $0xb8;
	[tilespmem:$0x800] =	vst v63  }
0x2f: {  	_ =	swait.ge [sflag:s23], $0x80  }
0x30: {  	[sflag:s23] =	ssyncset.done $0x0  }
0x31: {  	[sflag:s23] =	ssyncadd.s32 $0xFFFFFF80  }
0x32: {  	_ =	swait.ge [sflag:s23], $0x80  }
0x33: {  	[sflag:s23] =	ssyncset.done $0x0  }
0x34: {  	[sflag:s23] =	ssyncadd.s32 $0xFFFFFF80  }
0x35: {  	_ =	swait.ge [sflag:s23], $0x80  }
0x36: {  	[sflag:s23] =	ssyncset.done $0x0  }
0x37: {  	[sflag:s23] =	ssyncadd.s32 $0xFFFFFF80  }
0x38: {  	_ =	swait.ge [sflag:s23], $0x80  }
0x39: {  	[sflag:s23] =	ssyncset.done $0x0  }
0x3a: {  	[sflag:s23] =	ssyncadd.s32 $0xFFFFFF80  }
0x3b: {  	_ =	swait.ge [sflag:s23], $0x80  }
0x3c: {  	[sflag:s23] =	ssyncset.done $0x0  }
0x3d: {  	[sflag:s23] =	ssyncadd.s32 $0xFFFFFF80  }
0x3e: {  	_ =	swait.ge [sflag:s23], $0x80  }
0x3f: {  	[sflag:s23] =	ssyncset.done $0x0  }
0x40: {  	[sflag:s23] =	ssyncadd.s32 $0xFFFFFF80  }
0x41: {  	_ =	swait.ge [sflag:s23], $0x80  }
0x42: {  	[sflag:s23] =	ssyncset.done $0x0  }
0x43: {  	[sflag:s23] =	ssyncadd.s32 $0xFFFFFF80  }
0x44: {  	_ =	swait.ge [sflag:s23], $0x80  }
0x45: {  	[sflag:s23] =	ssyncset.done $0x0  }
0x46: {  	[sflag:s23] =	ssyncadd.s32 $0xFFFFFF80  }
0x47: {  	_ =	swait.ge [sflag:s23], $0x80  }
0x48: {  	[sflag:s23] =	ssyncset.done $0x0  }
0x49: {  	[sflag:s23] =	ssyncadd.s32 $0xFFFFFF80  }
0x4a: {  	_ =	swait.ge [sflag:s23], $0x80  }
0x4b: {  	[sflag:s23] =	ssyncset.done $0x0  }
0x4c: {  	[sflag:s23] =	ssyncadd.s32 $0xFFFFFF80  }
0x4d: {  	_ =	swait.ge [sflag:s23], $0x80  }
0x4e: {  	[sflag:s23] =	ssyncset.done $0x0  }
0x4f: {  	[sflag:s23] =	ssyncadd.s32 $0xFFFFFF80  }
0x50: {  	_ =	swait.ge [sflag:s23], $0x80  }
0x51: {  	s28 =	rddreg [dreg:$0x3];
	[sflag:s23] =	ssyncset.done $0x0  }
0x52: {  	[sflag:s23] =	ssyncadd.s32 $0xFFFFFF80;
	s25 =	sadd.s32 $0x0, s28  }
0x53: {  	[hbm4b:s25+s3] =	stream.linear.scatter [tilespmem:s9], [sflag:$0x2], $0x80, $0x38;
	[tilespmem:$0x800] =	vst v63  }
0x54: {  	_ =	swait.ge [sflag:s7], $0x80  }
0x55: {  	s26 =	rddreg [dreg:$0x4];
	[sflag:s7] =	ssyncset.done $0x0  }
0x56: {  	[sflag:s7] =	ssyncadd.s32 $0xFFFFFF80;
	s26 =	sadd.s32 $0x0, s26  }
0x57: {  	[hbm4b:s26+s3] =	stream.linear.scatter [tilespmem:s10], [sflag:$0x2], $0x80, $0x38;
	[tilespmem:$0x800] =	vst v63  }
0x58: {  	_ =	swait.ge [sflag:s7], $0x80  }
0x59: {  	s28 =	rddreg [dreg:$0x5];
	[sflag:s7] =	ssyncset.done $0x0  }
0x5a: {  	[sflag:s7] =	ssyncadd.s32 $0xFFFFFF80;
	s28 =	sadd.s32 $0x0, s28  }
0x5b: {  	[hbm4b:s28+s3] =	stream.linear.scatter [tilespmem:s11], [sflag:$0x2], $0x80, $0x38;
	[tilespmem:$0x800] =	vst v63  }
0x5c: {  	_ =	swait.ge [sflag:s7], $0x80  }
0x5d: {  	[sflag:s7] =	ssyncset.done $0x0  }
0x5e: {  	s29 =	sadd.s32 $0x10, s25;
	[sflag:s7] =	ssyncadd.s32 $0xFFFFFF80  }
0x5f: {  	[hbm4b:s29+s3] =	stream.linear.scatter [tilespmem:s12], [sflag:$0x2], $0x80, $0x38;
	[tilespmem:$0x800] =	vst v63  }
0x60: {  	_ =	swait.ge [sflag:s7], $0x80  }
0x61: {  	[sflag:s7] =	ssyncset.done $0x0  }
0x62: {  	s29 =	sadd.s32 $0x10, s26;
	[sflag:s7] =	ssyncadd.s32 $0xFFFFFF80  }
0x63: {  	[hbm4b:s29+s3] =	stream.linear.scatter [tilespmem:s13], [sflag:$0x2], $0x80, $0x38;
	[tilespmem:$0x800] =	vst v63  }
0x64: {  	_ =	swait.ge [sflag:s7], $0x80  }
0x65: {  	[sflag:s7] =	ssyncset.done $0x0  }
0x66: {  	s29 =	sadd.s32 $0x10, s28;
	[sflag:s7] =	ssyncadd.s32 $0xFFFFFF80  }
0x67: {  	[hbm4b:s29+s3] =	stream.linear.scatter [tilespmem:s14], [sflag:$0x2], $0x80, $0x38;
	[tilespmem:$0x800] =	vst v63  }
0x68: {  	_ =	swait.ge [sflag:s7], $0x80  }
0x69: {  	[sflag:s7] =	ssyncset.done $0x0  }
0x6a: {  	s29 =	sadd.s32 $0x20, s25;
	[sflag:s7] =	ssyncadd.s32 $0xFFFFFF80  }
0x6b: {  	[hbm4b:s29+s3] =	stream.linear.scatter [tilespmem:s16], [sflag:$0x2], $0x80, $0x38;
	[tilespmem:$0x800] =	vst v63  }
0x6c: {  	_ =	swait.ge [sflag:s7], $0x80  }
0x6d: {  	[sflag:s7] =	ssyncset.done $0x0  }
0x6e: {  	s29 =	sadd.s32 $0x20, s26;
	[sflag:s7] =	ssyncadd.s32 $0xFFFFFF80  }
0x6f: {  	[hbm4b:s29+s3] =	stream.linear.scatter [tilespmem:s17], [sflag:$0x2], $0x80, $0x38;
	[tilespmem:$0x800] =	vst v63  }
0x70: {  	_ =	swait.ge [sflag:s7], $0x80  }
0x71: {  	[sflag:s7] =	ssyncset.done $0x0  }
0x72: {  	s29 =	sadd.s32 $0x20, s28;
	[sflag:s7] =	ssyncadd.s32 $0xFFFFFF80  }
0x73: {  	[hbm4b:s29+s3] =	stream.linear.scatter [tilespmem:s18], [sflag:$0x2], $0x80, $0x38;
	[tilespmem:$0x800] =	vst v63  }
0x74: {  	_ =	swait.ge [sflag:s7], $0x80  }
0x75: {  	[sflag:s7] =	ssyncset.done $0x0  }
0x76: {  	s25 =	sadd.s32 $0x30, s25;
	[sflag:s7] =	ssyncadd.s32 $0xFFFFFF80  }
0x77: {  	[hbm4b:s25+s3] =	stream.linear.scatter [tilespmem:s20], [sflag:$0x2], $0x80, $0x38;
	[tilespmem:$0x800] =	vst v63  }
0x78: {  	_ =	swait.ge [sflag:s7], $0x80  }
0x79: {  	[sflag:s7] =	ssyncset.done $0x0  }
0x7a: {  	s30 =	sadd.s32 $0x30, s26;
	[sflag:s7] =	ssyncadd.s32 $0xFFFFFF80  }
0x7b: {  	[hbm4b:s30+s3] =	stream.linear.scatter [tilespmem:s21], [sflag:$0x2], $0x80, $0x38;
	[tilespmem:$0x800] =	vst v63  }
0x7c: {  	_ =	swait.ge [sflag:s7], $0x80  }
0x7d: {  	[sflag:s7] =	ssyncset.done $0x0  }
0x7e: {  	s31 =	sadd.s32 $0x30, s28;
	[sflag:s7] =	ssyncadd.s32 $0xFFFFFF80  }
0x7f: {  	[hbm4b:s31+s3] =	stream.linear.scatter [tilespmem:s22], [sflag:$0x2], $0x80, $0x38;
	[tilespmem:$0x800] =	vst v63  }
0x80: {  	s26 =	simm.s32 $0x80;
	_ =	swait.ge [sflag:s7], $0x80  }
0x81: {  	s25 =	simm.s32 $0x40;
	s29 =	rddreg [dreg:$0x6];
	[sflag:s7] =	ssyncset.done $0x0  }
.LBB2_2:
0x82: {  	[sflag:s7] =	ssyncadd.s32 $0xFFFFFF80;
	s29 =	sadd.s32 s25, s29  }
0x83: {  	[tilespmem:s3], [sflag:$0x2] =	stream.linear.gather [hbm4b:s29+s3], $0x200, $0x38;
	[tilespmem:$0x800] =	vst v63  }
0x84: {  	_ =	swait.ge [sflag:s7], $0x200  }
0x85: {  	[sflag:s7] =	ssyncset.done $0x0  }
0x86: {  	[sflag:s7] =	ssyncadd.s32 $0xFFFFFE00  }
0x87: {  	[tilespmem:s9], [sflag:$0x1] =	stream.indirect.gather [hbm4b:s4+s8], $0x1, s3, s8, $0xb8;
	[tilespmem:$0x800] =	vst v63  }
0x88: {  	_ = 	snop  }
0x89: {  	[tilespmem:s10], [sflag:$0x1] =	stream.indirect.gather [hbm4b:s5+s8], $0x1, s3, s8, $0xb8;
	[tilespmem:$0x800] =	vst v63  }
0x8a: {  	_ = 	snop  }
0x8b: {  	[tilespmem:s11], [sflag:$0x1] =	stream.indirect.gather [hbm4b:s2+s8], $0x1, s3, s8, $0xb8;
	[tilespmem:$0x800] =	vst v63  }
0x8c: {  	_ = 	snop  }
0x8d: {  	[tilespmem:s12], [sflag:$0x1] =	stream.indirect.gather [hbm4b:s4+s8], $0x1, s8, s8, $0xb8;
	[tilespmem:$0x800] =	vst v63  }
0x8e: {  	_ = 	snop  }
0x8f: {  	[tilespmem:s13], [sflag:$0x1] =	stream.indirect.gather [hbm4b:s5+s8], $0x1, s8, s8, $0xb8;
	[tilespmem:$0x800] =	vst v63  }
0x90: {  	_ = 	snop  }
0x91: {  	[tilespmem:s14], [sflag:$0x1] =	stream.indirect.gather [hbm4b:s2+s8], $0x1, s8, s8, $0xb8;
	[tilespmem:$0x800] =	vst v63  }
0x92: {  	_ = 	snop  }
0x93: {  	[tilespmem:s16], [sflag:$0x1] =	stream.indirect.gather [hbm4b:s4+s8], $0x1, s15, s8, $0xb8;
	[tilespmem:$0x800] =	vst v63  }
0x94: {  	_ = 	snop  }
0x95: {  	[tilespmem:s17], [sflag:$0x1] =	stream.indirect.gather [hbm4b:s5+s8], $0x1, s15, s8, $0xb8;
	[tilespmem:$0x800] =	vst v63  }
0x96: {  	_ = 	snop  }
0x97: {  	[tilespmem:s18], [sflag:$0x1] =	stream.indirect.gather [hbm4b:s2+s8], $0x1, s15, s8, $0xb8;
	[tilespmem:$0x800] =	vst v63  }
0x98: {  	_ = 	snop  }
0x99: {  	[tilespmem:s20], [sflag:$0x1] =	stream.indirect.gather [hbm4b:s4+s8], $0x1, s19, s8, $0xb8;
	[tilespmem:$0x800] =	vst v63  }
0x9a: {  	_ = 	snop  }
0x9b: {  	[tilespmem:s21], [sflag:$0x1] =	stream.indirect.gather [hbm4b:s5+s8], $0x1, s19, s8, $0xb8;
	[tilespmem:$0x800] =	vst v63  }
0x9c: {  	_ = 	snop  }
0x9d: {  	[tilespmem:s22], [sflag:$0x1] =	stream.indirect.gather [hbm4b:s2+s8], $0x1, s19, s8, $0xb8;
	[tilespmem:$0x800] =	vst v63  }
0x9e: {  	_ =	swait.ge [sflag:s23], $0x80  }
0x9f: {  	[sflag:s23] =	ssyncset.done $0x0  }
0xa0: {  	[sflag:s23] =	ssyncadd.s32 $0xFFFFFF80  }
0xa1: {  	_ =	swait.ge [sflag:s23], $0x80  }
0xa2: {  	[sflag:s23] =	ssyncset.done $0x0  }
0xa3: {  	[sflag:s23] =	ssyncadd.s32 $0xFFFFFF80  }
0xa4: {  	_ =	swait.ge [sflag:s23], $0x80  }
0xa5: {  	[sflag:s23] =	ssyncset.done $0x0  }
0xa6: {  	[sflag:s23] =	ssyncadd.s32 $0xFFFFFF80  }
0xa7: {  	_ =	swait.ge [sflag:s23], $0x80  }
0xa8: {  	[sflag:s23] =	ssyncset.done $0x0  }
0xa9: {  	[sflag:s23] =	ssyncadd.s32 $0xFFFFFF80  }
0xaa: {  	_ =	swait.ge [sflag:s23], $0x80  }
0xab: {  	[sflag:s23] =	ssyncset.done $0x0  }
0xac: {  	[sflag:s23] =	ssyncadd.s32 $0xFFFFFF80  }
0xad: {  	_ =	swait.ge [sflag:s23], $0x80  }
0xae: {  	[sflag:s23] =	ssyncset.done $0x0  }
0xaf: {  	[sflag:s23] =	ssyncadd.s32 $0xFFFFFF80  }
0xb0: {  	_ =	swait.ge [sflag:s23], $0x80  }
0xb1: {  	[sflag:s23] =	ssyncset.done $0x0  }
0xb2: {  	[sflag:s23] =	ssyncadd.s32 $0xFFFFFF80  }
0xb3: {  	_ =	swait.ge [sflag:s23], $0x80  }
0xb4: {  	[sflag:s23] =	ssyncset.done $0x0  }
0xb5: {  	[sflag:s23] =	ssyncadd.s32 $0xFFFFFF80  }
0xb6: {  	_ =	swait.ge [sflag:s23], $0x80  }
0xb7: {  	[sflag:s23] =	ssyncset.done $0x0  }
0xb8: {  	[sflag:s23] =	ssyncadd.s32 $0xFFFFFF80  }
0xb9: {  	_ =	swait.ge [sflag:s23], $0x80  }
0xba: {  	[sflag:s23] =	ssyncset.done $0x0  }
0xbb: {  	[sflag:s23] =	ssyncadd.s32 $0xFFFFFF80  }
0xbc: {  	_ =	swait.ge [sflag:s23], $0x80  }
0xbd: {  	[sflag:s23] =	ssyncset.done $0x0  }
0xbe: {  	[sflag:s23] =	ssyncadd.s32 $0xFFFFFF80  }
0xbf: {  	_ =	swait.ge [sflag:s23], $0x80  }
0xc0: {  	s29 =	rddreg [dreg:$0x3];
	[sflag:s23] =	ssyncset.done $0x0  }
0xc1: {  	[sflag:s23] =	ssyncadd.s32 $0xFFFFFF80;
	s29 =	sadd.s32 s25, s29  }
0xc2: {  	[hbm4b:s29+s3] =	stream.linear.scatter [tilespmem:s9], [sflag:$0x2], $0x80, $0x38;
	[tilespmem:$0x800] =	vst v63  }
0xc3: {  	_ =	swait.ge [sflag:s7], $0x80  }
0xc4: {  	s30 =	rddreg [dreg:$0x4];
	[sflag:s7] =	ssyncset.done $0x0  }
0xc5: {  	[sflag:s7] =	ssyncadd.s32 $0xFFFFFF80;
	s30 =	sadd.s32 s25, s30  }
0xc6: {  	[hbm4b:s30+s3] =	stream.linear.scatter [tilespmem:s10], [sflag:$0x2], $0x80, $0x38;
	[tilespmem:$0x800] =	vst v63  }
0xc7: {  	_ =	swait.ge [sflag:s7], $0x80  }
0xc8: {  	s31 =	rddreg [dreg:$0x5];
	[sflag:s7] =	ssyncset.done $0x0  }
0xc9: {  	[sflag:s7] =	ssyncadd.s32 $0xFFFFFF80;
	s31 =	sadd.s32 s25, s31  }
0xca: {  	[hbm4b:s31+s3] =	stream.linear.scatter [tilespmem:s11], [sflag:$0x2], $0x80, $0x38;
	[tilespmem:$0x800] =	vst v63  }
0xcb: {  	_ =	swait.ge [sflag:s7], $0x80  }
0xcc: {  	s28 =	smov.u32 s26;
	[sflag:s7] =	ssyncset.done $0x0  }
0xcd: {  	s25 =	smov.u32 s28;
	s28 =	sadd.s32 $0x10, s29;
	[sflag:s7] =	ssyncadd.s32 $0xFFFFFF80  }
0xce: {  	[hbm4b:s28+s3] =	stream.linear.scatter [tilespmem:s12], [sflag:$0x2], $0x80, $0x38;
	[tilespmem:$0x800] =	vst v63  }
0xcf: {  	_ =	swait.ge [sflag:s7], $0x80  }
0xd0: {  	[sflag:s7] =	ssyncset.done $0x0  }
0xd1: {  	s28 =	sadd.s32 $0x10, s30;
	[sflag:s7] =	ssyncadd.s32 $0xFFFFFF80  }
0xd2: {  	[hbm4b:s28+s3] =	stream.linear.scatter [tilespmem:s13], [sflag:$0x2], $0x80, $0x38;
	[tilespmem:$0x800] =	vst v63  }
0xd3: {  	_ =	swait.ge [sflag:s7], $0x80  }
0xd4: {  	[sflag:s7] =	ssyncset.done $0x0  }
0xd5: {  	s28 =	sadd.s32 $0x10, s31;
	[sflag:s7] =	ssyncadd.s32 $0xFFFFFF80  }
0xd6: {  	[hbm4b:s28+s3] =	stream.linear.scatter [tilespmem:s14], [sflag:$0x2], $0x80, $0x38;
	[tilespmem:$0x800] =	vst v63  }
0xd7: {  	_ =	swait.ge [sflag:s7], $0x80  }
0xd8: {  	[sflag:s7] =	ssyncset.done $0x0  }
0xd9: {  	s28 =	sadd.s32 $0x20, s29;
	[sflag:s7] =	ssyncadd.s32 $0xFFFFFF80  }
0xda: {  	[hbm4b:s28+s3] =	stream.linear.scatter [tilespmem:s16], [sflag:$0x2], $0x80, $0x38;
	[tilespmem:$0x800] =	vst v63  }
0xdb: {  	_ =	swait.ge [sflag:s7], $0x80  }
0xdc: {  	[sflag:s7] =	ssyncset.done $0x0  }
0xdd: {  	s28 =	sadd.s32 $0x20, s30;
	[sflag:s7] =	ssyncadd.s32 $0xFFFFFF80  }
0xde: {  	[hbm4b:s28+s3] =	stream.linear.scatter [tilespmem:s17], [sflag:$0x2], $0x80, $0x38;
	[tilespmem:$0x800] =	vst v63  }
0xdf: {  	_ =	swait.ge [sflag:s7], $0x80  }
0xe0: {  	[sflag:s7] =	ssyncset.done $0x0  }
0xe1: {  	s28 =	sadd.s32 $0x20, s31;
	[sflag:s7] =	ssyncadd.s32 $0xFFFFFF80  }
0xe2: {  	[hbm4b:s28+s3] =	stream.linear.scatter [tilespmem:s18], [sflag:$0x2], $0x80, $0x38;
	[tilespmem:$0x800] =	vst v63  }
0xe3: {  	_ =	swait.ge [sflag:s7], $0x80  }
0xe4: {  	[sflag:s7] =	ssyncset.done $0x0  }
0xe5: {  	s28 =	sadd.s32 $0x30, s29;
	[sflag:s7] =	ssyncadd.s32 $0xFFFFFF80  }
0xe6: {  	[hbm4b:s28+s3] =	stream.linear.scatter [tilespmem:s20], [sflag:$0x2], $0x80, $0x38;
	[tilespmem:$0x800] =	vst v63  }
0xe7: {  	_ =	swait.ge [sflag:s7], $0x80  }
0xe8: {  	[sflag:s7] =	ssyncset.done $0x0  }
0xe9: {  	s30 =	sadd.s32 $0x30, s30;
	[sflag:s7] =	ssyncadd.s32 $0xFFFFFF80  }
0xea: {  	[hbm4b:s30+s3] =	stream.linear.scatter [tilespmem:s21], [sflag:$0x2], $0x80, $0x38;
	[tilespmem:$0x800] =	vst v63  }
0xeb: {  	p0 =	sne.s32 s26, $0xFC0;
	_ =	swait.ge [sflag:s7], $0x80  }
.Ltmp0:
0xec: {  	[sflag:s7] =	ssyncset.done $0x0;
	(pc) =	sbr.rel @p0 .LBB2_2-.Ltmp0, $4  }
0xed: {  	s31 =	sadd.s32 $0x30, s31;
	[sflag:s7] =	ssyncadd.s32 $0xFFFFFF80  }
0xee: {  	[hbm4b:s31+s3] =	stream.linear.scatter [tilespmem:s22], [sflag:$0x2], $0x80, $0x38;
	[tilespmem:$0x800] =	vst v63  }
0xef: {  	_ =	swait.ge [sflag:s7], $0x80  }
0xf0: {  	s26 =	sadd.s32 $0x40, s26;
	s29 =	rddreg [dreg:$0x6];
	[sflag:s7] =	ssyncset.done $0x0  }
0xf1: {  	[sflag:s7] =	ssyncadd.s32 $0xFFFFFF80;
	s26 =	sadd.s32 s25, s29  }
0xf2: {  	[tilespmem:s3], [sflag:$0x2] =	stream.linear.gather [hbm4b:s26+s3], $0x200, $0x38;
	[tilespmem:$0x800] =	vst v63  }
0xf3: {  	_ =	swait.ge [sflag:s7], $0x200  }
0xf4: {  	[sflag:s7] =	ssyncset.done $0x0  }
0xf5: {  	[sflag:s7] =	ssyncadd.s32 $0xFFFFFE00  }
0xf6: {  	[tilespmem:s9], [sflag:$0x1] =	stream.indirect.gather [hbm4b:s4+s8], $0x1, s3, s8, $0xb8;
	[tilespmem:$0x800] =	vst v63  }
0xf7: {  	_ = 	snop  }
0xf8: {  	[tilespmem:s10], [sflag:$0x1] =	stream.indirect.gather [hbm4b:s5+s8], $0x1, s3, s8, $0xb8;
	[tilespmem:$0x800] =	vst v63  }
0xf9: {  	_ = 	snop  }
0xfa: {  	[tilespmem:s11], [sflag:$0x1] =	stream.indirect.gather [hbm4b:s2+s8], $0x1, s3, s8, $0xb8;
	[tilespmem:$0x800] =	vst v63  }
0xfb: {  	_ = 	snop  }
0xfc: {  	[tilespmem:s12], [sflag:$0x1] =	stream.indirect.gather [hbm4b:s4+s8], $0x1, s8, s8, $0xb8;
	[tilespmem:$0x800] =	vst v63  }
0xfd: {  	_ = 	snop  }
0xfe: {  	[tilespmem:s13], [sflag:$0x1] =	stream.indirect.gather [hbm4b:s5+s8], $0x1, s8, s8, $0xb8;
	[tilespmem:$0x800] =	vst v63  }
0xff: {  	_ = 	snop  }
0x100: {  	[tilespmem:s14], [sflag:$0x1] =	stream.indirect.gather [hbm4b:s2+s8], $0x1, s8, s8, $0xb8;
	[tilespmem:$0x800] =	vst v63  }
0x101: {  	_ = 	snop  }
0x102: {  	[tilespmem:s16], [sflag:$0x1] =	stream.indirect.gather [hbm4b:s4+s8], $0x1, s15, s8, $0xb8;
	[tilespmem:$0x800] =	vst v63  }
0x103: {  	_ = 	snop  }
0x104: {  	[tilespmem:s17], [sflag:$0x1] =	stream.indirect.gather [hbm4b:s5+s8], $0x1, s15, s8, $0xb8;
	[tilespmem:$0x800] =	vst v63  }
0x105: {  	_ = 	snop  }
0x106: {  	[tilespmem:s18], [sflag:$0x1] =	stream.indirect.gather [hbm4b:s2+s8], $0x1, s15, s8, $0xb8;
	[tilespmem:$0x800] =	vst v63  }
0x107: {  	_ = 	snop  }
0x108: {  	[tilespmem:s20], [sflag:$0x1] =	stream.indirect.gather [hbm4b:s4+s8], $0x1, s19, s8, $0xb8;
	[tilespmem:$0x800] =	vst v63  }
0x109: {  	_ = 	snop  }
0x10a: {  	[tilespmem:s21], [sflag:$0x1] =	stream.indirect.gather [hbm4b:s5+s8], $0x1, s19, s8, $0xb8;
	[tilespmem:$0x800] =	vst v63  }
0x10b: {  	_ = 	snop  }
0x10c: {  	[tilespmem:s22], [sflag:$0x1] =	stream.indirect.gather [hbm4b:s2+s8], $0x1, s19, s8, $0xb8;
	[tilespmem:$0x800] =	vst v63  }
0x10d: {  	_ =	swait.ge [sflag:s23], $0x80  }
0x10e: {  	[sflag:s23] =	ssyncset.done $0x0  }
0x10f: {  	[sflag:s23] =	ssyncadd.s32 $0xFFFFFF80  }
0x110: {  	_ =	swait.ge [sflag:s23], $0x80  }
0x111: {  	[sflag:s23] =	ssyncset.done $0x0  }
0x112: {  	[sflag:s23] =	ssyncadd.s32 $0xFFFFFF80  }
0x113: {  	_ =	swait.ge [sflag:s23], $0x80  }
0x114: {  	[sflag:s23] =	ssyncset.done $0x0  }
0x115: {  	[sflag:s23] =	ssyncadd.s32 $0xFFFFFF80  }
0x116: {  	_ =	swait.ge [sflag:s23], $0x80  }
0x117: {  	[sflag:s23] =	ssyncset.done $0x0  }
0x118: {  	[sflag:s23] =	ssyncadd.s32 $0xFFFFFF80  }
0x119: {  	_ =	swait.ge [sflag:s23], $0x80  }
0x11a: {  	[sflag:s23] =	ssyncset.done $0x0  }
0x11b: {  	[sflag:s23] =	ssyncadd.s32 $0xFFFFFF80  }
0x11c: {  	_ =	swait.ge [sflag:s23], $0x80  }
0x11d: {  	[sflag:s23] =	ssyncset.done $0x0  }
0x11e: {  	[sflag:s23] =	ssyncadd.s32 $0xFFFFFF80  }
0x11f: {  	_ =	swait.ge [sflag:s23], $0x80  }
0x120: {  	[sflag:s23] =	ssyncset.done $0x0  }
0x121: {  	[sflag:s23] =	ssyncadd.s32 $0xFFFFFF80  }
0x122: {  	_ =	swait.ge [sflag:s23], $0x80  }
0x123: {  	[sflag:s23] =	ssyncset.done $0x0  }
0x124: {  	[sflag:s23] =	ssyncadd.s32 $0xFFFFFF80  }
0x125: {  	_ =	swait.ge [sflag:s23], $0x80  }
0x126: {  	[sflag:s23] =	ssyncset.done $0x0  }
0x127: {  	[sflag:s23] =	ssyncadd.s32 $0xFFFFFF80  }
0x128: {  	_ =	swait.ge [sflag:s23], $0x80  }
0x129: {  	[sflag:s23] =	ssyncset.done $0x0  }
0x12a: {  	[sflag:s23] =	ssyncadd.s32 $0xFFFFFF80  }
0x12b: {  	_ =	swait.ge [sflag:s23], $0x80  }
0x12c: {  	[sflag:s23] =	ssyncset.done $0x0  }
0x12d: {  	[sflag:s23] =	ssyncadd.s32 $0xFFFFFF80  }
0x12e: {  	_ =	swait.ge [sflag:s23], $0x80  }
0x12f: {  	s29 =	rddreg [dreg:$0x3];
	[sflag:s23] =	ssyncset.done $0x0  }
0x130: {  	[sflag:s23] =	ssyncadd.s32 $0xFFFFFF80;
	s26 =	sadd.s32 s25, s29  }
0x131: {  	[hbm4b:s26+s3] =	stream.linear.scatter [tilespmem:s9], [sflag:$0x2], $0x80, $0x38;
	[tilespmem:$0x800] =	vst v63  }
0x132: {  	_ =	swait.ge [sflag:s7], $0x80  }
0x133: {  	s28 =	rddreg [dreg:$0x4];
	[sflag:s7] =	ssyncset.done $0x0  }
0x134: {  	[sflag:s7] =	ssyncadd.s32 $0xFFFFFF80;
	s28 =	sadd.s32 s25, s28  }
0x135: {  	[hbm4b:s28+s3] =	stream.linear.scatter [tilespmem:s10], [sflag:$0x2], $0x80, $0x38;
	[tilespmem:$0x800] =	vst v63  }
0x136: {  	_ =	swait.ge [sflag:s7], $0x80  }
0x137: {  	s30 =	rddreg [dreg:$0x5];
	[sflag:s7] =	ssyncset.done $0x0  }
0x138: {  	[sflag:s7] =	ssyncadd.s32 $0xFFFFFF80;
	s25 =	sadd.s32 s25, s30  }
0x139: {  	[hbm4b:s25+s3] =	stream.linear.scatter [tilespmem:s11], [sflag:$0x2], $0x80, $0x38;
	[tilespmem:$0x800] =	vst v63  }
0x13a: {  	_ =	swait.ge [sflag:s7], $0x80  }
0x13b: {  	[sflag:s7] =	ssyncset.done $0x0  }
0x13c: {  	s31 =	sadd.s32 $0x10, s26;
	[sflag:s7] =	ssyncadd.s32 $0xFFFFFF80  }
0x13d: {  	[hbm4b:s31+s3] =	stream.linear.scatter [tilespmem:s12], [sflag:$0x2], $0x80, $0x38;
	[tilespmem:$0x800] =	vst v63  }
0x13e: {  	_ =	swait.ge [sflag:s7], $0x80  }
0x13f: {  	[sflag:s7] =	ssyncset.done $0x0  }
0x140: {  	s30 =	sadd.s32 $0x10, s28;
	[sflag:s7] =	ssyncadd.s32 $0xFFFFFF80  }
0x141: {  	[hbm4b:s30+s3] =	stream.linear.scatter [tilespmem:s13], [sflag:$0x2], $0x80, $0x38;
	[tilespmem:$0x800] =	vst v63  }
0x142: {  	_ =	swait.ge [sflag:s7], $0x80  }
0x143: {  	[sflag:s7] =	ssyncset.done $0x0  }
0x144: {  	s31 =	sadd.s32 $0x10, s25;
	[sflag:s7] =	ssyncadd.s32 $0xFFFFFF80  }
0x145: {  	[hbm4b:s31+s3] =	stream.linear.scatter [tilespmem:s14], [sflag:$0x2], $0x80, $0x38;
	[tilespmem:$0x800] =	vst v63  }
0x146: {  	_ =	swait.ge [sflag:s7], $0x80  }
0x147: {  	[sflag:s7] =	ssyncset.done $0x0  }
0x148: {  	s30 =	sadd.s32 $0x20, s26;
	[sflag:s7] =	ssyncadd.s32 $0xFFFFFF80  }
0x149: {  	[hbm4b:s30+s3] =	stream.linear.scatter [tilespmem:s16], [sflag:$0x2], $0x80, $0x38;
	[tilespmem:$0x800] =	vst v63  }
0x14a: {  	_ =	swait.ge [sflag:s7], $0x80  }
0x14b: {  	[sflag:s7] =	ssyncset.done $0x0  }
0x14c: {  	s31 =	sadd.s32 $0x20, s28;
	[sflag:s7] =	ssyncadd.s32 $0xFFFFFF80  }
0x14d: {  	[hbm4b:s31+s3] =	stream.linear.scatter [tilespmem:s17], [sflag:$0x2], $0x80, $0x38;
	[tilespmem:$0x800] =	vst v63  }
0x14e: {  	_ =	swait.ge [sflag:s7], $0x80  }
0x14f: {  	[sflag:s7] =	ssyncset.done $0x0  }
0x150: {  	s30 =	sadd.s32 $0x20, s25;
	[sflag:s7] =	ssyncadd.s32 $0xFFFFFF80  }
0x151: {  	[hbm4b:s30+s3] =	stream.linear.scatter [tilespmem:s18], [sflag:$0x2], $0x80, $0x38;
	[tilespmem:$0x800] =	vst v63  }
0x152: {  	_ =	swait.ge [sflag:s7], $0x80  }
0x153: {  	[sflag:s7] =	ssyncset.done $0x0  }
0x154: {  	s26 =	sadd.s32 $0x30, s26;
	[sflag:s7] =	ssyncadd.s32 $0xFFFFFF80  }
0x155: {  	[hbm4b:s26+s3] =	stream.linear.scatter [tilespmem:s20], [sflag:$0x2], $0x80, $0x38;
	[tilespmem:$0x800] =	vst v63  }
0x156: {  	_ =	swait.ge [sflag:s7], $0x80  }
0x157: {  	[sflag:s7] =	ssyncset.done $0x0  }
0x158: {  	s31 =	sadd.s32 $0x30, s28;
	[sflag:s7] =	ssyncadd.s32 $0xFFFFFF80  }
0x159: {  	[hbm4b:s31+s3] =	stream.linear.scatter [tilespmem:s21], [sflag:$0x2], $0x80, $0x38;
	[tilespmem:$0x800] =	vst v63  }
0x15a: {  	s24 =	sadd.s32 $0x1, s24;
	_ =	swait.ge [sflag:s7], $0x80  }
0x15b: {  	p0 =	sne.s32 s24, s6;
	[sflag:s7] =	ssyncset.done $0x0  }
.Ltmp1:
0x15c: {  	s25 =	sadd.s32 $0x30, s25;
	[sflag:s7] =	ssyncadd.s32 $0xFFFFFF80;
	(pc) =	sbr.rel @p0 .LBB2_1-.Ltmp1, $4  }
0x15d: {  	[hbm4b:s25+s3] =	stream.linear.scatter [tilespmem:s22], [sflag:$0x2], $0x80, $0x38;
	[tilespmem:$0x800] =	vst v63  }
0x15e: {  	_ =	swait.ge [sflag:s7], $0x80  }
0x15f: {  	[sflag:s7] =	ssyncset.done $0x0  }
0x160: {  	[sflag:s7] =	ssyncadd.s32 $0xFFFFFF80  }
0x161: {  	_ =	sfence.sel $0x180000  }
0x162: {  	[bflag:$0x0] =	sbarrier.arrive $0xFFFF  }
0x163: {  	p0 =	sne.s32 s1, $0x0;
	_ =	strace $0x9000004D  }
0x164: {  	s0 =	sadd.s32 @!p0 $0x100000, s0;
	[bflag:$0x2] =	sbarrier.arrive $0xFFFF  }
0x165: {  	[sflag:s0] =	ssyncadd.tile.s32 @!p0 $0x1;
	_ =	shalt  }
.Lfunc_end2:
_tile_overlayer_lowered:
.L_overlay_start_2:
0x166: {  	(tag) =	ssettag $0x2  }
0x167: {  	s0 =	rddreg [dreg:$0x0];
	s2 =	stileid.u32  }
0x168: {  	s1 =	rddreg [dreg:$0x1];
	p0 =	sne.s32 s2, $0x0  }
0x169: {  	s3 =	rddreg [dreg:$0x2];
	[bflag:$0x3] =	sbarrier.arrive $0xFFFF;
	s2 =	simm.s32 @!p0 $0x1C02  }
0x16a: {  	[timem:s3], [sflag:s2] =	dma.local @!p0 [hbm:s0], s1  }
0x16b: {  	s0 =	simm.s32 @!p0 $0x2  }
0x16c: {  	_ =	swait.ge @!p0 [sflag:s0], s1  }
0x16d: {  	s1 =	ssub.s32 @!p0 $0x0, s1;
	[sflag:s0] =	ssyncset.done @!p0 $0x0  }
0x16e: {  	[sflag:s0] =	ssyncadd.s32 @!p0 s1  }
0x16f: {  	[bflag:$0x3] =	sbarrier.arrive $0xFFFF  }
0x170: {  	_ =	shalt  }

// kernel: kernel.13.cloned.1.call-start
scs
__scs_entry_jumppad:
0x0: {  	(pc) =	sbr.rel $0x88, $3  }
0x1: {  	(tag) =	ssettag $0x0;
	lr =	simm.s32 $0x1  }
0x2: {  	[smem:$0x3F7B] =	sst lr;
	_ =	strace $0xD0000000  }
0x3: {  	_ = 	snop  }
0x4: {  	_ = 	snop  }
0x5: {  	_ = 	snop  }
0x6: {  	_ = 	snop  }
0x7: {  	_ = 	snop  }
__scs_overlays_trampoline_lowered:
0x8: {  	[smem:$0x3F8A] =	sst s0  }
0x9: {  	[smem:$0x3F8B] =	sst s1  }
0xa: {  	[smem:$0x3F8C] =	sst s2  }
0xb: {  	[smem:$0x3F8D] =	sst s3  }
0xc: {  	[smem:$0x3F8E] =	sst s4  }
0xd: {  	[smem:$0x3F8F] =	sst s5  }
0xe: {  	[smem:$0x3F90] =	sst s6  }
0xf: {  	[smem:$0x3F91] =	sst s7  }
0x10: {  	[smem:$0x3F92] =	sst s8  }
0x11: {  	[smem:$0x3F93] =	sst s9;
	s0 =	simm.s32 @!p0 $0x0  }
0x12: {  	s1 =	sld [smem:$0x3F79];
	s0 =	simm.s32 @p0 $0x1  }
0x13: {  	[smem:$0x3F94] =	sst s0;
	s0 =	simm.s32 @!p1 $0x0  }
0x14: {  	s2 =	sld [smem:$0x3F78];
	s0 =	simm.s32 @p1 $0x1  }
0x15: {  	[smem:$0x3F95] =	sst s0;
	s0 =	simm.s32 @!p2 $0x0  }
0x16: {  	s3 =	sld [smem:$0x3FDB];
	s0 =	simm.s32 @p2 $0x1  }
0x17: {  	s4 =	simm.s32 $0x1BF5;
	[smem:$0x3F97] =	sst s0  }
0x18: {  	s0 =	sld [smem:$0x3F7A];
	_ =	swait.ge [sflag:s4], $0x0  }
0x19: {  	s7 =	sld [smem:$0x3F7B]  }
0x1a: {  	s8 =	sadd.s32 $0xFFFFE003, lr  }
0x1b: {  	s9 =	sadd.s32 $0xFFFFFEF7, lr;
	s5 =	simm.s32 $0xFFFFFFFF;
	p2 =	slt.u32 s8, $0xFFFFF086  }
0x1c: {  	p1 =	slt.u32 s9, $0xF7A;
	s5 =	simm.s32 @!p2 $0x0  }
0x1d: {  	s5 =	simm.s32 @p1 $0x1;
	p0 =	seq.s32 s7, s2  }
0x1e: {  	s7 =	smul.u32 @!p0 $0xF7A, s2;
	p2 =	seq.s32 @!p0 s5, $0x0  }
0x1f: {  	s9 =	smul.u32 $0xF7A, s1;
	s8 =	simm.s32 @!p0 $0x1BF5;
	p2 =	por !p2, p0  }
0x20: {  	[sflag:s8] =	ssyncset.s32 @!p0 $0xFFFFF086;
	s6 =	sadd.s32 @!p0 s3, s7;
	s7 =	simm.s32 @!p0 $0x108  }
0x21: {  	s3 =	sadd.s32 s3, s9;
	s6 =	sadd.s32 @!p0 $0x88, s6;
	s7 =	simm.s32 @p2 $0x1082  }
0x22: {  	[simem:s7], [sflag:s8] =	dma.local @!p0 [hbm:s6], $0xF7A  }
0x23: {  	s9 =	sor.u32 $0xD0000000, s2;
	s6 =	simm.s32 $0x108;
	_ =	swait.ge @!p0 [sflag:s8], $0x0  }
0x24: {  	s3 =	sadd.s32 $0x88, s3;
	s6 =	simm.s32 @!p1 $0x1082;
	[sflag:s4] =	ssyncset.s32 $0xFFFFF086  }
0x25: {  	[simem:s6], [sflag:s4] =	dma.local [hbm:s3], $0xF7A  }
0x26: {  	[smem:$0x3F7B] =	sst s1;
	(tag) =	ssettag s2;
	_ =	strace s9  }
0x27: {  	s1 =	sld [smem:$0x3F8B]  }
0x28: {  	s2 =	sld [smem:$0x3F8C]  }
0x29: {  	s4 =	sld [smem:$0x3F8E]  }
0x2a: {  	p0 =	seq.s32 s5, $0x0;
	s5 =	sld [smem:$0x3F8F]  }
0x2b: {  	s6 =	sld [smem:$0x3F90]  }
0x2c: {  	s7 =	sld [smem:$0x3F91]  }
0x2d: {  	s3 =	simm.s32 $0x108;
	s8 =	sld [smem:$0x3F92]  }
0x2e: {  	s3 =	simm.s32 @!p0 $0x1082;
	s9 =	sld [smem:$0x3F93]  }
0x2f: {  	lr =	sadd.s32 s0, s3;
	s0 =	sld [smem:$0x3F8A]  }
0x30: {  	s3 =	sld [smem:$0x3F8D]  }
0x31: {  	[smem:$0x3F96] =	sst s10  }
0x32: {  	s10 =	sld [smem:$0x3F94];
	_ =	sdelay $0x3  }
0x33: {  	p0 =	seq.s32 s10, $0x1;
	s10 =	sld [smem:$0x3F96];
	_ =	sdelay $0x3  }
0x34: {  	[smem:$0x3F96] =	sst s10  }
0x35: {  	s10 =	sld [smem:$0x3F95];
	_ =	sdelay $0x3  }
0x36: {  	p1 =	seq.s32 s10, $0x1;
	s10 =	sld [smem:$0x3F96];
	_ =	sdelay $0x3  }
0x37: {  	[smem:$0x3F96] =	sst s10  }
0x38: {  	s10 =	sld [smem:$0x3F97]  }
0x39: {  	_ = 	snop;
	(pc) =	sbr.ind lr, $3  }
0x3a: {  	_ = 	snop  }
0x3b: {  	_ = 	snop  }
0x3c: {  	p2 =	seq.s32 s10, $0x1;
	s10 =	sld [smem:$0x3F96]  }
0x3d: {  	_ =	shalt  }
0x3e: {  	_ =	shalt  }
0x3f: {  	_ =	shalt  }
0x40: {  	_ =	shalt  }
0x41: {  	_ =	shalt  }
0x42: {  	_ =	shalt  }
0x43: {  	_ =	shalt  }
0x44: {  	_ =	shalt  }
0x45: {  	_ =	shalt  }
0x46: {  	_ =	shalt  }
0x47: {  	_ =	shalt  }
0x48: {  	_ =	shalt  }
0x49: {  	_ =	shalt  }
0x4a: {  	_ =	shalt  }
0x4b: {  	_ =	shalt  }
0x4c: {  	_ =	shalt  }
0x4d: {  	_ =	shalt  }
0x4e: {  	_ =	shalt  }
0x4f: {  	_ =	shalt  }
0x50: {  	_ =	shalt  }
0x51: {  	_ =	shalt  }
0x52: {  	_ =	shalt  }
0x53: {  	_ =	shalt  }
0x54: {  	_ =	shalt  }
0x55: {  	_ =	shalt  }
0x56: {  	_ =	shalt  }
0x57: {  	_ =	shalt  }
0x58: {  	_ =	shalt  }
0x59: {  	_ =	shalt  }
0x5a: {  	_ =	shalt  }
0x5b: {  	_ =	shalt  }
0x5c: {  	_ =	shalt  }
0x5d: {  	_ =	shalt  }
0x5e: {  	_ =	shalt  }
0x5f: {  	_ =	shalt  }
0x60: {  	_ =	shalt  }
0x61: {  	_ =	shalt  }
0x62: {  	_ =	shalt  }
0x63: {  	_ =	shalt  }
0x64: {  	_ =	shalt  }
0x65: {  	_ =	shalt  }
0x66: {  	_ =	shalt  }
0x67: {  	_ =	shalt  }
0x68: {  	_ =	shalt  }
0x69: {  	_ =	shalt  }
0x6a: {  	_ =	shalt  }
0x6b: {  	_ =	shalt  }
0x6c: {  	_ =	shalt  }
0x6d: {  	_ =	shalt  }
0x6e: {  	_ =	shalt  }
0x6f: {  	_ =	shalt  }
0x70: {  	_ =	shalt  }
0x71: {  	_ =	shalt  }
0x72: {  	_ =	shalt  }
0x73: {  	_ =	shalt  }
0x74: {  	_ =	shalt  }
0x75: {  	_ =	shalt  }
0x76: {  	_ =	shalt  }
0x77: {  	_ =	shalt  }
0x78: {  	_ =	shalt  }
0x79: {  	_ =	shalt  }
0x7a: {  	_ =	shalt  }
0x7b: {  	_ =	shalt  }
0x7c: {  	_ =	shalt  }
0x7d: {  	_ =	shalt  }
0x7e: {  	_ =	shalt  }
0x7f: {  	_ =	shalt  }
0x80: {  	_ =	shalt  }
0x81: {  	_ =	shalt  }
0x82: {  	_ =	shalt  }
0x83: {  	_ =	shalt  }
0x84: {  	_ =	shalt  }
0x85: {  	_ =	shalt  }
0x86: {  	_ =	shalt  }
0x87: {  	_ =	shalt  }
.Lfunc_end0:
.L_simem_size_0:
called_computation.4_lowered:
.L_overlay_start_0:
0x88: {  	s2 =	sld [smem:$0x3FD9]  }
0x89: {  	s3 =	sld [smem:$0x3FFE];
	_ =	sdelay $0x1  }
0x8a: {  	s1 =	srdreg.scid  }
0x8b: {  	s0 =	sand.u32 $0x1, s1  }
0x8c: {  	s17 =	sshll.u32 s0, $0xA;
	s2 =	sadd.s32 s3, s2  }
0x8d: {  	s2 =	sadd.s32 s2, s17  }
0x8e: {  	[smem:$0x3FA2] =	sst s2  }
0x8f: {  	_ = 	snop  }
0x90: {  	s18 =	sld [smem:$0x3FD0];
	(tm) =	ssettm $0x1  }
0x91: {  	s19 =	sld [smem:$0x3FFB];
	_ =	sdelay $0x3  }
0x92: {  	_ =	strace s19  }
0x93: {  	s2 =	sld [smem:$0x3FFC];
	_ =	sdelay $0x3  }
0x94: {  	_ =	strace s2  }
0x95: {  	s2 =	sld [smem:$0x3FFD];
	_ =	sdelay $0x3  }
0x96: {  	_ =	strace s2  }
0x97: {  	_ =	strace $0x8FFFFFFF  }
0x98: {  	s20 =	sld [smem:$0x3FDB];
	_ =	sdelay $0x1  }
0x99: {  	s4 =	simm.s32 $_scs_section_size  }
0x9a: {  	s5 =	simm.s32 $_size__tile_overlayer_lowered;
	s6 =	simm.s32 $_tile_overlayer_lowered  }
0x9b: {  	s7 =	simm.s32 $0x1BFF;
	s21 =	sshll.u32 s6, $0x1;
	s4 =	sadd.s32 s4, s20  }
0x9c: {  	s22 =	simm.s32 $0x0;
	s5 =	sshll.u32 s5, $0x1;
	s6 =	sadd.s32 s21, s4  }
0x9d: {  	[timem:s22], [sflag:s7] =	dma.local [hbm:s6], s5  }
0x9e: {  	_ =	swait.ge [sflag:s7], s5  }
0x9f: {  	s5 =	ssub.s32 $0x0, s5;
	[sflag:s7] =	ssyncset.done $0x0  }
0xa0: {  	[sflag:s7] =	ssyncadd.s32 s5;
	_ =	sdelay $0x1  }
0xa1: {  	s23 =	simm.s32 $0x1B8B  }
0xa2: {  	_ =	swait.ge [sflag:s23], $0x1  }
0xa3: {  	[sflag:s23] =	ssyncset.done $0x0  }
0xa4: {  	[sflag:s23] =	ssyncadd.s32 $0xFFFFFFFF  }
0xa5: {  	s5 =	sld [smem:$0x0]  }
0xa6: {  	s6 =	sand.u32 $0xFFFFFFFE, s1  }
0xa7: {  	p0 =	sne.s32 s1, s6  }
0xa8: {  	s6 =	sshll.u32 @p0 s6, $0xE  }
0xa9: {  	s6 =	sadd.s32 @p0 $0x11B8D, s6;
	s7 =	sshll.u32 @p0 s5, $0x11  }
0xaa: {  	s6 =	sor.u32 @p0 s7, s6  }
0xab: {  	[sflag:s6] =	ssyncadd.remote.s32 @p0 $0x1;
	_ =	sdelay $0x1  }
0xac: {  	s6 =	simm.s32 @p0 $0x1B8D  }
0xad: {  	_ =	swait.eq @p0 [sflag:s6], $0x1  }
0xae: {  	[sflag:s6] =	ssyncadd.s32 @p0 $0xFFFFFFFF  }
0xaf: {  	s7 =	sshll.u32 @!p0 s1, $0xE  }
0xb0: {  	s7 =	sor.u32 @!p0 $0x4000, s7;
	s6 =	simm.s32 @!p0 $0x1B8D  }
0xb1: {  	s5 =	sshll.u32 @!p0 s5, $0x11;
	s7 =	sadd.s32 @!p0 $0x11B8D, s7;
	_ =	swait.eq @!p0 [sflag:s6], $0x1  }
0xb2: {  	s5 =	sor.u32 @!p0 s5, s7;
	[sflag:s6] =	ssyncadd.s32 @!p0 $0xFFFFFFFF  }
0xb3: {  	s25 =	simm.s32 $0x1B8E;
	s24 =	sld [smem:$0x3FFE];
	[sflag:s5] =	ssyncadd.remote.s32 @!p0 $0x1  }
0xb4: {  	s26 =	simm.s32 $execute0_lowered;
	[smem:$0x3FD2] =	sst s25  }
0xb5: {  	s6 =	sshll.u32 s26, $0x1;
	_ =	strace $0x80000052;
	[dreg:$0x1] =	wrdreg $0xFFFFFFFF  }
0xb6: {  	s28 =	simm.s32 $_size_execute0_lowered;
	s4 =	sadd.s32 s4, s6;
	[dreg:$0x0] =	wrdreg $0x0  }
0xb7: {  	s6 =	sshll.u32 s28, $0x1;
	[dreg:$0x2] =	wrdreg s4  }
0xb8: {  	[dreg:$0x3] =	wrdreg s6  }
0xb9: {  	[dreg:$0x4] =	wrdreg $0xC0  }
0xba: {  	_ =	task [dreg:s22], $0x5FFFF  }
0xbb: {  	[dreg:$0x1] =	wrdreg $0xFFFFFFFF  }
0xbc: {  	[dreg:$0x0] =	wrdreg $0x60  }
0xbd: {  	[dreg:$0x2] =	wrdreg s24  }
0xbe: {  	[dreg:$0x3] =	wrdreg s18  }
0xbf: {  	[dreg:$0x4] =	wrdreg $0xA  }
0xc0: {  	_ =	task.clear_ibuf [dreg:s22], $0x5FFFF;
	_ =	strace $0x90000052  }
0xc1: {  	s29 =	simm.s32 $0xA;
	_ =	strace $0x80000054  }
0xc2: {  	_ =	swait.ge [sflag:s29], $0x1  }
0xc3: {  	[sflag:s29] =	ssyncadd.s32 $0xFFFFFFFF  }
0xc4: {  	_ =	strace $0x90000054  }
0xc5: {  	_ =	sfence  }
0xc6: {  	s30 =	sld [smem:$0x0];
	_ =	sdelay $0x2  }
0xc7: {  	s31 =	sshll.u32 s1, $0xD;
	s1 =	sshrl.u32 s1, $0x2  }
0xc8: {  	s4 =	sand.u32 $0x4000, s31;
	s1 =	sadd.s32 s1, s30  }
0xc9: {  	s0 =	sor.u32 s4, s0;
	s1 =	sshll.u32 s1, $0x11  }
0xca: {  	s0 =	sor.u32 s1, s0  }
0xcb: {  	s0 =	sadd.s32 $0x8F2B, s0  }
0xcc: {  	[sflag:s0] =	ssyncadd.remote.s32 $0x1  }
0xcd: {  	_ =	sfence.sel $0xFFFF  }
0xce: {  	[dreg:$0x0] =	wrdreg $0xFFFFFFFF;
	(pc) =	sbr.abs _section_cstart, $3  }
0xcf: {  	[dreg:$0x1] =	wrdreg $0xFFFFFFFF  }
0xd0: {  	_ =	task.clear_ibuf [dreg:s22], $0x2FFFF;
	_ =	strace $0x9FFFFFFF  }
0xd1: {  	(tm) =	ssettm $0x7FFFFFFF  }
tec
execute0_lowered:
.L_overlay_start_1:
0x0: {  	(tag) =	ssettag $0x1  }
0x1: {  	s1 =	rddreg [dreg:$0x0]  }
0x2: {  	s2 =	rddreg [dreg:$0x1]  }
0x3: {  	s0 =	rddreg [dreg:$0x2];
	s3 =	simm.s32 $0x0;
	s4 =	srdreg.scid  }
0x4: {  	s11 =	simm.s32 $0x80;
	s12 =	simm.s32 $0x1;
	s13 =	simm.s32 $0x4080  }
0x5: {  	s14 =	simm.s32 $0x4180;
	s15 =	simm.s32 $0x4280;
	s16 =	simm.s32 $0x0  }
0x6: {  	[smem:$0x7FF] =	sst s3;
	s8 =	sand.u32 $0x1, s4;
	s5 =	sadd.s32 $0x90800, s1  }
0x7: {  	s6 =	sadd.s32 $0x28000, s1;
	s7 =	sadd.s32 $0x18000, s1;
	s9 =	ssub.s32 $0x2, s8  }
0x8: {  	s4 =	stileid.u32;
	_ =	strace $0x80000053;
	s10 =	sshrl.u32 s9, $0x1  }
0x9: {  	s31 =	sshll.u32 s4, $0x8;
	s8 =	sshll.u32 s8, $0x7;
	s9 =	ssub.s32 s9, s10  }
0xa: {  	s8 =	sor.u32 s8, s31;
	s10 =	simm.s32 $0x2;
	s9 =	smax.u32 s9, $0x1  }
.LBB2_1:
0xb: {  	s17 =	simm.s32 $0x0  }
.LBB2_2:
0xc: {  	s18 =	sshll.u32 s17, $0x1  }
0xd: {  	s18 =	sadd.s32 s8, s18  }
0xe: {  	s19 =	sshll.u32 s18, $0x3  }
0xf: {  	s20 =	sadd.s32 s1, s19;
	s19 =	simm.s32 $0x0  }
0x10: {  	[tilespmem:s19], [sflag:$0x2] =	stream.linear.gather [hbm4b:s20+s19], $0x80, $0x38;
	[tilespmem:$0x4380] =	vst v63  }
0x11: {  	_ =	swait.ge [sflag:s10], $0x80  }
0x12: {  	[sflag:s10] =	ssyncset.done $0x0  }
0x13: {  	[sflag:s10] =	ssyncadd.s32 $0xFFFFFF80  }
0x14: {  	[tilespmem:s11], [sflag:$0x1] =	stream.indirect.gather [hbm4b:s5+s11], $0x80, s19, s11, $0xb8;
	[tilespmem:$0x4380] =	vst v63  }
0x15: {  	_ =	swait.ge [sflag:s12], $0x4000  }
0x16: {  	[sflag:s12] =	ssyncset.done $0x0  }
0x17: {  	p1 =	por $0x1, $0x1;
	[sflag:s12] =	ssyncadd.s32 $0xFFFFC000  }
.LBB2_3:
0x18: {  	s20 =	sshll.u32 s19, $0xD  }
0x19: {  	s20 =	sand.u32 $0x3FFFE000, s20  }
0x1a: {  	s20 =	sor.u32 $0xC0, s20  }
0x1b: {  	v16 =	vmov s20;
	_ =	sdelay $0x3  }
0x1c: {  	s31 =	simm.s32 $0x0  }
0x1d: {  	v2 =	vld.idx.msk [tilespmem:v16+s31+$0x30 ss:$0x1], $0xffff  }
0x1e: {  	v4 =	vld.idx.msk [tilespmem:v16+s31+$0xFFFFFFC0 ss:$0x1], $0xffff  }
0x1f: {  	v3 =	vimm.f32 $-1.000000020e+30;
	v15 =	vimm.f32 $0.0e+00;
	v5 =	vld.idx.msk [tilespmem:v16+s31+$0xFFFFFFD0 ss:$0x1], $0xffff  }
0x20: {  	v25 =	vimm.f32 $0.0e+00;
	v19 =	vimm.f32 $0.0e+00;
	v21 =	vimm.f32 $0.0e+00;
	v23 =	vld.idx.msk [tilespmem:v16+s31+$0xFFFFFFE0 ss:$0x1], $0xffff  }
0x21: {  	v13 =	vimm.f32 $0.0e+00;
	v14 =	vimm.f32 $-1.000000020e+30;
	v17 =	vimm.f32 $0.0e+00;
	v12 =	vld.idx.msk [tilespmem:v16+s31+$0xFFFFFFF0 ss:$0x1], $0xffff  }
0x22: {  	v7 =	vimm.f32 $-1.000000020e+30;
	v11 =	vimm.f32 $0.0e+00;
	v8 =	vimm.f32 $0.0e+00  }
0x23: {  	v0 =	vmax.f32 v3, v2;
	v1 =	vadd.f32 v2, v15;
	v2 =	vmul.f32 v2, v2  }
0x24: {  	v18 =	vld.idx.msk [tilespmem:v16+s31+$0x0 ss:$0x1], $0xffff;
	v27 =	vmax.f32 v3, v4;
	v28 =	vadd.f32 v4, v15;
	v4 =	vmul.f32 v4, v4  }
0x25: {  	v10 =	vld.idx.msk [tilespmem:v16+s31+$0x10 ss:$0x1], $0xffff;
	v22 =	vmax.f32 v3, v5;
	v6 =	vmul.f32 v5, v5;
	v26 =	vadd.f32 v5, v15  }
0x26: {  	v9 =	vld.idx.msk [tilespmem:v16+s31+$0x20 ss:$0x1], $0xffff;
	v31 =	vmul.f32 v23, v23;
	v20 =	vmax.f32 v3, v23;
	v30 =	vmul.f32 v12, v12  }
0x27: {  	v5 =	vimm.f32 $-1.000000020e+30;
	v2 =	vadd.f32 v2, v15;
	v29 =	vadd.f32 v4, v15  }
0x28: {  	p0 =	por p1, p1;
	s21 =	simm.s32 $0x400;
	s20 =	simm.s32 $0x80;
	v24 =	vadd.f32 v6, v15;
	v6 =	vimm.f32 $0.0e+00;
	v4 =	vimm.f32 $0.0e+00  }
.LBB2_4:
0x29: {  	p1 =	sne.s32 s21, $0x7E00;
	v32 =	vld.idx.msk [tilespmem:v16+s20+$0x30 ss:$0x1], $0xffff;
	v15 =	vadd.f32 v23, v15;
	v25 =	vadd.f32 v31, v25;
	v23 =	vmul.f32 v18, v18  }
0x2a: {  	v3 =	vmax.f32 v3, v12;
	v31 =	vld.idx.msk [tilespmem:v16+s20+$0xFFFFFFC0 ss:$0x1], $0xffff;
	v19 =	vadd.f32 v30, v19;
	v30 =	vmul.f32 v10, v10  }
0x2b: {  	v21 =	vadd.f32 v12, v21;
	v34 =	vmul.f32 v9, v9;
	v33 =	vld.idx.msk [tilespmem:v16+s20+$0xFFFFFFD0 ss:$0x1], $0xffff;
	v13 =	vadd.f32 v23, v13  }
0x2c: {  	v14 =	vmax.f32 v14, v18;
	v17 =	vadd.f32 v18, v17;
	v23 =	vld.idx.msk [tilespmem:v16+s20+$0xFFFFFFE0 ss:$0x1], $0xffff;
	v6 =	vadd.f32 v30, v6  }
0x2d: {  	v7 =	vmax.f32 v7, v10;
	v11 =	vadd.f32 v10, v11;
	v4 =	vadd.f32 v34, v4;
	v12 =	vld.idx.msk [tilespmem:v16+s20+$0xFFFFFFF0 ss:$0x1], $0xffff  }
0x2e: {  	v5 =	vmax.f32 v5, v9;
	v8 =	vadd.f32 v9, v8;
	v18 =	vld.idx.msk [tilespmem:v16+s20+$0x0 ss:$0x1], $0xffff  }
.Ltmp0:
0x2f: {  	v0 =	vmax.f32 v0, v32;
	v1 =	vadd.f32 v32, v1;
	v30 =	vmul.f32 v32, v32;
	v10 =	vld.idx.msk [tilespmem:v16+s20+$0x10 ss:$0x1], $0xffff;
	(pc) =	sbr.rel @p1 .LBB2_4-.Ltmp0, $4  }
0x30: {  	v27 =	vmax.f32 v27, v31;
	v28 =	vadd.f32 v31, v28;
	v31 =	vmul.f32 v31, v31;
	v9 =	vld.idx.msk [tilespmem:v16+s20+$0x20 ss:$0x1], $0xffff  }
0x31: {  	v22 =	vmax.f32 v22, v33;
	v32 =	vmul.f32 v33, v33;
	v2 =	vadd.f32 v30, v2  }
0x32: {  	v26 =	vadd.f32 v33, v26;
	v29 =	vadd.f32 v31, v29;
	v31 =	vmul.f32 v23, v23  }
0x33: {  	s20 =	sshra.s32 s21, $0x2;
	s21 =	sadd.s32 $0x200, s21;
	v20 =	vmax.f32 v20, v23;
	v24 =	vadd.f32 v32, v24;
	v30 =	vmul.f32 v12, v12  }
0x34: {  	_ =	sdelay $0x3  }
0x35: {  	v32 =	vld.idx.msk [tilespmem:v16+s20+$0x30 ss:$0x1], $0xffff  }
0x36: {  	v33 =	vld.idx.msk [tilespmem:v16+s20+$0xFFFFFFC0 ss:$0x1], $0xffff  }
0x37: {  	v34 =	vld.idx.msk [tilespmem:v16+s20+$0xFFFFFFD0 ss:$0x1], $0xffff  }
0x38: {  	v35 =	vld.idx.msk [tilespmem:v16+s20+$0xFFFFFFE0 ss:$0x1], $0xffff  }
0x39: {  	v36 =	vld.idx.msk [tilespmem:v16+s20+$0xFFFFFFF0 ss:$0x1], $0xffff  }
0x3a: {  	v37 =	vld.idx.msk [tilespmem:v16+s20+$0x0 ss:$0x1], $0xffff  }
0x3b: {  	v38 =	vld.idx.msk [tilespmem:v16+s20+$0x10 ss:$0x1], $0xffff;
	s19 =	sshll.u32 s19, $0x7;
	v27 =	vmax.f32 v27, v33  }
0x3c: {  	v46 =	vld.idx.msk [tilespmem:v16+s20+$0x20 ss:$0x1], $0xffff;
	v22 =	vmax.f32 v22, v34;
	[tilespmem:s19+$0x4080] =	vst v27  }
0x3d: {  	v3 =	vmax.f32 v3, v12;
	v53 =	vmul.f32 v18, v18;
	v20 =	vmax.f32 v20, v35;
	[tilespmem:s19+$0x4090] =	vst v22  }
0x3e: {  	v56 =	vmax.f32 v14, v18;
	v3 =	vmax.f32 v3, v36;
	[tilespmem:s19+$0x40A0] =	vst v20  }
0x3f: {  	v7 =	vmax.f32 v7, v10;
	v55 =	vadd.f32 v53, v13;
	v13 =	vmax.f32 v56, v37;
	[tilespmem:s19+$0x40B0] =	vst v3  }
0x40: {  	v5 =	vmax.f32 v5, v9;
	v7 =	vmax.f32 v7, v38;
	[tilespmem:s19+$0x40C0] =	vst v13  }
0x41: {  	v5 =	vmax.f32 v5, v46;
	[tilespmem:s19+$0x40D0] =	vst v7  }
0x42: {  	v15 =	vadd.f32 v23, v15;
	v28 =	vadd.f32 v33, v28;
	v0 =	vmax.f32 v0, v32;
	[tilespmem:s19+$0x40E0] =	vst v5  }
0x43: {  	v21 =	vadd.f32 v12, v21;
	v26 =	vadd.f32 v34, v26;
	[tilespmem:s19+$0x40F0] =	vst v0  }
0x44: {  	v17 =	vadd.f32 v18, v17;
	v15 =	vadd.f32 v35, v15;
	[tilespmem:s19+$0x4180] =	vst v28  }
0x45: {  	v11 =	vadd.f32 v10, v11;
	v54 =	vadd.f32 v36, v21;
	[tilespmem:s19+$0x4190] =	vst v26  }
0x46: {  	v17 =	vadd.f32 v37, v17;
	[tilespmem:s19+$0x41A0] =	vst v15  }
0x47: {  	v39 =	vmul.f32 v33, v33;
	v11 =	vadd.f32 v38, v11;
	[tilespmem:s19+$0x41B0] =	vst v54  }
0x48: {  	v49 =	vadd.f32 v31, v25;
	v47 =	vmul.f32 v34, v34;
	v1 =	vadd.f32 v32, v1;
	[tilespmem:s19+$0x41C0] =	vst v17  }
0x49: {  	v58 =	vmul.f32 v10, v10;
	v50 =	vmul.f32 v35, v35;
	v29 =	vadd.f32 v39, v29;
	[tilespmem:s19+$0x41D0] =	vst v11  }
0x4a: {  	v51 =	vadd.f32 v30, v19;
	v52 =	vmul.f32 v36, v36;
	v48 =	vadd.f32 v47, v24;
	[tilespmem:s19+$0x41F0] =	vst v1  }
0x4b: {  	v60 =	vmul.f32 v9, v9;
	v57 =	vmul.f32 v37, v37;
	v22 =	vadd.f32 v50, v49;
	[tilespmem:s19+$0x4280] =	vst v29  }
0x4c: {  	v6 =	vadd.f32 v58, v6;
	v59 =	vmul.f32 v38, v38;
	v12 =	vadd.f32 v52, v51;
	[tilespmem:s19+$0x4290] =	vst v48  }
0x4d: {  	v4 =	vadd.f32 v60, v4;
	v62 =	vmul.f32 v46, v46;
	v3 =	vadd.f32 v57, v55;
	[tilespmem:s19+$0x42A0] =	vst v22  }
0x4e: {  	v63 =	vmul.f32 v32, v32;
	v6 =	vadd.f32 v59, v6;
	[tilespmem:s19+$0x42B0] =	vst v12  }
.Ltmp1:
0x4f: {  	v61 =	vadd.f32 v9, v8;
	v4 =	vadd.f32 v62, v4;
	[tilespmem:s19+$0x42C0] =	vst v3;
	(pc) =	sbr.rel @p0 .LBB2_3-.Ltmp1, $4  }
0x50: {  	v2 =	vadd.f32 v63, v2;
	[tilespmem:s19+$0x42D0] =	vst v6  }
0x51: {  	v3 =	vadd.f32 v46, v61;
	[tilespmem:s19+$0x42E0] =	vst v4  }
0x52: {  	[tilespmem:s19+$0x42F0] =	vst v2  }
0x53: {  	p1 =	por $0x0, $0x0;
	[tilespmem:s19+$0x41E0] =	vst v3;
	s19 =	simm.s32 $0x1  }
0x54: {  	s18 =	sshll.u32 s18, $0x4;
	s19 =	sshll.u32 s17, $0x5  }
0x55: {  	s18 =	sand.u32 $0xFF80, s18;
	s19 =	sand.u32 $0x60, s19  }
0x56: {  	s18 =	sor.u32 s19, s18  }
0x57: {  	s19 =	sadd.s32 s2, s18  }
0x58: {  	[hbm4b:s19+s3] =	stream.linear.scatter [tilespmem:s13], [sflag:$0x2], $0x100, $0x38;
	[tilespmem:$0x4380] =	vst v63  }
0x59: {  	_ =	swait.ge [sflag:s10], $0x100  }
0x5a: {  	[sflag:s10] =	ssyncset.done $0x0  }
0x5b: {  	s31 =	sadd.s32 s6, s18;
	[sflag:s10] =	ssyncadd.s32 $0xFFFFFF00  }
0x5c: {  	[hbm4b:s31+s3] =	stream.linear.scatter [tilespmem:s14], [sflag:$0x2], $0x100, $0x38;
	[tilespmem:$0x4380] =	vst v63  }
0x5d: {  	s17 =	sadd.s32 $0x1, s17;
	_ =	swait.ge [sflag:s10], $0x100  }
0x5e: {  	p0 =	sne.s32 s17, $0x40;
	[sflag:s10] =	ssyncset.done $0x0  }
.Ltmp2:
0x5f: {  	s18 =	sadd.s32 s7, s18;
	[sflag:s10] =	ssyncadd.s32 $0xFFFFFF00;
	(pc) =	sbr.rel @p0 .LBB2_2-.Ltmp2, $4  }
0x60: {  	[hbm4b:s18+s3] =	stream.linear.scatter [tilespmem:s15], [sflag:$0x2], $0x100, $0x38;
	[tilespmem:$0x4380] =	vst v63  }
0x61: {  	_ =	swait.ge [sflag:s10], $0x100  }
0x62: {  	[sflag:s10] =	ssyncset.done $0x0  }
0x63: {  	[sflag:s10] =	ssyncadd.s32 $0xFFFFFF00  }
0x64: {  	s16 =	sadd.s32 $0x1, s16  }
0x65: {  	p0 =	sne.s32 s16, s9  }
.Ltmp3:
0x66: {  	_ = 	snop;
	(pc) =	sbr.rel @p0 .LBB2_1-.Ltmp3, $1  }
0x67: {  	_ =	sdelay $0x3  }
0x68: {  	_ =	sfence.sel $0x180000  }
0x69: {  	[bflag:$0x0] =	sbarrier.arrive $0xFFFF  }
0x6a: {  	p0 =	sne.s32 s4, $0x0;
	_ =	strace $0x90000053  }
0x6b: {  	s0 =	sadd.s32 @!p0 $0x100000, s0;
	[bflag:$0x2] =	sbarrier.arrive $0xFFFF  }
0x6c: {  	[sflag:s0] =	ssyncadd.tile.s32 @!p0 $0x1;
	_ =	shalt  }
.Lfunc_end2:
_tile_overlayer_lowered:
.L_overlay_start_2:
0x6d: {  	(tag) =	ssettag $0x2  }
0x6e: {  	s0 =	rddreg [dreg:$0x0];
	s2 =	stileid.u32  }
0x6f: {  	s1 =	rddreg [dreg:$0x1];
	p0 =	sne.s32 s2, $0x0  }
0x70: {  	s3 =	rddreg [dreg:$0x2];
	[bflag:$0x3] =	sbarrier.arrive $0xFFFF;
	s2 =	simm.s32 @!p0 $0x1C02  }
0x71: {  	[timem:s3], [sflag:s2] =	dma.local @!p0 [hbm:s0], s1  }
0x72: {  	s0 =	simm.s32 @!p0 $0x2  }
0x73: {  	_ =	swait.ge @!p0 [sflag:s0], s1  }
0x74: {  	s1 =	ssub.s32 @!p0 $0x0, s1;
	[sflag:s0] =	ssyncset.done @!p0 $0x0  }
0x75: {  	[sflag:s0] =	ssyncadd.s32 @!p0 s1  }
0x76: {  	[bflag:$0x3] =	sbarrier.arrive $0xFFFF  }
0x77: {  	_ =	shalt  }

// kernel: kernel.16.cloned.1.call-start
scs
__scs_entry_jumppad:
0x0: {  	(pc) =	sbr.rel $0x88, $3  }
0x1: {  	(tag) =	ssettag $0x0;
	lr =	simm.s32 $0x1  }
0x2: {  	[smem:$0x3F7B] =	sst lr;
	_ =	strace $0xD0000000  }
0x3: {  	_ = 	snop  }
0x4: {  	_ = 	snop  }
0x5: {  	_ = 	snop  }
0x6: {  	_ = 	snop  }
0x7: {  	_ = 	snop  }
__scs_overlays_trampoline_lowered:
0x8: {  	[smem:$0x3F8A] =	sst s0  }
0x9: {  	[smem:$0x3F8B] =	sst s1  }
0xa: {  	[smem:$0x3F8C] =	sst s2  }
0xb: {  	[smem:$0x3F8D] =	sst s3  }
0xc: {  	[smem:$0x3F8E] =	sst s4  }
0xd: {  	[smem:$0x3F8F] =	sst s5  }
0xe: {  	[smem:$0x3F90] =	sst s6  }
0xf: {  	[smem:$0x3F91] =	sst s7  }
0x10: {  	[smem:$0x3F92] =	sst s8  }
0x11: {  	[smem:$0x3F93] =	sst s9;
	s0 =	simm.s32 @!p0 $0x0  }
0x12: {  	s1 =	sld [smem:$0x3F79];
	s0 =	simm.s32 @p0 $0x1  }
0x13: {  	[smem:$0x3F94] =	sst s0;
	s0 =	simm.s32 @!p1 $0x0  }
0x14: {  	s2 =	sld [smem:$0x3F78];
	s0 =	simm.s32 @p1 $0x1  }
0x15: {  	[smem:$0x3F95] =	sst s0;
	s0 =	simm.s32 @!p2 $0x0  }
0x16: {  	s3 =	sld [smem:$0x3FDB];
	s0 =	simm.s32 @p2 $0x1  }
0x17: {  	s4 =	simm.s32 $0x1BF5;
	[smem:$0x3F97] =	sst s0  }
0x18: {  	s0 =	sld [smem:$0x3F7A];
	_ =	swait.ge [sflag:s4], $0x0  }
0x19: {  	s7 =	sld [smem:$0x3F7B]  }
0x1a: {  	s8 =	sadd.s32 $0xFFFFE003, lr  }
0x1b: {  	s9 =	sadd.s32 $0xFFFFFEF7, lr;
	s5 =	simm.s32 $0xFFFFFFFF;
	p2 =	slt.u32 s8, $0xFFFFF086  }
0x1c: {  	p1 =	slt.u32 s9, $0xF7A;
	s5 =	simm.s32 @!p2 $0x0  }
0x1d: {  	s5 =	simm.s32 @p1 $0x1;
	p0 =	seq.s32 s7, s2  }
0x1e: {  	s7 =	smul.u32 @!p0 $0xF7A, s2;
	p2 =	seq.s32 @!p0 s5, $0x0  }
0x1f: {  	s9 =	smul.u32 $0xF7A, s1;
	s8 =	simm.s32 @!p0 $0x1BF5;
	p2 =	por !p2, p0  }
0x20: {  	[sflag:s8] =	ssyncset.s32 @!p0 $0xFFFFF086;
	s6 =	sadd.s32 @!p0 s3, s7;
	s7 =	simm.s32 @!p0 $0x108  }
0x21: {  	s3 =	sadd.s32 s3, s9;
	s6 =	sadd.s32 @!p0 $0x88, s6;
	s7 =	simm.s32 @p2 $0x1082  }
0x22: {  	[simem:s7], [sflag:s8] =	dma.local @!p0 [hbm:s6], $0xF7A  }
0x23: {  	s9 =	sor.u32 $0xD0000000, s2;
	s6 =	simm.s32 $0x108;
	_ =	swait.ge @!p0 [sflag:s8], $0x0  }
0x24: {  	s3 =	sadd.s32 $0x88, s3;
	s6 =	simm.s32 @!p1 $0x1082;
	[sflag:s4] =	ssyncset.s32 $0xFFFFF086  }
0x25: {  	[simem:s6], [sflag:s4] =	dma.local [hbm:s3], $0xF7A  }
0x26: {  	[smem:$0x3F7B] =	sst s1;
	(tag) =	ssettag s2;
	_ =	strace s9  }
0x27: {  	s1 =	sld [smem:$0x3F8B]  }
0x28: {  	s2 =	sld [smem:$0x3F8C]  }
0x29: {  	s4 =	sld [smem:$0x3F8E]  }
0x2a: {  	p0 =	seq.s32 s5, $0x0;
	s5 =	sld [smem:$0x3F8F]  }
0x2b: {  	s6 =	sld [smem:$0x3F90]  }
0x2c: {  	s7 =	sld [smem:$0x3F91]  }
0x2d: {  	s3 =	simm.s32 $0x108;
	s8 =	sld [smem:$0x3F92]  }
0x2e: {  	s3 =	simm.s32 @!p0 $0x1082;
	s9 =	sld [smem:$0x3F93]  }
0x2f: {  	lr =	sadd.s32 s0, s3;
	s0 =	sld [smem:$0x3F8A]  }
0x30: {  	s3 =	sld [smem:$0x3F8D]  }
0x31: {  	[smem:$0x3F96] =	sst s10  }
0x32: {  	s10 =	sld [smem:$0x3F94];
	_ =	sdelay $0x3  }
0x33: {  	p0 =	seq.s32 s10, $0x1;
	s10 =	sld [smem:$0x3F96];
	_ =	sdelay $0x3  }
0x34: {  	[smem:$0x3F96] =	sst s10  }
0x35: {  	s10 =	sld [smem:$0x3F95];
	_ =	sdelay $0x3  }
0x36: {  	p1 =	seq.s32 s10, $0x1;
	s10 =	sld [smem:$0x3F96];
	_ =	sdelay $0x3  }
0x37: {  	[smem:$0x3F96] =	sst s10  }
0x38: {  	s10 =	sld [smem:$0x3F97]  }
0x39: {  	_ = 	snop;
	(pc) =	sbr.ind lr, $3  }
0x3a: {  	_ = 	snop  }
0x3b: {  	_ = 	snop  }
0x3c: {  	p2 =	seq.s32 s10, $0x1;
	s10 =	sld [smem:$0x3F96]  }
0x3d: {  	_ =	shalt  }
0x3e: {  	_ =	shalt  }
0x3f: {  	_ =	shalt  }
0x40: {  	_ =	shalt  }
0x41: {  	_ =	shalt  }
0x42: {  	_ =	shalt  }
0x43: {  	_ =	shalt  }
0x44: {  	_ =	shalt  }
0x45: {  	_ =	shalt  }
0x46: {  	_ =	shalt  }
0x47: {  	_ =	shalt  }
0x48: {  	_ =	shalt  }
0x49: {  	_ =	shalt  }
0x4a: {  	_ =	shalt  }
0x4b: {  	_ =	shalt  }
0x4c: {  	_ =	shalt  }
0x4d: {  	_ =	shalt  }
0x4e: {  	_ =	shalt  }
0x4f: {  	_ =	shalt  }
0x50: {  	_ =	shalt  }
0x51: {  	_ =	shalt  }
0x52: {  	_ =	shalt  }
0x53: {  	_ =	shalt  }
0x54: {  	_ =	shalt  }
0x55: {  	_ =	shalt  }
0x56: {  	_ =	shalt  }
0x57: {  	_ =	shalt  }
0x58: {  	_ =	shalt  }
0x59: {  	_ =	shalt  }
0x5a: {  	_ =	shalt  }
0x5b: {  	_ =	shalt  }
0x5c: {  	_ =	shalt  }
0x5d: {  	_ =	shalt  }
0x5e: {  	_ =	shalt  }
0x5f: {  	_ =	shalt  }
0x60: {  	_ =	shalt  }
0x61: {  	_ =	shalt  }
0x62: {  	_ =	shalt  }
0x63: {  	_ =	shalt  }
0x64: {  	_ =	shalt  }
0x65: {  	_ =	shalt  }
0x66: {  	_ =	shalt  }
0x67: {  	_ =	shalt  }
0x68: {  	_ =	shalt  }
0x69: {  	_ =	shalt  }
0x6a: {  	_ =	shalt  }
0x6b: {  	_ =	shalt  }
0x6c: {  	_ =	shalt  }
0x6d: {  	_ =	shalt  }
0x6e: {  	_ =	shalt  }
0x6f: {  	_ =	shalt  }
0x70: {  	_ =	shalt  }
0x71: {  	_ =	shalt  }
0x72: {  	_ =	shalt  }
0x73: {  	_ =	shalt  }
0x74: {  	_ =	shalt  }
0x75: {  	_ =	shalt  }
0x76: {  	_ =	shalt  }
0x77: {  	_ =	shalt  }
0x78: {  	_ =	shalt  }
0x79: {  	_ =	shalt  }
0x7a: {  	_ =	shalt  }
0x7b: {  	_ =	shalt  }
0x7c: {  	_ =	shalt  }
0x7d: {  	_ =	shalt  }
0x7e: {  	_ =	shalt  }
0x7f: {  	_ =	shalt  }
0x80: {  	_ =	shalt  }
0x81: {  	_ =	shalt  }
0x82: {  	_ =	shalt  }
0x83: {  	_ =	shalt  }
0x84: {  	_ =	shalt  }
0x85: {  	_ =	shalt  }
0x86: {  	_ =	shalt  }
0x87: {  	_ =	shalt  }
.Lfunc_end0:
.L_simem_size_0:
called_computation.5_lowered:
.L_overlay_start_0:
0x88: {  	s2 =	sld [smem:$0x3FD9]  }
0x89: {  	s3 =	sld [smem:$0x3FFE];
	_ =	sdelay $0x1  }
0x8a: {  	s1 =	srdreg.scid  }
0x8b: {  	s0 =	sand.u32 $0x1, s1  }
0x8c: {  	s17 =	sshll.u32 s0, $0xA;
	s2 =	sadd.s32 s3, s2  }
0x8d: {  	s2 =	sadd.s32 s2, s17  }
0x8e: {  	[smem:$0x3FA2] =	sst s2  }
0x8f: {  	_ = 	snop  }
0x90: {  	s2 =	sld [smem:$0x3FD0];
	(tm) =	ssettm $0x1  }
0x91: {  	s18 =	sld [smem:$0x3FFB];
	_ =	sdelay $0x3  }
0x92: {  	_ =	strace s18  }
0x93: {  	s3 =	sld [smem:$0x3FFC];
	_ =	sdelay $0x3  }
0x94: {  	_ =	strace s3  }
0x95: {  	s3 =	sld [smem:$0x3FFD];
	_ =	sdelay $0x3  }
0x96: {  	_ =	strace s3  }
0x97: {  	_ =	strace $0x8FFFFFFF  }
0x98: {  	s19 =	sld [smem:$0x3FDB];
	_ =	sdelay $0x1  }
0x99: {  	s4 =	simm.s32 $_scs_section_size  }
0x9a: {  	s5 =	simm.s32 $_size__tile_overlayer_lowered;
	s6 =	simm.s32 $_tile_overlayer_lowered  }
0x9b: {  	s22 =	simm.s32 $0x1BFF;
	s21 =	sshll.u32 s6, $0x1;
	s3 =	sadd.s32 s4, s19  }
0x9c: {  	s7 =	simm.s32 $0x0;
	s20 =	sshll.u32 s5, $0x1;
	s5 =	sadd.s32 s21, s3  }
0x9d: {  	[timem:s7], [sflag:s22] =	dma.local [hbm:s5], s20  }
0x9e: {  	_ =	swait.ge [sflag:s22], s20  }
0x9f: {  	s4 =	ssub.s32 $0x0, s20;
	[sflag:s22] =	ssyncset.done $0x0  }
0xa0: {  	[sflag:s22] =	ssyncadd.s32 s4;
	_ =	sdelay $0x1  }
0xa1: {  	s23 =	simm.s32 $0x1B8B  }
0xa2: {  	_ =	swait.ge [sflag:s23], $0x1  }
0xa3: {  	[sflag:s23] =	ssyncset.done $0x0  }
0xa4: {  	s25 =	simm.s32 $0x1B8E;
	s24 =	sld [smem:$0x3FFE];
	[sflag:s23] =	ssyncadd.s32 $0xFFFFFFFF  }
0xa5: {  	s26 =	simm.s32 $execute0_lowered;
	[smem:$0x3FD2] =	sst s25  }
0xa6: {  	s5 =	sshll.u32 s26, $0x1;
	_ =	strace $0x80000055;
	[dreg:$0x1] =	wrdreg $0xFFFFFFFF  }
0xa7: {  	s28 =	simm.s32 $_size_execute0_lowered;
	s3 =	sadd.s32 s3, s5;
	[dreg:$0x0] =	wrdreg $0x0  }
0xa8: {  	s5 =	sshll.u32 s28, $0x1;
	[dreg:$0x2] =	wrdreg s3  }
0xa9: {  	[dreg:$0x3] =	wrdreg s5  }
0xaa: {  	[dreg:$0x4] =	wrdreg $0xC0  }
0xab: {  	_ =	task [dreg:s7], $0x5FFFF  }
0xac: {  	[dreg:$0x1] =	wrdreg $0xFFFFFFFF  }
0xad: {  	[dreg:$0x0] =	wrdreg $0x60  }
0xae: {  	[dreg:$0x2] =	wrdreg s2  }
0xaf: {  	[dreg:$0x3] =	wrdreg s24  }
0xb0: {  	[dreg:$0x4] =	wrdreg $0x9  }
0xb1: {  	_ =	task.clear_ibuf [dreg:s7], $0x5FFFF;
	_ =	strace $0x90000055  }
0xb2: {  	s29 =	simm.s32 $0x9;
	_ =	strace $0x80000057  }
0xb3: {  	_ =	swait.ge [sflag:s29], $0x1  }
0xb4: {  	[sflag:s29] =	ssyncadd.s32 $0xFFFFFFFF  }
0xb5: {  	_ =	strace $0x90000057  }
0xb6: {  	_ =	sfence  }
0xb7: {  	s30 =	sld [smem:$0x0];
	_ =	sdelay $0x2  }
0xb8: {  	s31 =	sshll.u32 s1, $0xD;
	s1 =	sshrl.u32 s1, $0x2  }
0xb9: {  	s3 =	sand.u32 $0x4000, s31;
	s1 =	sadd.s32 s1, s30  }
0xba: {  	s0 =	sor.u32 s3, s0;
	s1 =	sshll.u32 s1, $0x11  }
0xbb: {  	s0 =	sor.u32 s1, s0  }
0xbc: {  	s0 =	sadd.s32 $0x8F2B, s0  }
0xbd: {  	[sflag:s0] =	ssyncadd.remote.s32 $0x1  }
0xbe: {  	_ =	sfence.sel $0xFFFF  }
0xbf: {  	[dreg:$0x0] =	wrdreg $0xFFFFFFFF;
	(pc) =	sbr.abs _section_cstart, $3  }
0xc0: {  	[dreg:$0x1] =	wrdreg $0xFFFFFFFF  }
0xc1: {  	_ =	task.clear_ibuf [dreg:s7], $0x2FFFF;
	_ =	strace $0x9FFFFFFF  }
0xc2: {  	(tm) =	ssettm $0x7FFFFFFF  }
0xc3: {  	_ =	shalt  }
tec
execute0_lowered:
.L_overlay_start_1:
0x0: {  	(tag) =	ssettag $0x1  }
0x1: {  	s1 =	rddreg [dreg:$0x0]  }
0x2: {  	s2 =	rddreg [dreg:$0x1]  }
0x3: {  	s0 =	rddreg [dreg:$0x2];
	s3 =	simm.s32 $0x0;
	s4 =	srdreg.scid  }
0x4: {  	s11 =	simm.s32 $0x80;
	s12 =	simm.s32 $0x1;
	s13 =	simm.s32 $0x4080  }
0x5: {  	s14 =	simm.s32 $0x4100;
	s15 =	simm.s32 $0x4180;
	s16 =	simm.s32 $0x0  }
0x6: {  	[smem:$0x7FF] =	sst s3;
	s8 =	sand.u32 $0x1, s4;
	s5 =	sadd.s32 $0x38000, s2  }
0x7: {  	s6 =	sadd.s32 $0x20000, s2;
	s7 =	sadd.s32 $0x10000, s2;
	s9 =	ssub.s32 $0x2, s8  }
0x8: {  	s4 =	stileid.u32;
	_ =	strace $0x80000056;
	s10 =	sshrl.u32 s9, $0x1  }
0x9: {  	s31 =	sshll.u32 s4, $0x8;
	s8 =	sshll.u32 s8, $0x7;
	s9 =	ssub.s32 s9, s10  }
0xa: {  	s8 =	sor.u32 s8, s31;
	s10 =	simm.s32 $0x2;
	s9 =	smax.u32 s9, $0x1  }
.LBB2_1:
0xb: {  	s17 =	simm.s32 $0x0  }
.LBB2_2:
0xc: {  	s18 =	sadd.s32 s8, s17  }
0xd: {  	s18 =	sshll.u32 s18, $0x4  }
0xe: {  	s20 =	simm.s32 $0x0;
	s19 =	sadd.s32 s5, s18  }
0xf: {  	[tilespmem:s20], [sflag:$0x2] =	stream.linear.gather [hbm4b:s19+s20], $0x80, $0x38;
	[tilespmem:$0x4200] =	vst v63  }
0x10: {  	_ =	swait.ge [sflag:s10], $0x80  }
0x11: {  	[sflag:s10] =	ssyncset.done $0x0  }
0x12: {  	[sflag:s10] =	ssyncadd.s32 $0xFFFFFF80  }
0x13: {  	[tilespmem:s11], [sflag:$0x1] =	stream.indirect.gather [hbm4b:s1+s11], $0x80, s20, s11, $0xb8;
	[tilespmem:$0x4200] =	vst v63  }
0x14: {  	_ =	swait.ge [sflag:s12], $0x4000  }
0x15: {  	[sflag:s12] =	ssyncset.done $0x0  }
0x16: {  	s31 =	simm.s32 $0x0;
	[sflag:s12] =	ssyncadd.s32 $0xFFFFC000  }
0x17: {  	v2 =	vld [tilespmem:s31+$0xF0]  }
0x18: {  	v5 =	vld [tilespmem:s31+$0x80]  }
0x19: {  	v6 =	vld [tilespmem:s31+$0x90]  }
0x1a: {  	v3 =	vimm.f32 $-1.000000020e+30;
	v4 =	vimm.f32 $0.0e+00;
	v22 =	vimm.f32 $0.0e+00;
	v8 =	vld [tilespmem:s31+$0xA0]  }
0x1b: {  	v13 =	vimm.f32 $0.0e+00;
	v14 =	vimm.f32 $-1.000000020e+30;
	v16 =	vimm.f32 $0.0e+00;
	v15 =	vld [tilespmem:s31+$0xB0]  }
0x1c: {  	v12 =	vimm.f32 $0.0e+00;
	v10 =	vimm.f32 $0.0e+00;
	v7 =	vld [tilespmem:s31+$0xC0];
	v0 =	vmax.f32 v3, v2  }
0x1d: {  	v1 =	vadd.f32 v2, v4;
	v2 =	vmul.f32 v2, v2;
	v9 =	vmul.f32 v5, v5  }
0x1e: {  	v25 =	vmax.f32 v3, v5;
	v26 =	vadd.f32 v5, v4;
	v5 =	vmul.f32 v6, v6  }
0x1f: {  	v17 =	vld [tilespmem:s31+$0xD0];
	v20 =	vmax.f32 v3, v6;
	v23 =	vadd.f32 v6, v4;
	v6 =	vmul.f32 v8, v8  }
0x20: {  	v11 =	vld [tilespmem:s31+$0xE0];
	v19 =	vmax.f32 v3, v8;
	v29 =	vmul.f32 v15, v15;
	v21 =	vadd.f32 v8, v4  }
0x21: {  	v28 =	vmul.f32 v7, v7;
	v2 =	vadd.f32 v2, v4;
	v27 =	vadd.f32 v9, v4  }
0x22: {  	v8 =	vimm.f32 $0.0e+00;
	v24 =	vadd.f32 v5, v4;
	v18 =	vadd.f32 v6, v4  }
0x23: {  	s19 =	simm.s32 $0x80;
	s20 =	simm.s32 $0x400;
	v9 =	vimm.f32 $-1.000000020e+30;
	v5 =	vimm.f32 $0.0e+00;
	v6 =	vimm.f32 $-1.000000020e+30  }
.LBB2_3:
0x24: {  	p0 =	sne.s32 s20, $0xFE00;
	v30 =	vld [tilespmem:s19+$0xF0];
	v3 =	vmax.f32 v3, v15;
	v4 =	vadd.f32 v29, v4;
	v29 =	vmul.f32 v17, v17  }
0x25: {  	v22 =	vadd.f32 v15, v22;
	v31 =	vld [tilespmem:s19+$0x80];
	v13 =	vadd.f32 v28, v13;
	v15 =	vmul.f32 v11, v11  }
0x26: {  	v14 =	vmax.f32 v14, v7;
	v16 =	vadd.f32 v7, v16;
	v28 =	vld [tilespmem:s19+$0x90];
	v8 =	vadd.f32 v29, v8  }
0x27: {  	v9 =	vmax.f32 v9, v17;
	v12 =	vadd.f32 v17, v12;
	v32 =	vld [tilespmem:s19+$0xA0];
	v5 =	vadd.f32 v15, v5  }
0x28: {  	v6 =	vmax.f32 v6, v11;
	v10 =	vadd.f32 v11, v10;
	v15 =	vld [tilespmem:s19+$0xB0]  }
0x29: {  	v7 =	vld [tilespmem:s19+$0xC0];
	v0 =	vmax.f32 v0, v30;
	v1 =	vadd.f32 v30, v1;
	v29 =	vmul.f32 v30, v30  }
.Ltmp0:
0x2a: {  	v25 =	vmax.f32 v25, v31;
	v26 =	vadd.f32 v31, v26;
	v30 =	vmul.f32 v31, v31;
	v17 =	vld [tilespmem:s19+$0xD0];
	(pc) =	sbr.rel @p0 .LBB2_3-.Ltmp0, $4  }
0x2b: {  	v20 =	vmax.f32 v20, v28;
	v31 =	vmul.f32 v28, v28;
	v11 =	vld [tilespmem:s19+$0xE0];
	v2 =	vadd.f32 v29, v2  }
0x2c: {  	v23 =	vadd.f32 v28, v23;
	v27 =	vadd.f32 v30, v27;
	v28 =	vmul.f32 v32, v32  }
0x2d: {  	v19 =	vmax.f32 v19, v32;
	v24 =	vadd.f32 v31, v24;
	v29 =	vmul.f32 v15, v15  }
0x2e: {  	s19 =	sshra.s32 s20, $0x2;
	s20 =	sadd.s32 $0x200, s20;
	v21 =	vadd.f32 v32, v21;
	v18 =	vadd.f32 v28, v18;
	v28 =	vmul.f32 v7, v7  }
0x2f: {  	v30 =	vld [tilespmem:s19+$0xF0]  }
0x30: {  	v31 =	vld [tilespmem:s19+$0x80]  }
0x31: {  	v32 =	vld [tilespmem:s19+$0x90]  }
0x32: {  	v33 =	vld [tilespmem:s19+$0xA0]  }
0x33: {  	v34 =	vld [tilespmem:s19+$0xB0]  }
0x34: {  	v35 =	vld [tilespmem:s19+$0xC0]  }
0x35: {  	v37 =	vld [tilespmem:s19+$0xD0];
	v25 =	vmax.f32 v25, v31  }
0x36: {  	v45 =	vld [tilespmem:s19+$0xE0];
	v20 =	vmax.f32 v20, v32;
	[tilespmem:$0x4080] =	vst v25  }
0x37: {  	v3 =	vmax.f32 v3, v15;
	v19 =	vmax.f32 v19, v33;
	[tilespmem:$0x4090] =	vst v20  }
0x38: {  	v51 =	vmax.f32 v14, v7;
	v53 =	vmul.f32 v17, v17;
	v3 =	vmax.f32 v3, v34;
	[tilespmem:$0x40A0] =	vst v19  }
0x39: {  	v16 =	vadd.f32 v7, v16;
	v57 =	vmax.f32 v9, v17;
	v7 =	vmax.f32 v51, v35;
	[tilespmem:$0x40B0] =	vst v3  }
0x3a: {  	v6 =	vmax.f32 v6, v11;
	v56 =	vadd.f32 v53, v8;
	v8 =	vmax.f32 v57, v37;
	[tilespmem:$0x40C0] =	vst v7  }
0x3b: {  	v62 =	vmax.f32 v6, v45;
	[tilespmem:$0x40D0] =	vst v8  }
0x3c: {  	v26 =	vadd.f32 v31, v26;
	v0 =	vmax.f32 v0, v30;
	[tilespmem:$0x40E0] =	vst v62  }
0x3d: {  	v22 =	vadd.f32 v15, v22;
	v23 =	vadd.f32 v32, v23;
	[tilespmem:$0x40F0] =	vst v0  }
0x3e: {  	v21 =	vadd.f32 v33, v21;
	[tilespmem:$0x4100] =	vst v26  }
0x3f: {  	v49 =	vadd.f32 v34, v22;
	[tilespmem:$0x4110] =	vst v23  }
0x40: {  	v36 =	vmul.f32 v31, v31;
	v54 =	vadd.f32 v35, v16;
	[tilespmem:$0x4120] =	vst v21  }
0x41: {  	v46 =	vmul.f32 v32, v32;
	v1 =	vadd.f32 v30, v1;
	[tilespmem:$0x4130] =	vst v49  }
0x42: {  	v4 =	vadd.f32 v29, v4;
	v47 =	vmul.f32 v33, v33;
	v27 =	vadd.f32 v36, v27;
	[tilespmem:$0x4140] =	vst v54  }
0x43: {  	v50 =	vadd.f32 v28, v13;
	v48 =	vmul.f32 v34, v34;
	v24 =	vadd.f32 v46, v24;
	[tilespmem:$0x4170] =	vst v1  }
0x44: {  	v59 =	vmul.f32 v11, v11;
	v52 =	vmul.f32 v35, v35;
	v18 =	vadd.f32 v47, v18;
	[tilespmem:$0x4180] =	vst v27  }
0x45: {  	v58 =	vmul.f32 v37, v37;
	v4 =	vadd.f32 v48, v4;
	[tilespmem:$0x4190] =	vst v24  }
0x46: {  	v5 =	vadd.f32 v59, v5;
	v61 =	vmul.f32 v45, v45;
	v3 =	vadd.f32 v52, v50;
	[tilespmem:$0x41A0] =	vst v18  }
0x47: {  	v63 =	vmul.f32 v30, v30;
	v7 =	vadd.f32 v58, v56;
	[tilespmem:$0x41B0] =	vst v4  }
0x48: {  	v55 =	vadd.f32 v17, v12;
	v5 =	vadd.f32 v61, v5;
	[tilespmem:$0x41C0] =	vst v3  }
0x49: {  	v60 =	vadd.f32 v11, v10;
	v2 =	vadd.f32 v63, v2;
	[tilespmem:$0x41D0] =	vst v7  }
0x4a: {  	s30 =	sshll.u32 s17, $0x4;
	v4 =	vadd.f32 v37, v55;
	[tilespmem:$0x41E0] =	vst v5  }
0x4b: {  	s18 =	sand.u32 $0xFF80, s18;
	s19 =	sand.u32 $0x70, s30;
	v3 =	vadd.f32 v45, v60;
	[tilespmem:$0x41F0] =	vst v2  }
0x4c: {  	s18 =	sor.u32 s19, s18;
	[tilespmem:$0x4150] =	vst v4  }
0x4d: {  	s19 =	sadd.s32 s6, s18;
	[tilespmem:$0x4160] =	vst v3  }
0x4e: {  	[hbm4b:s19+s3] =	stream.linear.scatter [tilespmem:s13], [sflag:$0x2], $0x80, $0x38;
	[tilespmem:$0x4200] =	vst v63  }
0x4f: {  	_ =	swait.ge [sflag:s10], $0x80  }
0x50: {  	[sflag:s10] =	ssyncset.done $0x0  }
0x51: {  	s31 =	sadd.s32 s7, s18;
	[sflag:s10] =	ssyncadd.s32 $0xFFFFFF80  }
0x52: {  	[hbm4b:s31+s3] =	stream.linear.scatter [tilespmem:s14], [sflag:$0x2], $0x80, $0x38;
	[tilespmem:$0x4200] =	vst v63  }
0x53: {  	s17 =	sadd.s32 $0x1, s17;
	_ =	swait.ge [sflag:s10], $0x80  }
0x54: {  	p0 =	sne.s32 s17, $0x80;
	[sflag:s10] =	ssyncset.done $0x0  }
.Ltmp1:
0x55: {  	s18 =	sadd.s32 s2, s18;
	[sflag:s10] =	ssyncadd.s32 $0xFFFFFF80;
	(pc) =	sbr.rel @p0 .LBB2_2-.Ltmp1, $4  }
0x56: {  	[hbm4b:s18+s3] =	stream.linear.scatter [tilespmem:s15], [sflag:$0x2], $0x80, $0x38;
	[tilespmem:$0x4200] =	vst v63  }
0x57: {  	_ =	swait.ge [sflag:s10], $0x80  }
0x58: {  	[sflag:s10] =	ssyncset.done $0x0  }
0x59: {  	[sflag:s10] =	ssyncadd.s32 $0xFFFFFF80  }
0x5a: {  	s16 =	sadd.s32 $0x1, s16  }
0x5b: {  	p0 =	sne.s32 s16, s9  }
.Ltmp2:
0x5c: {  	_ = 	snop;
	(pc) =	sbr.rel @p0 .LBB2_1-.Ltmp2, $1  }
0x5d: {  	_ =	sdelay $0x3  }
0x5e: {  	_ =	sfence.sel $0x180000  }
0x5f: {  	[bflag:$0x0] =	sbarrier.arrive $0xFFFF  }
0x60: {  	p0 =	sne.s32 s4, $0x0;
	_ =	strace $0x90000056  }
0x61: {  	s0 =	sadd.s32 @!p0 $0x100000, s0;
	[bflag:$0x2] =	sbarrier.arrive $0xFFFF  }
0x62: {  	[sflag:s0] =	ssyncadd.tile.s32 @!p0 $0x1;
	_ =	shalt  }
.Lfunc_end2:
_tile_overlayer_lowered:
.L_overlay_start_2:
0x63: {  	(tag) =	ssettag $0x2  }
0x64: {  	s0 =	rddreg [dreg:$0x0];
	s2 =	stileid.u32  }
0x65: {  	s1 =	rddreg [dreg:$0x1];
	p0 =	sne.s32 s2, $0x0  }
0x66: {  	s3 =	rddreg [dreg:$0x2];
	[bflag:$0x3] =	sbarrier.arrive $0xFFFF;
	s2 =	simm.s32 @!p0 $0x1C02  }
0x67: {  	[timem:s3], [sflag:s2] =	dma.local @!p0 [hbm:s0], s1  }
0x68: {  	s0 =	simm.s32 @!p0 $0x2  }
0x69: {  	_ =	swait.ge @!p0 [sflag:s0], s1  }
0x6a: {  	s1 =	ssub.s32 @!p0 $0x0, s1;
	[sflag:s0] =	ssyncset.done @!p0 $0x0  }
0x6b: {  	[sflag:s0] =	ssyncadd.s32 @!p0 s1  }
0x6c: {  	[bflag:$0x3] =	sbarrier.arrive $0xFFFF  }
0x6d: {  	_ =	shalt  }

// kernel: sparse-core-data-format-call.cloned.1.call-start
scs
called_computation_lowered:
.L_overlay_start_0:
0x0: {  	s1 =	sld [smem:$0x3FD9]  }
0x1: {  	s2 =	sld [smem:$0x3FFE];
	_ =	sdelay $0x1  }
0x2: {  	s3 =	srdreg.scid  }
0x3: {  	s0 =	sand.u32 $0x1, s3  }
0x4: {  	s17 =	sshll.u32 s0, $0xA;
	s1 =	sadd.s32 s2, s1  }
0x5: {  	s1 =	sadd.s32 s1, s17  }
0x6: {  	[smem:$0x3FA2] =	sst s1  }
0x7: {  	_ = 	snop  }
0x8: {  	(tm) =	ssettm $0x1  }
0x9: {  	s18 =	sld [smem:$0x3FFB];
	_ =	sdelay $0x3  }
0xa: {  	_ =	strace s18  }
0xb: {  	s1 =	sld [smem:$0x3FFC];
	_ =	sdelay $0x3  }
0xc: {  	_ =	strace s1  }
0xd: {  	s1 =	sld [smem:$0x3FFD];
	_ =	sdelay $0x3  }
0xe: {  	_ =	strace s1  }
0xf: {  	_ =	strace $0x8FFFFFFF  }
0x10: {  	s19 =	sld [smem:$0x3FDB];
	_ =	sdelay $0x1  }
0x11: {  	s20 =	simm.s32 $_scs_section_size  }
0x12: {  	s4 =	simm.s32 $_size__tile_overlayer_lowered;
	s5 =	simm.s32 $_tile_overlayer_lowered  }
0x13: {  	s23 =	simm.s32 $0x1BFF;
	s22 =	sshll.u32 s5, $0x1;
	s1 =	sadd.s32 s20, s19  }
0x14: {  	s6 =	simm.s32 $0x0;
	s21 =	sshll.u32 s4, $0x1;
	s4 =	sadd.s32 s22, s1  }
0x15: {  	[timem:s6], [sflag:s23] =	dma.local [hbm:s4], s21  }
0x16: {  	_ =	swait.ge [sflag:s23], s21  }
0x17: {  	s2 =	ssub.s32 $0x0, s21;
	[sflag:s23] =	ssyncset.done $0x0  }
0x18: {  	[sflag:s23] =	ssyncadd.s32 s2;
	_ =	sdelay $0x1  }
0x19: {  	s24 =	simm.s32 $0x1B8B  }
0x1a: {  	_ =	swait.ge [sflag:s24], $0x1  }
0x1b: {  	[sflag:s24] =	ssyncset.done $0x0  }
0x1c: {  	s26 =	simm.s32 $0x1B8E;
	s25 =	sld [smem:$0x3FFE];
	[sflag:s24] =	ssyncadd.s32 $0xFFFFFFFF  }
0x1d: {  	s27 =	simm.s32 $execute0_lowered;
	[smem:$0x3FD2] =	sst s26  }
0x1e: {  	s4 =	sshll.u32 s27, $0x1;
	_ =	strace $0x80000046;
	[dreg:$0x1] =	wrdreg $0xFFFFFFFF  }
0x1f: {  	s28 =	simm.s32 $_size_execute0_lowered;
	s1 =	sadd.s32 s1, s4;
	[dreg:$0x0] =	wrdreg $0x0  }
0x20: {  	s4 =	sshll.u32 s28, $0x1;
	[dreg:$0x2] =	wrdreg s1  }
0x21: {  	[dreg:$0x3] =	wrdreg s4  }
0x22: {  	[dreg:$0x4] =	wrdreg $0xC0  }
0x23: {  	_ =	task [dreg:s6], $0x5FFFF  }
0x24: {  	[dreg:$0x1] =	wrdreg $0xFFFFFFFF  }
0x25: {  	[dreg:$0x0] =	wrdreg $0x60  }
0x26: {  	[dreg:$0x2] =	wrdreg s25  }
0x27: {  	[dreg:$0x3] =	wrdreg $0x9  }
0x28: {  	_ =	task.clear_ibuf [dreg:s6], $0x4FFFF;
	_ =	strace $0x90000046  }
0x29: {  	s29 =	simm.s32 $0x9;
	_ =	strace $0x80000048  }
0x2a: {  	_ =	swait.ge [sflag:s29], $0x1  }
0x2b: {  	[sflag:s29] =	ssyncadd.s32 $0xFFFFFFFF  }
0x2c: {  	_ =	strace $0x90000048  }
0x2d: {  	_ =	sfence  }
0x2e: {  	s30 =	sld [smem:$0x0];
	_ =	sdelay $0x2  }
0x2f: {  	s31 =	sshll.u32 s3, $0xD;
	s3 =	sshrl.u32 s3, $0x2  }
0x30: {  	s2 =	sand.u32 $0x4000, s31;
	s1 =	sadd.s32 s3, s30  }
0x31: {  	s0 =	sor.u32 s2, s0;
	s1 =	sshll.u32 s1, $0x11  }
0x32: {  	s0 =	sor.u32 s1, s0  }
0x33: {  	s0 =	sadd.s32 $0x8F2B, s0  }
0x34: {  	[sflag:s0] =	ssyncadd.remote.s32 $0x1  }
0x35: {  	_ =	sfence.sel $0xFFFF  }
0x36: {  	[dreg:$0x0] =	wrdreg $0xFFFFFFFF;
	(pc) =	sbr.abs _section_cstart, $3  }
0x37: {  	[dreg:$0x1] =	wrdreg $0xFFFFFFFF  }
0x38: {  	_ =	task.clear_ibuf [dreg:s6], $0x2FFFF;
	_ =	strace $0x9FFFFFFF  }
0x39: {  	(tm) =	ssettm $0x7FFFFFFF  }
tec
execute0_lowered:
.L_overlay_start_1:
0x0: {  	(tag) =	ssettag $0x1  }
0x1: {  	s0 =	stileid.u32;
	s1 =	srdreg.scid  }
0x2: {  	s4 =	rddreg [dreg:$0x0];
	s7 =	simm.s32 $0x1;
	s31 =	simm.s32 $0x2  }
0x3: {  	s16 =	simm.s32 $0x0;
	s2 =	sshll.u32 s0, $0x4;
	s1 =	sshll.u32 s1, $0x8  }
0x4: {  	s9 =	simm.s32 $0x4000;
	s14 =	simm.s32 $0x0;
	s1 =	sor.u32 s2, s1  }
0x5: {  	s15 =	simm.s32 $0x0;
	s10 =	simm.s32 $0x0;
	s2 =	sand.u32 $0x180, s1  }
0x6: {  	s13 =	simm.s32 $0x0;
	s3 =	sadd.s32 $0x40800, s4;
	s5 =	ssub.s32 $0x800, s2  }
0x7: {  	s4 =	sadd.s32 $0x440800, s4;
	s1 =	rddreg [dreg:$0x1];
	s6 =	sand.u32 $0x180, s5  }
.Ltmp0:
0x8: {  	_ =	strace $0x80000047;
	p0 =	sne.s32 s6, $0x0;
	(pc) =	sbr.rel .LBB1_1-.Ltmp0, $4  }
0x9: {  	s11 =	smov.u32 s2;
	s8 =	sshrl.u32 s5, $0x9;
	s7 =	simm.s32 @!p0 $0x0  }
0xa: {  	s5 =	sand.u32 $0x7, s0;
	s6 =	simm.s32 $0x1;
	s7 =	sadd.s32 s7, s8  }
0xb: {  	s12 =	smov.u32 s5;
	[sflag:s6] =	ssyncpa.u1 $0x0;
	s7 =	sshll.u32 s7, $0x4  }
0xc: {  	p0 =	por $0x0, $0x0;
	[sflag:s31] =	ssyncpa.u1 $0x0;
	s8 =	sor.u32 $0x1, s7  }
.LBB1_4:
0xd: {  	v5 =	vld [tilespmem:s19+$0xFFFFFFD0]  }
0xe: {  	[tilespmem:s20+$0x2040 ss:$0x81] =	vst.msk $0xffff, v1;
	v58 =	vld [tilespmem:s19+$0xFFFFFFE0]  }
0xf: {  	[tilespmem:s20+$0x2850 ss:$0x81] =	vst.msk $0xffff, v2;
	v59 =	vld [tilespmem:s19+$0xFFFFFFF0]  }
0x10: {  	s21 =	sshra.s32 s21, $0x2;
	[tilespmem:s20+$0x3060 ss:$0x81] =	vst.msk $0xffff, v3;
	v60 =	vld [tilespmem:s19+$0x0]  }
0x11: {  	[tilespmem:s20+$0x0 ss:$0x81] =	vst.msk $0xffff, v0;
	v61 =	vld [tilespmem:s19+$0x10];
	s18 =	sadd.s32 s21, s18  }
0x12: {  	s26 =	sshll.u32 s16, $0xB;
	v62 =	vld [tilespmem:s19+$0x20];
	[tilespmem:s18+$0x3870 ss:$0x81] =	vst.msk $0xffff, v4  }
0x13: {  	s27 =	sand.u32 $0x78, s14;
	s22 =	sshll.u32 s14, $0x3;
	v63 =	vld [tilespmem:s19+$0xFFFFFFC0];
	s29 =	sshll.u32 s16, $0x7;
	[tilespmem:s18+$0x810 ss:$0x81] =	vst.msk $0xffff, v5  }
0x14: {  	s15 =	sshll.u32 s15, $0x13;
	s20 =	sand.u32 $0x3FC000, s26;
	s28 =	sand.u32 $0x3FFC00, s22;
	[tilespmem:s18+$0x1020 ss:$0x81] =	vst.msk $0xffff, v58  }
0x15: {  	s31 =	sand.u32 $0x7, s14;
	s22 =	sand.u32 $0x400, s22;
	s19 =	sadd.s32 s28, s20;
	[tilespmem:s18+$0x1830 ss:$0x81] =	vst.msk $0xffff, v59  }
0x16: {  	s16 =	sand.u32 $0x380, s29;
	s30 =	sor.u32 s27, s22;
	s19 =	sshrl.u32 s19, $0x3;
	[tilespmem:s18+$0x2040 ss:$0x81] =	vst.msk $0xffff, v60  }
0x17: {  	s15 =	sadd.s32 s4, s15;
	s16 =	sor.u32 s16, s30;
	s19 =	sand.u32 $0x7FF00, s19;
	[tilespmem:s18+$0x2850 ss:$0x81] =	vst.msk $0xffff, v61  }
0x18: {  	s14 =	sshll.u32 s31, $0x12;
	s16 =	sshrl.u32 s16, $0x3;
	[tilespmem:s18+$0x3060 ss:$0x81] =	vst.msk $0xffff, v62;
	s15 =	sadd.s32 s19, s15  }
0x19: {  	s14 =	sor.u32 $0x400, s14;
	[tilespmem:s18+$0x0 ss:$0x81] =	vst.msk $0xffff, v63;
	s15 =	sadd.s32 s16, s15  }
0x1a: {  	[hbm4b:s15+s14] =	stream.strided.scatter [tilespmem:s17], [sflag:$0x2], $0x4000, s9, s14, $0x20;
	[tilespmem:$0x10100] =	vst v63  }
.LBB1_5:
0x1b: {  	s17 =	sadd.s32 $0x80, s10  }
0x1c: {  	s14 =	sadd.s32 $0x200, s11;
	s18 =	smov.u32 s11;
	p2 =	sgt.s32 s17, $0x7FF  }
0x1d: {  	s18 =	smov.u32 @p2 s14  }
0x1e: {  	s20 =	smov.u32 s12;
	s14 =	sadd.s32 $0x8, s12;
	p3 =	sgt.s32 s18, $0x7FF  }
0x1f: {  	s20 =	smov.u32 @p3 s14  }
0x20: {  	s17 =	simm.s32 @p2 $0x0;
	p2 =	sgt.s32 s20, $0x7  }
0x21: {  	p1 =	slt.u32 s13, $0x2;
	s20 =	smov.u32 @p2 s5;
	p2 =	sne.s32 s13, s8  }
.Ltmp1:
0x22: {  	s19 =	simm.s32 @!p1 $0x2;
	(pc) =	sbr.rel @!p2 .LBB1_6-.Ltmp1, $4  }
0x23: {  	s16 =	smov.u32 s10;
	s15 =	smov.u32 s12;
	_ =	swait.ge @!p1 [sflag:s19], $0x4000  }
0x24: {  	p0 =	por !p0, !p0;
	[sflag:s19] =	ssyncset.done @!p1 $0x0;
	s10 =	smov.u32 s17  }
0x25: {  	s18 =	smov.u32 @p3 s2;
	s14 =	smov.u32 s11;
	[sflag:s19] =	ssyncadd.s32 @!p1 $0xFFFFC000  }
0x26: {  	s11 =	smov.u32 s18;
	s13 =	sadd.s32 $0x1, s13;
	s12 =	smov.u32 s20  }
.LBB1_1:
0x27: {  	p1 =	sge.u32 s13, s7;
	s31 =	sadd.s32 $0xFFFFFFFF, s13  }
0x28: {  	s17 =	sxor.u32 @!p1 $0xFFFFFFFF, s13;
	s18 =	sand.u32 @!p1 $0x78, s10;
	s19 =	sshll.u32 @!p1 s11, $0xB  }
0x29: {  	s20 =	sshll.u32 @!p1 s11, $0x7;
	s21 =	sshll.u32 @!p1 s10, $0x3;
	s17 =	sshll.u32 @!p1 s17, $0xE  }
0x2a: {  	s19 =	sand.u32 @!p1 $0x3FC000, s19;
	s20 =	sand.u32 @!p1 $0x380, s20;
	s17 =	sand.u32 @!p1 $0x4000, s17  }
0x2b: {  	s19 =	sadd.s32 @!p1 s19, s21;
	s21 =	sand.u32 @!p1 $0x400, s21;
	s18 =	sor.u32 @!p1 s20, s18  }
0x2c: {  	s20 =	sshll.u32 @!p1 s12, $0x13;
	s18 =	sor.u32 @!p1 s21, s18;
	s19 =	sshrl.u32 @!p1 s19, $0x3  }
0x2d: {  	s20 =	sadd.s32 @!p1 s3, s20;
	s21 =	sand.u32 @!p1 $0x7, s10;
	s19 =	sand.u32 @!p1 $0x7FF00, s19  }
0x2e: {  	s18 =	sshrl.u32 @!p1 s18, $0x3;
	s19 =	sadd.s32 @!p1 s19, s20;
	s20 =	sshll.u32 @!p1 s21, $0x12  }
0x2f: {  	s18 =	sadd.s32 @!p1 s18, s19;
	s19 =	sor.u32 @!p1 $0x400, s20;
	s20 =	simm.s32 @!p1 $0x4000  }
0x30: {  	[tilespmem:s17], [sflag:$0x1] =	stream.strided.gather @!p1 [hbm4b:s18+s19], $0x4000, s20, s19, $0x38;
	[tilespmem:$0x10100] =	vst v63  }
0x31: {  	p1 =	sge.u32 s31, s7  }
.Ltmp2:
0x32: {  	_ = 	snop;
	(pc) =	sbr.rel @p1 .LBB1_5-.Ltmp2, $1  }
0x33: {  	_ =	sdelay $0x3  }
0x34: {  	s17 =	simm.s32 $0x1  }
0x35: {  	_ =	swait.ge [sflag:s6], $0x4000;
	s17 =	simm.s32 @!p0 $0x0  }
0x36: {  	[sflag:s6] =	ssyncset.done $0x0;
	s18 =	sshll.u32 s17, $0xE  }
0x37: {  	[sflag:s6] =	ssyncadd.s32 $0xFFFFC000;
	s19 =	sor.u32 $0x40, s18  }
0x38: {  	s17 =	smul.u32 $0x10200, s17;
	v0 =	vld [tilespmem:s19+$0x30]  }
0x39: {  	v3 =	vld [tilespmem:s19+$0xFFFFFFD0]  }
0x3a: {  	s17 =	sshrl.u32 s17, $0x2;
	v4 =	vld [tilespmem:s19+$0xFFFFFFE0]  }
0x3b: {  	v5 =	vld [tilespmem:s19+$0xFFFFFFF0];
	s18 =	sor.u32 $0x8000, s17  }
0x3c: {  	s31 =	sand.u32 $0x1, s13;
	v1 =	vld [tilespmem:s19+$0x0];
	s20 =	sadd.s32 $0x0, s18  }
0x3d: {  	v2 =	vld [tilespmem:s19+$0x10];
	s17 =	smul.u32 $0x10200, s31;
	[tilespmem:s20+$0x3870 ss:$0x81] =	vst.msk $0xffff, v0  }
0x3e: {  	[tilespmem:s20+$0x810 ss:$0x81] =	vst.msk $0xffff, v3;
	v3 =	vld [tilespmem:s19+$0x20]  }
0x3f: {  	s17 =	sshrl.u32 s17, $0x2;
	v0 =	vld [tilespmem:s19+$0xFFFFFFC0];
	[tilespmem:s20+$0x1020 ss:$0x81] =	vst.msk $0xffff, v4;
	s19 =	sadd.s32 $0x80, s19  }
0x40: {  	s21 =	simm.s32 $0x4;
	s22 =	simm.s32 $0x8;
	s17 =	sor.u32 $0x8000, s17;
	[tilespmem:s20+$0x1830 ss:$0x81] =	vst.msk $0xffff, v5;
	v4 =	vld [tilespmem:s19+$0x30]  }
.LBB1_3:
0x41: {  	p1 =	sne.s32 s22, $0x1FC;
	v5 =	vld [tilespmem:s19+$0xFFFFFFD0];
	[tilespmem:s20+$0x2040 ss:$0x81] =	vst.msk $0xffff, v1  }
0x42: {  	v6 =	vld [tilespmem:s19+$0xFFFFFFE0];
	[tilespmem:s20+$0x2850 ss:$0x81] =	vst.msk $0xffff, v2  }
0x43: {  	s23 =	sshra.s32 s21, $0x2;
	s21 =	smov.u32 s22;
	v7 =	vld [tilespmem:s19+$0xFFFFFFF0];
	[tilespmem:s20+$0x3060 ss:$0x81] =	vst.msk $0xffff, v3  }
.Ltmp3:
0x44: {  	v1 =	vld [tilespmem:s19+$0x0];
	[tilespmem:s20+$0x0 ss:$0x81] =	vst.msk $0xffff, v0;
	s20 =	sadd.s32 s23, s18;
	(pc) =	sbr.rel @p1 .LBB1_3-.Ltmp3, $4  }
0x45: {  	v2 =	vld [tilespmem:s19+$0x10];
	[tilespmem:s20+$0x3870 ss:$0x81] =	vst.msk $0xffff, v4  }
0x46: {  	[tilespmem:s20+$0x810 ss:$0x81] =	vst.msk $0xffff, v5;
	v3 =	vld [tilespmem:s19+$0x20]  }
0x47: {  	v0 =	vld [tilespmem:s19+$0xFFFFFFC0];
	[tilespmem:s20+$0x1020 ss:$0x81] =	vst.msk $0xffff, v6;
	s19 =	sadd.s32 $0x80, s19  }
0x48: {  	s22 =	sadd.s32 $0x4, s22;
	v4 =	vld [tilespmem:s19+$0x30];
	[tilespmem:s20+$0x1830 ss:$0x81] =	vst.msk $0xffff, v7  }
.Ltmp4:
0x49: {  	_ = 	snop;
	(pc) =	sbr.rel .LBB1_4-.Ltmp4, $1  }
0x4a: {  	_ =	sdelay $0x3  }
.LBB1_6:
0x4b: {  	_ =	sfence.sel $0x180000  }
0x4c: {  	s2 =	simm.s32 $0x1;
	[bflag:$0x0] =	sbarrier.arrive $0xFFFF  }
0x4d: {  	s31 =	simm.s32 $0x2;
	[sflag:s2] =	ssyncpa.u1 $0x1  }
0x4e: {  	[sflag:s31] =	ssyncpa.u1 $0x1  }
0x4f: {  	p0 =	sne.s32 s0, $0x0;
	_ =	strace $0x90000047  }
0x50: {  	s0 =	sadd.s32 @!p0 $0x100000, s1;
	[bflag:$0x2] =	sbarrier.arrive $0xFFFF  }
0x51: {  	[sflag:s0] =	ssyncadd.tile.s32 @!p0 $0x1;
	_ =	shalt  }
.Lfunc_end1:
_tile_overlayer_lowered:
.L_overlay_start_2:
0x52: {  	(tag) =	ssettag $0x2  }
0x53: {  	s0 =	rddreg [dreg:$0x0];
	s2 =	stileid.u32  }
0x54: {  	s1 =	rddreg [dreg:$0x1];
	p0 =	sne.s32 s2, $0x0  }
0x55: {  	s3 =	rddreg [dreg:$0x2];
	[bflag:$0x3] =	sbarrier.arrive $0xFFFF;
	s2 =	simm.s32 @!p0 $0x1C01  }
0x56: {  	[timem:s3], [sflag:s2] =	dma.local @!p0 [hbm:s0], s1  }
0x57: {  	s0 =	simm.s32 @!p0 $0x1  }
0x58: {  	_ =	swait.ge @!p0 [sflag:s0], s1  }
0x59: {  	s1 =	ssub.s32 @!p0 $0x0, s1;
	[sflag:s0] =	ssyncset.done @!p0 $0x0  }
0x5a: {  	[sflag:s0] =	ssyncadd.s32 @!p0 s1  }
0x5b: {  	[bflag:$0x3] =	sbarrier.arrive $0xFFFF  }
0x5c: {  	_ =	shalt  }

</sc_bundles>
